<compile_context>
chip_gen: v7x
topology: tpu7x:2x2x1
jax: 0.10.2.dev20260603
libtpu: 0.0.44.dev20260713+nightly
codegen_flags: <defaults>
</compile_context>

<pallas_src>
import functools
import math

import jax
import jax.numpy as jnp
from jax import lax
from jax.experimental import pallas as pl
from jax.experimental.pallas import tpu as pltpu
from jax.experimental.pallas import tpu_sc as plsc

_D = 128
_SCALE = math.sqrt(float(_D))


@functools.lru_cache(maxsize=None)
def _make_gather(V, D, B):
    info = plsc.get_sparse_core_info()
    NC, NS = info.num_cores, info.num_subcores
    NW = NC * NS
    C = 128
    G = 1
    CB = C * G
    NB = 6
    assert B % (NW * CB) == 0
    b_per_w = B // NW
    n_idx = b_per_w // C
    n_chunks = b_per_w // CB
    assert n_chunks >= 8 and (n_chunks - 8) % 6 == 0
    mesh = plsc.VectorSubcoreMesh(core_axis_name="c", subcore_axis_name="s")

    @functools.partial(
        pl.kernel,
        out_type=jax.ShapeDtypeStruct((B, D), jnp.float32),
        mesh=mesh,
        scratch_types=[
            pltpu.VMEM((n_idx, C), jnp.int32),
            pltpu.VMEM((CB, D), jnp.float32),
            pltpu.VMEM((CB, D), jnp.float32),
            pltpu.VMEM((CB, D), jnp.float32),
            pltpu.VMEM((CB, D), jnp.float32),
            pltpu.VMEM((CB, D), jnp.float32),
            pltpu.VMEM((CB, D), jnp.float32),
            pltpu.SemaphoreType.DMA,
            pltpu.SemaphoreType.DMA,
            pltpu.SemaphoreType.DMA,
            pltpu.SemaphoreType.DMA,
            pltpu.SemaphoreType.DMA,
            pltpu.SemaphoreType.DMA,
            pltpu.SemaphoreType.DMA,
            pltpu.SemaphoreType.DMA,
            pltpu.SemaphoreType.DMA,
            pltpu.SemaphoreType.DMA,
            pltpu.SemaphoreType.DMA,
            pltpu.SemaphoreType.DMA,
        ],
    )
    def gather_kernel(idx_hbm, table_hbm, out_hbm,
                      idx_v, rows0, rows1, rows2, rows3, rows4, rows5,
                      g0, g1, g2, g3, g4, g5, s0, s1, s2, s3, s4, s5):
        wid = lax.axis_index("s") * NC + lax.axis_index("c")
        base = wid * b_per_w
        rows = (rows0, rows1, rows2, rows3, rows4, rows5)
        gsem = (g0, g1, g2, g3, g4, g5)
        ssem = (s0, s1, s2, s3, s4, s5)

        pltpu.sync_copy(idx_hbm.at[pl.ds(wid * n_idx, n_idx)], idx_v)

        def gather_start(i, b):
            for g in range(G):
                pltpu.async_copy(table_hbm.at[idx_v.at[i * G + g]],
                                 rows[b].at[pl.ds(g * C, C)], gsem[b])

        def gather_wait(i, b):
            for g in range(G):
                pltpu.make_async_copy(
                    table_hbm.at[idx_v.at[i * G + g]],
                    rows[b].at[pl.ds(g * C, C)], gsem[b]).wait()

        def scale_buf(b):
            def sbody(r, carry):
                for u in range(2):
                    for k in range(D // 16):
                        sl = (2 * r + u, pl.ds(16 * k, 16))
                        rows[b][sl] = rows[b][sl] * _SCALE
                return carry
            lax.fori_loop(0, CB // 2, sbody, 0)

        def scatter_start(i, b):
            pltpu.async_copy(
                rows[b], out_hbm.at[pl.ds(base + i * CB, CB)], ssem[b])

        def scatter_wait(i, b):
            pltpu.make_async_copy(
                rows[b], out_hbm.at[pl.ds(base + i * CB, CB)], ssem[b]).wait()

        def consume(i, b):
            gather_wait(i, b)
            scale_buf(b)
            scatter_start(i, b)

        gather_start(0, 0)
        gather_start(1, 1)
        gather_start(2, 2)
        consume(0, 0)
        gather_start(3, 3)
        consume(1, 1)
        gather_start(4, 4)
        consume(2, 2)
        gather_start(5, 5)

        def body(jj, carry):
            i = 6 * jj
            for o in (3, 4, 5, 6, 7, 8):
                b = o % 6
                b3 = (o + 3) % 6
                scatter_wait(i + o - 3, b3)
                gather_start(i + o + 3, b3)
                consume(i + o, b)
            return carry

        lax.fori_loop(0, (n_chunks - 8) // 6, body, 0)

        scatter_wait(n_chunks - 8, 0)
        gather_start(n_chunks - 2, 0)
        scatter_wait(n_chunks - 7, 1)
        gather_start(n_chunks - 1, 1)
        consume(n_chunks - 5, 3)
        consume(n_chunks - 4, 4)
        consume(n_chunks - 3, 5)
        consume(n_chunks - 2, 0)
        consume(n_chunks - 1, 1)
        for i in range(6):
            scatter_wait(n_chunks - 6 + i, (n_chunks - 6 + i) % 6)

    return gather_kernel


def kernel(Tokens, table):
    S, T = Tokens.shape
    V, D = table.shape
    B = S * T
    idx2d = Tokens.reshape(B // 128, 128).astype(jnp.int32)
    out = _make_gather(V, D, B)(idx2d, table)
    return out.reshape(S, T, D)

# --- scband reference (transcript-rebuilt; emitter-appended) ---
"""Pipeline reference for scband-input-embeddings-5317169513196 (READ-ONLY COPY).

The authoritative reference and input builder live on the scoring server;
editing this copy changes nothing except your own understanding.
"""

import jax, jax.numpy as jnp
import numpy as np
import math

D_MODEL = 128
VOCAB_SIZE = 100000

def setup_inputs(seed: int = 0) -> dict:
    key = jax.random.key(seed)
    k1, k2 = jax.random.split(key)
    Tokens = jax.random.randint(k1, (4096, 200), 0, VOCAB_SIZE, dtype=jnp.int64 if jax.config.jax_enable_x64 else jnp.int32)
    table = jax.random.normal(k2, (VOCAB_SIZE, D_MODEL), dtype=jnp.float32)
    return {"Tokens": Tokens, "table": table}

def reference(Tokens, table):
    # nn.Embedding lookup followed by scaling by sqrt(d_model)
    emb = jnp.take(table, Tokens, axis=0)
    return emb * math.sqrt(D_MODEL)

if __name__ == "__main__":
    import jax
    _d = setup_inputs()
    print(jax.jit(kernel)(*tuple(_d.values())))

</pallas_src>

<mosaic_0001>
#map = affine_map<(d0, d1) -> (0, 0)>
module attributes {stable_mosaic.version = 14 : i64} {
  func.func @gather_kernel(%arg0: i32, %arg1: i32, %arg2: memref<6400x128xi32, #tpu.memory_space<hbm>>, %arg3: memref<100000x128xf32, #tpu.memory_space<hbm>>, %arg4: memref<819200x128xf32, #tpu.memory_space<hbm>>, %arg5: memref<200x128xi32, #tpu.memory_space<vmem>>, %arg6: memref<128x128xf32, #tpu.memory_space<vmem>>, %arg7: memref<128x128xf32, #tpu.memory_space<vmem>>, %arg8: memref<128x128xf32, #tpu.memory_space<vmem>>, %arg9: memref<128x128xf32, #tpu.memory_space<vmem>>, %arg10: memref<128x128xf32, #tpu.memory_space<vmem>>, %arg11: memref<128x128xf32, #tpu.memory_space<vmem>>, %arg12: memref<!tpu.dma_semaphore, #tpu.memory_space<semaphore_mem>>, %arg13: memref<!tpu.dma_semaphore, #tpu.memory_space<semaphore_mem>>, %arg14: memref<!tpu.dma_semaphore, #tpu.memory_space<semaphore_mem>>, %arg15: memref<!tpu.dma_semaphore, #tpu.memory_space<semaphore_mem>>, %arg16: memref<!tpu.dma_semaphore, #tpu.memory_space<semaphore_mem>>, %arg17: memref<!tpu.dma_semaphore, #tpu.memory_space<semaphore_mem>>, %arg18: memref<!tpu.dma_semaphore, #tpu.memory_space<semaphore_mem>>, %arg19: memref<!tpu.dma_semaphore, #tpu.memory_space<semaphore_mem>>, %arg20: memref<!tpu.dma_semaphore, #tpu.memory_space<semaphore_mem>>, %arg21: memref<!tpu.dma_semaphore, #tpu.memory_space<semaphore_mem>>, %arg22: memref<!tpu.dma_semaphore, #tpu.memory_space<semaphore_mem>>, %arg23: memref<!tpu.dma_semaphore, #tpu.memory_space<semaphore_mem>>) attributes {dimension_semantics = [#tpu.dimension_semantics<core_parallel>, #tpu.dimension_semantics<subcore_parallel>], iteration_bounds = array<i64: 2, 16>, scalar_prefetch = 0 : i64, scratch_operands = 19 : i64, tpu.core_type = #tpu.core_type<sc_vector_subcore>, window_params = [{transform_indices = #map}, {transform_indices = #map}, {transform_indices = #map}]} {
    %mul3A = arith.constant 2 : i32
    %mul3A_0 = arith.muli %arg1, %mul3A : i32
    %add3A = arith.addi %mul3A_0, %arg0 : i32
    %mul3A_1 = arith.constant 25600 : i32
    %mul3A_2 = arith.muli %add3A, %mul3A_1 : i32
    %mul3A_3 = arith.constant 200 : i32
    %mul3A_4 = arith.muli %add3A, %mul3A_3 : i32
    "tpu.region"() ({
      %run_scoped3A = tpu.sem_alloc : memref<!tpu.dma_semaphore, #tpu.memory_space<semaphore_mem>>
      %dma_start3A_312 = arith.constant 0 : i32
      %dma_start3A_313 = tpu.memref_slice %arg2[%mul3A_4, %dma_start3A_312] : memref<6400x128xi32, #tpu.memory_space<hbm>> -> memref<200x128xi32, #tpu.memory_space<hbm>>
      %dma_start3A_314 = arith.constant 0 : i32
      %dma_start3A_315 = tpu.memref_slice %arg2[%mul3A_4, %dma_start3A_314] : memref<6400x128xi32, #tpu.memory_space<hbm>> -> memref<200x128xi32, #tpu.memory_space<hbm>>
      tpu.enqueue_dma source(%dma_start3A_315 : memref<200x128xi32, #tpu.memory_space<hbm>>) target(%arg5 : memref<200x128xi32, #tpu.memory_space<vmem>>) target_semaphore(%run_scoped3A : memref<!tpu.dma_semaphore, #tpu.memory_space<semaphore_mem>>)
      %dma_wait3A_316 = arith.constant 0 : i32
      %dma_wait3A_317 = tpu.memref_slice %arg2[%mul3A_4, %dma_wait3A_316] : memref<6400x128xi32, #tpu.memory_space<hbm>> -> memref<200x128xi32, #tpu.memory_space<hbm>>
      %dma_wait3A_318 = arith.constant 0 : i32
      %dma_wait3A_319 = tpu.memref_slice %arg2[%mul3A_4, %dma_wait3A_318] : memref<6400x128xi32, #tpu.memory_space<hbm>> -> memref<200x128xi32, #tpu.memory_space<hbm>>
      tpu.wait_dma2 semaphore(%run_scoped3A : memref<!tpu.dma_semaphore, #tpu.memory_space<semaphore_mem>>) src(%dma_wait3A_319 : memref<200x128xi32, #tpu.memory_space<hbm>>) dst(%arg5 : memref<200x128xi32, #tpu.memory_space<vmem>>)
      tpu.yield
    }) : () -> ()
    %dma_start3A = arith.constant 0 : i32
    %dma_start3A_5 = arith.constant 0 : i32
    %dma_start3A_6 = arith.constant 0 : i32
    %dma_start3A_7 = tpu.memref_slice %arg6[%dma_start3A_5, %dma_start3A_6] : memref<128x128xf32, #tpu.memory_space<vmem>> -> memref<128x128xf32, #tpu.memory_space<vmem>>
    %dma_start3A_8 = arith.constant 0 : i32
    %dma_start3A_9 = tpu.memref_slice %arg5[%dma_start3A, %dma_start3A_8] : memref<200x128xi32, #tpu.memory_space<vmem>> -> memref<1x128xi32, #tpu.memory_space<vmem>>
    %dma_start3A_10 = tpu.memref_squeeze %dma_start3A_9 : memref<1x128xi32, #tpu.memory_space<vmem>> -> memref<128xi32, #tpu.memory_space<vmem>>
    %dma_start3A_11 = arith.constant 0 : i32
    %dma_start3A_12 = arith.constant 0 : i32
    %dma_start3A_13 = tpu.memref_slice %arg3[%dma_start3A_11, %dma_start3A_12] : memref<100000x128xf32, #tpu.memory_space<hbm>> -> memref<100000x128xf32, #tpu.memory_space<hbm>>
    tpu.enqueue_indirect_dma source(%dma_start3A_13 : memref<100000x128xf32, #tpu.memory_space<hbm>>) target(%dma_start3A_7 : memref<128x128xf32, #tpu.memory_space<vmem>>) offsets(%dma_start3A_10 : memref<128xi32, #tpu.memory_space<vmem>>) semaphore(%arg12 : memref<!tpu.dma_semaphore, #tpu.memory_space<semaphore_mem>>)
    %dma_start3A_14 = arith.constant 1 : i32
    %dma_start3A_15 = arith.constant 0 : i32
    %dma_start3A_16 = arith.constant 0 : i32
    %dma_start3A_17 = tpu.memref_slice %arg7[%dma_start3A_15, %dma_start3A_16] : memref<128x128xf32, #tpu.memory_space<vmem>> -> memref<128x128xf32, #tpu.memory_space<vmem>>
    %dma_start3A_18 = arith.constant 0 : i32
    %dma_start3A_19 = tpu.memref_slice %arg5[%dma_start3A_14, %dma_start3A_18] : memref<200x128xi32, #tpu.memory_space<vmem>> -> memref<1x128xi32, #tpu.memory_space<vmem>>
    %dma_start3A_20 = tpu.memref_squeeze %dma_start3A_19 : memref<1x128xi32, #tpu.memory_space<vmem>> -> memref<128xi32, #tpu.memory_space<vmem>>
    %dma_start3A_21 = arith.constant 0 : i32
    %dma_start3A_22 = arith.constant 0 : i32
    %dma_start3A_23 = tpu.memref_slice %arg3[%dma_start3A_21, %dma_start3A_22] : memref<100000x128xf32, #tpu.memory_space<hbm>> -> memref<100000x128xf32, #tpu.memory_space<hbm>>
    tpu.enqueue_indirect_dma source(%dma_start3A_23 : memref<100000x128xf32, #tpu.memory_space<hbm>>) target(%dma_start3A_17 : memref<128x128xf32, #tpu.memory_space<vmem>>) offsets(%dma_start3A_20 : memref<128xi32, #tpu.memory_space<vmem>>) semaphore(%arg13 : memref<!tpu.dma_semaphore, #tpu.memory_space<semaphore_mem>>)
    %dma_start3A_24 = arith.constant 2 : i32
    %dma_start3A_25 = arith.constant 0 : i32
    %dma_start3A_26 = arith.constant 0 : i32
    %dma_start3A_27 = tpu.memref_slice %arg8[%dma_start3A_25, %dma_start3A_26] : memref<128x128xf32, #tpu.memory_space<vmem>> -> memref<128x128xf32, #tpu.memory_space<vmem>>
    %dma_start3A_28 = arith.constant 0 : i32
    %dma_start3A_29 = tpu.memref_slice %arg5[%dma_start3A_24, %dma_start3A_28] : memref<200x128xi32, #tpu.memory_space<vmem>> -> memref<1x128xi32, #tpu.memory_space<vmem>>
    %dma_start3A_30 = tpu.memref_squeeze %dma_start3A_29 : memref<1x128xi32, #tpu.memory_space<vmem>> -> memref<128xi32, #tpu.memory_space<vmem>>
    %dma_start3A_31 = arith.constant 0 : i32
    %dma_start3A_32 = arith.constant 0 : i32
    %dma_start3A_33 = tpu.memref_slice %arg3[%dma_start3A_31, %dma_start3A_32] : memref<100000x128xf32, #tpu.memory_space<hbm>> -> memref<100000x128xf32, #tpu.memory_space<hbm>>
    tpu.enqueue_indirect_dma source(%dma_start3A_33 : memref<100000x128xf32, #tpu.memory_space<hbm>>) target(%dma_start3A_27 : memref<128x128xf32, #tpu.memory_space<vmem>>) offsets(%dma_start3A_30 : memref<128xi32, #tpu.memory_space<vmem>>) semaphore(%arg14 : memref<!tpu.dma_semaphore, #tpu.memory_space<semaphore_mem>>)
    %dma_wait3A = arith.constant 0 : i32
    %dma_wait3A_34 = arith.constant 0 : i32
    %dma_wait3A_35 = arith.constant 0 : i32
    %dma_wait3A_36 = tpu.memref_slice %arg6[%dma_wait3A_34, %dma_wait3A_35] : memref<128x128xf32, #tpu.memory_space<vmem>> -> memref<128x128xf32, #tpu.memory_space<vmem>>
    %dma_wait3A_37 = arith.constant 0 : i32
    %dma_wait3A_38 = tpu.memref_slice %arg5[%dma_wait3A, %dma_wait3A_37] : memref<200x128xi32, #tpu.memory_space<vmem>> -> memref<1x128xi32, #tpu.memory_space<vmem>>
    %dma_wait3A_39 = tpu.memref_squeeze %dma_wait3A_38 : memref<1x128xi32, #tpu.memory_space<vmem>> -> memref<128xi32, #tpu.memory_space<vmem>>
    %dma_wait3A_40 = arith.constant 0 : i32
    %dma_wait3A_41 = arith.constant 0 : i32
    %dma_wait3A_42 = tpu.memref_slice %arg3[%dma_wait3A_40, %dma_wait3A_41] : memref<100000x128xf32, #tpu.memory_space<hbm>> -> memref<100000x128xf32, #tpu.memory_space<hbm>>
    tpu.wait_indirect_dma semaphore(%arg12 : memref<!tpu.dma_semaphore, #tpu.memory_space<semaphore_mem>>) src(%dma_wait3A_42 : memref<100000x128xf32, #tpu.memory_space<hbm>>) dst(%dma_wait3A_36 : memref<128x128xf32, #tpu.memory_space<vmem>>)
    %scan3A = arith.constant 0 : i32
    %scan3A_43 = arith.constant 0 : i32
    %scan3A_44 = arith.constant 64 : i32
    %scan3A_45 = arith.addi %scan3A_43, %scan3A_44 : i32
    %scan3A_46 = arith.constant 1 : i32
    scf.for %scan3A_312 = %scan3A_43 to %scan3A_45 step %scan3A_46  : i32 {
      %mul3A_313 = arith.constant 2 : i32
      %mul3A_314 = arith.muli %mul3A_313, %scan3A_312 : i32
      %add3A_315 = arith.constant 0 : i32
      %add3A_316 = arith.addi %mul3A_314, %add3A_315 : i32
      %get3A = arith.index_cast %add3A_316 : i32 to index
      %get3A_317 = arith.constant 0 : index
      %get3A_318 = tpu.vector_load %arg6[%get3A, %get3A_317] {strides = array<i32>} : memref<128x128xf32, #tpu.memory_space<vmem>>, vector<1x16xf32>,
      %get3A_319 = vector.shape_cast %get3A_318 : vector<1x16xf32> to vector<16xf32>
      %mul3A_320 = arith.constant 11.3137083 : f32
      %mul3A_321 = vector.broadcast %mul3A_320 : f32 to vector<16xf32>
      %mul3A_322 = arith.mulf %get3A_319, %mul3A_321 : vector<16xf32>
      %swap3A = arith.index_cast %add3A_316 : i32 to index
      %swap3A_323 = arith.constant 0 : index
      %swap3A_324 = tpu.vector_load %arg6[%swap3A, %swap3A_323] {strides = array<i32>} : memref<128x128xf32, #tpu.memory_space<vmem>>, vector<1x16xf32>,
      %swap3A_325 = vector.shape_cast %swap3A_324 : vector<1x16xf32> to vector<16xf32>
      %swap3A_326 = vector.shape_cast %mul3A_322 : vector<16xf32> to vector<1x16xf32>
      tpu.vector_store %arg6[%swap3A, %swap3A_323], %swap3A_326 {strides = array<i32>} : memref<128x128xf32, #tpu.memory_space<vmem>>, vector<1x16xf32>,
      %mul3A_327 = arith.constant 2 : i32
      %mul3A_328 = arith.muli %mul3A_327, %scan3A_312 : i32
      %add3A_329 = arith.constant 0 : i32
      %add3A_330 = arith.addi %mul3A_328, %add3A_329 : i32
      %get3A_331 = arith.index_cast %add3A_330 : i32 to index
      %get3A_332 = arith.constant 16 : index
      %get3A_333 = tpu.vector_load %arg6[%get3A_331, %get3A_332] {strides = array<i32>} : memref<128x128xf32, #tpu.memory_space<vmem>>, vector<1x16xf32>,
      %get3A_334 = vector.shape_cast %get3A_333 : vector<1x16xf32> to vector<16xf32>
      %mul3A_335 = arith.constant 11.3137083 : f32
      %mul3A_336 = vector.broadcast %mul3A_335 : f32 to vector<16xf32>
      %mul3A_337 = arith.mulf %get3A_334, %mul3A_336 : vector<16xf32>
      %swap3A_338 = arith.index_cast %add3A_330 : i32 to index
      %swap3A_339 = arith.constant 16 : index
      %swap3A_340 = tpu.vector_load %arg6[%swap3A_338, %swap3A_339] {strides = array<i32>} : memref<128x128xf32, #tpu.memory_space<vmem>>, vector<1x16xf32>,
      %swap3A_341 = vector.shape_cast %swap3A_340 : vector<1x16xf32> to vector<16xf32>
      %swap3A_342 = vector.shape_cast %mul3A_337 : vector<16xf32> to vector<1x16xf32>
      tpu.vector_store %arg6[%swap3A_338, %swap3A_339], %swap3A_342 {strides = array<i32>} : memref<128x128xf32, #tpu.memory_space<vmem>>, vector<1x16xf32>,
      %mul3A_343 = arith.constant 2 : i32
      %mul3A_344 = arith.muli %mul3A_343, %scan3A_312 : i32
      %add3A_345 = arith.constant 0 : i32
      %add3A_346 = arith.addi %mul3A_344, %add3A_345 : i32
      %get3A_347 = arith.index_cast %add3A_346 : i32 to index
      %get3A_348 = arith.constant 32 : index
      %get3A_349 = tpu.vector_load %arg6[%get3A_347, %get3A_348] {strides = array<i32>} : memref<128x128xf32, #tpu.memory_space<vmem>>, vector<1x16xf32>,
      %get3A_350 = vector.shape_cast %get3A_349 : vector<1x16xf32> to vector<16xf32>
      %mul3A_351 = arith.constant 11.3137083 : f32
      %mul3A_352 = vector.broadcast %mul3A_351 : f32 to vector<16xf32>
      %mul3A_353 = arith.mulf %get3A_350, %mul3A_352 : vector<16xf32>
      %swap3A_354 = arith.index_cast %add3A_346 : i32 to index
      %swap3A_355 = arith.constant 32 : index
      %swap3A_356 = tpu.vector_load %arg6[%swap3A_354, %swap3A_355] {strides = array<i32>} : memref<128x128xf32, #tpu.memory_space<vmem>>, vector<1x16xf32>,
      %swap3A_357 = vector.shape_cast %swap3A_356 : vector<1x16xf32> to vector<16xf32>
      %swap3A_358 = vector.shape_cast %mul3A_353 : vector<16xf32> to vector<1x16xf32>
      tpu.vector_store %arg6[%swap3A_354, %swap3A_355], %swap3A_358 {strides = array<i32>} : memref<128x128xf32, #tpu.memory_space<vmem>>, vector<1x16xf32>,
      %mul3A_359 = arith.constant 2 : i32
      %mul3A_360 = arith.muli %mul3A_359, %scan3A_312 : i32
      %add3A_361 = arith.constant 0 : i32
      %add3A_362 = arith.addi %mul3A_360, %add3A_361 : i32
      %get3A_363 = arith.index_cast %add3A_362 : i32 to index
      %get3A_364 = arith.constant 48 : index
      %get3A_365 = tpu.vector_load %arg6[%get3A_363, %get3A_364] {strides = array<i32>} : memref<128x128xf32, #tpu.memory_space<vmem>>, vector<1x16xf32>,
      %get3A_366 = vector.shape_cast %get3A_365 : vector<1x16xf32> to vector<16xf32>
      %mul3A_367 = arith.constant 11.3137083 : f32
      %mul3A_368 = vector.broadcast %mul3A_367 : f32 to vector<16xf32>
      %mul3A_369 = arith.mulf %get3A_366, %mul3A_368 : vector<16xf32>
      %swap3A_370 = arith.index_cast %add3A_362 : i32 to index
      %swap3A_371 = arith.constant 48 : index
      %swap3A_372 = tpu.vector_load %arg6[%swap3A_370, %swap3A_371] {strides = array<i32>} : memref<128x128xf32, #tpu.memory_space<vmem>>, vector<1x16xf32>,
      %swap3A_373 = vector.shape_cast %swap3A_372 : vector<1x16xf32> to vector<16xf32>
      %swap3A_374 = vector.shape_cast %mul3A_369 : vector<16xf32> to vector<1x16xf32>
      tpu.vector_store %arg6[%swap3A_370, %swap3A_371], %swap3A_374 {strides = array<i32>} : memref<128x128xf32, #tpu.memory_space<vmem>>, vector<1x16xf32>,
      %mul3A_375 = arith.constant 2 : i32
      %mul3A_376 = arith.muli %mul3A_375, %scan3A_312 : i32
      %add3A_377 = arith.constant 0 : i32
      %add3A_378 = arith.addi %mul3A_376, %add3A_377 : i32
      %get3A_379 = arith.index_cast %add3A_378 : i32 to index
      %get3A_380 = arith.constant 64 : index
      %get3A_381 = tpu.vector_load %arg6[%get3A_379, %get3A_380] {strides = array<i32>} : memref<128x128xf32, #tpu.memory_space<vmem>>, vector<1x16xf32>,
      %get3A_382 = vector.shape_cast %get3A_381 : vector<1x16xf32> to vector<16xf32>
      %mul3A_383 = arith.constant 11.3137083 : f32
      %mul3A_384 = vector.broadcast %mul3A_383 : f32 to vector<16xf32>
      %mul3A_385 = arith.mulf %get3A_382, %mul3A_384 : vector<16xf32>
      %swap3A_386 = arith.index_cast %add3A_378 : i32 to index
      %swap3A_387 = arith.constant 64 : index
      %swap3A_388 = tpu.vector_load %arg6[%swap3A_386, %swap3A_387] {strides = array<i32>} : memref<128x128xf32, #tpu.memory_space<vmem>>, vector<1x16xf32>,
      %swap3A_389 = vector.shape_cast %swap3A_388 : vector<1x16xf32> to vector<16xf32>
      %swap3A_390 = vector.shape_cast %mul3A_385 : vector<16xf32> to vector<1x16xf32>
      tpu.vector_store %arg6[%swap3A_386, %swap3A_387], %swap3A_390 {strides = array<i32>} : memref<128x128xf32, #tpu.memory_space<vmem>>, vector<1x16xf32>,
      %mul3A_391 = arith.constant 2 : i32
      %mul3A_392 = arith.muli %mul3A_391, %scan3A_312 : i32
      %add3A_393 = arith.constant 0 : i32
      %add3A_394 = arith.addi %mul3A_392, %add3A_393 : i32
      %get3A_395 = arith.index_cast %add3A_394 : i32 to index
      %get3A_396 = arith.constant 80 : index
      %get3A_397 = tpu.vector_load %arg6[%get3A_395, %get3A_396] {strides = array<i32>} : memref<128x128xf32, #tpu.memory_space<vmem>>, vector<1x16xf32>,
      %get3A_398 = vector.shape_cast %get3A_397 : vector<1x16xf32> to vector<16xf32>
      %mul3A_399 = arith.constant 11.3137083 : f32
      %mul3A_400 = vector.broadcast %mul3A_399 : f32 to vector<16xf32>
      %mul3A_401 = arith.mulf %get3A_398, %mul3A_400 : vector<16xf32>
      %swap3A_402 = arith.index_cast %add3A_394 : i32 to index
      %swap3A_403 = arith.constant 80 : index
      %swap3A_404 = tpu.vector_load %arg6[%swap3A_402, %swap3A_403] {strides = array<i32>} : memref<128x128xf32, #tpu.memory_space<vmem>>, vector<1x16xf32>,
      %swap3A_405 = vector.shape_cast %swap3A_404 : vector<1x16xf32> to vector<16xf32>
      %swap3A_406 = vector.shape_cast %mul3A_401 : vector<16xf32> to vector<1x16xf32>
      tpu.vector_store %arg6[%swap3A_402, %swap3A_403], %swap3A_406 {strides = array<i32>} : memref<128x128xf32, #tpu.memory_space<vmem>>, vector<1x16xf32>,
      %mul3A_407 = arith.constant 2 : i32
      %mul3A_408 = arith.muli %mul3A_407, %scan3A_312 : i32
      %add3A_409 = arith.constant 0 : i32
      %add3A_410 = arith.addi %mul3A_408, %add3A_409 : i32
      %get3A_411 = arith.index_cast %add3A_410 : i32 to index
      %get3A_412 = arith.constant 96 : index
      %get3A_413 = tpu.vector_load %arg6[%get3A_411, %get3A_412] {strides = array<i32>} : memref<128x128xf32, #tpu.memory_space<vmem>>, vector<1x16xf32>,
      %get3A_414 = vector.shape_cast %get3A_413 : vector<1x16xf32> to vector<16xf32>
      %mul3A_415 = arith.constant 11.3137083 : f32
      %mul3A_416 = vector.broadcast %mul3A_415 : f32 to vector<16xf32>
      %mul3A_417 = arith.mulf %get3A_414, %mul3A_416 : vector<16xf32>
      %swap3A_418 = arith.index_cast %add3A_410 : i32 to index
      %swap3A_419 = arith.constant 96 : index
      %swap3A_420 = tpu.vector_load %arg6[%swap3A_418, %swap3A_419] {strides = array<i32>} : memref<128x128xf32, #tpu.memory_space<vmem>>, vector<1x16xf32>,
      %swap3A_421 = vector.shape_cast %swap3A_420 : vector<1x16xf32> to vector<16xf32>
      %swap3A_422 = vector.shape_cast %mul3A_417 : vector<16xf32> to vector<1x16xf32>
      tpu.vector_store %arg6[%swap3A_418, %swap3A_419], %swap3A_422 {strides = array<i32>} : memref<128x128xf32, #tpu.memory_space<vmem>>, vector<1x16xf32>,
      %mul3A_423 = arith.constant 2 : i32
      %mul3A_424 = arith.muli %mul3A_423, %scan3A_312 : i32
      %add3A_425 = arith.constant 0 : i32
      %add3A_426 = arith.addi %mul3A_424, %add3A_425 : i32
      %get3A_427 = arith.index_cast %add3A_426 : i32 to index
      %get3A_428 = arith.constant 112 : index
      %get3A_429 = tpu.vector_load %arg6[%get3A_427, %get3A_428] {strides = array<i32>} : memref<128x128xf32, #tpu.memory_space<vmem>>, vector<1x16xf32>,
      %get3A_430 = vector.shape_cast %get3A_429 : vector<1x16xf32> to vector<16xf32>
      %mul3A_431 = arith.constant 11.3137083 : f32
      %mul3A_432 = vector.broadcast %mul3A_431 : f32 to vector<16xf32>
      %mul3A_433 = arith.mulf %get3A_430, %mul3A_432 : vector<16xf32>
      %swap3A_434 = arith.index_cast %add3A_426 : i32 to index
      %swap3A_435 = arith.constant 112 : index
      %swap3A_436 = tpu.vector_load %arg6[%swap3A_434, %swap3A_435] {strides = array<i32>} : memref<128x128xf32, #tpu.memory_space<vmem>>, vector<1x16xf32>,
      %swap3A_437 = vector.shape_cast %swap3A_436 : vector<1x16xf32> to vector<16xf32>
      %swap3A_438 = vector.shape_cast %mul3A_433 : vector<16xf32> to vector<1x16xf32>
      tpu.vector_store %arg6[%swap3A_434, %swap3A_435], %swap3A_438 {strides = array<i32>} : memref<128x128xf32, #tpu.memory_space<vmem>>, vector<1x16xf32>,
      %mul3A_439 = arith.constant 2 : i32
      %mul3A_440 = arith.muli %mul3A_439, %scan3A_312 : i32
      %add3A_441 = arith.constant 1 : i32
      %add3A_442 = arith.addi %mul3A_440, %add3A_441 : i32
      %get3A_443 = arith.index_cast %add3A_442 : i32 to index
      %get3A_444 = arith.constant 0 : index
      %get3A_445 = tpu.vector_load %arg6[%get3A_443, %get3A_444] {strides = array<i32>} : memref<128x128xf32, #tpu.memory_space<vmem>>, vector<1x16xf32>,
      %get3A_446 = vector.shape_cast %get3A_445 : vector<1x16xf32> to vector<16xf32>
      %mul3A_447 = arith.constant 11.3137083 : f32
      %mul3A_448 = vector.broadcast %mul3A_447 : f32 to vector<16xf32>
      %mul3A_449 = arith.mulf %get3A_446, %mul3A_448 : vector<16xf32>
      %swap3A_450 = arith.index_cast %add3A_442 : i32 to index
      %swap3A_451 = arith.constant 0 : index
      %swap3A_452 = tpu.vector_load %arg6[%swap3A_450, %swap3A_451] {strides = array<i32>} : memref<128x128xf32, #tpu.memory_space<vmem>>, vector<1x16xf32>,
      %swap3A_453 = vector.shape_cast %swap3A_452 : vector<1x16xf32> to vector<16xf32>
      %swap3A_454 = vector.shape_cast %mul3A_449 : vector<16xf32> to vector<1x16xf32>
      tpu.vector_store %arg6[%swap3A_450, %swap3A_451], %swap3A_454 {strides = array<i32>} : memref<128x128xf32, #tpu.memory_space<vmem>>, vector<1x16xf32>,
      %mul3A_455 = arith.constant 2 : i32
      %mul3A_456 = arith.muli %mul3A_455, %scan3A_312 : i32
      %add3A_457 = arith.constant 1 : i32
      %add3A_458 = arith.addi %mul3A_456, %add3A_457 : i32
      %get3A_459 = arith.index_cast %add3A_458 : i32 to index
      %get3A_460 = arith.constant 16 : index
      %get3A_461 = tpu.vector_load %arg6[%get3A_459, %get3A_460] {strides = array<i32>} : memref<128x128xf32, #tpu.memory_space<vmem>>, vector<1x16xf32>,
      %get3A_462 = vector.shape_cast %get3A_461 : vector<1x16xf32> to vector<16xf32>
      %mul3A_463 = arith.constant 11.3137083 : f32
      %mul3A_464 = vector.broadcast %mul3A_463 : f32 to vector<16xf32>
      %mul3A_465 = arith.mulf %get3A_462, %mul3A_464 : vector<16xf32>
      %swap3A_466 = arith.index_cast %add3A_458 : i32 to index
      %swap3A_467 = arith.constant 16 : index
      %swap3A_468 = tpu.vector_load %arg6[%swap3A_466, %swap3A_467] {strides = array<i32>} : memref<128x128xf32, #tpu.memory_space<vmem>>, vector<1x16xf32>,
      %swap3A_469 = vector.shape_cast %swap3A_468 : vector<1x16xf32> to vector<16xf32>
      %swap3A_470 = vector.shape_cast %mul3A_465 : vector<16xf32> to vector<1x16xf32>
      tpu.vector_store %arg6[%swap3A_466, %swap3A_467], %swap3A_470 {strides = array<i32>} : memref<128x128xf32, #tpu.memory_space<vmem>>, vector<1x16xf32>,
      %mul3A_471 = arith.constant 2 : i32
      %mul3A_472 = arith.muli %mul3A_471, %scan3A_312 : i32
      %add3A_473 = arith.constant 1 : i32
      %add3A_474 = arith.addi %mul3A_472, %add3A_473 : i32
      %get3A_475 = arith.index_cast %add3A_474 : i32 to index
      %get3A_476 = arith.constant 32 : index
      %get3A_477 = tpu.vector_load %arg6[%get3A_475, %get3A_476] {strides = array<i32>} : memref<128x128xf32, #tpu.memory_space<vmem>>, vector<1x16xf32>,
      %get3A_478 = vector.shape_cast %get3A_477 : vector<1x16xf32> to vector<16xf32>
      %mul3A_479 = arith.constant 11.3137083 : f32
      %mul3A_480 = vector.broadcast %mul3A_479 : f32 to vector<16xf32>
      %mul3A_481 = arith.mulf %get3A_478, %mul3A_480 : vector<16xf32>
      %swap3A_482 = arith.index_cast %add3A_474 : i32 to index
      %swap3A_483 = arith.constant 32 : index
      %swap3A_484 = tpu.vector_load %arg6[%swap3A_482, %swap3A_483] {strides = array<i32>} : memref<128x128xf32, #tpu.memory_space<vmem>>, vector<1x16xf32>,
      %swap3A_485 = vector.shape_cast %swap3A_484 : vector<1x16xf32> to vector<16xf32>
      %swap3A_486 = vector.shape_cast %mul3A_481 : vector<16xf32> to vector<1x16xf32>
      tpu.vector_store %arg6[%swap3A_482, %swap3A_483], %swap3A_486 {strides = array<i32>} : memref<128x128xf32, #tpu.memory_space<vmem>>, vector<1x16xf32>,
      %mul3A_487 = arith.constant 2 : i32
      %mul3A_488 = arith.muli %mul3A_487, %scan3A_312 : i32
      %add3A_489 = arith.constant 1 : i32
      %add3A_490 = arith.addi %mul3A_488, %add3A_489 : i32
      %get3A_491 = arith.index_cast %add3A_490 : i32 to index
      %get3A_492 = arith.constant 48 : index
      %get3A_493 = tpu.vector_load %arg6[%get3A_491, %get3A_492] {strides = array<i32>} : memref<128x128xf32, #tpu.memory_space<vmem>>, vector<1x16xf32>,
      %get3A_494 = vector.shape_cast %get3A_493 : vector<1x16xf32> to vector<16xf32>
      %mul3A_495 = arith.constant 11.3137083 : f32
      %mul3A_496 = vector.broadcast %mul3A_495 : f32 to vector<16xf32>
      %mul3A_497 = arith.mulf %get3A_494, %mul3A_496 : vector<16xf32>
      %swap3A_498 = arith.index_cast %add3A_490 : i32 to index
      %swap3A_499 = arith.constant 48 : index
      %swap3A_500 = tpu.vector_load %arg6[%swap3A_498, %swap3A_499] {strides = array<i32>} : memref<128x128xf32, #tpu.memory_space<vmem>>, vector<1x16xf32>,
      %swap3A_501 = vector.shape_cast %swap3A_500 : vector<1x16xf32> to vector<16xf32>
      %swap3A_502 = vector.shape_cast %mul3A_497 : vector<16xf32> to vector<1x16xf32>
      tpu.vector_store %arg6[%swap3A_498, %swap3A_499], %swap3A_502 {strides = array<i32>} : memref<128x128xf32, #tpu.memory_space<vmem>>, vector<1x16xf32>,
      %mul3A_503 = arith.constant 2 : i32
      %mul3A_504 = arith.muli %mul3A_503, %scan3A_312 : i32
      %add3A_505 = arith.constant 1 : i32
      %add3A_506 = arith.addi %mul3A_504, %add3A_505 : i32
      %get3A_507 = arith.index_cast %add3A_506 : i32 to index
      %get3A_508 = arith.constant 64 : index
      %get3A_509 = tpu.vector_load %arg6[%get3A_507, %get3A_508] {strides = array<i32>} : memref<128x128xf32, #tpu.memory_space<vmem>>, vector<1x16xf32>,
      %get3A_510 = vector.shape_cast %get3A_509 : vector<1x16xf32> to vector<16xf32>
      %mul3A_511 = arith.constant 11.3137083 : f32
      %mul3A_512 = vector.broadcast %mul3A_511 : f32 to vector<16xf32>
      %mul3A_513 = arith.mulf %get3A_510, %mul3A_512 : vector<16xf32>
      %swap3A_514 = arith.index_cast %add3A_506 : i32 to index
      %swap3A_515 = arith.constant 64 : index
      %swap3A_516 = tpu.vector_load %arg6[%swap3A_514, %swap3A_515] {strides = array<i32>} : memref<128x128xf32, #tpu.memory_space<vmem>>, vector<1x16xf32>,
      %swap3A_517 = vector.shape_cast %swap3A_516 : vector<1x16xf32> to vector<16xf32>
      %swap3A_518 = vector.shape_cast %mul3A_513 : vector<16xf32> to vector<1x16xf32>
      tpu.vector_store %arg6[%swap3A_514, %swap3A_515], %swap3A_518 {strides = array<i32>} : memref<128x128xf32, #tpu.memory_space<vmem>>, vector<1x16xf32>,
      %mul3A_519 = arith.constant 2 : i32
      %mul3A_520 = arith.muli %mul3A_519, %scan3A_312 : i32
      %add3A_521 = arith.constant 1 : i32
      %add3A_522 = arith.addi %mul3A_520, %add3A_521 : i32
      %get3A_523 = arith.index_cast %add3A_522 : i32 to index
      %get3A_524 = arith.constant 80 : index
      %get3A_525 = tpu.vector_load %arg6[%get3A_523, %get3A_524] {strides = array<i32>} : memref<128x128xf32, #tpu.memory_space<vmem>>, vector<1x16xf32>,
      %get3A_526 = vector.shape_cast %get3A_525 : vector<1x16xf32> to vector<16xf32>
      %mul3A_527 = arith.constant 11.3137083 : f32
      %mul3A_528 = vector.broadcast %mul3A_527 : f32 to vector<16xf32>
      %mul3A_529 = arith.mulf %get3A_526, %mul3A_528 : vector<16xf32>
      %swap3A_530 = arith.index_cast %add3A_522 : i32 to index
      %swap3A_531 = arith.constant 80 : index
      %swap3A_532 = tpu.vector_load %arg6[%swap3A_530, %swap3A_531] {strides = array<i32>} : memref<128x128xf32, #tpu.memory_space<vmem>>, vector<1x16xf32>,
      %swap3A_533 = vector.shape_cast %swap3A_532 : vector<1x16xf32> to vector<16xf32>
      %swap3A_534 = vector.shape_cast %mul3A_529 : vector<16xf32> to vector<1x16xf32>
      tpu.vector_store %arg6[%swap3A_530, %swap3A_531], %swap3A_534 {strides = array<i32>} : memref<128x128xf32, #tpu.memory_space<vmem>>, vector<1x16xf32>,
      %mul3A_535 = arith.constant 2 : i32
      %mul3A_536 = arith.muli %mul3A_535, %scan3A_312 : i32
      %add3A_537 = arith.constant 1 : i32
      %add3A_538 = arith.addi %mul3A_536, %add3A_537 : i32
      %get3A_539 = arith.index_cast %add3A_538 : i32 to index
      %get3A_540 = arith.constant 96 : index
      %get3A_541 = tpu.vector_load %arg6[%get3A_539, %get3A_540] {strides = array<i32>} : memref<128x128xf32, #tpu.memory_space<vmem>>, vector<1x16xf32>,
      %get3A_542 = vector.shape_cast %get3A_541 : vector<1x16xf32> to vector<16xf32>
      %mul3A_543 = arith.constant 11.3137083 : f32
      %mul3A_544 = vector.broadcast %mul3A_543 : f32 to vector<16xf32>
      %mul3A_545 = arith.mulf %get3A_542, %mul3A_544 : vector<16xf32>
      %swap3A_546 = arith.index_cast %add3A_538 : i32 to index
      %swap3A_547 = arith.constant 96 : index
      %swap3A_548 = tpu.vector_load %arg6[%swap3A_546, %swap3A_547] {strides = array<i32>} : memref<128x128xf32, #tpu.memory_space<vmem>>, vector<1x16xf32>,
      %swap3A_549 = vector.shape_cast %swap3A_548 : vector<1x16xf32> to vector<16xf32>
      %swap3A_550 = vector.shape_cast %mul3A_545 : vector<16xf32> to vector<1x16xf32>
      tpu.vector_store %arg6[%swap3A_546, %swap3A_547], %swap3A_550 {strides = array<i32>} : memref<128x128xf32, #tpu.memory_space<vmem>>, vector<1x16xf32>,
      %mul3A_551 = arith.constant 2 : i32
      %mul3A_552 = arith.muli %mul3A_551, %scan3A_312 : i32
      %add3A_553 = arith.constant 1 : i32
      %add3A_554 = arith.addi %mul3A_552, %add3A_553 : i32
      %get3A_555 = arith.index_cast %add3A_554 : i32 to index
      %get3A_556 = arith.constant 112 : index
      %get3A_557 = tpu.vector_load %arg6[%get3A_555, %get3A_556] {strides = array<i32>} : memref<128x128xf32, #tpu.memory_space<vmem>>, vector<1x16xf32>,
      %get3A_558 = vector.shape_cast %get3A_557 : vector<1x16xf32> to vector<16xf32>
      %mul3A_559 = arith.constant 11.3137083 : f32
      %mul3A_560 = vector.broadcast %mul3A_559 : f32 to vector<16xf32>
      %mul3A_561 = arith.mulf %get3A_558, %mul3A_560 : vector<16xf32>
      %swap3A_562 = arith.index_cast %add3A_554 : i32 to index
      %swap3A_563 = arith.constant 112 : index
      %swap3A_564 = tpu.vector_load %arg6[%swap3A_562, %swap3A_563] {strides = array<i32>} : memref<128x128xf32, #tpu.memory_space<vmem>>, vector<1x16xf32>,
      %swap3A_565 = vector.shape_cast %swap3A_564 : vector<1x16xf32> to vector<16xf32>
      %swap3A_566 = vector.shape_cast %mul3A_561 : vector<16xf32> to vector<1x16xf32>
      tpu.vector_store %arg6[%swap3A_562, %swap3A_563], %swap3A_566 {strides = array<i32>} : memref<128x128xf32, #tpu.memory_space<vmem>>, vector<1x16xf32>,
    }
    %scan3A_47 = arith.constant 64 : i32
    %add3A_48 = arith.constant 0 : i32
    %add3A_49 = arith.addi %mul3A_2, %add3A_48 : i32
    %dma_start3A_50 = arith.constant 0 : i32
    %dma_start3A_51 = tpu.memref_slice %arg4[%add3A_49, %dma_start3A_50] : memref<819200x128xf32, #tpu.memory_space<hbm>> -> memref<128x128xf32, #tpu.memory_space<hbm>>
    %dma_start3A_52 = arith.constant 0 : i32
    %dma_start3A_53 = tpu.memref_slice %arg4[%add3A_49, %dma_start3A_52] : memref<819200x128xf32, #tpu.memory_space<hbm>> -> memref<128x128xf32, #tpu.memory_space<hbm>>
    tpu.enqueue_dma source(%arg6 : memref<128x128xf32, #tpu.memory_space<vmem>>) target(%dma_start3A_53 : memref<128x128xf32, #tpu.memory_space<hbm>>) target_semaphore(%arg18 : memref<!tpu.dma_semaphore, #tpu.memory_space<semaphore_mem>>)
    %dma_start3A_54 = arith.constant 3 : i32
    %dma_start3A_55 = arith.constant 0 : i32
    %dma_start3A_56 = arith.constant 0 : i32
    %dma_start3A_57 = tpu.memref_slice %arg9[%dma_start3A_55, %dma_start3A_56] : memref<128x128xf32, #tpu.memory_space<vmem>> -> memref<128x128xf32, #tpu.memory_space<vmem>>
    %dma_start3A_58 = arith.constant 0 : i32
    %dma_start3A_59 = tpu.memref_slice %arg5[%dma_start3A_54, %dma_start3A_58] : memref<200x128xi32, #tpu.memory_space<vmem>> -> memref<1x128xi32, #tpu.memory_space<vmem>>
    %dma_start3A_60 = tpu.memref_squeeze %dma_start3A_59 : memref<1x128xi32, #tpu.memory_space<vmem>> -> memref<128xi32, #tpu.memory_space<vmem>>
    %dma_start3A_61 = arith.constant 0 : i32
    %dma_start3A_62 = arith.constant 0 : i32
    %dma_start3A_63 = tpu.memref_slice %arg3[%dma_start3A_61, %dma_start3A_62] : memref<100000x128xf32, #tpu.memory_space<hbm>> -> memref<100000x128xf32, #tpu.memory_space<hbm>>
    tpu.enqueue_indirect_dma source(%dma_start3A_63 : memref<100000x128xf32, #tpu.memory_space<hbm>>) target(%dma_start3A_57 : memref<128x128xf32, #tpu.memory_space<vmem>>) offsets(%dma_start3A_60 : memref<128xi32, #tpu.memory_space<vmem>>) semaphore(%arg15 : memref<!tpu.dma_semaphore, #tpu.memory_space<semaphore_mem>>)
    %dma_wait3A_64 = arith.constant 1 : i32
    %dma_wait3A_65 = arith.constant 0 : i32
    %dma_wait3A_66 = arith.constant 0 : i32
    %dma_wait3A_67 = tpu.memref_slice %arg7[%dma_wait3A_65, %dma_wait3A_66] : memref<128x128xf32, #tpu.memory_space<vmem>> -> memref<128x128xf32, #tpu.memory_space<vmem>>
    %dma_wait3A_68 = arith.constant 0 : i32
    %dma_wait3A_69 = tpu.memref_slice %arg5[%dma_wait3A_64, %dma_wait3A_68] : memref<200x128xi32, #tpu.memory_space<vmem>> -> memref<1x128xi32, #tpu.memory_space<vmem>>
    %dma_wait3A_70 = tpu.memref_squeeze %dma_wait3A_69 : memref<1x128xi32, #tpu.memory_space<vmem>> -> memref<128xi32, #tpu.memory_space<vmem>>
    %dma_wait3A_71 = arith.constant 0 : i32
    %dma_wait3A_72 = arith.constant 0 : i32
    %dma_wait3A_73 = tpu.memref_slice %arg3[%dma_wait3A_71, %dma_wait3A_72] : memref<100000x128xf32, #tpu.memory_space<hbm>> -> memref<100000x128xf32, #tpu.memory_space<hbm>>
    tpu.wait_indirect_dma semaphore(%arg13 : memref<!tpu.dma_semaphore, #tpu.memory_space<semaphore_mem>>) src(%dma_wait3A_73 : memref<100000x128xf32, #tpu.memory_space<hbm>>) dst(%dma_wait3A_67 : memref<128x128xf32, #tpu.memory_space<vmem>>)
    %scan3A_74 = arith.constant 0 : i32
    %scan3A_75 = arith.constant 0 : i32
    %scan3A_76 = arith.constant 64 : i32
    %scan3A_77 = arith.addi %scan3A_75, %scan3A_76 : i32
    %scan3A_78 = arith.constant 1 : i32
    scf.for %scan3A_312 = %scan3A_75 to %scan3A_77 step %scan3A_78  : i32 {
      %mul3A_313 = arith.constant 2 : i32
      %mul3A_314 = arith.muli %mul3A_313, %scan3A_312 : i32
      %add3A_315 = arith.constant 0 : i32
      %add3A_316 = arith.addi %mul3A_314, %add3A_315 : i32
      %get3A = arith.index_cast %add3A_316 : i32 to index
      %get3A_317 = arith.constant 0 : index
      %get3A_318 = tpu.vector_load %arg7[%get3A, %get3A_317] {strides = array<i32>} : memref<128x128xf32, #tpu.memory_space<vmem>>, vector<1x16xf32>,
      %get3A_319 = vector.shape_cast %get3A_318 : vector<1x16xf32> to vector<16xf32>
      %mul3A_320 = arith.constant 11.3137083 : f32
      %mul3A_321 = vector.broadcast %mul3A_320 : f32 to vector<16xf32>
      %mul3A_322 = arith.mulf %get3A_319, %mul3A_321 : vector<16xf32>
      %swap3A = arith.index_cast %add3A_316 : i32 to index
      %swap3A_323 = arith.constant 0 : index
      %swap3A_324 = tpu.vector_load %arg7[%swap3A, %swap3A_323] {strides = array<i32>} : memref<128x128xf32, #tpu.memory_space<vmem>>, vector<1x16xf32>,
      %swap3A_325 = vector.shape_cast %swap3A_324 : vector<1x16xf32> to vector<16xf32>
      %swap3A_326 = vector.shape_cast %mul3A_322 : vector<16xf32> to vector<1x16xf32>
      tpu.vector_store %arg7[%swap3A, %swap3A_323], %swap3A_326 {strides = array<i32>} : memref<128x128xf32, #tpu.memory_space<vmem>>, vector<1x16xf32>,
      %mul3A_327 = arith.constant 2 : i32
      %mul3A_328 = arith.muli %mul3A_327, %scan3A_312 : i32
      %add3A_329 = arith.constant 0 : i32
      %add3A_330 = arith.addi %mul3A_328, %add3A_329 : i32
      %get3A_331 = arith.index_cast %add3A_330 : i32 to index
      %get3A_332 = arith.constant 16 : index
      %get3A_333 = tpu.vector_load %arg7[%get3A_331, %get3A_332] {strides = array<i32>} : memref<128x128xf32, #tpu.memory_space<vmem>>, vector<1x16xf32>,
      %get3A_334 = vector.shape_cast %get3A_333 : vector<1x16xf32> to vector<16xf32>
      %mul3A_335 = arith.constant 11.3137083 : f32
      %mul3A_336 = vector.broadcast %mul3A_335 : f32 to vector<16xf32>
      %mul3A_337 = arith.mulf %get3A_334, %mul3A_336 : vector<16xf32>
      %swap3A_338 = arith.index_cast %add3A_330 : i32 to index
      %swap3A_339 = arith.constant 16 : index
      %swap3A_340 = tpu.vector_load %arg7[%swap3A_338, %swap3A_339] {strides = array<i32>} : memref<128x128xf32, #tpu.memory_space<vmem>>, vector<1x16xf32>,
      %swap3A_341 = vector.shape_cast %swap3A_340 : vector<1x16xf32> to vector<16xf32>
      %swap3A_342 = vector.shape_cast %mul3A_337 : vector<16xf32> to vector<1x16xf32>
      tpu.vector_store %arg7[%swap3A_338, %swap3A_339], %swap3A_342 {strides = array<i32>} : memref<128x128xf32, #tpu.memory_space<vmem>>, vector<1x16xf32>,
      %mul3A_343 = arith.constant 2 : i32
      %mul3A_344 = arith.muli %mul3A_343, %scan3A_312 : i32
      %add3A_345 = arith.constant 0 : i32
      %add3A_346 = arith.addi %mul3A_344, %add3A_345 : i32
      %get3A_347 = arith.index_cast %add3A_346 : i32 to index
      %get3A_348 = arith.constant 32 : index
      %get3A_349 = tpu.vector_load %arg7[%get3A_347, %get3A_348] {strides = array<i32>} : memref<128x128xf32, #tpu.memory_space<vmem>>, vector<1x16xf32>,
      %get3A_350 = vector.shape_cast %get3A_349 : vector<1x16xf32> to vector<16xf32>
      %mul3A_351 = arith.constant 11.3137083 : f32
      %mul3A_352 = vector.broadcast %mul3A_351 : f32 to vector<16xf32>
      %mul3A_353 = arith.mulf %get3A_350, %mul3A_352 : vector<16xf32>
      %swap3A_354 = arith.index_cast %add3A_346 : i32 to index
      %swap3A_355 = arith.constant 32 : index
      %swap3A_356 = tpu.vector_load %arg7[%swap3A_354, %swap3A_355] {strides = array<i32>} : memref<128x128xf32, #tpu.memory_space<vmem>>, vector<1x16xf32>,
      %swap3A_357 = vector.shape_cast %swap3A_356 : vector<1x16xf32> to vector<16xf32>
      %swap3A_358 = vector.shape_cast %mul3A_353 : vector<16xf32> to vector<1x16xf32>
      tpu.vector_store %arg7[%swap3A_354, %swap3A_355], %swap3A_358 {strides = array<i32>} : memref<128x128xf32, #tpu.memory_space<vmem>>, vector<1x16xf32>,
      %mul3A_359 = arith.constant 2 : i32
      %mul3A_360 = arith.muli %mul3A_359, %scan3A_312 : i32
      %add3A_361 = arith.constant 0 : i32
      %add3A_362 = arith.addi %mul3A_360, %add3A_361 : i32
      %get3A_363 = arith.index_cast %add3A_362 : i32 to index
      %get3A_364 = arith.constant 48 : index
      %get3A_365 = tpu.vector_load %arg7[%get3A_363, %get3A_364] {strides = array<i32>} : memref<128x128xf32, #tpu.memory_space<vmem>>, vector<1x16xf32>,
      %get3A_366 = vector.shape_cast %get3A_365 : vector<1x16xf32> to vector<16xf32>
      %mul3A_367 = arith.constant 11.3137083 : f32
      %mul3A_368 = vector.broadcast %mul3A_367 : f32 to vector<16xf32>
      %mul3A_369 = arith.mulf %get3A_366, %mul3A_368 : vector<16xf32>
      %swap3A_370 = arith.index_cast %add3A_362 : i32 to index
      %swap3A_371 = arith.constant 48 : index
      %swap3A_372 = tpu.vector_load %arg7[%swap3A_370, %swap3A_371] {strides = array<i32>} : memref<128x128xf32, #tpu.memory_space<vmem>>, vector<1x16xf32>,
      %swap3A_373 = vector.shape_cast %swap3A_372 : vector<1x16xf32> to vector<16xf32>
      %swap3A_374 = vector.shape_cast %mul3A_369 : vector<16xf32> to vector<1x16xf32>
      tpu.vector_store %arg7[%swap3A_370, %swap3A_371], %swap3A_374 {strides = array<i32>} : memref<128x128xf32, #tpu.memory_space<vmem>>, vector<1x16xf32>,
      %mul3A_375 = arith.constant 2 : i32
      %mul3A_376 = arith.muli %mul3A_375, %scan3A_312 : i32
      %add3A_377 = arith.constant 0 : i32
      %add3A_378 = arith.addi %mul3A_376, %add3A_377 : i32
      %get3A_379 = arith.index_cast %add3A_378 : i32 to index
      %get3A_380 = arith.constant 64 : index
      %get3A_381 = tpu.vector_load %arg7[%get3A_379, %get3A_380] {strides = array<i32>} : memref<128x128xf32, #tpu.memory_space<vmem>>, vector<1x16xf32>,
      %get3A_382 = vector.shape_cast %get3A_381 : vector<1x16xf32> to vector<16xf32>
      %mul3A_383 = arith.constant 11.3137083 : f32
      %mul3A_384 = vector.broadcast %mul3A_383 : f32 to vector<16xf32>
      %mul3A_385 = arith.mulf %get3A_382, %mul3A_384 : vector<16xf32>
      %swap3A_386 = arith.index_cast %add3A_378 : i32 to index
      %swap3A_387 = arith.constant 64 : index
      %swap3A_388 = tpu.vector_load %arg7[%swap3A_386, %swap3A_387] {strides = array<i32>} : memref<128x128xf32, #tpu.memory_space<vmem>>, vector<1x16xf32>,
      %swap3A_389 = vector.shape_cast %swap3A_388 : vector<1x16xf32> to vector<16xf32>
      %swap3A_390 = vector.shape_cast %mul3A_385 : vector<16xf32> to vector<1x16xf32>
      tpu.vector_store %arg7[%swap3A_386, %swap3A_387], %swap3A_390 {strides = array<i32>} : memref<128x128xf32, #tpu.memory_space<vmem>>, vector<1x16xf32>,
      %mul3A_391 = arith.constant 2 : i32
      %mul3A_392 = arith.muli %mul3A_391, %scan3A_312 : i32
      %add3A_393 = arith.constant 0 : i32
      %add3A_394 = arith.addi %mul3A_392, %add3A_393 : i32
      %get3A_395 = arith.index_cast %add3A_394 : i32 to index
      %get3A_396 = arith.constant 80 : index
      %get3A_397 = tpu.vector_load %arg7[%get3A_395, %get3A_396] {strides = array<i32>} : memref<128x128xf32, #tpu.memory_space<vmem>>, vector<1x16xf32>,
      %get3A_398 = vector.shape_cast %get3A_397 : vector<1x16xf32> to vector<16xf32>
      %mul3A_399 = arith.constant 11.3137083 : f32
      %mul3A_400 = vector.broadcast %mul3A_399 : f32 to vector<16xf32>
      %mul3A_401 = arith.mulf %get3A_398, %mul3A_400 : vector<16xf32>
      %swap3A_402 = arith.index_cast %add3A_394 : i32 to index
      %swap3A_403 = arith.constant 80 : index
      %swap3A_404 = tpu.vector_load %arg7[%swap3A_402, %swap3A_403] {strides = array<i32>} : memref<128x128xf32, #tpu.memory_space<vmem>>, vector<1x16xf32>,
      %swap3A_405 = vector.shape_cast %swap3A_404 : vector<1x16xf32> to vector<16xf32>
      %swap3A_406 = vector.shape_cast %mul3A_401 : vector<16xf32> to vector<1x16xf32>
      tpu.vector_store %arg7[%swap3A_402, %swap3A_403], %swap3A_406 {strides = array<i32>} : memref<128x128xf32, #tpu.memory_space<vmem>>, vector<1x16xf32>,
      %mul3A_407 = arith.constant 2 : i32
      %mul3A_408 = arith.muli %mul3A_407, %scan3A_312 : i32
      %add3A_409 = arith.constant 0 : i32
      %add3A_410 = arith.addi %mul3A_408, %add3A_409 : i32
      %get3A_411 = arith.index_cast %add3A_410 : i32 to index
      %get3A_412 = arith.constant 96 : index
      %get3A_413 = tpu.vector_load %arg7[%get3A_411, %get3A_412] {strides = array<i32>} : memref<128x128xf32, #tpu.memory_space<vmem>>, vector<1x16xf32>,
      %get3A_414 = vector.shape_cast %get3A_413 : vector<1x16xf32> to vector<16xf32>
      %mul3A_415 = arith.constant 11.3137083 : f32
      %mul3A_416 = vector.broadcast %mul3A_415 : f32 to vector<16xf32>
      %mul3A_417 = arith.mulf %get3A_414, %mul3A_416 : vector<16xf32>
      %swap3A_418 = arith.index_cast %add3A_410 : i32 to index
      %swap3A_419 = arith.constant 96 : index
      %swap3A_420 = tpu.vector_load %arg7[%swap3A_418, %swap3A_419] {strides = array<i32>} : memref<128x128xf32, #tpu.memory_space<vmem>>, vector<1x16xf32>,
      %swap3A_421 = vector.shape_cast %swap3A_420 : vector<1x16xf32> to vector<16xf32>
      %swap3A_422 = vector.shape_cast %mul3A_417 : vector<16xf32> to vector<1x16xf32>
      tpu.vector_store %arg7[%swap3A_418, %swap3A_419], %swap3A_422 {strides = array<i32>} : memref<128x128xf32, #tpu.memory_space<vmem>>, vector<1x16xf32>,
      %mul3A_423 = arith.constant 2 : i32
      %mul3A_424 = arith.muli %mul3A_423, %scan3A_312 : i32
      %add3A_425 = arith.constant 0 : i32
      %add3A_426 = arith.addi %mul3A_424, %add3A_425 : i32
      %get3A_427 = arith.index_cast %add3A_426 : i32 to index
      %get3A_428 = arith.constant 112 : index
      %get3A_429 = tpu.vector_load %arg7[%get3A_427, %get3A_428] {strides = array<i32>} : memref<128x128xf32, #tpu.memory_space<vmem>>, vector<1x16xf32>,
      %get3A_430 = vector.shape_cast %get3A_429 : vector<1x16xf32> to vector<16xf32>
      %mul3A_431 = arith.constant 11.3137083 : f32
      %mul3A_432 = vector.broadcast %mul3A_431 : f32 to vector<16xf32>
      %mul3A_433 = arith.mulf %get3A_430, %mul3A_432 : vector<16xf32>
      %swap3A_434 = arith.index_cast %add3A_426 : i32 to index
      %swap3A_435 = arith.constant 112 : index
      %swap3A_436 = tpu.vector_load %arg7[%swap3A_434, %swap3A_435] {strides = array<i32>} : memref<128x128xf32, #tpu.memory_space<vmem>>, vector<1x16xf32>,
      %swap3A_437 = vector.shape_cast %swap3A_436 : vector<1x16xf32> to vector<16xf32>
      %swap3A_438 = vector.shape_cast %mul3A_433 : vector<16xf32> to vector<1x16xf32>
      tpu.vector_store %arg7[%swap3A_434, %swap3A_435], %swap3A_438 {strides = array<i32>} : memref<128x128xf32, #tpu.memory_space<vmem>>, vector<1x16xf32>,
      %mul3A_439 = arith.constant 2 : i32
      %mul3A_440 = arith.muli %mul3A_439, %scan3A_312 : i32
      %add3A_441 = arith.constant 1 : i32
      %add3A_442 = arith.addi %mul3A_440, %add3A_441 : i32
      %get3A_443 = arith.index_cast %add3A_442 : i32 to index
      %get3A_444 = arith.constant 0 : index
      %get3A_445 = tpu.vector_load %arg7[%get3A_443, %get3A_444] {strides = array<i32>} : memref<128x128xf32, #tpu.memory_space<vmem>>, vector<1x16xf32>,
      %get3A_446 = vector.shape_cast %get3A_445 : vector<1x16xf32> to vector<16xf32>
      %mul3A_447 = arith.constant 11.3137083 : f32
      %mul3A_448 = vector.broadcast %mul3A_447 : f32 to vector<16xf32>
      %mul3A_449 = arith.mulf %get3A_446, %mul3A_448 : vector<16xf32>
      %swap3A_450 = arith.index_cast %add3A_442 : i32 to index
      %swap3A_451 = arith.constant 0 : index
      %swap3A_452 = tpu.vector_load %arg7[%swap3A_450, %swap3A_451] {strides = array<i32>} : memref<128x128xf32, #tpu.memory_space<vmem>>, vector<1x16xf32>,
      %swap3A_453 = vector.shape_cast %swap3A_452 : vector<1x16xf32> to vector<16xf32>
      %swap3A_454 = vector.shape_cast %mul3A_449 : vector<16xf32> to vector<1x16xf32>
      tpu.vector_store %arg7[%swap3A_450, %swap3A_451], %swap3A_454 {strides = array<i32>} : memref<128x128xf32, #tpu.memory_space<vmem>>, vector<1x16xf32>,
      %mul3A_455 = arith.constant 2 : i32
      %mul3A_456 = arith.muli %mul3A_455, %scan3A_312 : i32
      %add3A_457 = arith.constant 1 : i32
      %add3A_458 = arith.addi %mul3A_456, %add3A_457 : i32
      %get3A_459 = arith.index_cast %add3A_458 : i32 to index
      %get3A_460 = arith.constant 16 : index
      %get3A_461 = tpu.vector_load %arg7[%get3A_459, %get3A_460] {strides = array<i32>} : memref<128x128xf32, #tpu.memory_space<vmem>>, vector<1x16xf32>,
      %get3A_462 = vector.shape_cast %get3A_461 : vector<1x16xf32> to vector<16xf32>
      %mul3A_463 = arith.constant 11.3137083 : f32
      %mul3A_464 = vector.broadcast %mul3A_463 : f32 to vector<16xf32>
      %mul3A_465 = arith.mulf %get3A_462, %mul3A_464 : vector<16xf32>
      %swap3A_466 = arith.index_cast %add3A_458 : i32 to index
      %swap3A_467 = arith.constant 16 : index
      %swap3A_468 = tpu.vector_load %arg7[%swap3A_466, %swap3A_467] {strides = array<i32>} : memref<128x128xf32, #tpu.memory_space<vmem>>, vector<1x16xf32>,
      %swap3A_469 = vector.shape_cast %swap3A_468 : vector<1x16xf32> to vector<16xf32>
      %swap3A_470 = vector.shape_cast %mul3A_465 : vector<16xf32> to vector<1x16xf32>
      tpu.vector_store %arg7[%swap3A_466, %swap3A_467], %swap3A_470 {strides = array<i32>} : memref<128x128xf32, #tpu.memory_space<vmem>>, vector<1x16xf32>,
      %mul3A_471 = arith.constant 2 : i32
      %mul3A_472 = arith.muli %mul3A_471, %scan3A_312 : i32
      %add3A_473 = arith.constant 1 : i32
      %add3A_474 = arith.addi %mul3A_472, %add3A_473 : i32
      %get3A_475 = arith.index_cast %add3A_474 : i32 to index
      %get3A_476 = arith.constant 32 : index
      %get3A_477 = tpu.vector_load %arg7[%get3A_475, %get3A_476] {strides = array<i32>} : memref<128x128xf32, #tpu.memory_space<vmem>>, vector<1x16xf32>,
      %get3A_478 = vector.shape_cast %get3A_477 : vector<1x16xf32> to vector<16xf32>
      %mul3A_479 = arith.constant 11.3137083 : f32
      %mul3A_480 = vector.broadcast %mul3A_479 : f32 to vector<16xf32>
      %mul3A_481 = arith.mulf %get3A_478, %mul3A_480 : vector<16xf32>
      %swap3A_482 = arith.index_cast %add3A_474 : i32 to index
      %swap3A_483 = arith.constant 32 : index
      %swap3A_484 = tpu.vector_load %arg7[%swap3A_482, %swap3A_483] {strides = array<i32>} : memref<128x128xf32, #tpu.memory_space<vmem>>, vector<1x16xf32>,
      %swap3A_485 = vector.shape_cast %swap3A_484 : vector<1x16xf32> to vector<16xf32>
      %swap3A_486 = vector.shape_cast %mul3A_481 : vector<16xf32> to vector<1x16xf32>
      tpu.vector_store %arg7[%swap3A_482, %swap3A_483], %swap3A_486 {strides = array<i32>} : memref<128x128xf32, #tpu.memory_space<vmem>>, vector<1x16xf32>,
      %mul3A_487 = arith.constant 2 : i32
      %mul3A_488 = arith.muli %mul3A_487, %scan3A_312 : i32
      %add3A_489 = arith.constant 1 : i32
      %add3A_490 = arith.addi %mul3A_488, %add3A_489 : i32
      %get3A_491 = arith.index_cast %add3A_490 : i32 to index
      %get3A_492 = arith.constant 48 : index
      %get3A_493 = tpu.vector_load %arg7[%get3A_491, %get3A_492] {strides = array<i32>} : memref<128x128xf32, #tpu.memory_space<vmem>>, vector<1x16xf32>,
      %get3A_494 = vector.shape_cast %get3A_493 : vector<1x16xf32> to vector<16xf32>
      %mul3A_495 = arith.constant 11.3137083 : f32
      %mul3A_496 = vector.broadcast %mul3A_495 : f32 to vector<16xf32>
      %mul3A_497 = arith.mulf %get3A_494, %mul3A_496 : vector<16xf32>
      %swap3A_498 = arith.index_cast %add3A_490 : i32 to index
      %swap3A_499 = arith.constant 48 : index
      %swap3A_500 = tpu.vector_load %arg7[%swap3A_498, %swap3A_499] {strides = array<i32>} : memref<128x128xf32, #tpu.memory_space<vmem>>, vector<1x16xf32>,
      %swap3A_501 = vector.shape_cast %swap3A_500 : vector<1x16xf32> to vector<16xf32>
      %swap3A_502 = vector.shape_cast %mul3A_497 : vector<16xf32> to vector<1x16xf32>
      tpu.vector_store %arg7[%swap3A_498, %swap3A_499], %swap3A_502 {strides = array<i32>} : memref<128x128xf32, #tpu.memory_space<vmem>>, vector<1x16xf32>,
      %mul3A_503 = arith.constant 2 : i32
      %mul3A_504 = arith.muli %mul3A_503, %scan3A_312 : i32
      %add3A_505 = arith.constant 1 : i32
      %add3A_506 = arith.addi %mul3A_504, %add3A_505 : i32
      %get3A_507 = arith.index_cast %add3A_506 : i32 to index
      %get3A_508 = arith.constant 64 : index
      %get3A_509 = tpu.vector_load %arg7[%get3A_507, %get3A_508] {strides = array<i32>} : memref<128x128xf32, #tpu.memory_space<vmem>>, vector<1x16xf32>,
      %get3A_510 = vector.shape_cast %get3A_509 : vector<1x16xf32> to vector<16xf32>
      %mul3A_511 = arith.constant 11.3137083 : f32
      %mul3A_512 = vector.broadcast %mul3A_511 : f32 to vector<16xf32>
      %mul3A_513 = arith.mulf %get3A_510, %mul3A_512 : vector<16xf32>
      %swap3A_514 = arith.index_cast %add3A_506 : i32 to index
      %swap3A_515 = arith.constant 64 : index
      %swap3A_516 = tpu.vector_load %arg7[%swap3A_514, %swap3A_515] {strides = array<i32>} : memref<128x128xf32, #tpu.memory_space<vmem>>, vector<1x16xf32>,
      %swap3A_517 = vector.shape_cast %swap3A_516 : vector<1x16xf32> to vector<16xf32>
      %swap3A_518 = vector.shape_cast %mul3A_513 : vector<16xf32> to vector<1x16xf32>
      tpu.vector_store %arg7[%swap3A_514, %swap3A_515], %swap3A_518 {strides = array<i32>} : memref<128x128xf32, #tpu.memory_space<vmem>>, vector<1x16xf32>,
      %mul3A_519 = arith.constant 2 : i32
      %mul3A_520 = arith.muli %mul3A_519, %scan3A_312 : i32
      %add3A_521 = arith.constant 1 : i32
      %add3A_522 = arith.addi %mul3A_520, %add3A_521 : i32
      %get3A_523 = arith.index_cast %add3A_522 : i32 to index
      %get3A_524 = arith.constant 80 : index
      %get3A_525 = tpu.vector_load %arg7[%get3A_523, %get3A_524] {strides = array<i32>} : memref<128x128xf32, #tpu.memory_space<vmem>>, vector<1x16xf32>,
      %get3A_526 = vector.shape_cast %get3A_525 : vector<1x16xf32> to vector<16xf32>
      %mul3A_527 = arith.constant 11.3137083 : f32
      %mul3A_528 = vector.broadcast %mul3A_527 : f32 to vector<16xf32>
      %mul3A_529 = arith.mulf %get3A_526, %mul3A_528 : vector<16xf32>
      %swap3A_530 = arith.index_cast %add3A_522 : i32 to index
      %swap3A_531 = arith.constant 80 : index
      %swap3A_532 = tpu.vector_load %arg7[%swap3A_530, %swap3A_531] {strides = array<i32>} : memref<128x128xf32, #tpu.memory_space<vmem>>, vector<1x16xf32>,
      %swap3A_533 = vector.shape_cast %swap3A_532 : vector<1x16xf32> to vector<16xf32>
      %swap3A_534 = vector.shape_cast %mul3A_529 : vector<16xf32> to vector<1x16xf32>
      tpu.vector_store %arg7[%swap3A_530, %swap3A_531], %swap3A_534 {strides = array<i32>} : memref<128x128xf32, #tpu.memory_space<vmem>>, vector<1x16xf32>,
      %mul3A_535 = arith.constant 2 : i32
      %mul3A_536 = arith.muli %mul3A_535, %scan3A_312 : i32
      %add3A_537 = arith.constant 1 : i32
      %add3A_538 = arith.addi %mul3A_536, %add3A_537 : i32
      %get3A_539 = arith.index_cast %add3A_538 : i32 to index
      %get3A_540 = arith.constant 96 : index
      %get3A_541 = tpu.vector_load %arg7[%get3A_539, %get3A_540] {strides = array<i32>} : memref<128x128xf32, #tpu.memory_space<vmem>>, vector<1x16xf32>,
      %get3A_542 = vector.shape_cast %get3A_541 : vector<1x16xf32> to vector<16xf32>
      %mul3A_543 = arith.constant 11.3137083 : f32
      %mul3A_544 = vector.broadcast %mul3A_543 : f32 to vector<16xf32>
      %mul3A_545 = arith.mulf %get3A_542, %mul3A_544 : vector<16xf32>
      %swap3A_546 = arith.index_cast %add3A_538 : i32 to index
      %swap3A_547 = arith.constant 96 : index
      %swap3A_548 = tpu.vector_load %arg7[%swap3A_546, %swap3A_547] {strides = array<i32>} : memref<128x128xf32, #tpu.memory_space<vmem>>, vector<1x16xf32>,
      %swap3A_549 = vector.shape_cast %swap3A_548 : vector<1x16xf32> to vector<16xf32>
      %swap3A_550 = vector.shape_cast %mul3A_545 : vector<16xf32> to vector<1x16xf32>
      tpu.vector_store %arg7[%swap3A_546, %swap3A_547], %swap3A_550 {strides = array<i32>} : memref<128x128xf32, #tpu.memory_space<vmem>>, vector<1x16xf32>,
      %mul3A_551 = arith.constant 2 : i32
      %mul3A_552 = arith.muli %mul3A_551, %scan3A_312 : i32
      %add3A_553 = arith.constant 1 : i32
      %add3A_554 = arith.addi %mul3A_552, %add3A_553 : i32
      %get3A_555 = arith.index_cast %add3A_554 : i32 to index
      %get3A_556 = arith.constant 112 : index
      %get3A_557 = tpu.vector_load %arg7[%get3A_555, %get3A_556] {strides = array<i32>} : memref<128x128xf32, #tpu.memory_space<vmem>>, vector<1x16xf32>,
      %get3A_558 = vector.shape_cast %get3A_557 : vector<1x16xf32> to vector<16xf32>
      %mul3A_559 = arith.constant 11.3137083 : f32
      %mul3A_560 = vector.broadcast %mul3A_559 : f32 to vector<16xf32>
      %mul3A_561 = arith.mulf %get3A_558, %mul3A_560 : vector<16xf32>
      %swap3A_562 = arith.index_cast %add3A_554 : i32 to index
      %swap3A_563 = arith.constant 112 : index
      %swap3A_564 = tpu.vector_load %arg7[%swap3A_562, %swap3A_563] {strides = array<i32>} : memref<128x128xf32, #tpu.memory_space<vmem>>, vector<1x16xf32>,
      %swap3A_565 = vector.shape_cast %swap3A_564 : vector<1x16xf32> to vector<16xf32>
      %swap3A_566 = vector.shape_cast %mul3A_561 : vector<16xf32> to vector<1x16xf32>
      tpu.vector_store %arg7[%swap3A_562, %swap3A_563], %swap3A_566 {strides = array<i32>} : memref<128x128xf32, #tpu.memory_space<vmem>>, vector<1x16xf32>,
    }
    %scan3A_79 = arith.constant 64 : i32
    %add3A_80 = arith.constant 128 : i32
    %add3A_81 = arith.addi %mul3A_2, %add3A_80 : i32
    %dma_start3A_82 = arith.constant 0 : i32
    %dma_start3A_83 = tpu.memref_slice %arg4[%add3A_81, %dma_start3A_82] : memref<819200x128xf32, #tpu.memory_space<hbm>> -> memref<128x128xf32, #tpu.memory_space<hbm>>
    %dma_start3A_84 = arith.constant 0 : i32
    %dma_start3A_85 = tpu.memref_slice %arg4[%add3A_81, %dma_start3A_84] : memref<819200x128xf32, #tpu.memory_space<hbm>> -> memref<128x128xf32, #tpu.memory_space<hbm>>
    tpu.enqueue_dma source(%arg7 : memref<128x128xf32, #tpu.memory_space<vmem>>) target(%dma_start3A_85 : memref<128x128xf32, #tpu.memory_space<hbm>>) target_semaphore(%arg19 : memref<!tpu.dma_semaphore, #tpu.memory_space<semaphore_mem>>)
    %dma_start3A_86 = arith.constant 4 : i32
    %dma_start3A_87 = arith.constant 0 : i32
    %dma_start3A_88 = arith.constant 0 : i32
    %dma_start3A_89 = tpu.memref_slice %arg10[%dma_start3A_87, %dma_start3A_88] : memref<128x128xf32, #tpu.memory_space<vmem>> -> memref<128x128xf32, #tpu.memory_space<vmem>>
    %dma_start3A_90 = arith.constant 0 : i32
    %dma_start3A_91 = tpu.memref_slice %arg5[%dma_start3A_86, %dma_start3A_90] : memref<200x128xi32, #tpu.memory_space<vmem>> -> memref<1x128xi32, #tpu.memory_space<vmem>>
    %dma_start3A_92 = tpu.memref_squeeze %dma_start3A_91 : memref<1x128xi32, #tpu.memory_space<vmem>> -> memref<128xi32, #tpu.memory_space<vmem>>
    %dma_start3A_93 = arith.constant 0 : i32
    %dma_start3A_94 = arith.constant 0 : i32
    %dma_start3A_95 = tpu.memref_slice %arg3[%dma_start3A_93, %dma_start3A_94] : memref<100000x128xf32, #tpu.memory_space<hbm>> -> memref<100000x128xf32, #tpu.memory_space<hbm>>
    tpu.enqueue_indirect_dma source(%dma_start3A_95 : memref<100000x128xf32, #tpu.memory_space<hbm>>) target(%dma_start3A_89 : memref<128x128xf32, #tpu.memory_space<vmem>>) offsets(%dma_start3A_92 : memref<128xi32, #tpu.memory_space<vmem>>) semaphore(%arg16 : memref<!tpu.dma_semaphore, #tpu.memory_space<semaphore_mem>>)
    %dma_wait3A_96 = arith.constant 2 : i32
    %dma_wait3A_97 = arith.constant 0 : i32
    %dma_wait3A_98 = arith.constant 0 : i32
    %dma_wait3A_99 = tpu.memref_slice %arg8[%dma_wait3A_97, %dma_wait3A_98] : memref<128x128xf32, #tpu.memory_space<vmem>> -> memref<128x128xf32, #tpu.memory_space<vmem>>
    %dma_wait3A_100 = arith.constant 0 : i32
    %dma_wait3A_101 = tpu.memref_slice %arg5[%dma_wait3A_96, %dma_wait3A_100] : memref<200x128xi32, #tpu.memory_space<vmem>> -> memref<1x128xi32, #tpu.memory_space<vmem>>
    %dma_wait3A_102 = tpu.memref_squeeze %dma_wait3A_101 : memref<1x128xi32, #tpu.memory_space<vmem>> -> memref<128xi32, #tpu.memory_space<vmem>>
    %dma_wait3A_103 = arith.constant 0 : i32
    %dma_wait3A_104 = arith.constant 0 : i32
    %dma_wait3A_105 = tpu.memref_slice %arg3[%dma_wait3A_103, %dma_wait3A_104] : memref<100000x128xf32, #tpu.memory_space<hbm>> -> memref<100000x128xf32, #tpu.memory_space<hbm>>
    tpu.wait_indirect_dma semaphore(%arg14 : memref<!tpu.dma_semaphore, #tpu.memory_space<semaphore_mem>>) src(%dma_wait3A_105 : memref<100000x128xf32, #tpu.memory_space<hbm>>) dst(%dma_wait3A_99 : memref<128x128xf32, #tpu.memory_space<vmem>>)
    %scan3A_106 = arith.constant 0 : i32
    %scan3A_107 = arith.constant 0 : i32
    %scan3A_108 = arith.constant 64 : i32
    %scan3A_109 = arith.addi %scan3A_107, %scan3A_108 : i32
    %scan3A_110 = arith.constant 1 : i32
    scf.for %scan3A_312 = %scan3A_107 to %scan3A_109 step %scan3A_110  : i32 {
      %mul3A_313 = arith.constant 2 : i32
      %mul3A_314 = arith.muli %mul3A_313, %scan3A_312 : i32
      %add3A_315 = arith.constant 0 : i32
      %add3A_316 = arith.addi %mul3A_314, %add3A_315 : i32
      %get3A = arith.index_cast %add3A_316 : i32 to index
      %get3A_317 = arith.constant 0 : index
      %get3A_318 = tpu.vector_load %arg8[%get3A, %get3A_317] {strides = array<i32>} : memref<128x128xf32, #tpu.memory_space<vmem>>, vector<1x16xf32>,
      %get3A_319 = vector.shape_cast %get3A_318 : vector<1x16xf32> to vector<16xf32>
      %mul3A_320 = arith.constant 11.3137083 : f32
      %mul3A_321 = vector.broadcast %mul3A_320 : f32 to vector<16xf32>
      %mul3A_322 = arith.mulf %get3A_319, %mul3A_321 : vector<16xf32>
      %swap3A = arith.index_cast %add3A_316 : i32 to index
      %swap3A_323 = arith.constant 0 : index
      %swap3A_324 = tpu.vector_load %arg8[%swap3A, %swap3A_323] {strides = array<i32>} : memref<128x128xf32, #tpu.memory_space<vmem>>, vector<1x16xf32>,
      %swap3A_325 = vector.shape_cast %swap3A_324 : vector<1x16xf32> to vector<16xf32>
      %swap3A_326 = vector.shape_cast %mul3A_322 : vector<16xf32> to vector<1x16xf32>
      tpu.vector_store %arg8[%swap3A, %swap3A_323], %swap3A_326 {strides = array<i32>} : memref<128x128xf32, #tpu.memory_space<vmem>>, vector<1x16xf32>,
      %mul3A_327 = arith.constant 2 : i32
      %mul3A_328 = arith.muli %mul3A_327, %scan3A_312 : i32
      %add3A_329 = arith.constant 0 : i32
      %add3A_330 = arith.addi %mul3A_328, %add3A_329 : i32
      %get3A_331 = arith.index_cast %add3A_330 : i32 to index
      %get3A_332 = arith.constant 16 : index
      %get3A_333 = tpu.vector_load %arg8[%get3A_331, %get3A_332] {strides = array<i32>} : memref<128x128xf32, #tpu.memory_space<vmem>>, vector<1x16xf32>,
      %get3A_334 = vector.shape_cast %get3A_333 : vector<1x16xf32> to vector<16xf32>
      %mul3A_335 = arith.constant 11.3137083 : f32
      %mul3A_336 = vector.broadcast %mul3A_335 : f32 to vector<16xf32>
      %mul3A_337 = arith.mulf %get3A_334, %mul3A_336 : vector<16xf32>
      %swap3A_338 = arith.index_cast %add3A_330 : i32 to index
      %swap3A_339 = arith.constant 16 : index
      %swap3A_340 = tpu.vector_load %arg8[%swap3A_338, %swap3A_339] {strides = array<i32>} : memref<128x128xf32, #tpu.memory_space<vmem>>, vector<1x16xf32>,
      %swap3A_341 = vector.shape_cast %swap3A_340 : vector<1x16xf32> to vector<16xf32>
      %swap3A_342 = vector.shape_cast %mul3A_337 : vector<16xf32> to vector<1x16xf32>
      tpu.vector_store %arg8[%swap3A_338, %swap3A_339], %swap3A_342 {strides = array<i32>} : memref<128x128xf32, #tpu.memory_space<vmem>>, vector<1x16xf32>,
      %mul3A_343 = arith.constant 2 : i32
      %mul3A_344 = arith.muli %mul3A_343, %scan3A_312 : i32
      %add3A_345 = arith.constant 0 : i32
      %add3A_346 = arith.addi %mul3A_344, %add3A_345 : i32
      %get3A_347 = arith.index_cast %add3A_346 : i32 to index
      %get3A_348 = arith.constant 32 : index
      %get3A_349 = tpu.vector_load %arg8[%get3A_347, %get3A_348] {strides = array<i32>} : memref<128x128xf32, #tpu.memory_space<vmem>>, vector<1x16xf32>,
      %get3A_350 = vector.shape_cast %get3A_349 : vector<1x16xf32> to vector<16xf32>
      %mul3A_351 = arith.constant 11.3137083 : f32
      %mul3A_352 = vector.broadcast %mul3A_351 : f32 to vector<16xf32>
      %mul3A_353 = arith.mulf %get3A_350, %mul3A_352 : vector<16xf32>
      %swap3A_354 = arith.index_cast %add3A_346 : i32 to index
      %swap3A_355 = arith.constant 32 : index
      %swap3A_356 = tpu.vector_load %arg8[%swap3A_354, %swap3A_355] {strides = array<i32>} : memref<128x128xf32, #tpu.memory_space<vmem>>, vector<1x16xf32>,
      %swap3A_357 = vector.shape_cast %swap3A_356 : vector<1x16xf32> to vector<16xf32>
      %swap3A_358 = vector.shape_cast %mul3A_353 : vector<16xf32> to vector<1x16xf32>
      tpu.vector_store %arg8[%swap3A_354, %swap3A_355], %swap3A_358 {strides = array<i32>} : memref<128x128xf32, #tpu.memory_space<vmem>>, vector<1x16xf32>,
      %mul3A_359 = arith.constant 2 : i32
      %mul3A_360 = arith.muli %mul3A_359, %scan3A_312 : i32
      %add3A_361 = arith.constant 0 : i32
      %add3A_362 = arith.addi %mul3A_360, %add3A_361 : i32
      %get3A_363 = arith.index_cast %add3A_362 : i32 to index
      %get3A_364 = arith.constant 48 : index
      %get3A_365 = tpu.vector_load %arg8[%get3A_363, %get3A_364] {strides = array<i32>} : memref<128x128xf32, #tpu.memory_space<vmem>>, vector<1x16xf32>,
      %get3A_366 = vector.shape_cast %get3A_365 : vector<1x16xf32> to vector<16xf32>
      %mul3A_367 = arith.constant 11.3137083 : f32
      %mul3A_368 = vector.broadcast %mul3A_367 : f32 to vector<16xf32>
      %mul3A_369 = arith.mulf %get3A_366, %mul3A_368 : vector<16xf32>
      %swap3A_370 = arith.index_cast %add3A_362 : i32 to index
      %swap3A_371 = arith.constant 48 : index
      %swap3A_372 = tpu.vector_load %arg8[%swap3A_370, %swap3A_371] {strides = array<i32>} : memref<128x128xf32, #tpu.memory_space<vmem>>, vector<1x16xf32>,
      %swap3A_373 = vector.shape_cast %swap3A_372 : vector<1x16xf32> to vector<16xf32>
      %swap3A_374 = vector.shape_cast %mul3A_369 : vector<16xf32> to vector<1x16xf32>
      tpu.vector_store %arg8[%swap3A_370, %swap3A_371], %swap3A_374 {strides = array<i32>} : memref<128x128xf32, #tpu.memory_space<vmem>>, vector<1x16xf32>,
      %mul3A_375 = arith.constant 2 : i32
      %mul3A_376 = arith.muli %mul3A_375, %scan3A_312 : i32
      %add3A_377 = arith.constant 0 : i32
      %add3A_378 = arith.addi %mul3A_376, %add3A_377 : i32
      %get3A_379 = arith.index_cast %add3A_378 : i32 to index
      %get3A_380 = arith.constant 64 : index
      %get3A_381 = tpu.vector_load %arg8[%get3A_379, %get3A_380] {strides = array<i32>} : memref<128x128xf32, #tpu.memory_space<vmem>>, vector<1x16xf32>,
      %get3A_382 = vector.shape_cast %get3A_381 : vector<1x16xf32> to vector<16xf32>
      %mul3A_383 = arith.constant 11.3137083 : f32
      %mul3A_384 = vector.broadcast %mul3A_383 : f32 to vector<16xf32>
      %mul3A_385 = arith.mulf %get3A_382, %mul3A_384 : vector<16xf32>
      %swap3A_386 = arith.index_cast %add3A_378 : i32 to index
      %swap3A_387 = arith.constant 64 : index
      %swap3A_388 = tpu.vector_load %arg8[%swap3A_386, %swap3A_387] {strides = array<i32>} : memref<128x128xf32, #tpu.memory_space<vmem>>, vector<1x16xf32>,
      %swap3A_389 = vector.shape_cast %swap3A_388 : vector<1x16xf32> to vector<16xf32>
      %swap3A_390 = vector.shape_cast %mul3A_385 : vector<16xf32> to vector<1x16xf32>
      tpu.vector_store %arg8[%swap3A_386, %swap3A_387], %swap3A_390 {strides = array<i32>} : memref<128x128xf32, #tpu.memory_space<vmem>>, vector<1x16xf32>,
      %mul3A_391 = arith.constant 2 : i32
      %mul3A_392 = arith.muli %mul3A_391, %scan3A_312 : i32
      %add3A_393 = arith.constant 0 : i32
      %add3A_394 = arith.addi %mul3A_392, %add3A_393 : i32
      %get3A_395 = arith.index_cast %add3A_394 : i32 to index
      %get3A_396 = arith.constant 80 : index
      %get3A_397 = tpu.vector_load %arg8[%get3A_395, %get3A_396] {strides = array<i32>} : memref<128x128xf32, #tpu.memory_space<vmem>>, vector<1x16xf32>,
      %get3A_398 = vector.shape_cast %get3A_397 : vector<1x16xf32> to vector<16xf32>
      %mul3A_399 = arith.constant 11.3137083 : f32
      %mul3A_400 = vector.broadcast %mul3A_399 : f32 to vector<16xf32>
      %mul3A_401 = arith.mulf %get3A_398, %mul3A_400 : vector<16xf32>
      %swap3A_402 = arith.index_cast %add3A_394 : i32 to index
      %swap3A_403 = arith.constant 80 : index
      %swap3A_404 = tpu.vector_load %arg8[%swap3A_402, %swap3A_403] {strides = array<i32>} : memref<128x128xf32, #tpu.memory_space<vmem>>, vector<1x16xf32>,
      %swap3A_405 = vector.shape_cast %swap3A_404 : vector<1x16xf32> to vector<16xf32>
      %swap3A_406 = vector.shape_cast %mul3A_401 : vector<16xf32> to vector<1x16xf32>
      tpu.vector_store %arg8[%swap3A_402, %swap3A_403], %swap3A_406 {strides = array<i32>} : memref<128x128xf32, #tpu.memory_space<vmem>>, vector<1x16xf32>,
      %mul3A_407 = arith.constant 2 : i32
      %mul3A_408 = arith.muli %mul3A_407, %scan3A_312 : i32
      %add3A_409 = arith.constant 0 : i32
      %add3A_410 = arith.addi %mul3A_408, %add3A_409 : i32
      %get3A_411 = arith.index_cast %add3A_410 : i32 to index
      %get3A_412 = arith.constant 96 : index
      %get3A_413 = tpu.vector_load %arg8[%get3A_411, %get3A_412] {strides = array<i32>} : memref<128x128xf32, #tpu.memory_space<vmem>>, vector<1x16xf32>,
      %get3A_414 = vector.shape_cast %get3A_413 : vector<1x16xf32> to vector<16xf32>
      %mul3A_415 = arith.constant 11.3137083 : f32
      %mul3A_416 = vector.broadcast %mul3A_415 : f32 to vector<16xf32>
      %mul3A_417 = arith.mulf %get3A_414, %mul3A_416 : vector<16xf32>
      %swap3A_418 = arith.index_cast %add3A_410 : i32 to index
      %swap3A_419 = arith.constant 96 : index
      %swap3A_420 = tpu.vector_load %arg8[%swap3A_418, %swap3A_419] {strides = array<i32>} : memref<128x128xf32, #tpu.memory_space<vmem>>, vector<1x16xf32>,
      %swap3A_421 = vector.shape_cast %swap3A_420 : vector<1x16xf32> to vector<16xf32>
      %swap3A_422 = vector.shape_cast %mul3A_417 : vector<16xf32> to vector<1x16xf32>
      tpu.vector_store %arg8[%swap3A_418, %swap3A_419], %swap3A_422 {strides = array<i32>} : memref<128x128xf32, #tpu.memory_space<vmem>>, vector<1x16xf32>,
      %mul3A_423 = arith.constant 2 : i32
      %mul3A_424 = arith.muli %mul3A_423, %scan3A_312 : i32
      %add3A_425 = arith.constant 0 : i32
      %add3A_426 = arith.addi %mul3A_424, %add3A_425 : i32
      %get3A_427 = arith.index_cast %add3A_426 : i32 to index
      %get3A_428 = arith.constant 112 : index
      %get3A_429 = tpu.vector_load %arg8[%get3A_427, %get3A_428] {strides = array<i32>} : memref<128x128xf32, #tpu.memory_space<vmem>>, vector<1x16xf32>,
      %get3A_430 = vector.shape_cast %get3A_429 : vector<1x16xf32> to vector<16xf32>
      %mul3A_431 = arith.constant 11.3137083 : f32
      %mul3A_432 = vector.broadcast %mul3A_431 : f32 to vector<16xf32>
      %mul3A_433 = arith.mulf %get3A_430, %mul3A_432 : vector<16xf32>
      %swap3A_434 = arith.index_cast %add3A_426 : i32 to index
      %swap3A_435 = arith.constant 112 : index
      %swap3A_436 = tpu.vector_load %arg8[%swap3A_434, %swap3A_435] {strides = array<i32>} : memref<128x128xf32, #tpu.memory_space<vmem>>, vector<1x16xf32>,
      %swap3A_437 = vector.shape_cast %swap3A_436 : vector<1x16xf32> to vector<16xf32>
      %swap3A_438 = vector.shape_cast %mul3A_433 : vector<16xf32> to vector<1x16xf32>
      tpu.vector_store %arg8[%swap3A_434, %swap3A_435], %swap3A_438 {strides = array<i32>} : memref<128x128xf32, #tpu.memory_space<vmem>>, vector<1x16xf32>,
      %mul3A_439 = arith.constant 2 : i32
      %mul3A_440 = arith.muli %mul3A_439, %scan3A_312 : i32
      %add3A_441 = arith.constant 1 : i32
      %add3A_442 = arith.addi %mul3A_440, %add3A_441 : i32
      %get3A_443 = arith.index_cast %add3A_442 : i32 to index
      %get3A_444 = arith.constant 0 : index
      %get3A_445 = tpu.vector_load %arg8[%get3A_443, %get3A_444] {strides = array<i32>} : memref<128x128xf32, #tpu.memory_space<vmem>>, vector<1x16xf32>,
      %get3A_446 = vector.shape_cast %get3A_445 : vector<1x16xf32> to vector<16xf32>
      %mul3A_447 = arith.constant 11.3137083 : f32
      %mul3A_448 = vector.broadcast %mul3A_447 : f32 to vector<16xf32>
      %mul3A_449 = arith.mulf %get3A_446, %mul3A_448 : vector<16xf32>
      %swap3A_450 = arith.index_cast %add3A_442 : i32 to index
      %swap3A_451 = arith.constant 0 : index
      %swap3A_452 = tpu.vector_load %arg8[%swap3A_450, %swap3A_451] {strides = array<i32>} : memref<128x128xf32, #tpu.memory_space<vmem>>, vector<1x16xf32>,
      %swap3A_453 = vector.shape_cast %swap3A_452 : vector<1x16xf32> to vector<16xf32>
      %swap3A_454 = vector.shape_cast %mul3A_449 : vector<16xf32> to vector<1x16xf32>
      tpu.vector_store %arg8[%swap3A_450, %swap3A_451], %swap3A_454 {strides = array<i32>} : memref<128x128xf32, #tpu.memory_space<vmem>>, vector<1x16xf32>,
      %mul3A_455 = arith.constant 2 : i32
      %mul3A_456 = arith.muli %mul3A_455, %scan3A_312 : i32
      %add3A_457 = arith.constant 1 : i32
      %add3A_458 = arith.addi %mul3A_456, %add3A_457 : i32
      %get3A_459 = arith.index_cast %add3A_458 : i32 to index
      %get3A_460 = arith.constant 16 : index
      %get3A_461 = tpu.vector_load %arg8[%get3A_459, %get3A_460] {strides = array<i32>} : memref<128x128xf32, #tpu.memory_space<vmem>>, vector<1x16xf32>,
      %get3A_462 = vector.shape_cast %get3A_461 : vector<1x16xf32> to vector<16xf32>
      %mul3A_463 = arith.constant 11.3137083 : f32
      %mul3A_464 = vector.broadcast %mul3A_463 : f32 to vector<16xf32>
      %mul3A_465 = arith.mulf %get3A_462, %mul3A_464 : vector<16xf32>
      %swap3A_466 = arith.index_cast %add3A_458 : i32 to index
      %swap3A_467 = arith.constant 16 : index
      %swap3A_468 = tpu.vector_load %arg8[%swap3A_466, %swap3A_467] {strides = array<i32>} : memref<128x128xf32, #tpu.memory_space<vmem>>, vector<1x16xf32>,
      %swap3A_469 = vector.shape_cast %swap3A_468 : vector<1x16xf32> to vector<16xf32>
      %swap3A_470 = vector.shape_cast %mul3A_465 : vector<16xf32> to vector<1x16xf32>
      tpu.vector_store %arg8[%swap3A_466, %swap3A_467], %swap3A_470 {strides = array<i32>} : memref<128x128xf32, #tpu.memory_space<vmem>>, vector<1x16xf32>,
      %mul3A_471 = arith.constant 2 : i32
      %mul3A_472 = arith.muli %mul3A_471, %scan3A_312 : i32
      %add3A_473 = arith.constant 1 : i32
      %add3A_474 = arith.addi %mul3A_472, %add3A_473 : i32
      %get3A_475 = arith.index_cast %add3A_474 : i32 to index
      %get3A_476 = arith.constant 32 : index
      %get3A_477 = tpu.vector_load %arg8[%get3A_475, %get3A_476] {strides = array<i32>} : memref<128x128xf32, #tpu.memory_space<vmem>>, vector<1x16xf32>,
      %get3A_478 = vector.shape_cast %get3A_477 : vector<1x16xf32> to vector<16xf32>
      %mul3A_479 = arith.constant 11.3137083 : f32
      %mul3A_480 = vector.broadcast %mul3A_479 : f32 to vector<16xf32>
      %mul3A_481 = arith.mulf %get3A_478, %mul3A_480 : vector<16xf32>
      %swap3A_482 = arith.index_cast %add3A_474 : i32 to index
      %swap3A_483 = arith.constant 32 : index
      %swap3A_484 = tpu.vector_load %arg8[%swap3A_482, %swap3A_483] {strides = array<i32>} : memref<128x128xf32, #tpu.memory_space<vmem>>, vector<1x16xf32>,
      %swap3A_485 = vector.shape_cast %swap3A_484 : vector<1x16xf32> to vector<16xf32>
      %swap3A_486 = vector.shape_cast %mul3A_481 : vector<16xf32> to vector<1x16xf32>
      tpu.vector_store %arg8[%swap3A_482, %swap3A_483], %swap3A_486 {strides = array<i32>} : memref<128x128xf32, #tpu.memory_space<vmem>>, vector<1x16xf32>,
      %mul3A_487 = arith.constant 2 : i32
      %mul3A_488 = arith.muli %mul3A_487, %scan3A_312 : i32
      %add3A_489 = arith.constant 1 : i32
      %add3A_490 = arith.addi %mul3A_488, %add3A_489 : i32
      %get3A_491 = arith.index_cast %add3A_490 : i32 to index
      %get3A_492 = arith.constant 48 : index
      %get3A_493 = tpu.vector_load %arg8[%get3A_491, %get3A_492] {strides = array<i32>} : memref<128x128xf32, #tpu.memory_space<vmem>>, vector<1x16xf32>,
      %get3A_494 = vector.shape_cast %get3A_493 : vector<1x16xf32> to vector<16xf32>
      %mul3A_495 = arith.constant 11.3137083 : f32
      %mul3A_496 = vector.broadcast %mul3A_495 : f32 to vector<16xf32>
      %mul3A_497 = arith.mulf %get3A_494, %mul3A_496 : vector<16xf32>
      %swap3A_498 = arith.index_cast %add3A_490 : i32 to index
      %swap3A_499 = arith.constant 48 : index
      %swap3A_500 = tpu.vector_load %arg8[%swap3A_498, %swap3A_499] {strides = array<i32>} : memref<128x128xf32, #tpu.memory_space<vmem>>, vector<1x16xf32>,
      %swap3A_501 = vector.shape_cast %swap3A_500 : vector<1x16xf32> to vector<16xf32>
      %swap3A_502 = vector.shape_cast %mul3A_497 : vector<16xf32> to vector<1x16xf32>
      tpu.vector_store %arg8[%swap3A_498, %swap3A_499], %swap3A_502 {strides = array<i32>} : memref<128x128xf32, #tpu.memory_space<vmem>>, vector<1x16xf32>,
      %mul3A_503 = arith.constant 2 : i32
      %mul3A_504 = arith.muli %mul3A_503, %scan3A_312 : i32
      %add3A_505 = arith.constant 1 : i32
      %add3A_506 = arith.addi %mul3A_504, %add3A_505 : i32
      %get3A_507 = arith.index_cast %add3A_506 : i32 to index
      %get3A_508 = arith.constant 64 : index
      %get3A_509 = tpu.vector_load %arg8[%get3A_507, %get3A_508] {strides = array<i32>} : memref<128x128xf32, #tpu.memory_space<vmem>>, vector<1x16xf32>,
      %get3A_510 = vector.shape_cast %get3A_509 : vector<1x16xf32> to vector<16xf32>
      %mul3A_511 = arith.constant 11.3137083 : f32
      %mul3A_512 = vector.broadcast %mul3A_511 : f32 to vector<16xf32>
      %mul3A_513 = arith.mulf %get3A_510, %mul3A_512 : vector<16xf32>
      %swap3A_514 = arith.index_cast %add3A_506 : i32 to index
      %swap3A_515 = arith.constant 64 : index
      %swap3A_516 = tpu.vector_load %arg8[%swap3A_514, %swap3A_515] {strides = array<i32>} : memref<128x128xf32, #tpu.memory_space<vmem>>, vector<1x16xf32>,
      %swap3A_517 = vector.shape_cast %swap3A_516 : vector<1x16xf32> to vector<16xf32>
      %swap3A_518 = vector.shape_cast %mul3A_513 : vector<16xf32> to vector<1x16xf32>
      tpu.vector_store %arg8[%swap3A_514, %swap3A_515], %swap3A_518 {strides = array<i32>} : memref<128x128xf32, #tpu.memory_space<vmem>>, vector<1x16xf32>,
      %mul3A_519 = arith.constant 2 : i32
      %mul3A_520 = arith.muli %mul3A_519, %scan3A_312 : i32
      %add3A_521 = arith.constant 1 : i32
      %add3A_522 = arith.addi %mul3A_520, %add3A_521 : i32
      %get3A_523 = arith.index_cast %add3A_522 : i32 to index
      %get3A_524 = arith.constant 80 : index
      %get3A_525 = tpu.vector_load %arg8[%get3A_523, %get3A_524] {strides = array<i32>} : memref<128x128xf32, #tpu.memory_space<vmem>>, vector<1x16xf32>,
      %get3A_526 = vector.shape_cast %get3A_525 : vector<1x16xf32> to vector<16xf32>
      %mul3A_527 = arith.constant 11.3137083 : f32
      %mul3A_528 = vector.broadcast %mul3A_527 : f32 to vector<16xf32>
      %mul3A_529 = arith.mulf %get3A_526, %mul3A_528 : vector<16xf32>
      %swap3A_530 = arith.index_cast %add3A_522 : i32 to index
      %swap3A_531 = arith.constant 80 : index
      %swap3A_532 = tpu.vector_load %arg8[%swap3A_530, %swap3A_531] {strides = array<i32>} : memref<128x128xf32, #tpu.memory_space<vmem>>, vector<1x16xf32>,
      %swap3A_533 = vector.shape_cast %swap3A_532 : vector<1x16xf32> to vector<16xf32>
      %swap3A_534 = vector.shape_cast %mul3A_529 : vector<16xf32> to vector<1x16xf32>
      tpu.vector_store %arg8[%swap3A_530, %swap3A_531], %swap3A_534 {strides = array<i32>} : memref<128x128xf32, #tpu.memory_space<vmem>>, vector<1x16xf32>,
      %mul3A_535 = arith.constant 2 : i32
      %mul3A_536 = arith.muli %mul3A_535, %scan3A_312 : i32
      %add3A_537 = arith.constant 1 : i32
      %add3A_538 = arith.addi %mul3A_536, %add3A_537 : i32
      %get3A_539 = arith.index_cast %add3A_538 : i32 to index
      %get3A_540 = arith.constant 96 : index
      %get3A_541 = tpu.vector_load %arg8[%get3A_539, %get3A_540] {strides = array<i32>} : memref<128x128xf32, #tpu.memory_space<vmem>>, vector<1x16xf32>,
      %get3A_542 = vector.shape_cast %get3A_541 : vector<1x16xf32> to vector<16xf32>
      %mul3A_543 = arith.constant 11.3137083 : f32
      %mul3A_544 = vector.broadcast %mul3A_543 : f32 to vector<16xf32>
      %mul3A_545 = arith.mulf %get3A_542, %mul3A_544 : vector<16xf32>
      %swap3A_546 = arith.index_cast %add3A_538 : i32 to index
      %swap3A_547 = arith.constant 96 : index
      %swap3A_548 = tpu.vector_load %arg8[%swap3A_546, %swap3A_547] {strides = array<i32>} : memref<128x128xf32, #tpu.memory_space<vmem>>, vector<1x16xf32>,
      %swap3A_549 = vector.shape_cast %swap3A_548 : vector<1x16xf32> to vector<16xf32>
      %swap3A_550 = vector.shape_cast %mul3A_545 : vector<16xf32> to vector<1x16xf32>
      tpu.vector_store %arg8[%swap3A_546, %swap3A_547], %swap3A_550 {strides = array<i32>} : memref<128x128xf32, #tpu.memory_space<vmem>>, vector<1x16xf32>,
      %mul3A_551 = arith.constant 2 : i32
      %mul3A_552 = arith.muli %mul3A_551, %scan3A_312 : i32
      %add3A_553 = arith.constant 1 : i32
      %add3A_554 = arith.addi %mul3A_552, %add3A_553 : i32
      %get3A_555 = arith.index_cast %add3A_554 : i32 to index
      %get3A_556 = arith.constant 112 : index
      %get3A_557 = tpu.vector_load %arg8[%get3A_555, %get3A_556] {strides = array<i32>} : memref<128x128xf32, #tpu.memory_space<vmem>>, vector<1x16xf32>,
      %get3A_558 = vector.shape_cast %get3A_557 : vector<1x16xf32> to vector<16xf32>
      %mul3A_559 = arith.constant 11.3137083 : f32
      %mul3A_560 = vector.broadcast %mul3A_559 : f32 to vector<16xf32>
      %mul3A_561 = arith.mulf %get3A_558, %mul3A_560 : vector<16xf32>
      %swap3A_562 = arith.index_cast %add3A_554 : i32 to index
      %swap3A_563 = arith.constant 112 : index
      %swap3A_564 = tpu.vector_load %arg8[%swap3A_562, %swap3A_563] {strides = array<i32>} : memref<128x128xf32, #tpu.memory_space<vmem>>, vector<1x16xf32>,
      %swap3A_565 = vector.shape_cast %swap3A_564 : vector<1x16xf32> to vector<16xf32>
      %swap3A_566 = vector.shape_cast %mul3A_561 : vector<16xf32> to vector<1x16xf32>
      tpu.vector_store %arg8[%swap3A_562, %swap3A_563], %swap3A_566 {strides = array<i32>} : memref<128x128xf32, #tpu.memory_space<vmem>>, vector<1x16xf32>,
    }
    %scan3A_111 = arith.constant 64 : i32
    %add3A_112 = arith.constant 256 : i32
    %add3A_113 = arith.addi %mul3A_2, %add3A_112 : i32
    %dma_start3A_114 = arith.constant 0 : i32
    %dma_start3A_115 = tpu.memref_slice %arg4[%add3A_113, %dma_start3A_114] : memref<819200x128xf32, #tpu.memory_space<hbm>> -> memref<128x128xf32, #tpu.memory_space<hbm>>
    %dma_start3A_116 = arith.constant 0 : i32
    %dma_start3A_117 = tpu.memref_slice %arg4[%add3A_113, %dma_start3A_116] : memref<819200x128xf32, #tpu.memory_space<hbm>> -> memref<128x128xf32, #tpu.memory_space<hbm>>
    tpu.enqueue_dma source(%arg8 : memref<128x128xf32, #tpu.memory_space<vmem>>) target(%dma_start3A_117 : memref<128x128xf32, #tpu.memory_space<hbm>>) target_semaphore(%arg20 : memref<!tpu.dma_semaphore, #tpu.memory_space<semaphore_mem>>)
    %dma_start3A_118 = arith.constant 5 : i32
    %dma_start3A_119 = arith.constant 0 : i32
    %dma_start3A_120 = arith.constant 0 : i32
    %dma_start3A_121 = tpu.memref_slice %arg11[%dma_start3A_119, %dma_start3A_120] : memref<128x128xf32, #tpu.memory_space<vmem>> -> memref<128x128xf32, #tpu.memory_space<vmem>>
    %dma_start3A_122 = arith.constant 0 : i32
    %dma_start3A_123 = tpu.memref_slice %arg5[%dma_start3A_118, %dma_start3A_122] : memref<200x128xi32, #tpu.memory_space<vmem>> -> memref<1x128xi32, #tpu.memory_space<vmem>>
    %dma_start3A_124 = tpu.memref_squeeze %dma_start3A_123 : memref<1x128xi32, #tpu.memory_space<vmem>> -> memref<128xi32, #tpu.memory_space<vmem>>
    %dma_start3A_125 = arith.constant 0 : i32
    %dma_start3A_126 = arith.constant 0 : i32
    %dma_start3A_127 = tpu.memref_slice %arg3[%dma_start3A_125, %dma_start3A_126] : memref<100000x128xf32, #tpu.memory_space<hbm>> -> memref<100000x128xf32, #tpu.memory_space<hbm>>
    tpu.enqueue_indirect_dma source(%dma_start3A_127 : memref<100000x128xf32, #tpu.memory_space<hbm>>) target(%dma_start3A_121 : memref<128x128xf32, #tpu.memory_space<vmem>>) offsets(%dma_start3A_124 : memref<128xi32, #tpu.memory_space<vmem>>) semaphore(%arg17 : memref<!tpu.dma_semaphore, #tpu.memory_space<semaphore_mem>>)
    %scan3A_128 = arith.constant 0 : i32
    %scan3A_129 = arith.constant 0 : i32
    %scan3A_130 = arith.constant 32 : i32
    %scan3A_131 = arith.addi %scan3A_129, %scan3A_130 : i32
    %scan3A_132 = arith.constant 1 : i32
    scf.for %scan3A_312 = %scan3A_129 to %scan3A_131 step %scan3A_132  : i32 {
      %mul3A_313 = arith.constant 6 : i32
      %mul3A_314 = arith.muli %mul3A_313, %scan3A_312 : i32
      %add3A_315 = arith.constant 3 : i32
      %add3A_316 = arith.addi %mul3A_314, %add3A_315 : i32
      %sub3A = arith.constant 3 : i32
      %sub3A_317 = arith.subi %add3A_316, %sub3A : i32
      %mul3A_318 = arith.constant 128 : i32
      %mul3A_319 = arith.muli %sub3A_317, %mul3A_318 : i32
      %add3A_320 = arith.addi %mul3A_2, %mul3A_319 : i32
      %dma_wait3A_321 = arith.constant 0 : i32
      %dma_wait3A_322 = tpu.memref_slice %arg4[%add3A_320, %dma_wait3A_321] : memref<819200x128xf32, #tpu.memory_space<hbm>> -> memref<128x128xf32, #tpu.memory_space<hbm>>
      %dma_wait3A_323 = arith.constant 0 : i32
      %dma_wait3A_324 = tpu.memref_slice %arg4[%add3A_320, %dma_wait3A_323] : memref<819200x128xf32, #tpu.memory_space<hbm>> -> memref<128x128xf32, #tpu.memory_space<hbm>>
      tpu.wait_dma2 semaphore(%arg18 : memref<!tpu.dma_semaphore, #tpu.memory_space<semaphore_mem>>) src(%arg6 : memref<128x128xf32, #tpu.memory_space<vmem>>) dst(%dma_wait3A_324 : memref<128x128xf32, #tpu.memory_space<hbm>>)
      %add3A_325 = arith.constant 3 : i32
      %add3A_326 = arith.addi %mul3A_314, %add3A_325 : i32
      %add3A_327 = arith.constant 3 : i32
      %add3A_328 = arith.addi %add3A_326, %add3A_327 : i32
      %mul3A_329 = arith.constant 1 : i32
      %mul3A_330 = arith.muli %add3A_328, %mul3A_329 : i32
      %add3A_331 = arith.constant 0 : i32
      %add3A_332 = arith.addi %mul3A_330, %add3A_331 : i32
      %dma_start3A_333 = arith.constant 0 : i32
      %dma_start3A_334 = arith.constant 0 : i32
      %dma_start3A_335 = tpu.memref_slice %arg6[%dma_start3A_333, %dma_start3A_334] : memref<128x128xf32, #tpu.memory_space<vmem>> -> memref<128x128xf32, #tpu.memory_space<vmem>>
      %dma_start3A_336 = arith.constant 0 : i32
      %dma_start3A_337 = tpu.memref_slice %arg5[%add3A_332, %dma_start3A_336] : memref<200x128xi32, #tpu.memory_space<vmem>> -> memref<1x128xi32, #tpu.memory_space<vmem>>
      %dma_start3A_338 = tpu.memref_squeeze %dma_start3A_337 : memref<1x128xi32, #tpu.memory_space<vmem>> -> memref<128xi32, #tpu.memory_space<vmem>>
      %dma_start3A_339 = arith.constant 0 : i32
      %dma_start3A_340 = arith.constant 0 : i32
      %dma_start3A_341 = tpu.memref_slice %arg3[%dma_start3A_339, %dma_start3A_340] : memref<100000x128xf32, #tpu.memory_space<hbm>> -> memref<100000x128xf32, #tpu.memory_space<hbm>>
      tpu.enqueue_indirect_dma source(%dma_start3A_341 : memref<100000x128xf32, #tpu.memory_space<hbm>>) target(%dma_start3A_335 : memref<128x128xf32, #tpu.memory_space<vmem>>) offsets(%dma_start3A_338 : memref<128xi32, #tpu.memory_space<vmem>>) semaphore(%arg12 : memref<!tpu.dma_semaphore, #tpu.memory_space<semaphore_mem>>)
      %add3A_342 = arith.constant 3 : i32
      %add3A_343 = arith.addi %mul3A_314, %add3A_342 : i32
      %mul3A_344 = arith.constant 1 : i32
      %mul3A_345 = arith.muli %add3A_343, %mul3A_344 : i32
      %add3A_346 = arith.constant 0 : i32
      %add3A_347 = arith.addi %mul3A_345, %add3A_346 : i32
      %dma_wait3A_348 = arith.constant 0 : i32
      %dma_wait3A_349 = arith.constant 0 : i32
      %dma_wait3A_350 = tpu.memref_slice %arg9[%dma_wait3A_348, %dma_wait3A_349] : memref<128x128xf32, #tpu.memory_space<vmem>> -> memref<128x128xf32, #tpu.memory_space<vmem>>
      %dma_wait3A_351 = arith.constant 0 : i32
      %dma_wait3A_352 = tpu.memref_slice %arg5[%add3A_347, %dma_wait3A_351] : memref<200x128xi32, #tpu.memory_space<vmem>> -> memref<1x128xi32, #tpu.memory_space<vmem>>
      %dma_wait3A_353 = tpu.memref_squeeze %dma_wait3A_352 : memref<1x128xi32, #tpu.memory_space<vmem>> -> memref<128xi32, #tpu.memory_space<vmem>>
      %dma_wait3A_354 = arith.constant 0 : i32
      %dma_wait3A_355 = arith.constant 0 : i32
      %dma_wait3A_356 = tpu.memref_slice %arg3[%dma_wait3A_354, %dma_wait3A_355] : memref<100000x128xf32, #tpu.memory_space<hbm>> -> memref<100000x128xf32, #tpu.memory_space<hbm>>
      tpu.wait_indirect_dma semaphore(%arg15 : memref<!tpu.dma_semaphore, #tpu.memory_space<semaphore_mem>>) src(%dma_wait3A_356 : memref<100000x128xf32, #tpu.memory_space<hbm>>) dst(%dma_wait3A_350 : memref<128x128xf32, #tpu.memory_space<vmem>>)
      %scan3A_357 = arith.constant 0 : i32
      %scan3A_358 = arith.constant 0 : i32
      %scan3A_359 = arith.constant 64 : i32
      %scan3A_360 = arith.addi %scan3A_358, %scan3A_359 : i32
      %scan3A_361 = arith.constant 1 : i32
      scf.for %scan3A_650 = %scan3A_358 to %scan3A_360 step %scan3A_361  : i32 {
        %mul3A_651 = arith.constant 2 : i32
        %mul3A_652 = arith.muli %mul3A_651, %scan3A_650 : i32
        %add3A_653 = arith.constant 0 : i32
        %add3A_654 = arith.addi %mul3A_652, %add3A_653 : i32
        %get3A = arith.index_cast %add3A_654 : i32 to index
        %get3A_655 = arith.constant 0 : index
        %get3A_656 = tpu.vector_load %arg9[%get3A, %get3A_655] {strides = array<i32>} : memref<128x128xf32, #tpu.memory_space<vmem>>, vector<1x16xf32>,
        %get3A_657 = vector.shape_cast %get3A_656 : vector<1x16xf32> to vector<16xf32>
        %mul3A_658 = arith.constant 11.3137083 : f32
        %mul3A_659 = vector.broadcast %mul3A_658 : f32 to vector<16xf32>
        %mul3A_660 = arith.mulf %get3A_657, %mul3A_659 : vector<16xf32>
        %swap3A = arith.index_cast %add3A_654 : i32 to index
        %swap3A_661 = arith.constant 0 : index
        %swap3A_662 = tpu.vector_load %arg9[%swap3A, %swap3A_661] {strides = array<i32>} : memref<128x128xf32, #tpu.memory_space<vmem>>, vector<1x16xf32>,
        %swap3A_663 = vector.shape_cast %swap3A_662 : vector<1x16xf32> to vector<16xf32>
        %swap3A_664 = vector.shape_cast %mul3A_660 : vector<16xf32> to vector<1x16xf32>
        tpu.vector_store %arg9[%swap3A, %swap3A_661], %swap3A_664 {strides = array<i32>} : memref<128x128xf32, #tpu.memory_space<vmem>>, vector<1x16xf32>,
        %mul3A_665 = arith.constant 2 : i32
        %mul3A_666 = arith.muli %mul3A_665, %scan3A_650 : i32
        %add3A_667 = arith.constant 0 : i32
        %add3A_668 = arith.addi %mul3A_666, %add3A_667 : i32
        %get3A_669 = arith.index_cast %add3A_668 : i32 to index
        %get3A_670 = arith.constant 16 : index
        %get3A_671 = tpu.vector_load %arg9[%get3A_669, %get3A_670] {strides = array<i32>} : memref<128x128xf32, #tpu.memory_space<vmem>>, vector<1x16xf32>,
        %get3A_672 = vector.shape_cast %get3A_671 : vector<1x16xf32> to vector<16xf32>
        %mul3A_673 = arith.constant 11.3137083 : f32
        %mul3A_674 = vector.broadcast %mul3A_673 : f32 to vector<16xf32>
        %mul3A_675 = arith.mulf %get3A_672, %mul3A_674 : vector<16xf32>
        %swap3A_676 = arith.index_cast %add3A_668 : i32 to index
        %swap3A_677 = arith.constant 16 : index
        %swap3A_678 = tpu.vector_load %arg9[%swap3A_676, %swap3A_677] {strides = array<i32>} : memref<128x128xf32, #tpu.memory_space<vmem>>, vector<1x16xf32>,
        %swap3A_679 = vector.shape_cast %swap3A_678 : vector<1x16xf32> to vector<16xf32>
        %swap3A_680 = vector.shape_cast %mul3A_675 : vector<16xf32> to vector<1x16xf32>
        tpu.vector_store %arg9[%swap3A_676, %swap3A_677], %swap3A_680 {strides = array<i32>} : memref<128x128xf32, #tpu.memory_space<vmem>>, vector<1x16xf32>,
        %mul3A_681 = arith.constant 2 : i32
        %mul3A_682 = arith.muli %mul3A_681, %scan3A_650 : i32
        %add3A_683 = arith.constant 0 : i32
        %add3A_684 = arith.addi %mul3A_682, %add3A_683 : i32
        %get3A_685 = arith.index_cast %add3A_684 : i32 to index
        %get3A_686 = arith.constant 32 : index
        %get3A_687 = tpu.vector_load %arg9[%get3A_685, %get3A_686] {strides = array<i32>} : memref<128x128xf32, #tpu.memory_space<vmem>>, vector<1x16xf32>,
        %get3A_688 = vector.shape_cast %get3A_687 : vector<1x16xf32> to vector<16xf32>
        %mul3A_689 = arith.constant 11.3137083 : f32
        %mul3A_690 = vector.broadcast %mul3A_689 : f32 to vector<16xf32>
        %mul3A_691 = arith.mulf %get3A_688, %mul3A_690 : vector<16xf32>
        %swap3A_692 = arith.index_cast %add3A_684 : i32 to index
        %swap3A_693 = arith.constant 32 : index
        %swap3A_694 = tpu.vector_load %arg9[%swap3A_692, %swap3A_693] {strides = array<i32>} : memref<128x128xf32, #tpu.memory_space<vmem>>, vector<1x16xf32>,
        %swap3A_695 = vector.shape_cast %swap3A_694 : vector<1x16xf32> to vector<16xf32>
        %swap3A_696 = vector.shape_cast %mul3A_691 : vector<16xf32> to vector<1x16xf32>
        tpu.vector_store %arg9[%swap3A_692, %swap3A_693], %swap3A_696 {strides = array<i32>} : memref<128x128xf32, #tpu.memory_space<vmem>>, vector<1x16xf32>,
        %mul3A_697 = arith.constant 2 : i32
        %mul3A_698 = arith.muli %mul3A_697, %scan3A_650 : i32
        %add3A_699 = arith.constant 0 : i32
        %add3A_700 = arith.addi %mul3A_698, %add3A_699 : i32
        %get3A_701 = arith.index_cast %add3A_700 : i32 to index
        %get3A_702 = arith.constant 48 : index
        %get3A_703 = tpu.vector_load %arg9[%get3A_701, %get3A_702] {strides = array<i32>} : memref<128x128xf32, #tpu.memory_space<vmem>>, vector<1x16xf32>,
        %get3A_704 = vector.shape_cast %get3A_703 : vector<1x16xf32> to vector<16xf32>
        %mul3A_705 = arith.constant 11.3137083 : f32
        %mul3A_706 = vector.broadcast %mul3A_705 : f32 to vector<16xf32>
        %mul3A_707 = arith.mulf %get3A_704, %mul3A_706 : vector<16xf32>
        %swap3A_708 = arith.index_cast %add3A_700 : i32 to index
        %swap3A_709 = arith.constant 48 : index
        %swap3A_710 = tpu.vector_load %arg9[%swap3A_708, %swap3A_709] {strides = array<i32>} : memref<128x128xf32, #tpu.memory_space<vmem>>, vector<1x16xf32>,
        %swap3A_711 = vector.shape_cast %swap3A_710 : vector<1x16xf32> to vector<16xf32>
        %swap3A_712 = vector.shape_cast %mul3A_707 : vector<16xf32> to vector<1x16xf32>
        tpu.vector_store %arg9[%swap3A_708, %swap3A_709], %swap3A_712 {strides = array<i32>} : memref<128x128xf32, #tpu.memory_space<vmem>>, vector<1x16xf32>,
        %mul3A_713 = arith.constant 2 : i32
        %mul3A_714 = arith.muli %mul3A_713, %scan3A_650 : i32
        %add3A_715 = arith.constant 0 : i32
        %add3A_716 = arith.addi %mul3A_714, %add3A_715 : i32
        %get3A_717 = arith.index_cast %add3A_716 : i32 to index
        %get3A_718 = arith.constant 64 : index
        %get3A_719 = tpu.vector_load %arg9[%get3A_717, %get3A_718] {strides = array<i32>} : memref<128x128xf32, #tpu.memory_space<vmem>>, vector<1x16xf32>,
        %get3A_720 = vector.shape_cast %get3A_719 : vector<1x16xf32> to vector<16xf32>
        %mul3A_721 = arith.constant 11.3137083 : f32
        %mul3A_722 = vector.broadcast %mul3A_721 : f32 to vector<16xf32>
        %mul3A_723 = arith.mulf %get3A_720, %mul3A_722 : vector<16xf32>
        %swap3A_724 = arith.index_cast %add3A_716 : i32 to index
        %swap3A_725 = arith.constant 64 : index
        %swap3A_726 = tpu.vector_load %arg9[%swap3A_724, %swap3A_725] {strides = array<i32>} : memref<128x128xf32, #tpu.memory_space<vmem>>, vector<1x16xf32>,
        %swap3A_727 = vector.shape_cast %swap3A_726 : vector<1x16xf32> to vector<16xf32>
        %swap3A_728 = vector.shape_cast %mul3A_723 : vector<16xf32> to vector<1x16xf32>
        tpu.vector_store %arg9[%swap3A_724, %swap3A_725], %swap3A_728 {strides = array<i32>} : memref<128x128xf32, #tpu.memory_space<vmem>>, vector<1x16xf32>,
        %mul3A_729 = arith.constant 2 : i32
        %mul3A_730 = arith.muli %mul3A_729, %scan3A_650 : i32
        %add3A_731 = arith.constant 0 : i32
        %add3A_732 = arith.addi %mul3A_730, %add3A_731 : i32
        %get3A_733 = arith.index_cast %add3A_732 : i32 to index
        %get3A_734 = arith.constant 80 : index
        %get3A_735 = tpu.vector_load %arg9[%get3A_733, %get3A_734] {strides = array<i32>} : memref<128x128xf32, #tpu.memory_space<vmem>>, vector<1x16xf32>,
        %get3A_736 = vector.shape_cast %get3A_735 : vector<1x16xf32> to vector<16xf32>
        %mul3A_737 = arith.constant 11.3137083 : f32
        %mul3A_738 = vector.broadcast %mul3A_737 : f32 to vector<16xf32>
        %mul3A_739 = arith.mulf %get3A_736, %mul3A_738 : vector<16xf32>
        %swap3A_740 = arith.index_cast %add3A_732 : i32 to index
        %swap3A_741 = arith.constant 80 : index
        %swap3A_742 = tpu.vector_load %arg9[%swap3A_740, %swap3A_741] {strides = array<i32>} : memref<128x128xf32, #tpu.memory_space<vmem>>, vector<1x16xf32>,
        %swap3A_743 = vector.shape_cast %swap3A_742 : vector<1x16xf32> to vector<16xf32>
        %swap3A_744 = vector.shape_cast %mul3A_739 : vector<16xf32> to vector<1x16xf32>
        tpu.vector_store %arg9[%swap3A_740, %swap3A_741], %swap3A_744 {strides = array<i32>} : memref<128x128xf32, #tpu.memory_space<vmem>>, vector<1x16xf32>,
        %mul3A_745 = arith.constant 2 : i32
        %mul3A_746 = arith.muli %mul3A_745, %scan3A_650 : i32
        %add3A_747 = arith.constant 0 : i32
        %add3A_748 = arith.addi %mul3A_746, %add3A_747 : i32
        %get3A_749 = arith.index_cast %add3A_748 : i32 to index
        %get3A_750 = arith.constant 96 : index
        %get3A_751 = tpu.vector_load %arg9[%get3A_749, %get3A_750] {strides = array<i32>} : memref<128x128xf32, #tpu.memory_space<vmem>>, vector<1x16xf32>,
        %get3A_752 = vector.shape_cast %get3A_751 : vector<1x16xf32> to vector<16xf32>
        %mul3A_753 = arith.constant 11.3137083 : f32
        %mul3A_754 = vector.broadcast %mul3A_753 : f32 to vector<16xf32>
        %mul3A_755 = arith.mulf %get3A_752, %mul3A_754 : vector<16xf32>
        %swap3A_756 = arith.index_cast %add3A_748 : i32 to index
        %swap3A_757 = arith.constant 96 : index
        %swap3A_758 = tpu.vector_load %arg9[%swap3A_756, %swap3A_757] {strides = array<i32>} : memref<128x128xf32, #tpu.memory_space<vmem>>, vector<1x16xf32>,
        %swap3A_759 = vector.shape_cast %swap3A_758 : vector<1x16xf32> to vector<16xf32>
        %swap3A_760 = vector.shape_cast %mul3A_755 : vector<16xf32> to vector<1x16xf32>
        tpu.vector_store %arg9[%swap3A_756, %swap3A_757], %swap3A_760 {strides = array<i32>} : memref<128x128xf32, #tpu.memory_space<vmem>>, vector<1x16xf32>,
        %mul3A_761 = arith.constant 2 : i32
        %mul3A_762 = arith.muli %mul3A_761, %scan3A_650 : i32
        %add3A_763 = arith.constant 0 : i32
        %add3A_764 = arith.addi %mul3A_762, %add3A_763 : i32
        %get3A_765 = arith.index_cast %add3A_764 : i32 to index
        %get3A_766 = arith.constant 112 : index
        %get3A_767 = tpu.vector_load %arg9[%get3A_765, %get3A_766] {strides = array<i32>} : memref<128x128xf32, #tpu.memory_space<vmem>>, vector<1x16xf32>,
        %get3A_768 = vector.shape_cast %get3A_767 : vector<1x16xf32> to vector<16xf32>
        %mul3A_769 = arith.constant 11.3137083 : f32
        %mul3A_770 = vector.broadcast %mul3A_769 : f32 to vector<16xf32>
        %mul3A_771 = arith.mulf %get3A_768, %mul3A_770 : vector<16xf32>
        %swap3A_772 = arith.index_cast %add3A_764 : i32 to index
        %swap3A_773 = arith.constant 112 : index
        %swap3A_774 = tpu.vector_load %arg9[%swap3A_772, %swap3A_773] {strides = array<i32>} : memref<128x128xf32, #tpu.memory_space<vmem>>, vector<1x16xf32>,
        %swap3A_775 = vector.shape_cast %swap3A_774 : vector<1x16xf32> to vector<16xf32>
        %swap3A_776 = vector.shape_cast %mul3A_771 : vector<16xf32> to vector<1x16xf32>
        tpu.vector_store %arg9[%swap3A_772, %swap3A_773], %swap3A_776 {strides = array<i32>} : memref<128x128xf32, #tpu.memory_space<vmem>>, vector<1x16xf32>,
        %mul3A_777 = arith.constant 2 : i32
        %mul3A_778 = arith.muli %mul3A_777, %scan3A_650 : i32
        %add3A_779 = arith.constant 1 : i32
        %add3A_780 = arith.addi %mul3A_778, %add3A_779 : i32
        %get3A_781 = arith.index_cast %add3A_780 : i32 to index
        %get3A_782 = arith.constant 0 : index
        %get3A_783 = tpu.vector_load %arg9[%get3A_781, %get3A_782] {strides = array<i32>} : memref<128x128xf32, #tpu.memory_space<vmem>>, vector<1x16xf32>,
        %get3A_784 = vector.shape_cast %get3A_783 : vector<1x16xf32> to vector<16xf32>
        %mul3A_785 = arith.constant 11.3137083 : f32
        %mul3A_786 = vector.broadcast %mul3A_785 : f32 to vector<16xf32>
        %mul3A_787 = arith.mulf %get3A_784, %mul3A_786 : vector<16xf32>
        %swap3A_788 = arith.index_cast %add3A_780 : i32 to index
        %swap3A_789 = arith.constant 0 : index
        %swap3A_790 = tpu.vector_load %arg9[%swap3A_788, %swap3A_789] {strides = array<i32>} : memref<128x128xf32, #tpu.memory_space<vmem>>, vector<1x16xf32>,
        %swap3A_791 = vector.shape_cast %swap3A_790 : vector<1x16xf32> to vector<16xf32>
        %swap3A_792 = vector.shape_cast %mul3A_787 : vector<16xf32> to vector<1x16xf32>
        tpu.vector_store %arg9[%swap3A_788, %swap3A_789], %swap3A_792 {strides = array<i32>} : memref<128x128xf32, #tpu.memory_space<vmem>>, vector<1x16xf32>,
        %mul3A_793 = arith.constant 2 : i32
        %mul3A_794 = arith.muli %mul3A_793, %scan3A_650 : i32
        %add3A_795 = arith.constant 1 : i32
        %add3A_796 = arith.addi %mul3A_794, %add3A_795 : i32
        %get3A_797 = arith.index_cast %add3A_796 : i32 to index
        %get3A_798 = arith.constant 16 : index
        %get3A_799 = tpu.vector_load %arg9[%get3A_797, %get3A_798] {strides = array<i32>} : memref<128x128xf32, #tpu.memory_space<vmem>>, vector<1x16xf32>,
        %get3A_800 = vector.shape_cast %get3A_799 : vector<1x16xf32> to vector<16xf32>
        %mul3A_801 = arith.constant 11.3137083 : f32
        %mul3A_802 = vector.broadcast %mul3A_801 : f32 to vector<16xf32>
        %mul3A_803 = arith.mulf %get3A_800, %mul3A_802 : vector<16xf32>
        %swap3A_804 = arith.index_cast %add3A_796 : i32 to index
        %swap3A_805 = arith.constant 16 : index
        %swap3A_806 = tpu.vector_load %arg9[%swap3A_804, %swap3A_805] {strides = array<i32>} : memref<128x128xf32, #tpu.memory_space<vmem>>, vector<1x16xf32>,
        %swap3A_807 = vector.shape_cast %swap3A_806 : vector<1x16xf32> to vector<16xf32>
        %swap3A_808 = vector.shape_cast %mul3A_803 : vector<16xf32> to vector<1x16xf32>
        tpu.vector_store %arg9[%swap3A_804, %swap3A_805], %swap3A_808 {strides = array<i32>} : memref<128x128xf32, #tpu.memory_space<vmem>>, vector<1x16xf32>,
        %mul3A_809 = arith.constant 2 : i32
        %mul3A_810 = arith.muli %mul3A_809, %scan3A_650 : i32
        %add3A_811 = arith.constant 1 : i32
        %add3A_812 = arith.addi %mul3A_810, %add3A_811 : i32
        %get3A_813 = arith.index_cast %add3A_812 : i32 to index
        %get3A_814 = arith.constant 32 : index
        %get3A_815 = tpu.vector_load %arg9[%get3A_813, %get3A_814] {strides = array<i32>} : memref<128x128xf32, #tpu.memory_space<vmem>>, vector<1x16xf32>,
        %get3A_816 = vector.shape_cast %get3A_815 : vector<1x16xf32> to vector<16xf32>
        %mul3A_817 = arith.constant 11.3137083 : f32
        %mul3A_818 = vector.broadcast %mul3A_817 : f32 to vector<16xf32>
        %mul3A_819 = arith.mulf %get3A_816, %mul3A_818 : vector<16xf32>
        %swap3A_820 = arith.index_cast %add3A_812 : i32 to index
        %swap3A_821 = arith.constant 32 : index
        %swap3A_822 = tpu.vector_load %arg9[%swap3A_820, %swap3A_821] {strides = array<i32>} : memref<128x128xf32, #tpu.memory_space<vmem>>, vector<1x16xf32>,
        %swap3A_823 = vector.shape_cast %swap3A_822 : vector<1x16xf32> to vector<16xf32>
        %swap3A_824 = vector.shape_cast %mul3A_819 : vector<16xf32> to vector<1x16xf32>
        tpu.vector_store %arg9[%swap3A_820, %swap3A_821], %swap3A_824 {strides = array<i32>} : memref<128x128xf32, #tpu.memory_space<vmem>>, vector<1x16xf32>,
        %mul3A_825 = arith.constant 2 : i32
        %mul3A_826 = arith.muli %mul3A_825, %scan3A_650 : i32
        %add3A_827 = arith.constant 1 : i32
        %add3A_828 = arith.addi %mul3A_826, %add3A_827 : i32
        %get3A_829 = arith.index_cast %add3A_828 : i32 to index
        %get3A_830 = arith.constant 48 : index
        %get3A_831 = tpu.vector_load %arg9[%get3A_829, %get3A_830] {strides = array<i32>} : memref<128x128xf32, #tpu.memory_space<vmem>>, vector<1x16xf32>,
        %get3A_832 = vector.shape_cast %get3A_831 : vector<1x16xf32> to vector<16xf32>
        %mul3A_833 = arith.constant 11.3137083 : f32
        %mul3A_834 = vector.broadcast %mul3A_833 : f32 to vector<16xf32>
        %mul3A_835 = arith.mulf %get3A_832, %mul3A_834 : vector<16xf32>
        %swap3A_836 = arith.index_cast %add3A_828 : i32 to index
        %swap3A_837 = arith.constant 48 : index
        %swap3A_838 = tpu.vector_load %arg9[%swap3A_836, %swap3A_837] {strides = array<i32>} : memref<128x128xf32, #tpu.memory_space<vmem>>, vector<1x16xf32>,
        %swap3A_839 = vector.shape_cast %swap3A_838 : vector<1x16xf32> to vector<16xf32>
        %swap3A_840 = vector.shape_cast %mul3A_835 : vector<16xf32> to vector<1x16xf32>
        tpu.vector_store %arg9[%swap3A_836, %swap3A_837], %swap3A_840 {strides = array<i32>} : memref<128x128xf32, #tpu.memory_space<vmem>>, vector<1x16xf32>,
        %mul3A_841 = arith.constant 2 : i32
        %mul3A_842 = arith.muli %mul3A_841, %scan3A_650 : i32
        %add3A_843 = arith.constant 1 : i32
        %add3A_844 = arith.addi %mul3A_842, %add3A_843 : i32
        %get3A_845 = arith.index_cast %add3A_844 : i32 to index
        %get3A_846 = arith.constant 64 : index
        %get3A_847 = tpu.vector_load %arg9[%get3A_845, %get3A_846] {strides = array<i32>} : memref<128x128xf32, #tpu.memory_space<vmem>>, vector<1x16xf32>,
        %get3A_848 = vector.shape_cast %get3A_847 : vector<1x16xf32> to vector<16xf32>
        %mul3A_849 = arith.constant 11.3137083 : f32
        %mul3A_850 = vector.broadcast %mul3A_849 : f32 to vector<16xf32>
        %mul3A_851 = arith.mulf %get3A_848, %mul3A_850 : vector<16xf32>
        %swap3A_852 = arith.index_cast %add3A_844 : i32 to index
        %swap3A_853 = arith.constant 64 : index
        %swap3A_854 = tpu.vector_load %arg9[%swap3A_852, %swap3A_853] {strides = array<i32>} : memref<128x128xf32, #tpu.memory_space<vmem>>, vector<1x16xf32>,
        %swap3A_855 = vector.shape_cast %swap3A_854 : vector<1x16xf32> to vector<16xf32>
        %swap3A_856 = vector.shape_cast %mul3A_851 : vector<16xf32> to vector<1x16xf32>
        tpu.vector_store %arg9[%swap3A_852, %swap3A_853], %swap3A_856 {strides = array<i32>} : memref<128x128xf32, #tpu.memory_space<vmem>>, vector<1x16xf32>,
        %mul3A_857 = arith.constant 2 : i32
        %mul3A_858 = arith.muli %mul3A_857, %scan3A_650 : i32
        %add3A_859 = arith.constant 1 : i32
        %add3A_860 = arith.addi %mul3A_858, %add3A_859 : i32
        %get3A_861 = arith.index_cast %add3A_860 : i32 to index
        %get3A_862 = arith.constant 80 : index
        %get3A_863 = tpu.vector_load %arg9[%get3A_861, %get3A_862] {strides = array<i32>} : memref<128x128xf32, #tpu.memory_space<vmem>>, vector<1x16xf32>,
        %get3A_864 = vector.shape_cast %get3A_863 : vector<1x16xf32> to vector<16xf32>
        %mul3A_865 = arith.constant 11.3137083 : f32
        %mul3A_866 = vector.broadcast %mul3A_865 : f32 to vector<16xf32>
        %mul3A_867 = arith.mulf %get3A_864, %mul3A_866 : vector<16xf32>
        %swap3A_868 = arith.index_cast %add3A_860 : i32 to index
        %swap3A_869 = arith.constant 80 : index
        %swap3A_870 = tpu.vector_load %arg9[%swap3A_868, %swap3A_869] {strides = array<i32>} : memref<128x128xf32, #tpu.memory_space<vmem>>, vector<1x16xf32>,
        %swap3A_871 = vector.shape_cast %swap3A_870 : vector<1x16xf32> to vector<16xf32>
        %swap3A_872 = vector.shape_cast %mul3A_867 : vector<16xf32> to vector<1x16xf32>
        tpu.vector_store %arg9[%swap3A_868, %swap3A_869], %swap3A_872 {strides = array<i32>} : memref<128x128xf32, #tpu.memory_space<vmem>>, vector<1x16xf32>,
        %mul3A_873 = arith.constant 2 : i32
        %mul3A_874 = arith.muli %mul3A_873, %scan3A_650 : i32
        %add3A_875 = arith.constant 1 : i32
        %add3A_876 = arith.addi %mul3A_874, %add3A_875 : i32
        %get3A_877 = arith.index_cast %add3A_876 : i32 to index
        %get3A_878 = arith.constant 96 : index
        %get3A_879 = tpu.vector_load %arg9[%get3A_877, %get3A_878] {strides = array<i32>} : memref<128x128xf32, #tpu.memory_space<vmem>>, vector<1x16xf32>,
        %get3A_880 = vector.shape_cast %get3A_879 : vector<1x16xf32> to vector<16xf32>
        %mul3A_881 = arith.constant 11.3137083 : f32
        %mul3A_882 = vector.broadcast %mul3A_881 : f32 to vector<16xf32>
        %mul3A_883 = arith.mulf %get3A_880, %mul3A_882 : vector<16xf32>
        %swap3A_884 = arith.index_cast %add3A_876 : i32 to index
        %swap3A_885 = arith.constant 96 : index
        %swap3A_886 = tpu.vector_load %arg9[%swap3A_884, %swap3A_885] {strides = array<i32>} : memref<128x128xf32, #tpu.memory_space<vmem>>, vector<1x16xf32>,
        %swap3A_887 = vector.shape_cast %swap3A_886 : vector<1x16xf32> to vector<16xf32>
        %swap3A_888 = vector.shape_cast %mul3A_883 : vector<16xf32> to vector<1x16xf32>
        tpu.vector_store %arg9[%swap3A_884, %swap3A_885], %swap3A_888 {strides = array<i32>} : memref<128x128xf32, #tpu.memory_space<vmem>>, vector<1x16xf32>,
        %mul3A_889 = arith.constant 2 : i32
        %mul3A_890 = arith.muli %mul3A_889, %scan3A_650 : i32
        %add3A_891 = arith.constant 1 : i32
        %add3A_892 = arith.addi %mul3A_890, %add3A_891 : i32
        %get3A_893 = arith.index_cast %add3A_892 : i32 to index
        %get3A_894 = arith.constant 112 : index
        %get3A_895 = tpu.vector_load %arg9[%get3A_893, %get3A_894] {strides = array<i32>} : memref<128x128xf32, #tpu.memory_space<vmem>>, vector<1x16xf32>,
        %get3A_896 = vector.shape_cast %get3A_895 : vector<1x16xf32> to vector<16xf32>
        %mul3A_897 = arith.constant 11.3137083 : f32
        %mul3A_898 = vector.broadcast %mul3A_897 : f32 to vector<16xf32>
        %mul3A_899 = arith.mulf %get3A_896, %mul3A_898 : vector<16xf32>
        %swap3A_900 = arith.index_cast %add3A_892 : i32 to index
        %swap3A_901 = arith.constant 112 : index
        %swap3A_902 = tpu.vector_load %arg9[%swap3A_900, %swap3A_901] {strides = array<i32>} : memref<128x128xf32, #tpu.memory_space<vmem>>, vector<1x16xf32>,
        %swap3A_903 = vector.shape_cast %swap3A_902 : vector<1x16xf32> to vector<16xf32>
        %swap3A_904 = vector.shape_cast %mul3A_899 : vector<16xf32> to vector<1x16xf32>
        tpu.vector_store %arg9[%swap3A_900, %swap3A_901], %swap3A_904 {strides = array<i32>} : memref<128x128xf32, #tpu.memory_space<vmem>>, vector<1x16xf32>,
      }
      %scan3A_362 = arith.constant 64 : i32
      %mul3A_363 = arith.constant 128 : i32
      %mul3A_364 = arith.muli %add3A_343, %mul3A_363 : i32
      %add3A_365 = arith.addi %mul3A_2, %mul3A_364 : i32
      %dma_start3A_366 = arith.constant 0 : i32
      %dma_start3A_367 = tpu.memref_slice %arg4[%add3A_365, %dma_start3A_366] : memref<819200x128xf32, #tpu.memory_space<hbm>> -> memref<128x128xf32, #tpu.memory_space<hbm>>
      %dma_start3A_368 = arith.constant 0 : i32
      %dma_start3A_369 = tpu.memref_slice %arg4[%add3A_365, %dma_start3A_368] : memref<819200x128xf32, #tpu.memory_space<hbm>> -> memref<128x128xf32, #tpu.memory_space<hbm>>
      tpu.enqueue_dma source(%arg9 : memref<128x128xf32, #tpu.memory_space<vmem>>) target(%dma_start3A_369 : memref<128x128xf32, #tpu.memory_space<hbm>>) target_semaphore(%arg21 : memref<!tpu.dma_semaphore, #tpu.memory_space<semaphore_mem>>)
      %add3A_370 = arith.constant 4 : i32
      %add3A_371 = arith.addi %mul3A_314, %add3A_370 : i32
      %sub3A_372 = arith.constant 3 : i32
      %sub3A_373 = arith.subi %add3A_371, %sub3A_372 : i32
      %mul3A_374 = arith.constant 128 : i32
      %mul3A_375 = arith.muli %sub3A_373, %mul3A_374 : i32
      %add3A_376 = arith.addi %mul3A_2, %mul3A_375 : i32
      %dma_wait3A_377 = arith.constant 0 : i32
      %dma_wait3A_378 = tpu.memref_slice %arg4[%add3A_376, %dma_wait3A_377] : memref<819200x128xf32, #tpu.memory_space<hbm>> -> memref<128x128xf32, #tpu.memory_space<hbm>>
      %dma_wait3A_379 = arith.constant 0 : i32
      %dma_wait3A_380 = tpu.memref_slice %arg4[%add3A_376, %dma_wait3A_379] : memref<819200x128xf32, #tpu.memory_space<hbm>> -> memref<128x128xf32, #tpu.memory_space<hbm>>
      tpu.wait_dma2 semaphore(%arg19 : memref<!tpu.dma_semaphore, #tpu.memory_space<semaphore_mem>>) src(%arg7 : memref<128x128xf32, #tpu.memory_space<vmem>>) dst(%dma_wait3A_380 : memref<128x128xf32, #tpu.memory_space<hbm>>)
      %add3A_381 = arith.constant 4 : i32
      %add3A_382 = arith.addi %mul3A_314, %add3A_381 : i32
      %add3A_383 = arith.constant 3 : i32
      %add3A_384 = arith.addi %add3A_382, %add3A_383 : i32
      %mul3A_385 = arith.constant 1 : i32
      %mul3A_386 = arith.muli %add3A_384, %mul3A_385 : i32
      %add3A_387 = arith.constant 0 : i32
      %add3A_388 = arith.addi %mul3A_386, %add3A_387 : i32
      %dma_start3A_389 = arith.constant 0 : i32
      %dma_start3A_390 = arith.constant 0 : i32
      %dma_start3A_391 = tpu.memref_slice %arg7[%dma_start3A_389, %dma_start3A_390] : memref<128x128xf32, #tpu.memory_space<vmem>> -> memref<128x128xf32, #tpu.memory_space<vmem>>
      %dma_start3A_392 = arith.constant 0 : i32
      %dma_start3A_393 = tpu.memref_slice %arg5[%add3A_388, %dma_start3A_392] : memref<200x128xi32, #tpu.memory_space<vmem>> -> memref<1x128xi32, #tpu.memory_space<vmem>>
      %dma_start3A_394 = tpu.memref_squeeze %dma_start3A_393 : memref<1x128xi32, #tpu.memory_space<vmem>> -> memref<128xi32, #tpu.memory_space<vmem>>
      %dma_start3A_395 = arith.constant 0 : i32
      %dma_start3A_396 = arith.constant 0 : i32
      %dma_start3A_397 = tpu.memref_slice %arg3[%dma_start3A_395, %dma_start3A_396] : memref<100000x128xf32, #tpu.memory_space<hbm>> -> memref<100000x128xf32, #tpu.memory_space<hbm>>
      tpu.enqueue_indirect_dma source(%dma_start3A_397 : memref<100000x128xf32, #tpu.memory_space<hbm>>) target(%dma_start3A_391 : memref<128x128xf32, #tpu.memory_space<vmem>>) offsets(%dma_start3A_394 : memref<128xi32, #tpu.memory_space<vmem>>) semaphore(%arg13 : memref<!tpu.dma_semaphore, #tpu.memory_space<semaphore_mem>>)
      %add3A_398 = arith.constant 4 : i32
      %add3A_399 = arith.addi %mul3A_314, %add3A_398 : i32
      %mul3A_400 = arith.constant 1 : i32
      %mul3A_401 = arith.muli %add3A_399, %mul3A_400 : i32
      %add3A_402 = arith.constant 0 : i32
      %add3A_403 = arith.addi %mul3A_401, %add3A_402 : i32
      %dma_wait3A_404 = arith.constant 0 : i32
      %dma_wait3A_405 = arith.constant 0 : i32
      %dma_wait3A_406 = tpu.memref_slice %arg10[%dma_wait3A_404, %dma_wait3A_405] : memref<128x128xf32, #tpu.memory_space<vmem>> -> memref<128x128xf32, #tpu.memory_space<vmem>>
      %dma_wait3A_407 = arith.constant 0 : i32
      %dma_wait3A_408 = tpu.memref_slice %arg5[%add3A_403, %dma_wait3A_407] : memref<200x128xi32, #tpu.memory_space<vmem>> -> memref<1x128xi32, #tpu.memory_space<vmem>>
      %dma_wait3A_409 = tpu.memref_squeeze %dma_wait3A_408 : memref<1x128xi32, #tpu.memory_space<vmem>> -> memref<128xi32, #tpu.memory_space<vmem>>
      %dma_wait3A_410 = arith.constant 0 : i32
      %dma_wait3A_411 = arith.constant 0 : i32
      %dma_wait3A_412 = tpu.memref_slice %arg3[%dma_wait3A_410, %dma_wait3A_411] : memref<100000x128xf32, #tpu.memory_space<hbm>> -> memref<100000x128xf32, #tpu.memory_space<hbm>>
      tpu.wait_indirect_dma semaphore(%arg16 : memref<!tpu.dma_semaphore, #tpu.memory_space<semaphore_mem>>) src(%dma_wait3A_412 : memref<100000x128xf32, #tpu.memory_space<hbm>>) dst(%dma_wait3A_406 : memref<128x128xf32, #tpu.memory_space<vmem>>)
      %scan3A_413 = arith.constant 0 : i32
      %scan3A_414 = arith.constant 0 : i32
      %scan3A_415 = arith.constant 64 : i32
      %scan3A_416 = arith.addi %scan3A_414, %scan3A_415 : i32
      %scan3A_417 = arith.constant 1 : i32
      scf.for %scan3A_650 = %scan3A_414 to %scan3A_416 step %scan3A_417  : i32 {
        %mul3A_651 = arith.constant 2 : i32
        %mul3A_652 = arith.muli %mul3A_651, %scan3A_650 : i32
        %add3A_653 = arith.constant 0 : i32
        %add3A_654 = arith.addi %mul3A_652, %add3A_653 : i32
        %get3A = arith.index_cast %add3A_654 : i32 to index
        %get3A_655 = arith.constant 0 : index
        %get3A_656 = tpu.vector_load %arg10[%get3A, %get3A_655] {strides = array<i32>} : memref<128x128xf32, #tpu.memory_space<vmem>>, vector<1x16xf32>,
        %get3A_657 = vector.shape_cast %get3A_656 : vector<1x16xf32> to vector<16xf32>
        %mul3A_658 = arith.constant 11.3137083 : f32
        %mul3A_659 = vector.broadcast %mul3A_658 : f32 to vector<16xf32>
        %mul3A_660 = arith.mulf %get3A_657, %mul3A_659 : vector<16xf32>
        %swap3A = arith.index_cast %add3A_654 : i32 to index
        %swap3A_661 = arith.constant 0 : index
        %swap3A_662 = tpu.vector_load %arg10[%swap3A, %swap3A_661] {strides = array<i32>} : memref<128x128xf32, #tpu.memory_space<vmem>>, vector<1x16xf32>,
        %swap3A_663 = vector.shape_cast %swap3A_662 : vector<1x16xf32> to vector<16xf32>
        %swap3A_664 = vector.shape_cast %mul3A_660 : vector<16xf32> to vector<1x16xf32>
        tpu.vector_store %arg10[%swap3A, %swap3A_661], %swap3A_664 {strides = array<i32>} : memref<128x128xf32, #tpu.memory_space<vmem>>, vector<1x16xf32>,
        %mul3A_665 = arith.constant 2 : i32
        %mul3A_666 = arith.muli %mul3A_665, %scan3A_650 : i32
        %add3A_667 = arith.constant 0 : i32
        %add3A_668 = arith.addi %mul3A_666, %add3A_667 : i32
        %get3A_669 = arith.index_cast %add3A_668 : i32 to index
        %get3A_670 = arith.constant 16 : index
        %get3A_671 = tpu.vector_load %arg10[%get3A_669, %get3A_670] {strides = array<i32>} : memref<128x128xf32, #tpu.memory_space<vmem>>, vector<1x16xf32>,
        %get3A_672 = vector.shape_cast %get3A_671 : vector<1x16xf32> to vector<16xf32>
        %mul3A_673 = arith.constant 11.3137083 : f32
        %mul3A_674 = vector.broadcast %mul3A_673 : f32 to vector<16xf32>
        %mul3A_675 = arith.mulf %get3A_672, %mul3A_674 : vector<16xf32>
        %swap3A_676 = arith.index_cast %add3A_668 : i32 to index
        %swap3A_677 = arith.constant 16 : index
        %swap3A_678 = tpu.vector_load %arg10[%swap3A_676, %swap3A_677] {strides = array<i32>} : memref<128x128xf32, #tpu.memory_space<vmem>>, vector<1x16xf32>,
        %swap3A_679 = vector.shape_cast %swap3A_678 : vector<1x16xf32> to vector<16xf32>
        %swap3A_680 = vector.shape_cast %mul3A_675 : vector<16xf32> to vector<1x16xf32>
        tpu.vector_store %arg10[%swap3A_676, %swap3A_677], %swap3A_680 {strides = array<i32>} : memref<128x128xf32, #tpu.memory_space<vmem>>, vector<1x16xf32>,
        %mul3A_681 = arith.constant 2 : i32
        %mul3A_682 = arith.muli %mul3A_681, %scan3A_650 : i32
        %add3A_683 = arith.constant 0 : i32
        %add3A_684 = arith.addi %mul3A_682, %add3A_683 : i32
        %get3A_685 = arith.index_cast %add3A_684 : i32 to index
        %get3A_686 = arith.constant 32 : index
        %get3A_687 = tpu.vector_load %arg10[%get3A_685, %get3A_686] {strides = array<i32>} : memref<128x128xf32, #tpu.memory_space<vmem>>, vector<1x16xf32>,
        %get3A_688 = vector.shape_cast %get3A_687 : vector<1x16xf32> to vector<16xf32>
        %mul3A_689 = arith.constant 11.3137083 : f32
        %mul3A_690 = vector.broadcast %mul3A_689 : f32 to vector<16xf32>
        %mul3A_691 = arith.mulf %get3A_688, %mul3A_690 : vector<16xf32>
        %swap3A_692 = arith.index_cast %add3A_684 : i32 to index
        %swap3A_693 = arith.constant 32 : index
        %swap3A_694 = tpu.vector_load %arg10[%swap3A_692, %swap3A_693] {strides = array<i32>} : memref<128x128xf32, #tpu.memory_space<vmem>>, vector<1x16xf32>,
        %swap3A_695 = vector.shape_cast %swap3A_694 : vector<1x16xf32> to vector<16xf32>
        %swap3A_696 = vector.shape_cast %mul3A_691 : vector<16xf32> to vector<1x16xf32>
        tpu.vector_store %arg10[%swap3A_692, %swap3A_693], %swap3A_696 {strides = array<i32>} : memref<128x128xf32, #tpu.memory_space<vmem>>, vector<1x16xf32>,
        %mul3A_697 = arith.constant 2 : i32
        %mul3A_698 = arith.muli %mul3A_697, %scan3A_650 : i32
        %add3A_699 = arith.constant 0 : i32
        %add3A_700 = arith.addi %mul3A_698, %add3A_699 : i32
        %get3A_701 = arith.index_cast %add3A_700 : i32 to index
        %get3A_702 = arith.constant 48 : index
        %get3A_703 = tpu.vector_load %arg10[%get3A_701, %get3A_702] {strides = array<i32>} : memref<128x128xf32, #tpu.memory_space<vmem>>, vector<1x16xf32>,
        %get3A_704 = vector.shape_cast %get3A_703 : vector<1x16xf32> to vector<16xf32>
        %mul3A_705 = arith.constant 11.3137083 : f32
        %mul3A_706 = vector.broadcast %mul3A_705 : f32 to vector<16xf32>
        %mul3A_707 = arith.mulf %get3A_704, %mul3A_706 : vector<16xf32>
        %swap3A_708 = arith.index_cast %add3A_700 : i32 to index
        %swap3A_709 = arith.constant 48 : index
        %swap3A_710 = tpu.vector_load %arg10[%swap3A_708, %swap3A_709] {strides = array<i32>} : memref<128x128xf32, #tpu.memory_space<vmem>>, vector<1x16xf32>,
        %swap3A_711 = vector.shape_cast %swap3A_710 : vector<1x16xf32> to vector<16xf32>
        %swap3A_712 = vector.shape_cast %mul3A_707 : vector<16xf32> to vector<1x16xf32>
        tpu.vector_store %arg10[%swap3A_708, %swap3A_709], %swap3A_712 {strides = array<i32>} : memref<128x128xf32, #tpu.memory_space<vmem>>, vector<1x16xf32>,
        %mul3A_713 = arith.constant 2 : i32
        %mul3A_714 = arith.muli %mul3A_713, %scan3A_650 : i32
        %add3A_715 = arith.constant 0 : i32
        %add3A_716 = arith.addi %mul3A_714, %add3A_715 : i32
        %get3A_717 = arith.index_cast %add3A_716 : i32 to index
        %get3A_718 = arith.constant 64 : index
        %get3A_719 = tpu.vector_load %arg10[%get3A_717, %get3A_718] {strides = array<i32>} : memref<128x128xf32, #tpu.memory_space<vmem>>, vector<1x16xf32>,
        %get3A_720 = vector.shape_cast %get3A_719 : vector<1x16xf32> to vector<16xf32>
        %mul3A_721 = arith.constant 11.3137083 : f32
        %mul3A_722 = vector.broadcast %mul3A_721 : f32 to vector<16xf32>
        %mul3A_723 = arith.mulf %get3A_720, %mul3A_722 : vector<16xf32>
        %swap3A_724 = arith.index_cast %add3A_716 : i32 to index
        %swap3A_725 = arith.constant 64 : index
        %swap3A_726 = tpu.vector_load %arg10[%swap3A_724, %swap3A_725] {strides = array<i32>} : memref<128x128xf32, #tpu.memory_space<vmem>>, vector<1x16xf32>,
        %swap3A_727 = vector.shape_cast %swap3A_726 : vector<1x16xf32> to vector<16xf32>
        %swap3A_728 = vector.shape_cast %mul3A_723 : vector<16xf32> to vector<1x16xf32>
        tpu.vector_store %arg10[%swap3A_724, %swap3A_725], %swap3A_728 {strides = array<i32>} : memref<128x128xf32, #tpu.memory_space<vmem>>, vector<1x16xf32>,
        %mul3A_729 = arith.constant 2 : i32
        %mul3A_730 = arith.muli %mul3A_729, %scan3A_650 : i32
        %add3A_731 = arith.constant 0 : i32
        %add3A_732 = arith.addi %mul3A_730, %add3A_731 : i32
        %get3A_733 = arith.index_cast %add3A_732 : i32 to index
        %get3A_734 = arith.constant 80 : index
        %get3A_735 = tpu.vector_load %arg10[%get3A_733, %get3A_734] {strides = array<i32>} : memref<128x128xf32, #tpu.memory_space<vmem>>, vector<1x16xf32>,
        %get3A_736 = vector.shape_cast %get3A_735 : vector<1x16xf32> to vector<16xf32>
        %mul3A_737 = arith.constant 11.3137083 : f32
        %mul3A_738 = vector.broadcast %mul3A_737 : f32 to vector<16xf32>
        %mul3A_739 = arith.mulf %get3A_736, %mul3A_738 : vector<16xf32>
        %swap3A_740 = arith.index_cast %add3A_732 : i32 to index
        %swap3A_741 = arith.constant 80 : index
        %swap3A_742 = tpu.vector_load %arg10[%swap3A_740, %swap3A_741] {strides = array<i32>} : memref<128x128xf32, #tpu.memory_space<vmem>>, vector<1x16xf32>,
        %swap3A_743 = vector.shape_cast %swap3A_742 : vector<1x16xf32> to vector<16xf32>
        %swap3A_744 = vector.shape_cast %mul3A_739 : vector<16xf32> to vector<1x16xf32>
        tpu.vector_store %arg10[%swap3A_740, %swap3A_741], %swap3A_744 {strides = array<i32>} : memref<128x128xf32, #tpu.memory_space<vmem>>, vector<1x16xf32>,
        %mul3A_745 = arith.constant 2 : i32
        %mul3A_746 = arith.muli %mul3A_745, %scan3A_650 : i32
        %add3A_747 = arith.constant 0 : i32
        %add3A_748 = arith.addi %mul3A_746, %add3A_747 : i32
        %get3A_749 = arith.index_cast %add3A_748 : i32 to index
        %get3A_750 = arith.constant 96 : index
        %get3A_751 = tpu.vector_load %arg10[%get3A_749, %get3A_750] {strides = array<i32>} : memref<128x128xf32, #tpu.memory_space<vmem>>, vector<1x16xf32>,
        %get3A_752 = vector.shape_cast %get3A_751 : vector<1x16xf32> to vector<16xf32>
        %mul3A_753 = arith.constant 11.3137083 : f32
        %mul3A_754 = vector.broadcast %mul3A_753 : f32 to vector<16xf32>
        %mul3A_755 = arith.mulf %get3A_752, %mul3A_754 : vector<16xf32>
        %swap3A_756 = arith.index_cast %add3A_748 : i32 to index
        %swap3A_757 = arith.constant 96 : index
        %swap3A_758 = tpu.vector_load %arg10[%swap3A_756, %swap3A_757] {strides = array<i32>} : memref<128x128xf32, #tpu.memory_space<vmem>>, vector<1x16xf32>,
        %swap3A_759 = vector.shape_cast %swap3A_758 : vector<1x16xf32> to vector<16xf32>
        %swap3A_760 = vector.shape_cast %mul3A_755 : vector<16xf32> to vector<1x16xf32>
        tpu.vector_store %arg10[%swap3A_756, %swap3A_757], %swap3A_760 {strides = array<i32>} : memref<128x128xf32, #tpu.memory_space<vmem>>, vector<1x16xf32>,
        %mul3A_761 = arith.constant 2 : i32
        %mul3A_762 = arith.muli %mul3A_761, %scan3A_650 : i32
        %add3A_763 = arith.constant 0 : i32
        %add3A_764 = arith.addi %mul3A_762, %add3A_763 : i32
        %get3A_765 = arith.index_cast %add3A_764 : i32 to index
        %get3A_766 = arith.constant 112 : index
        %get3A_767 = tpu.vector_load %arg10[%get3A_765, %get3A_766] {strides = array<i32>} : memref<128x128xf32, #tpu.memory_space<vmem>>, vector<1x16xf32>,
        %get3A_768 = vector.shape_cast %get3A_767 : vector<1x16xf32> to vector<16xf32>
        %mul3A_769 = arith.constant 11.3137083 : f32
        %mul3A_770 = vector.broadcast %mul3A_769 : f32 to vector<16xf32>
        %mul3A_771 = arith.mulf %get3A_768, %mul3A_770 : vector<16xf32>
        %swap3A_772 = arith.index_cast %add3A_764 : i32 to index
        %swap3A_773 = arith.constant 112 : index
        %swap3A_774 = tpu.vector_load %arg10[%swap3A_772, %swap3A_773] {strides = array<i32>} : memref<128x128xf32, #tpu.memory_space<vmem>>, vector<1x16xf32>,
        %swap3A_775 = vector.shape_cast %swap3A_774 : vector<1x16xf32> to vector<16xf32>
        %swap3A_776 = vector.shape_cast %mul3A_771 : vector<16xf32> to vector<1x16xf32>
        tpu.vector_store %arg10[%swap3A_772, %swap3A_773], %swap3A_776 {strides = array<i32>} : memref<128x128xf32, #tpu.memory_space<vmem>>, vector<1x16xf32>,
        %mul3A_777 = arith.constant 2 : i32
        %mul3A_778 = arith.muli %mul3A_777, %scan3A_650 : i32
        %add3A_779 = arith.constant 1 : i32
        %add3A_780 = arith.addi %mul3A_778, %add3A_779 : i32
        %get3A_781 = arith.index_cast %add3A_780 : i32 to index
        %get3A_782 = arith.constant 0 : index
        %get3A_783 = tpu.vector_load %arg10[%get3A_781, %get3A_782] {strides = array<i32>} : memref<128x128xf32, #tpu.memory_space<vmem>>, vector<1x16xf32>,
        %get3A_784 = vector.shape_cast %get3A_783 : vector<1x16xf32> to vector<16xf32>
        %mul3A_785 = arith.constant 11.3137083 : f32
        %mul3A_786 = vector.broadcast %mul3A_785 : f32 to vector<16xf32>
        %mul3A_787 = arith.mulf %get3A_784, %mul3A_786 : vector<16xf32>
        %swap3A_788 = arith.index_cast %add3A_780 : i32 to index
        %swap3A_789 = arith.constant 0 : index
        %swap3A_790 = tpu.vector_load %arg10[%swap3A_788, %swap3A_789] {strides = array<i32>} : memref<128x128xf32, #tpu.memory_space<vmem>>, vector<1x16xf32>,
        %swap3A_791 = vector.shape_cast %swap3A_790 : vector<1x16xf32> to vector<16xf32>
        %swap3A_792 = vector.shape_cast %mul3A_787 : vector<16xf32> to vector<1x16xf32>
        tpu.vector_store %arg10[%swap3A_788, %swap3A_789], %swap3A_792 {strides = array<i32>} : memref<128x128xf32, #tpu.memory_space<vmem>>, vector<1x16xf32>,
        %mul3A_793 = arith.constant 2 : i32
        %mul3A_794 = arith.muli %mul3A_793, %scan3A_650 : i32
        %add3A_795 = arith.constant 1 : i32
        %add3A_796 = arith.addi %mul3A_794, %add3A_795 : i32
        %get3A_797 = arith.index_cast %add3A_796 : i32 to index
        %get3A_798 = arith.constant 16 : index
        %get3A_799 = tpu.vector_load %arg10[%get3A_797, %get3A_798] {strides = array<i32>} : memref<128x128xf32, #tpu.memory_space<vmem>>, vector<1x16xf32>,
        %get3A_800 = vector.shape_cast %get3A_799 : vector<1x16xf32> to vector<16xf32>
        %mul3A_801 = arith.constant 11.3137083 : f32
        %mul3A_802 = vector.broadcast %mul3A_801 : f32 to vector<16xf32>
        %mul3A_803 = arith.mulf %get3A_800, %mul3A_802 : vector<16xf32>
        %swap3A_804 = arith.index_cast %add3A_796 : i32 to index
        %swap3A_805 = arith.constant 16 : index
        %swap3A_806 = tpu.vector_load %arg10[%swap3A_804, %swap3A_805] {strides = array<i32>} : memref<128x128xf32, #tpu.memory_space<vmem>>, vector<1x16xf32>,
        %swap3A_807 = vector.shape_cast %swap3A_806 : vector<1x16xf32> to vector<16xf32>
        %swap3A_808 = vector.shape_cast %mul3A_803 : vector<16xf32> to vector<1x16xf32>
        tpu.vector_store %arg10[%swap3A_804, %swap3A_805], %swap3A_808 {strides = array<i32>} : memref<128x128xf32, #tpu.memory_space<vmem>>, vector<1x16xf32>,
        %mul3A_809 = arith.constant 2 : i32
        %mul3A_810 = arith.muli %mul3A_809, %scan3A_650 : i32
        %add3A_811 = arith.constant 1 : i32
        %add3A_812 = arith.addi %mul3A_810, %add3A_811 : i32
        %get3A_813 = arith.index_cast %add3A_812 : i32 to index
        %get3A_814 = arith.constant 32 : index
        %get3A_815 = tpu.vector_load %arg10[%get3A_813, %get3A_814] {strides = array<i32>} : memref<128x128xf32, #tpu.memory_space<vmem>>, vector<1x16xf32>,
        %get3A_816 = vector.shape_cast %get3A_815 : vector<1x16xf32> to vector<16xf32>
        %mul3A_817 = arith.constant 11.3137083 : f32
        %mul3A_818 = vector.broadcast %mul3A_817 : f32 to vector<16xf32>
        %mul3A_819 = arith.mulf %get3A_816, %mul3A_818 : vector<16xf32>
        %swap3A_820 = arith.index_cast %add3A_812 : i32 to index
        %swap3A_821 = arith.constant 32 : index
        %swap3A_822 = tpu.vector_load %arg10[%swap3A_820, %swap3A_821] {strides = array<i32>} : memref<128x128xf32, #tpu.memory_space<vmem>>, vector<1x16xf32>,
        %swap3A_823 = vector.shape_cast %swap3A_822 : vector<1x16xf32> to vector<16xf32>
        %swap3A_824 = vector.shape_cast %mul3A_819 : vector<16xf32> to vector<1x16xf32>
        tpu.vector_store %arg10[%swap3A_820, %swap3A_821], %swap3A_824 {strides = array<i32>} : memref<128x128xf32, #tpu.memory_space<vmem>>, vector<1x16xf32>,
        %mul3A_825 = arith.constant 2 : i32
        %mul3A_826 = arith.muli %mul3A_825, %scan3A_650 : i32
        %add3A_827 = arith.constant 1 : i32
        %add3A_828 = arith.addi %mul3A_826, %add3A_827 : i32
        %get3A_829 = arith.index_cast %add3A_828 : i32 to index
        %get3A_830 = arith.constant 48 : index
        %get3A_831 = tpu.vector_load %arg10[%get3A_829, %get3A_830] {strides = array<i32>} : memref<128x128xf32, #tpu.memory_space<vmem>>, vector<1x16xf32>,
        %get3A_832 = vector.shape_cast %get3A_831 : vector<1x16xf32> to vector<16xf32>
        %mul3A_833 = arith.constant 11.3137083 : f32
        %mul3A_834 = vector.broadcast %mul3A_833 : f32 to vector<16xf32>
        %mul3A_835 = arith.mulf %get3A_832, %mul3A_834 : vector<16xf32>
        %swap3A_836 = arith.index_cast %add3A_828 : i32 to index
        %swap3A_837 = arith.constant 48 : index
        %swap3A_838 = tpu.vector_load %arg10[%swap3A_836, %swap3A_837] {strides = array<i32>} : memref<128x128xf32, #tpu.memory_space<vmem>>, vector<1x16xf32>,
        %swap3A_839 = vector.shape_cast %swap3A_838 : vector<1x16xf32> to vector<16xf32>
        %swap3A_840 = vector.shape_cast %mul3A_835 : vector<16xf32> to vector<1x16xf32>
        tpu.vector_store %arg10[%swap3A_836, %swap3A_837], %swap3A_840 {strides = array<i32>} : memref<128x128xf32, #tpu.memory_space<vmem>>, vector<1x16xf32>,
        %mul3A_841 = arith.constant 2 : i32
        %mul3A_842 = arith.muli %mul3A_841, %scan3A_650 : i32
        %add3A_843 = arith.constant 1 : i32
        %add3A_844 = arith.addi %mul3A_842, %add3A_843 : i32
        %get3A_845 = arith.index_cast %add3A_844 : i32 to index
        %get3A_846 = arith.constant 64 : index
        %get3A_847 = tpu.vector_load %arg10[%get3A_845, %get3A_846] {strides = array<i32>} : memref<128x128xf32, #tpu.memory_space<vmem>>, vector<1x16xf32>,
        %get3A_848 = vector.shape_cast %get3A_847 : vector<1x16xf32> to vector<16xf32>
        %mul3A_849 = arith.constant 11.3137083 : f32
        %mul3A_850 = vector.broadcast %mul3A_849 : f32 to vector<16xf32>
        %mul3A_851 = arith.mulf %get3A_848, %mul3A_850 : vector<16xf32>
        %swap3A_852 = arith.index_cast %add3A_844 : i32 to index
        %swap3A_853 = arith.constant 64 : index
        %swap3A_854 = tpu.vector_load %arg10[%swap3A_852, %swap3A_853] {strides = array<i32>} : memref<128x128xf32, #tpu.memory_space<vmem>>, vector<1x16xf32>,
        %swap3A_855 = vector.shape_cast %swap3A_854 : vector<1x16xf32> to vector<16xf32>
        %swap3A_856 = vector.shape_cast %mul3A_851 : vector<16xf32> to vector<1x16xf32>
        tpu.vector_store %arg10[%swap3A_852, %swap3A_853], %swap3A_856 {strides = array<i32>} : memref<128x128xf32, #tpu.memory_space<vmem>>, vector<1x16xf32>,
        %mul3A_857 = arith.constant 2 : i32
        %mul3A_858 = arith.muli %mul3A_857, %scan3A_650 : i32
        %add3A_859 = arith.constant 1 : i32
        %add3A_860 = arith.addi %mul3A_858, %add3A_859 : i32
        %get3A_861 = arith.index_cast %add3A_860 : i32 to index
        %get3A_862 = arith.constant 80 : index
        %get3A_863 = tpu.vector_load %arg10[%get3A_861, %get3A_862] {strides = array<i32>} : memref<128x128xf32, #tpu.memory_space<vmem>>, vector<1x16xf32>,
        %get3A_864 = vector.shape_cast %get3A_863 : vector<1x16xf32> to vector<16xf32>
        %mul3A_865 = arith.constant 11.3137083 : f32
        %mul3A_866 = vector.broadcast %mul3A_865 : f32 to vector<16xf32>
        %mul3A_867 = arith.mulf %get3A_864, %mul3A_866 : vector<16xf32>
        %swap3A_868 = arith.index_cast %add3A_860 : i32 to index
        %swap3A_869 = arith.constant 80 : index
        %swap3A_870 = tpu.vector_load %arg10[%swap3A_868, %swap3A_869] {strides = array<i32>} : memref<128x128xf32, #tpu.memory_space<vmem>>, vector<1x16xf32>,
        %swap3A_871 = vector.shape_cast %swap3A_870 : vector<1x16xf32> to vector<16xf32>
        %swap3A_872 = vector.shape_cast %mul3A_867 : vector<16xf32> to vector<1x16xf32>
        tpu.vector_store %arg10[%swap3A_868, %swap3A_869], %swap3A_872 {strides = array<i32>} : memref<128x128xf32, #tpu.memory_space<vmem>>, vector<1x16xf32>,
        %mul3A_873 = arith.constant 2 : i32
        %mul3A_874 = arith.muli %mul3A_873, %scan3A_650 : i32
        %add3A_875 = arith.constant 1 : i32
        %add3A_876 = arith.addi %mul3A_874, %add3A_875 : i32
        %get3A_877 = arith.index_cast %add3A_876 : i32 to index
        %get3A_878 = arith.constant 96 : index
        %get3A_879 = tpu.vector_load %arg10[%get3A_877, %get3A_878] {strides = array<i32>} : memref<128x128xf32, #tpu.memory_space<vmem>>, vector<1x16xf32>,
        %get3A_880 = vector.shape_cast %get3A_879 : vector<1x16xf32> to vector<16xf32>
        %mul3A_881 = arith.constant 11.3137083 : f32
        %mul3A_882 = vector.broadcast %mul3A_881 : f32 to vector<16xf32>
        %mul3A_883 = arith.mulf %get3A_880, %mul3A_882 : vector<16xf32>
        %swap3A_884 = arith.index_cast %add3A_876 : i32 to index
        %swap3A_885 = arith.constant 96 : index
        %swap3A_886 = tpu.vector_load %arg10[%swap3A_884, %swap3A_885] {strides = array<i32>} : memref<128x128xf32, #tpu.memory_space<vmem>>, vector<1x16xf32>,
        %swap3A_887 = vector.shape_cast %swap3A_886 : vector<1x16xf32> to vector<16xf32>
        %swap3A_888 = vector.shape_cast %mul3A_883 : vector<16xf32> to vector<1x16xf32>
        tpu.vector_store %arg10[%swap3A_884, %swap3A_885], %swap3A_888 {strides = array<i32>} : memref<128x128xf32, #tpu.memory_space<vmem>>, vector<1x16xf32>,
        %mul3A_889 = arith.constant 2 : i32
        %mul3A_890 = arith.muli %mul3A_889, %scan3A_650 : i32
        %add3A_891 = arith.constant 1 : i32
        %add3A_892 = arith.addi %mul3A_890, %add3A_891 : i32
        %get3A_893 = arith.index_cast %add3A_892 : i32 to index
        %get3A_894 = arith.constant 112 : index
        %get3A_895 = tpu.vector_load %arg10[%get3A_893, %get3A_894] {strides = array<i32>} : memref<128x128xf32, #tpu.memory_space<vmem>>, vector<1x16xf32>,
        %get3A_896 = vector.shape_cast %get3A_895 : vector<1x16xf32> to vector<16xf32>
        %mul3A_897 = arith.constant 11.3137083 : f32
        %mul3A_898 = vector.broadcast %mul3A_897 : f32 to vector<16xf32>
        %mul3A_899 = arith.mulf %get3A_896, %mul3A_898 : vector<16xf32>
        %swap3A_900 = arith.index_cast %add3A_892 : i32 to index
        %swap3A_901 = arith.constant 112 : index
        %swap3A_902 = tpu.vector_load %arg10[%swap3A_900, %swap3A_901] {strides = array<i32>} : memref<128x128xf32, #tpu.memory_space<vmem>>, vector<1x16xf32>,
        %swap3A_903 = vector.shape_cast %swap3A_902 : vector<1x16xf32> to vector<16xf32>
        %swap3A_904 = vector.shape_cast %mul3A_899 : vector<16xf32> to vector<1x16xf32>
        tpu.vector_store %arg10[%swap3A_900, %swap3A_901], %swap3A_904 {strides = array<i32>} : memref<128x128xf32, #tpu.memory_space<vmem>>, vector<1x16xf32>,
      }
      %scan3A_418 = arith.constant 64 : i32
      %mul3A_419 = arith.constant 128 : i32
      %mul3A_420 = arith.muli %add3A_399, %mul3A_419 : i32
      %add3A_421 = arith.addi %mul3A_2, %mul3A_420 : i32
      %dma_start3A_422 = arith.constant 0 : i32
      %dma_start3A_423 = tpu.memref_slice %arg4[%add3A_421, %dma_start3A_422] : memref<819200x128xf32, #tpu.memory_space<hbm>> -> memref<128x128xf32, #tpu.memory_space<hbm>>
      %dma_start3A_424 = arith.constant 0 : i32
      %dma_start3A_425 = tpu.memref_slice %arg4[%add3A_421, %dma_start3A_424] : memref<819200x128xf32, #tpu.memory_space<hbm>> -> memref<128x128xf32, #tpu.memory_space<hbm>>
      tpu.enqueue_dma source(%arg10 : memref<128x128xf32, #tpu.memory_space<vmem>>) target(%dma_start3A_425 : memref<128x128xf32, #tpu.memory_space<hbm>>) target_semaphore(%arg22 : memref<!tpu.dma_semaphore, #tpu.memory_space<semaphore_mem>>)
      %add3A_426 = arith.constant 5 : i32
      %add3A_427 = arith.addi %mul3A_314, %add3A_426 : i32
      %sub3A_428 = arith.constant 3 : i32
      %sub3A_429 = arith.subi %add3A_427, %sub3A_428 : i32
      %mul3A_430 = arith.constant 128 : i32
      %mul3A_431 = arith.muli %sub3A_429, %mul3A_430 : i32
      %add3A_432 = arith.addi %mul3A_2, %mul3A_431 : i32
      %dma_wait3A_433 = arith.constant 0 : i32
      %dma_wait3A_434 = tpu.memref_slice %arg4[%add3A_432, %dma_wait3A_433] : memref<819200x128xf32, #tpu.memory_space<hbm>> -> memref<128x128xf32, #tpu.memory_space<hbm>>
      %dma_wait3A_435 = arith.constant 0 : i32
      %dma_wait3A_436 = tpu.memref_slice %arg4[%add3A_432, %dma_wait3A_435] : memref<819200x128xf32, #tpu.memory_space<hbm>> -> memref<128x128xf32, #tpu.memory_space<hbm>>
      tpu.wait_dma2 semaphore(%arg20 : memref<!tpu.dma_semaphore, #tpu.memory_space<semaphore_mem>>) src(%arg8 : memref<128x128xf32, #tpu.memory_space<vmem>>) dst(%dma_wait3A_436 : memref<128x128xf32, #tpu.memory_space<hbm>>)
      %add3A_437 = arith.constant 5 : i32
      %add3A_438 = arith.addi %mul3A_314, %add3A_437 : i32
      %add3A_439 = arith.constant 3 : i32
      %add3A_440 = arith.addi %add3A_438, %add3A_439 : i32
      %mul3A_441 = arith.constant 1 : i32
      %mul3A_442 = arith.muli %add3A_440, %mul3A_441 : i32
      %add3A_443 = arith.constant 0 : i32
      %add3A_444 = arith.addi %mul3A_442, %add3A_443 : i32
      %dma_start3A_445 = arith.constant 0 : i32
      %dma_start3A_446 = arith.constant 0 : i32
      %dma_start3A_447 = tpu.memref_slice %arg8[%dma_start3A_445, %dma_start3A_446] : memref<128x128xf32, #tpu.memory_space<vmem>> -> memref<128x128xf32, #tpu.memory_space<vmem>>
      %dma_start3A_448 = arith.constant 0 : i32
      %dma_start3A_449 = tpu.memref_slice %arg5[%add3A_444, %dma_start3A_448] : memref<200x128xi32, #tpu.memory_space<vmem>> -> memref<1x128xi32, #tpu.memory_space<vmem>>
      %dma_start3A_450 = tpu.memref_squeeze %dma_start3A_449 : memref<1x128xi32, #tpu.memory_space<vmem>> -> memref<128xi32, #tpu.memory_space<vmem>>
      %dma_start3A_451 = arith.constant 0 : i32
      %dma_start3A_452 = arith.constant 0 : i32
      %dma_start3A_453 = tpu.memref_slice %arg3[%dma_start3A_451, %dma_start3A_452] : memref<100000x128xf32, #tpu.memory_space<hbm>> -> memref<100000x128xf32, #tpu.memory_space<hbm>>
      tpu.enqueue_indirect_dma source(%dma_start3A_453 : memref<100000x128xf32, #tpu.memory_space<hbm>>) target(%dma_start3A_447 : memref<128x128xf32, #tpu.memory_space<vmem>>) offsets(%dma_start3A_450 : memref<128xi32, #tpu.memory_space<vmem>>) semaphore(%arg14 : memref<!tpu.dma_semaphore, #tpu.memory_space<semaphore_mem>>)
      %add3A_454 = arith.constant 5 : i32
      %add3A_455 = arith.addi %mul3A_314, %add3A_454 : i32
      %mul3A_456 = arith.constant 1 : i32
      %mul3A_457 = arith.muli %add3A_455, %mul3A_456 : i32
      %add3A_458 = arith.constant 0 : i32
      %add3A_459 = arith.addi %mul3A_457, %add3A_458 : i32
      %dma_wait3A_460 = arith.constant 0 : i32
      %dma_wait3A_461 = arith.constant 0 : i32
      %dma_wait3A_462 = tpu.memref_slice %arg11[%dma_wait3A_460, %dma_wait3A_461] : memref<128x128xf32, #tpu.memory_space<vmem>> -> memref<128x128xf32, #tpu.memory_space<vmem>>
      %dma_wait3A_463 = arith.constant 0 : i32
      %dma_wait3A_464 = tpu.memref_slice %arg5[%add3A_459, %dma_wait3A_463] : memref<200x128xi32, #tpu.memory_space<vmem>> -> memref<1x128xi32, #tpu.memory_space<vmem>>
      %dma_wait3A_465 = tpu.memref_squeeze %dma_wait3A_464 : memref<1x128xi32, #tpu.memory_space<vmem>> -> memref<128xi32, #tpu.memory_space<vmem>>
      %dma_wait3A_466 = arith.constant 0 : i32
      %dma_wait3A_467 = arith.constant 0 : i32
      %dma_wait3A_468 = tpu.memref_slice %arg3[%dma_wait3A_466, %dma_wait3A_467] : memref<100000x128xf32, #tpu.memory_space<hbm>> -> memref<100000x128xf32, #tpu.memory_space<hbm>>
      tpu.wait_indirect_dma semaphore(%arg17 : memref<!tpu.dma_semaphore, #tpu.memory_space<semaphore_mem>>) src(%dma_wait3A_468 : memref<100000x128xf32, #tpu.memory_space<hbm>>) dst(%dma_wait3A_462 : memref<128x128xf32, #tpu.memory_space<vmem>>)
      %scan3A_469 = arith.constant 0 : i32
      %scan3A_470 = arith.constant 0 : i32
      %scan3A_471 = arith.constant 64 : i32
      %scan3A_472 = arith.addi %scan3A_470, %scan3A_471 : i32
      %scan3A_473 = arith.constant 1 : i32
      scf.for %scan3A_650 = %scan3A_470 to %scan3A_472 step %scan3A_473  : i32 {
        %mul3A_651 = arith.constant 2 : i32
        %mul3A_652 = arith.muli %mul3A_651, %scan3A_650 : i32
        %add3A_653 = arith.constant 0 : i32
        %add3A_654 = arith.addi %mul3A_652, %add3A_653 : i32
        %get3A = arith.index_cast %add3A_654 : i32 to index
        %get3A_655 = arith.constant 0 : index
        %get3A_656 = tpu.vector_load %arg11[%get3A, %get3A_655] {strides = array<i32>} : memref<128x128xf32, #tpu.memory_space<vmem>>, vector<1x16xf32>,
        %get3A_657 = vector.shape_cast %get3A_656 : vector<1x16xf32> to vector<16xf32>
        %mul3A_658 = arith.constant 11.3137083 : f32
        %mul3A_659 = vector.broadcast %mul3A_658 : f32 to vector<16xf32>
        %mul3A_660 = arith.mulf %get3A_657, %mul3A_659 : vector<16xf32>
        %swap3A = arith.index_cast %add3A_654 : i32 to index
        %swap3A_661 = arith.constant 0 : index
        %swap3A_662 = tpu.vector_load %arg11[%swap3A, %swap3A_661] {strides = array<i32>} : memref<128x128xf32, #tpu.memory_space<vmem>>, vector<1x16xf32>,
        %swap3A_663 = vector.shape_cast %swap3A_662 : vector<1x16xf32> to vector<16xf32>
        %swap3A_664 = vector.shape_cast %mul3A_660 : vector<16xf32> to vector<1x16xf32>
        tpu.vector_store %arg11[%swap3A, %swap3A_661], %swap3A_664 {strides = array<i32>} : memref<128x128xf32, #tpu.memory_space<vmem>>, vector<1x16xf32>,
        %mul3A_665 = arith.constant 2 : i32
        %mul3A_666 = arith.muli %mul3A_665, %scan3A_650 : i32
        %add3A_667 = arith.constant 0 : i32
        %add3A_668 = arith.addi %mul3A_666, %add3A_667 : i32
        %get3A_669 = arith.index_cast %add3A_668 : i32 to index
        %get3A_670 = arith.constant 16 : index
        %get3A_671 = tpu.vector_load %arg11[%get3A_669, %get3A_670] {strides = array<i32>} : memref<128x128xf32, #tpu.memory_space<vmem>>, vector<1x16xf32>,
        %get3A_672 = vector.shape_cast %get3A_671 : vector<1x16xf32> to vector<16xf32>
        %mul3A_673 = arith.constant 11.3137083 : f32
        %mul3A_674 = vector.broadcast %mul3A_673 : f32 to vector<16xf32>
        %mul3A_675 = arith.mulf %get3A_672, %mul3A_674 : vector<16xf32>
        %swap3A_676 = arith.index_cast %add3A_668 : i32 to index
        %swap3A_677 = arith.constant 16 : index
        %swap3A_678 = tpu.vector_load %arg11[%swap3A_676, %swap3A_677] {strides = array<i32>} : memref<128x128xf32, #tpu.memory_space<vmem>>, vector<1x16xf32>,
        %swap3A_679 = vector.shape_cast %swap3A_678 : vector<1x16xf32> to vector<16xf32>
        %swap3A_680 = vector.shape_cast %mul3A_675 : vector<16xf32> to vector<1x16xf32>
        tpu.vector_store %arg11[%swap3A_676, %swap3A_677], %swap3A_680 {strides = array<i32>} : memref<128x128xf32, #tpu.memory_space<vmem>>, vector<1x16xf32>,
        %mul3A_681 = arith.constant 2 : i32
        %mul3A_682 = arith.muli %mul3A_681, %scan3A_650 : i32
        %add3A_683 = arith.constant 0 : i32
        %add3A_684 = arith.addi %mul3A_682, %add3A_683 : i32
        %get3A_685 = arith.index_cast %add3A_684 : i32 to index
        %get3A_686 = arith.constant 32 : index
        %get3A_687 = tpu.vector_load %arg11[%get3A_685, %get3A_686] {strides = array<i32>} : memref<128x128xf32, #tpu.memory_space<vmem>>, vector<1x16xf32>,
        %get3A_688 = vector.shape_cast %get3A_687 : vector<1x16xf32> to vector<16xf32>
        %mul3A_689 = arith.constant 11.3137083 : f32
        %mul3A_690 = vector.broadcast %mul3A_689 : f32 to vector<16xf32>
        %mul3A_691 = arith.mulf %get3A_688, %mul3A_690 : vector<16xf32>
        %swap3A_692 = arith.index_cast %add3A_684 : i32 to index
        %swap3A_693 = arith.constant 32 : index
        %swap3A_694 = tpu.vector_load %arg11[%swap3A_692, %swap3A_693] {strides = array<i32>} : memref<128x128xf32, #tpu.memory_space<vmem>>, vector<1x16xf32>,
        %swap3A_695 = vector.shape_cast %swap3A_694 : vector<1x16xf32> to vector<16xf32>
        %swap3A_696 = vector.shape_cast %mul3A_691 : vector<16xf32> to vector<1x16xf32>
        tpu.vector_store %arg11[%swap3A_692, %swap3A_693], %swap3A_696 {strides = array<i32>} : memref<128x128xf32, #tpu.memory_space<vmem>>, vector<1x16xf32>,
        %mul3A_697 = arith.constant 2 : i32
        %mul3A_698 = arith.muli %mul3A_697, %scan3A_650 : i32
        %add3A_699 = arith.constant 0 : i32
        %add3A_700 = arith.addi %mul3A_698, %add3A_699 : i32
        %get3A_701 = arith.index_cast %add3A_700 : i32 to index
        %get3A_702 = arith.constant 48 : index
        %get3A_703 = tpu.vector_load %arg11[%get3A_701, %get3A_702] {strides = array<i32>} : memref<128x128xf32, #tpu.memory_space<vmem>>, vector<1x16xf32>,
        %get3A_704 = vector.shape_cast %get3A_703 : vector<1x16xf32> to vector<16xf32>
        %mul3A_705 = arith.constant 11.3137083 : f32
        %mul3A_706 = vector.broadcast %mul3A_705 : f32 to vector<16xf32>
        %mul3A_707 = arith.mulf %get3A_704, %mul3A_706 : vector<16xf32>
        %swap3A_708 = arith.index_cast %add3A_700 : i32 to index
        %swap3A_709 = arith.constant 48 : index
        %swap3A_710 = tpu.vector_load %arg11[%swap3A_708, %swap3A_709] {strides = array<i32>} : memref<128x128xf32, #tpu.memory_space<vmem>>, vector<1x16xf32>,
        %swap3A_711 = vector.shape_cast %swap3A_710 : vector<1x16xf32> to vector<16xf32>
        %swap3A_712 = vector.shape_cast %mul3A_707 : vector<16xf32> to vector<1x16xf32>
        tpu.vector_store %arg11[%swap3A_708, %swap3A_709], %swap3A_712 {strides = array<i32>} : memref<128x128xf32, #tpu.memory_space<vmem>>, vector<1x16xf32>,
        %mul3A_713 = arith.constant 2 : i32
        %mul3A_714 = arith.muli %mul3A_713, %scan3A_650 : i32
        %add3A_715 = arith.constant 0 : i32
        %add3A_716 = arith.addi %mul3A_714, %add3A_715 : i32
        %get3A_717 = arith.index_cast %add3A_716 : i32 to index
        %get3A_718 = arith.constant 64 : index
        %get3A_719 = tpu.vector_load %arg11[%get3A_717, %get3A_718] {strides = array<i32>} : memref<128x128xf32, #tpu.memory_space<vmem>>, vector<1x16xf32>,
        %get3A_720 = vector.shape_cast %get3A_719 : vector<1x16xf32> to vector<16xf32>
        %mul3A_721 = arith.constant 11.3137083 : f32
        %mul3A_722 = vector.broadcast %mul3A_721 : f32 to vector<16xf32>
        %mul3A_723 = arith.mulf %get3A_720, %mul3A_722 : vector<16xf32>
        %swap3A_724 = arith.index_cast %add3A_716 : i32 to index
        %swap3A_725 = arith.constant 64 : index
        %swap3A_726 = tpu.vector_load %arg11[%swap3A_724, %swap3A_725] {strides = array<i32>} : memref<128x128xf32, #tpu.memory_space<vmem>>, vector<1x16xf32>,
        %swap3A_727 = vector.shape_cast %swap3A_726 : vector<1x16xf32> to vector<16xf32>
        %swap3A_728 = vector.shape_cast %mul3A_723 : vector<16xf32> to vector<1x16xf32>
        tpu.vector_store %arg11[%swap3A_724, %swap3A_725], %swap3A_728 {strides = array<i32>} : memref<128x128xf32, #tpu.memory_space<vmem>>, vector<1x16xf32>,
        %mul3A_729 = arith.constant 2 : i32
        %mul3A_730 = arith.muli %mul3A_729, %scan3A_650 : i32
        %add3A_731 = arith.constant 0 : i32
        %add3A_732 = arith.addi %mul3A_730, %add3A_731 : i32
        %get3A_733 = arith.index_cast %add3A_732 : i32 to index
        %get3A_734 = arith.constant 80 : index
        %get3A_735 = tpu.vector_load %arg11[%get3A_733, %get3A_734] {strides = array<i32>} : memref<128x128xf32, #tpu.memory_space<vmem>>, vector<1x16xf32>,
        %get3A_736 = vector.shape_cast %get3A_735 : vector<1x16xf32> to vector<16xf32>
        %mul3A_737 = arith.constant 11.3137083 : f32
        %mul3A_738 = vector.broadcast %mul3A_737 : f32 to vector<16xf32>
        %mul3A_739 = arith.mulf %get3A_736, %mul3A_738 : vector<16xf32>
        %swap3A_740 = arith.index_cast %add3A_732 : i32 to index
        %swap3A_741 = arith.constant 80 : index
        %swap3A_742 = tpu.vector_load %arg11[%swap3A_740, %swap3A_741] {strides = array<i32>} : memref<128x128xf32, #tpu.memory_space<vmem>>, vector<1x16xf32>,
        %swap3A_743 = vector.shape_cast %swap3A_742 : vector<1x16xf32> to vector<16xf32>
        %swap3A_744 = vector.shape_cast %mul3A_739 : vector<16xf32> to vector<1x16xf32>
        tpu.vector_store %arg11[%swap3A_740, %swap3A_741], %swap3A_744 {strides = array<i32>} : memref<128x128xf32, #tpu.memory_space<vmem>>, vector<1x16xf32>,
        %mul3A_745 = arith.constant 2 : i32
        %mul3A_746 = arith.muli %mul3A_745, %scan3A_650 : i32
        %add3A_747 = arith.constant 0 : i32
        %add3A_748 = arith.addi %mul3A_746, %add3A_747 : i32
        %get3A_749 = arith.index_cast %add3A_748 : i32 to index
        %get3A_750 = arith.constant 96 : index
        %get3A_751 = tpu.vector_load %arg11[%get3A_749, %get3A_750] {strides = array<i32>} : memref<128x128xf32, #tpu.memory_space<vmem>>, vector<1x16xf32>,
        %get3A_752 = vector.shape_cast %get3A_751 : vector<1x16xf32> to vector<16xf32>
        %mul3A_753 = arith.constant 11.3137083 : f32
        %mul3A_754 = vector.broadcast %mul3A_753 : f32 to vector<16xf32>
        %mul3A_755 = arith.mulf %get3A_752, %mul3A_754 : vector<16xf32>
        %swap3A_756 = arith.index_cast %add3A_748 : i32 to index
        %swap3A_757 = arith.constant 96 : index
        %swap3A_758 = tpu.vector_load %arg11[%swap3A_756, %swap3A_757] {strides = array<i32>} : memref<128x128xf32, #tpu.memory_space<vmem>>, vector<1x16xf32>,
        %swap3A_759 = vector.shape_cast %swap3A_758 : vector<1x16xf32> to vector<16xf32>
        %swap3A_760 = vector.shape_cast %mul3A_755 : vector<16xf32> to vector<1x16xf32>
        tpu.vector_store %arg11[%swap3A_756, %swap3A_757], %swap3A_760 {strides = array<i32>} : memref<128x128xf32, #tpu.memory_space<vmem>>, vector<1x16xf32>,
        %mul3A_761 = arith.constant 2 : i32
        %mul3A_762 = arith.muli %mul3A_761, %scan3A_650 : i32
        %add3A_763 = arith.constant 0 : i32
        %add3A_764 = arith.addi %mul3A_762, %add3A_763 : i32
        %get3A_765 = arith.index_cast %add3A_764 : i32 to index
        %get3A_766 = arith.constant 112 : index
        %get3A_767 = tpu.vector_load %arg11[%get3A_765, %get3A_766] {strides = array<i32>} : memref<128x128xf32, #tpu.memory_space<vmem>>, vector<1x16xf32>,
        %get3A_768 = vector.shape_cast %get3A_767 : vector<1x16xf32> to vector<16xf32>
        %mul3A_769 = arith.constant 11.3137083 : f32
        %mul3A_770 = vector.broadcast %mul3A_769 : f32 to vector<16xf32>
        %mul3A_771 = arith.mulf %get3A_768, %mul3A_770 : vector<16xf32>
        %swap3A_772 = arith.index_cast %add3A_764 : i32 to index
        %swap3A_773 = arith.constant 112 : index
        %swap3A_774 = tpu.vector_load %arg11[%swap3A_772, %swap3A_773] {strides = array<i32>} : memref<128x128xf32, #tpu.memory_space<vmem>>, vector<1x16xf32>,
        %swap3A_775 = vector.shape_cast %swap3A_774 : vector<1x16xf32> to vector<16xf32>
        %swap3A_776 = vector.shape_cast %mul3A_771 : vector<16xf32> to vector<1x16xf32>
        tpu.vector_store %arg11[%swap3A_772, %swap3A_773], %swap3A_776 {strides = array<i32>} : memref<128x128xf32, #tpu.memory_space<vmem>>, vector<1x16xf32>,
        %mul3A_777 = arith.constant 2 : i32
        %mul3A_778 = arith.muli %mul3A_777, %scan3A_650 : i32
        %add3A_779 = arith.constant 1 : i32
        %add3A_780 = arith.addi %mul3A_778, %add3A_779 : i32
        %get3A_781 = arith.index_cast %add3A_780 : i32 to index
        %get3A_782 = arith.constant 0 : index
        %get3A_783 = tpu.vector_load %arg11[%get3A_781, %get3A_782] {strides = array<i32>} : memref<128x128xf32, #tpu.memory_space<vmem>>, vector<1x16xf32>,
        %get3A_784 = vector.shape_cast %get3A_783 : vector<1x16xf32> to vector<16xf32>
        %mul3A_785 = arith.constant 11.3137083 : f32
        %mul3A_786 = vector.broadcast %mul3A_785 : f32 to vector<16xf32>
        %mul3A_787 = arith.mulf %get3A_784, %mul3A_786 : vector<16xf32>
        %swap3A_788 = arith.index_cast %add3A_780 : i32 to index
        %swap3A_789 = arith.constant 0 : index
        %swap3A_790 = tpu.vector_load %arg11[%swap3A_788, %swap3A_789] {strides = array<i32>} : memref<128x128xf32, #tpu.memory_space<vmem>>, vector<1x16xf32>,
        %swap3A_791 = vector.shape_cast %swap3A_790 : vector<1x16xf32> to vector<16xf32>
        %swap3A_792 = vector.shape_cast %mul3A_787 : vector<16xf32> to vector<1x16xf32>
        tpu.vector_store %arg11[%swap3A_788, %swap3A_789], %swap3A_792 {strides = array<i32>} : memref<128x128xf32, #tpu.memory_space<vmem>>, vector<1x16xf32>,
        %mul3A_793 = arith.constant 2 : i32
        %mul3A_794 = arith.muli %mul3A_793, %scan3A_650 : i32
        %add3A_795 = arith.constant 1 : i32
        %add3A_796 = arith.addi %mul3A_794, %add3A_795 : i32
        %get3A_797 = arith.index_cast %add3A_796 : i32 to index
        %get3A_798 = arith.constant 16 : index
        %get3A_799 = tpu.vector_load %arg11[%get3A_797, %get3A_798] {strides = array<i32>} : memref<128x128xf32, #tpu.memory_space<vmem>>, vector<1x16xf32>,
        %get3A_800 = vector.shape_cast %get3A_799 : vector<1x16xf32> to vector<16xf32>
        %mul3A_801 = arith.constant 11.3137083 : f32
        %mul3A_802 = vector.broadcast %mul3A_801 : f32 to vector<16xf32>
        %mul3A_803 = arith.mulf %get3A_800, %mul3A_802 : vector<16xf32>
        %swap3A_804 = arith.index_cast %add3A_796 : i32 to index
        %swap3A_805 = arith.constant 16 : index
        %swap3A_806 = tpu.vector_load %arg11[%swap3A_804, %swap3A_805] {strides = array<i32>} : memref<128x128xf32, #tpu.memory_space<vmem>>, vector<1x16xf32>,
        %swap3A_807 = vector.shape_cast %swap3A_806 : vector<1x16xf32> to vector<16xf32>
        %swap3A_808 = vector.shape_cast %mul3A_803 : vector<16xf32> to vector<1x16xf32>
        tpu.vector_store %arg11[%swap3A_804, %swap3A_805], %swap3A_808 {strides = array<i32>} : memref<128x128xf32, #tpu.memory_space<vmem>>, vector<1x16xf32>,
        %mul3A_809 = arith.constant 2 : i32
        %mul3A_810 = arith.muli %mul3A_809, %scan3A_650 : i32
        %add3A_811 = arith.constant 1 : i32
        %add3A_812 = arith.addi %mul3A_810, %add3A_811 : i32
        %get3A_813 = arith.index_cast %add3A_812 : i32 to index
        %get3A_814 = arith.constant 32 : index
        %get3A_815 = tpu.vector_load %arg11[%get3A_813, %get3A_814] {strides = array<i32>} : memref<128x128xf32, #tpu.memory_space<vmem>>, vector<1x16xf32>,
        %get3A_816 = vector.shape_cast %get3A_815 : vector<1x16xf32> to vector<16xf32>
        %mul3A_817 = arith.constant 11.3137083 : f32
        %mul3A_818 = vector.broadcast %mul3A_817 : f32 to vector<16xf32>
        %mul3A_819 = arith.mulf %get3A_816, %mul3A_818 : vector<16xf32>
        %swap3A_820 = arith.index_cast %add3A_812 : i32 to index
        %swap3A_821 = arith.constant 32 : index
        %swap3A_822 = tpu.vector_load %arg11[%swap3A_820, %swap3A_821] {strides = array<i32>} : memref<128x128xf32, #tpu.memory_space<vmem>>, vector<1x16xf32>,
        %swap3A_823 = vector.shape_cast %swap3A_822 : vector<1x16xf32> to vector<16xf32>
        %swap3A_824 = vector.shape_cast %mul3A_819 : vector<16xf32> to vector<1x16xf32>
        tpu.vector_store %arg11[%swap3A_820, %swap3A_821], %swap3A_824 {strides = array<i32>} : memref<128x128xf32, #tpu.memory_space<vmem>>, vector<1x16xf32>,
        %mul3A_825 = arith.constant 2 : i32
        %mul3A_826 = arith.muli %mul3A_825, %scan3A_650 : i32
        %add3A_827 = arith.constant 1 : i32
        %add3A_828 = arith.addi %mul3A_826, %add3A_827 : i32
        %get3A_829 = arith.index_cast %add3A_828 : i32 to index
        %get3A_830 = arith.constant 48 : index
        %get3A_831 = tpu.vector_load %arg11[%get3A_829, %get3A_830] {strides = array<i32>} : memref<128x128xf32, #tpu.memory_space<vmem>>, vector<1x16xf32>,
        %get3A_832 = vector.shape_cast %get3A_831 : vector<1x16xf32> to vector<16xf32>
        %mul3A_833 = arith.constant 11.3137083 : f32
        %mul3A_834 = vector.broadcast %mul3A_833 : f32 to vector<16xf32>
        %mul3A_835 = arith.mulf %get3A_832, %mul3A_834 : vector<16xf32>
        %swap3A_836 = arith.index_cast %add3A_828 : i32 to index
        %swap3A_837 = arith.constant 48 : index
        %swap3A_838 = tpu.vector_load %arg11[%swap3A_836, %swap3A_837] {strides = array<i32>} : memref<128x128xf32, #tpu.memory_space<vmem>>, vector<1x16xf32>,
        %swap3A_839 = vector.shape_cast %swap3A_838 : vector<1x16xf32> to vector<16xf32>
        %swap3A_840 = vector.shape_cast %mul3A_835 : vector<16xf32> to vector<1x16xf32>
        tpu.vector_store %arg11[%swap3A_836, %swap3A_837], %swap3A_840 {strides = array<i32>} : memref<128x128xf32, #tpu.memory_space<vmem>>, vector<1x16xf32>,
        %mul3A_841 = arith.constant 2 : i32
        %mul3A_842 = arith.muli %mul3A_841, %scan3A_650 : i32
        %add3A_843 = arith.constant 1 : i32
        %add3A_844 = arith.addi %mul3A_842, %add3A_843 : i32
        %get3A_845 = arith.index_cast %add3A_844 : i32 to index
        %get3A_846 = arith.constant 64 : index
        %get3A_847 = tpu.vector_load %arg11[%get3A_845, %get3A_846] {strides = array<i32>} : memref<128x128xf32, #tpu.memory_space<vmem>>, vector<1x16xf32>,
        %get3A_848 = vector.shape_cast %get3A_847 : vector<1x16xf32> to vector<16xf32>
        %mul3A_849 = arith.constant 11.3137083 : f32
        %mul3A_850 = vector.broadcast %mul3A_849 : f32 to vector<16xf32>
        %mul3A_851 = arith.mulf %get3A_848, %mul3A_850 : vector<16xf32>
        %swap3A_852 = arith.index_cast %add3A_844 : i32 to index
        %swap3A_853 = arith.constant 64 : index
        %swap3A_854 = tpu.vector_load %arg11[%swap3A_852, %swap3A_853] {strides = array<i32>} : memref<128x128xf32, #tpu.memory_space<vmem>>, vector<1x16xf32>,
        %swap3A_855 = vector.shape_cast %swap3A_854 : vector<1x16xf32> to vector<16xf32>
        %swap3A_856 = vector.shape_cast %mul3A_851 : vector<16xf32> to vector<1x16xf32>
        tpu.vector_store %arg11[%swap3A_852, %swap3A_853], %swap3A_856 {strides = array<i32>} : memref<128x128xf32, #tpu.memory_space<vmem>>, vector<1x16xf32>,
        %mul3A_857 = arith.constant 2 : i32
        %mul3A_858 = arith.muli %mul3A_857, %scan3A_650 : i32
        %add3A_859 = arith.constant 1 : i32
        %add3A_860 = arith.addi %mul3A_858, %add3A_859 : i32
        %get3A_861 = arith.index_cast %add3A_860 : i32 to index
        %get3A_862 = arith.constant 80 : index
        %get3A_863 = tpu.vector_load %arg11[%get3A_861, %get3A_862] {strides = array<i32>} : memref<128x128xf32, #tpu.memory_space<vmem>>, vector<1x16xf32>,
        %get3A_864 = vector.shape_cast %get3A_863 : vector<1x16xf32> to vector<16xf32>
        %mul3A_865 = arith.constant 11.3137083 : f32
        %mul3A_866 = vector.broadcast %mul3A_865 : f32 to vector<16xf32>
        %mul3A_867 = arith.mulf %get3A_864, %mul3A_866 : vector<16xf32>
        %swap3A_868 = arith.index_cast %add3A_860 : i32 to index
        %swap3A_869 = arith.constant 80 : index
        %swap3A_870 = tpu.vector_load %arg11[%swap3A_868, %swap3A_869] {strides = array<i32>} : memref<128x128xf32, #tpu.memory_space<vmem>>, vector<1x16xf32>,
        %swap3A_871 = vector.shape_cast %swap3A_870 : vector<1x16xf32> to vector<16xf32>
        %swap3A_872 = vector.shape_cast %mul3A_867 : vector<16xf32> to vector<1x16xf32>
        tpu.vector_store %arg11[%swap3A_868, %swap3A_869], %swap3A_872 {strides = array<i32>} : memref<128x128xf32, #tpu.memory_space<vmem>>, vector<1x16xf32>,
        %mul3A_873 = arith.constant 2 : i32
        %mul3A_874 = arith.muli %mul3A_873, %scan3A_650 : i32
        %add3A_875 = arith.constant 1 : i32
        %add3A_876 = arith.addi %mul3A_874, %add3A_875 : i32
        %get3A_877 = arith.index_cast %add3A_876 : i32 to index
        %get3A_878 = arith.constant 96 : index
        %get3A_879 = tpu.vector_load %arg11[%get3A_877, %get3A_878] {strides = array<i32>} : memref<128x128xf32, #tpu.memory_space<vmem>>, vector<1x16xf32>,
        %get3A_880 = vector.shape_cast %get3A_879 : vector<1x16xf32> to vector<16xf32>
        %mul3A_881 = arith.constant 11.3137083 : f32
        %mul3A_882 = vector.broadcast %mul3A_881 : f32 to vector<16xf32>
        %mul3A_883 = arith.mulf %get3A_880, %mul3A_882 : vector<16xf32>
        %swap3A_884 = arith.index_cast %add3A_876 : i32 to index
        %swap3A_885 = arith.constant 96 : index
        %swap3A_886 = tpu.vector_load %arg11[%swap3A_884, %swap3A_885] {strides = array<i32>} : memref<128x128xf32, #tpu.memory_space<vmem>>, vector<1x16xf32>,
        %swap3A_887 = vector.shape_cast %swap3A_886 : vector<1x16xf32> to vector<16xf32>
        %swap3A_888 = vector.shape_cast %mul3A_883 : vector<16xf32> to vector<1x16xf32>
        tpu.vector_store %arg11[%swap3A_884, %swap3A_885], %swap3A_888 {strides = array<i32>} : memref<128x128xf32, #tpu.memory_space<vmem>>, vector<1x16xf32>,
        %mul3A_889 = arith.constant 2 : i32
        %mul3A_890 = arith.muli %mul3A_889, %scan3A_650 : i32
        %add3A_891 = arith.constant 1 : i32
        %add3A_892 = arith.addi %mul3A_890, %add3A_891 : i32
        %get3A_893 = arith.index_cast %add3A_892 : i32 to index
        %get3A_894 = arith.constant 112 : index
        %get3A_895 = tpu.vector_load %arg11[%get3A_893, %get3A_894] {strides = array<i32>} : memref<128x128xf32, #tpu.memory_space<vmem>>, vector<1x16xf32>,
        %get3A_896 = vector.shape_cast %get3A_895 : vector<1x16xf32> to vector<16xf32>
        %mul3A_897 = arith.constant 11.3137083 : f32
        %mul3A_898 = vector.broadcast %mul3A_897 : f32 to vector<16xf32>
        %mul3A_899 = arith.mulf %get3A_896, %mul3A_898 : vector<16xf32>
        %swap3A_900 = arith.index_cast %add3A_892 : i32 to index
        %swap3A_901 = arith.constant 112 : index
        %swap3A_902 = tpu.vector_load %arg11[%swap3A_900, %swap3A_901] {strides = array<i32>} : memref<128x128xf32, #tpu.memory_space<vmem>>, vector<1x16xf32>,
        %swap3A_903 = vector.shape_cast %swap3A_902 : vector<1x16xf32> to vector<16xf32>
        %swap3A_904 = vector.shape_cast %mul3A_899 : vector<16xf32> to vector<1x16xf32>
        tpu.vector_store %arg11[%swap3A_900, %swap3A_901], %swap3A_904 {strides = array<i32>} : memref<128x128xf32, #tpu.memory_space<vmem>>, vector<1x16xf32>,
      }
      %scan3A_474 = arith.constant 64 : i32
      %mul3A_475 = arith.constant 128 : i32
      %mul3A_476 = arith.muli %add3A_455, %mul3A_475 : i32
      %add3A_477 = arith.addi %mul3A_2, %mul3A_476 : i32
      %dma_start3A_478 = arith.constant 0 : i32
      %dma_start3A_479 = tpu.memref_slice %arg4[%add3A_477, %dma_start3A_478] : memref<819200x128xf32, #tpu.memory_space<hbm>> -> memref<128x128xf32, #tpu.memory_space<hbm>>
      %dma_start3A_480 = arith.constant 0 : i32
      %dma_start3A_481 = tpu.memref_slice %arg4[%add3A_477, %dma_start3A_480] : memref<819200x128xf32, #tpu.memory_space<hbm>> -> memref<128x128xf32, #tpu.memory_space<hbm>>
      tpu.enqueue_dma source(%arg11 : memref<128x128xf32, #tpu.memory_space<vmem>>) target(%dma_start3A_481 : memref<128x128xf32, #tpu.memory_space<hbm>>) target_semaphore(%arg23 : memref<!tpu.dma_semaphore, #tpu.memory_space<semaphore_mem>>)
      %add3A_482 = arith.constant 6 : i32
      %add3A_483 = arith.addi %mul3A_314, %add3A_482 : i32
      %sub3A_484 = arith.constant 3 : i32
      %sub3A_485 = arith.subi %add3A_483, %sub3A_484 : i32
      %mul3A_486 = arith.constant 128 : i32
      %mul3A_487 = arith.muli %sub3A_485, %mul3A_486 : i32
      %add3A_488 = arith.addi %mul3A_2, %mul3A_487 : i32
      %dma_wait3A_489 = arith.constant 0 : i32
      %dma_wait3A_490 = tpu.memref_slice %arg4[%add3A_488, %dma_wait3A_489] : memref<819200x128xf32, #tpu.memory_space<hbm>> -> memref<128x128xf32, #tpu.memory_space<hbm>>
      %dma_wait3A_491 = arith.constant 0 : i32
      %dma_wait3A_492 = tpu.memref_slice %arg4[%add3A_488, %dma_wait3A_491] : memref<819200x128xf32, #tpu.memory_space<hbm>> -> memref<128x128xf32, #tpu.memory_space<hbm>>
      tpu.wait_dma2 semaphore(%arg21 : memref<!tpu.dma_semaphore, #tpu.memory_space<semaphore_mem>>) src(%arg9 : memref<128x128xf32, #tpu.memory_space<vmem>>) dst(%dma_wait3A_492 : memref<128x128xf32, #tpu.memory_space<hbm>>)
      %add3A_493 = arith.constant 6 : i32
      %add3A_494 = arith.addi %mul3A_314, %add3A_493 : i32
      %add3A_495 = arith.constant 3 : i32
      %add3A_496 = arith.addi %add3A_494, %add3A_495 : i32
      %mul3A_497 = arith.constant 1 : i32
      %mul3A_498 = arith.muli %add3A_496, %mul3A_497 : i32
      %add3A_499 = arith.constant 0 : i32
      %add3A_500 = arith.addi %mul3A_498, %add3A_499 : i32
      %dma_start3A_501 = arith.constant 0 : i32
      %dma_start3A_502 = arith.constant 0 : i32
      %dma_start3A_503 = tpu.memref_slice %arg9[%dma_start3A_501, %dma_start3A_502] : memref<128x128xf32, #tpu.memory_space<vmem>> -> memref<128x128xf32, #tpu.memory_space<vmem>>
      %dma_start3A_504 = arith.constant 0 : i32
      %dma_start3A_505 = tpu.memref_slice %arg5[%add3A_500, %dma_start3A_504] : memref<200x128xi32, #tpu.memory_space<vmem>> -> memref<1x128xi32, #tpu.memory_space<vmem>>
      %dma_start3A_506 = tpu.memref_squeeze %dma_start3A_505 : memref<1x128xi32, #tpu.memory_space<vmem>> -> memref<128xi32, #tpu.memory_space<vmem>>
      %dma_start3A_507 = arith.constant 0 : i32
      %dma_start3A_508 = arith.constant 0 : i32
      %dma_start3A_509 = tpu.memref_slice %arg3[%dma_start3A_507, %dma_start3A_508] : memref<100000x128xf32, #tpu.memory_space<hbm>> -> memref<100000x128xf32, #tpu.memory_space<hbm>>
      tpu.enqueue_indirect_dma source(%dma_start3A_509 : memref<100000x128xf32, #tpu.memory_space<hbm>>) target(%dma_start3A_503 : memref<128x128xf32, #tpu.memory_space<vmem>>) offsets(%dma_start3A_506 : memref<128xi32, #tpu.memory_space<vmem>>) semaphore(%arg15 : memref<!tpu.dma_semaphore, #tpu.memory_space<semaphore_mem>>)
      %add3A_510 = arith.constant 6 : i32
      %add3A_511 = arith.addi %mul3A_314, %add3A_510 : i32
      %mul3A_512 = arith.constant 1 : i32
      %mul3A_513 = arith.muli %add3A_511, %mul3A_512 : i32
      %add3A_514 = arith.constant 0 : i32
      %add3A_515 = arith.addi %mul3A_513, %add3A_514 : i32
      %dma_wait3A_516 = arith.constant 0 : i32
      %dma_wait3A_517 = arith.constant 0 : i32
      %dma_wait3A_518 = tpu.memref_slice %arg6[%dma_wait3A_516, %dma_wait3A_517] : memref<128x128xf32, #tpu.memory_space<vmem>> -> memref<128x128xf32, #tpu.memory_space<vmem>>
      %dma_wait3A_519 = arith.constant 0 : i32
      %dma_wait3A_520 = tpu.memref_slice %arg5[%add3A_515, %dma_wait3A_519] : memref<200x128xi32, #tpu.memory_space<vmem>> -> memref<1x128xi32, #tpu.memory_space<vmem>>
      %dma_wait3A_521 = tpu.memref_squeeze %dma_wait3A_520 : memref<1x128xi32, #tpu.memory_space<vmem>> -> memref<128xi32, #tpu.memory_space<vmem>>
      %dma_wait3A_522 = arith.constant 0 : i32
      %dma_wait3A_523 = arith.constant 0 : i32
      %dma_wait3A_524 = tpu.memref_slice %arg3[%dma_wait3A_522, %dma_wait3A_523] : memref<100000x128xf32, #tpu.memory_space<hbm>> -> memref<100000x128xf32, #tpu.memory_space<hbm>>
      tpu.wait_indirect_dma semaphore(%arg12 : memref<!tpu.dma_semaphore, #tpu.memory_space<semaphore_mem>>) src(%dma_wait3A_524 : memref<100000x128xf32, #tpu.memory_space<hbm>>) dst(%dma_wait3A_518 : memref<128x128xf32, #tpu.memory_space<vmem>>)
      %scan3A_525 = arith.constant 0 : i32
      %scan3A_526 = arith.constant 0 : i32
      %scan3A_527 = arith.constant 64 : i32
      %scan3A_528 = arith.addi %scan3A_526, %scan3A_527 : i32
      %scan3A_529 = arith.constant 1 : i32
      scf.for %scan3A_650 = %scan3A_526 to %scan3A_528 step %scan3A_529  : i32 {
        %mul3A_651 = arith.constant 2 : i32
        %mul3A_652 = arith.muli %mul3A_651, %scan3A_650 : i32
        %add3A_653 = arith.constant 0 : i32
        %add3A_654 = arith.addi %mul3A_652, %add3A_653 : i32
        %get3A = arith.index_cast %add3A_654 : i32 to index
        %get3A_655 = arith.constant 0 : index
        %get3A_656 = tpu.vector_load %arg6[%get3A, %get3A_655] {strides = array<i32>} : memref<128x128xf32, #tpu.memory_space<vmem>>, vector<1x16xf32>,
        %get3A_657 = vector.shape_cast %get3A_656 : vector<1x16xf32> to vector<16xf32>
        %mul3A_658 = arith.constant 11.3137083 : f32
        %mul3A_659 = vector.broadcast %mul3A_658 : f32 to vector<16xf32>
        %mul3A_660 = arith.mulf %get3A_657, %mul3A_659 : vector<16xf32>
        %swap3A = arith.index_cast %add3A_654 : i32 to index
        %swap3A_661 = arith.constant 0 : index
        %swap3A_662 = tpu.vector_load %arg6[%swap3A, %swap3A_661] {strides = array<i32>} : memref<128x128xf32, #tpu.memory_space<vmem>>, vector<1x16xf32>,
        %swap3A_663 = vector.shape_cast %swap3A_662 : vector<1x16xf32> to vector<16xf32>
        %swap3A_664 = vector.shape_cast %mul3A_660 : vector<16xf32> to vector<1x16xf32>
        tpu.vector_store %arg6[%swap3A, %swap3A_661], %swap3A_664 {strides = array<i32>} : memref<128x128xf32, #tpu.memory_space<vmem>>, vector<1x16xf32>,
        %mul3A_665 = arith.constant 2 : i32
        %mul3A_666 = arith.muli %mul3A_665, %scan3A_650 : i32
        %add3A_667 = arith.constant 0 : i32
        %add3A_668 = arith.addi %mul3A_666, %add3A_667 : i32
        %get3A_669 = arith.index_cast %add3A_668 : i32 to index
        %get3A_670 = arith.constant 16 : index
        %get3A_671 = tpu.vector_load %arg6[%get3A_669, %get3A_670] {strides = array<i32>} : memref<128x128xf32, #tpu.memory_space<vmem>>, vector<1x16xf32>,
        %get3A_672 = vector.shape_cast %get3A_671 : vector<1x16xf32> to vector<16xf32>
        %mul3A_673 = arith.constant 11.3137083 : f32
        %mul3A_674 = vector.broadcast %mul3A_673 : f32 to vector<16xf32>
        %mul3A_675 = arith.mulf %get3A_672, %mul3A_674 : vector<16xf32>
        %swap3A_676 = arith.index_cast %add3A_668 : i32 to index
        %swap3A_677 = arith.constant 16 : index
        %swap3A_678 = tpu.vector_load %arg6[%swap3A_676, %swap3A_677] {strides = array<i32>} : memref<128x128xf32, #tpu.memory_space<vmem>>, vector<1x16xf32>,
        %swap3A_679 = vector.shape_cast %swap3A_678 : vector<1x16xf32> to vector<16xf32>
        %swap3A_680 = vector.shape_cast %mul3A_675 : vector<16xf32> to vector<1x16xf32>
        tpu.vector_store %arg6[%swap3A_676, %swap3A_677], %swap3A_680 {strides = array<i32>} : memref<128x128xf32, #tpu.memory_space<vmem>>, vector<1x16xf32>,
        %mul3A_681 = arith.constant 2 : i32
        %mul3A_682 = arith.muli %mul3A_681, %scan3A_650 : i32
        %add3A_683 = arith.constant 0 : i32
        %add3A_684 = arith.addi %mul3A_682, %add3A_683 : i32
        %get3A_685 = arith.index_cast %add3A_684 : i32 to index
        %get3A_686 = arith.constant 32 : index
        %get3A_687 = tpu.vector_load %arg6[%get3A_685, %get3A_686] {strides = array<i32>} : memref<128x128xf32, #tpu.memory_space<vmem>>, vector<1x16xf32>,
        %get3A_688 = vector.shape_cast %get3A_687 : vector<1x16xf32> to vector<16xf32>
        %mul3A_689 = arith.constant 11.3137083 : f32
        %mul3A_690 = vector.broadcast %mul3A_689 : f32 to vector<16xf32>
        %mul3A_691 = arith.mulf %get3A_688, %mul3A_690 : vector<16xf32>
        %swap3A_692 = arith.index_cast %add3A_684 : i32 to index
        %swap3A_693 = arith.constant 32 : index
        %swap3A_694 = tpu.vector_load %arg6[%swap3A_692, %swap3A_693] {strides = array<i32>} : memref<128x128xf32, #tpu.memory_space<vmem>>, vector<1x16xf32>,
        %swap3A_695 = vector.shape_cast %swap3A_694 : vector<1x16xf32> to vector<16xf32>
        %swap3A_696 = vector.shape_cast %mul3A_691 : vector<16xf32> to vector<1x16xf32>
        tpu.vector_store %arg6[%swap3A_692, %swap3A_693], %swap3A_696 {strides = array<i32>} : memref<128x128xf32, #tpu.memory_space<vmem>>, vector<1x16xf32>,
        %mul3A_697 = arith.constant 2 : i32
        %mul3A_698 = arith.muli %mul3A_697, %scan3A_650 : i32
        %add3A_699 = arith.constant 0 : i32
        %add3A_700 = arith.addi %mul3A_698, %add3A_699 : i32
        %get3A_701 = arith.index_cast %add3A_700 : i32 to index
        %get3A_702 = arith.constant 48 : index
        %get3A_703 = tpu.vector_load %arg6[%get3A_701, %get3A_702] {strides = array<i32>} : memref<128x128xf32, #tpu.memory_space<vmem>>, vector<1x16xf32>,
        %get3A_704 = vector.shape_cast %get3A_703 : vector<1x16xf32> to vector<16xf32>
        %mul3A_705 = arith.constant 11.3137083 : f32
        %mul3A_706 = vector.broadcast %mul3A_705 : f32 to vector<16xf32>
        %mul3A_707 = arith.mulf %get3A_704, %mul3A_706 : vector<16xf32>
        %swap3A_708 = arith.index_cast %add3A_700 : i32 to index
        %swap3A_709 = arith.constant 48 : index
        %swap3A_710 = tpu.vector_load %arg6[%swap3A_708, %swap3A_709] {strides = array<i32>} : memref<128x128xf32, #tpu.memory_space<vmem>>, vector<1x16xf32>,
        %swap3A_711 = vector.shape_cast %swap3A_710 : vector<1x16xf32> to vector<16xf32>
        %swap3A_712 = vector.shape_cast %mul3A_707 : vector<16xf32> to vector<1x16xf32>
        tpu.vector_store %arg6[%swap3A_708, %swap3A_709], %swap3A_712 {strides = array<i32>} : memref<128x128xf32, #tpu.memory_space<vmem>>, vector<1x16xf32>,
        %mul3A_713 = arith.constant 2 : i32
        %mul3A_714 = arith.muli %mul3A_713, %scan3A_650 : i32
        %add3A_715 = arith.constant 0 : i32
        %add3A_716 = arith.addi %mul3A_714, %add3A_715 : i32
        %get3A_717 = arith.index_cast %add3A_716 : i32 to index
        %get3A_718 = arith.constant 64 : index
        %get3A_719 = tpu.vector_load %arg6[%get3A_717, %get3A_718] {strides = array<i32>} : memref<128x128xf32, #tpu.memory_space<vmem>>, vector<1x16xf32>,
        %get3A_720 = vector.shape_cast %get3A_719 : vector<1x16xf32> to vector<16xf32>
        %mul3A_721 = arith.constant 11.3137083 : f32
        %mul3A_722 = vector.broadcast %mul3A_721 : f32 to vector<16xf32>
        %mul3A_723 = arith.mulf %get3A_720, %mul3A_722 : vector<16xf32>
        %swap3A_724 = arith.index_cast %add3A_716 : i32 to index
        %swap3A_725 = arith.constant 64 : index
        %swap3A_726 = tpu.vector_load %arg6[%swap3A_724, %swap3A_725] {strides = array<i32>} : memref<128x128xf32, #tpu.memory_space<vmem>>, vector<1x16xf32>,
        %swap3A_727 = vector.shape_cast %swap3A_726 : vector<1x16xf32> to vector<16xf32>
        %swap3A_728 = vector.shape_cast %mul3A_723 : vector<16xf32> to vector<1x16xf32>
        tpu.vector_store %arg6[%swap3A_724, %swap3A_725], %swap3A_728 {strides = array<i32>} : memref<128x128xf32, #tpu.memory_space<vmem>>, vector<1x16xf32>,
        %mul3A_729 = arith.constant 2 : i32
        %mul3A_730 = arith.muli %mul3A_729, %scan3A_650 : i32
        %add3A_731 = arith.constant 0 : i32
        %add3A_732 = arith.addi %mul3A_730, %add3A_731 : i32
        %get3A_733 = arith.index_cast %add3A_732 : i32 to index
        %get3A_734 = arith.constant 80 : index
        %get3A_735 = tpu.vector_load %arg6[%get3A_733, %get3A_734] {strides = array<i32>} : memref<128x128xf32, #tpu.memory_space<vmem>>, vector<1x16xf32>,
        %get3A_736 = vector.shape_cast %get3A_735 : vector<1x16xf32> to vector<16xf32>
        %mul3A_737 = arith.constant 11.3137083 : f32
        %mul3A_738 = vector.broadcast %mul3A_737 : f32 to vector<16xf32>
        %mul3A_739 = arith.mulf %get3A_736, %mul3A_738 : vector<16xf32>
        %swap3A_740 = arith.index_cast %add3A_732 : i32 to index
        %swap3A_741 = arith.constant 80 : index
        %swap3A_742 = tpu.vector_load %arg6[%swap3A_740, %swap3A_741] {strides = array<i32>} : memref<128x128xf32, #tpu.memory_space<vmem>>, vector<1x16xf32>,
        %swap3A_743 = vector.shape_cast %swap3A_742 : vector<1x16xf32> to vector<16xf32>
        %swap3A_744 = vector.shape_cast %mul3A_739 : vector<16xf32> to vector<1x16xf32>
        tpu.vector_store %arg6[%swap3A_740, %swap3A_741], %swap3A_744 {strides = array<i32>} : memref<128x128xf32, #tpu.memory_space<vmem>>, vector<1x16xf32>,
        %mul3A_745 = arith.constant 2 : i32
        %mul3A_746 = arith.muli %mul3A_745, %scan3A_650 : i32
        %add3A_747 = arith.constant 0 : i32
        %add3A_748 = arith.addi %mul3A_746, %add3A_747 : i32
        %get3A_749 = arith.index_cast %add3A_748 : i32 to index
        %get3A_750 = arith.constant 96 : index
        %get3A_751 = tpu.vector_load %arg6[%get3A_749, %get3A_750] {strides = array<i32>} : memref<128x128xf32, #tpu.memory_space<vmem>>, vector<1x16xf32>,
        %get3A_752 = vector.shape_cast %get3A_751 : vector<1x16xf32> to vector<16xf32>
        %mul3A_753 = arith.constant 11.3137083 : f32
        %mul3A_754 = vector.broadcast %mul3A_753 : f32 to vector<16xf32>
        %mul3A_755 = arith.mulf %get3A_752, %mul3A_754 : vector<16xf32>
        %swap3A_756 = arith.index_cast %add3A_748 : i32 to index
        %swap3A_757 = arith.constant 96 : index
        %swap3A_758 = tpu.vector_load %arg6[%swap3A_756, %swap3A_757] {strides = array<i32>} : memref<128x128xf32, #tpu.memory_space<vmem>>, vector<1x16xf32>,
        %swap3A_759 = vector.shape_cast %swap3A_758 : vector<1x16xf32> to vector<16xf32>
        %swap3A_760 = vector.shape_cast %mul3A_755 : vector<16xf32> to vector<1x16xf32>
        tpu.vector_store %arg6[%swap3A_756, %swap3A_757], %swap3A_760 {strides = array<i32>} : memref<128x128xf32, #tpu.memory_space<vmem>>, vector<1x16xf32>,
        %mul3A_761 = arith.constant 2 : i32
        %mul3A_762 = arith.muli %mul3A_761, %scan3A_650 : i32
        %add3A_763 = arith.constant 0 : i32
        %add3A_764 = arith.addi %mul3A_762, %add3A_763 : i32
        %get3A_765 = arith.index_cast %add3A_764 : i32 to index
        %get3A_766 = arith.constant 112 : index
        %get3A_767 = tpu.vector_load %arg6[%get3A_765, %get3A_766] {strides = array<i32>} : memref<128x128xf32, #tpu.memory_space<vmem>>, vector<1x16xf32>,
        %get3A_768 = vector.shape_cast %get3A_767 : vector<1x16xf32> to vector<16xf32>
        %mul3A_769 = arith.constant 11.3137083 : f32
        %mul3A_770 = vector.broadcast %mul3A_769 : f32 to vector<16xf32>
        %mul3A_771 = arith.mulf %get3A_768, %mul3A_770 : vector<16xf32>
        %swap3A_772 = arith.index_cast %add3A_764 : i32 to index
        %swap3A_773 = arith.constant 112 : index
        %swap3A_774 = tpu.vector_load %arg6[%swap3A_772, %swap3A_773] {strides = array<i32>} : memref<128x128xf32, #tpu.memory_space<vmem>>, vector<1x16xf32>,
        %swap3A_775 = vector.shape_cast %swap3A_774 : vector<1x16xf32> to vector<16xf32>
        %swap3A_776 = vector.shape_cast %mul3A_771 : vector<16xf32> to vector<1x16xf32>
        tpu.vector_store %arg6[%swap3A_772, %swap3A_773], %swap3A_776 {strides = array<i32>} : memref<128x128xf32, #tpu.memory_space<vmem>>, vector<1x16xf32>,
        %mul3A_777 = arith.constant 2 : i32
        %mul3A_778 = arith.muli %mul3A_777, %scan3A_650 : i32
        %add3A_779 = arith.constant 1 : i32
        %add3A_780 = arith.addi %mul3A_778, %add3A_779 : i32
        %get3A_781 = arith.index_cast %add3A_780 : i32 to index
        %get3A_782 = arith.constant 0 : index
        %get3A_783 = tpu.vector_load %arg6[%get3A_781, %get3A_782] {strides = array<i32>} : memref<128x128xf32, #tpu.memory_space<vmem>>, vector<1x16xf32>,
        %get3A_784 = vector.shape_cast %get3A_783 : vector<1x16xf32> to vector<16xf32>
        %mul3A_785 = arith.constant 11.3137083 : f32
        %mul3A_786 = vector.broadcast %mul3A_785 : f32 to vector<16xf32>
        %mul3A_787 = arith.mulf %get3A_784, %mul3A_786 : vector<16xf32>
        %swap3A_788 = arith.index_cast %add3A_780 : i32 to index
        %swap3A_789 = arith.constant 0 : index
        %swap3A_790 = tpu.vector_load %arg6[%swap3A_788, %swap3A_789] {strides = array<i32>} : memref<128x128xf32, #tpu.memory_space<vmem>>, vector<1x16xf32>,
        %swap3A_791 = vector.shape_cast %swap3A_790 : vector<1x16xf32> to vector<16xf32>
        %swap3A_792 = vector.shape_cast %mul3A_787 : vector<16xf32> to vector<1x16xf32>
        tpu.vector_store %arg6[%swap3A_788, %swap3A_789], %swap3A_792 {strides = array<i32>} : memref<128x128xf32, #tpu.memory_space<vmem>>, vector<1x16xf32>,
        %mul3A_793 = arith.constant 2 : i32
        %mul3A_794 = arith.muli %mul3A_793, %scan3A_650 : i32
        %add3A_795 = arith.constant 1 : i32
        %add3A_796 = arith.addi %mul3A_794, %add3A_795 : i32
        %get3A_797 = arith.index_cast %add3A_796 : i32 to index
        %get3A_798 = arith.constant 16 : index
        %get3A_799 = tpu.vector_load %arg6[%get3A_797, %get3A_798] {strides = array<i32>} : memref<128x128xf32, #tpu.memory_space<vmem>>, vector<1x16xf32>,
        %get3A_800 = vector.shape_cast %get3A_799 : vector<1x16xf32> to vector<16xf32>
        %mul3A_801 = arith.constant 11.3137083 : f32
        %mul3A_802 = vector.broadcast %mul3A_801 : f32 to vector<16xf32>
        %mul3A_803 = arith.mulf %get3A_800, %mul3A_802 : vector<16xf32>
        %swap3A_804 = arith.index_cast %add3A_796 : i32 to index
        %swap3A_805 = arith.constant 16 : index
        %swap3A_806 = tpu.vector_load %arg6[%swap3A_804, %swap3A_805] {strides = array<i32>} : memref<128x128xf32, #tpu.memory_space<vmem>>, vector<1x16xf32>,
        %swap3A_807 = vector.shape_cast %swap3A_806 : vector<1x16xf32> to vector<16xf32>
        %swap3A_808 = vector.shape_cast %mul3A_803 : vector<16xf32> to vector<1x16xf32>
        tpu.vector_store %arg6[%swap3A_804, %swap3A_805], %swap3A_808 {strides = array<i32>} : memref<128x128xf32, #tpu.memory_space<vmem>>, vector<1x16xf32>,
        %mul3A_809 = arith.constant 2 : i32
        %mul3A_810 = arith.muli %mul3A_809, %scan3A_650 : i32
        %add3A_811 = arith.constant 1 : i32
        %add3A_812 = arith.addi %mul3A_810, %add3A_811 : i32
        %get3A_813 = arith.index_cast %add3A_812 : i32 to index
        %get3A_814 = arith.constant 32 : index
        %get3A_815 = tpu.vector_load %arg6[%get3A_813, %get3A_814] {strides = array<i32>} : memref<128x128xf32, #tpu.memory_space<vmem>>, vector<1x16xf32>,
        %get3A_816 = vector.shape_cast %get3A_815 : vector<1x16xf32> to vector<16xf32>
        %mul3A_817 = arith.constant 11.3137083 : f32
        %mul3A_818 = vector.broadcast %mul3A_817 : f32 to vector<16xf32>
        %mul3A_819 = arith.mulf %get3A_816, %mul3A_818 : vector<16xf32>
        %swap3A_820 = arith.index_cast %add3A_812 : i32 to index
        %swap3A_821 = arith.constant 32 : index
        %swap3A_822 = tpu.vector_load %arg6[%swap3A_820, %swap3A_821] {strides = array<i32>} : memref<128x128xf32, #tpu.memory_space<vmem>>, vector<1x16xf32>,
        %swap3A_823 = vector.shape_cast %swap3A_822 : vector<1x16xf32> to vector<16xf32>
        %swap3A_824 = vector.shape_cast %mul3A_819 : vector<16xf32> to vector<1x16xf32>
        tpu.vector_store %arg6[%swap3A_820, %swap3A_821], %swap3A_824 {strides = array<i32>} : memref<128x128xf32, #tpu.memory_space<vmem>>, vector<1x16xf32>,
        %mul3A_825 = arith.constant 2 : i32
        %mul3A_826 = arith.muli %mul3A_825, %scan3A_650 : i32
        %add3A_827 = arith.constant 1 : i32
        %add3A_828 = arith.addi %mul3A_826, %add3A_827 : i32
        %get3A_829 = arith.index_cast %add3A_828 : i32 to index
        %get3A_830 = arith.constant 48 : index
        %get3A_831 = tpu.vector_load %arg6[%get3A_829, %get3A_830] {strides = array<i32>} : memref<128x128xf32, #tpu.memory_space<vmem>>, vector<1x16xf32>,
        %get3A_832 = vector.shape_cast %get3A_831 : vector<1x16xf32> to vector<16xf32>
        %mul3A_833 = arith.constant 11.3137083 : f32
        %mul3A_834 = vector.broadcast %mul3A_833 : f32 to vector<16xf32>
        %mul3A_835 = arith.mulf %get3A_832, %mul3A_834 : vector<16xf32>
        %swap3A_836 = arith.index_cast %add3A_828 : i32 to index
        %swap3A_837 = arith.constant 48 : index
        %swap3A_838 = tpu.vector_load %arg6[%swap3A_836, %swap3A_837] {strides = array<i32>} : memref<128x128xf32, #tpu.memory_space<vmem>>, vector<1x16xf32>,
        %swap3A_839 = vector.shape_cast %swap3A_838 : vector<1x16xf32> to vector<16xf32>
        %swap3A_840 = vector.shape_cast %mul3A_835 : vector<16xf32> to vector<1x16xf32>
        tpu.vector_store %arg6[%swap3A_836, %swap3A_837], %swap3A_840 {strides = array<i32>} : memref<128x128xf32, #tpu.memory_space<vmem>>, vector<1x16xf32>,
        %mul3A_841 = arith.constant 2 : i32
        %mul3A_842 = arith.muli %mul3A_841, %scan3A_650 : i32
        %add3A_843 = arith.constant 1 : i32
        %add3A_844 = arith.addi %mul3A_842, %add3A_843 : i32
        %get3A_845 = arith.index_cast %add3A_844 : i32 to index
        %get3A_846 = arith.constant 64 : index
        %get3A_847 = tpu.vector_load %arg6[%get3A_845, %get3A_846] {strides = array<i32>} : memref<128x128xf32, #tpu.memory_space<vmem>>, vector<1x16xf32>,
        %get3A_848 = vector.shape_cast %get3A_847 : vector<1x16xf32> to vector<16xf32>
        %mul3A_849 = arith.constant 11.3137083 : f32
        %mul3A_850 = vector.broadcast %mul3A_849 : f32 to vector<16xf32>
        %mul3A_851 = arith.mulf %get3A_848, %mul3A_850 : vector<16xf32>
        %swap3A_852 = arith.index_cast %add3A_844 : i32 to index
        %swap3A_853 = arith.constant 64 : index
        %swap3A_854 = tpu.vector_load %arg6[%swap3A_852, %swap3A_853] {strides = array<i32>} : memref<128x128xf32, #tpu.memory_space<vmem>>, vector<1x16xf32>,
        %swap3A_855 = vector.shape_cast %swap3A_854 : vector<1x16xf32> to vector<16xf32>
        %swap3A_856 = vector.shape_cast %mul3A_851 : vector<16xf32> to vector<1x16xf32>
        tpu.vector_store %arg6[%swap3A_852, %swap3A_853], %swap3A_856 {strides = array<i32>} : memref<128x128xf32, #tpu.memory_space<vmem>>, vector<1x16xf32>,
        %mul3A_857 = arith.constant 2 : i32
        %mul3A_858 = arith.muli %mul3A_857, %scan3A_650 : i32
        %add3A_859 = arith.constant 1 : i32
        %add3A_860 = arith.addi %mul3A_858, %add3A_859 : i32
        %get3A_861 = arith.index_cast %add3A_860 : i32 to index
        %get3A_862 = arith.constant 80 : index
        %get3A_863 = tpu.vector_load %arg6[%get3A_861, %get3A_862] {strides = array<i32>} : memref<128x128xf32, #tpu.memory_space<vmem>>, vector<1x16xf32>,
        %get3A_864 = vector.shape_cast %get3A_863 : vector<1x16xf32> to vector<16xf32>
        %mul3A_865 = arith.constant 11.3137083 : f32
        %mul3A_866 = vector.broadcast %mul3A_865 : f32 to vector<16xf32>
        %mul3A_867 = arith.mulf %get3A_864, %mul3A_866 : vector<16xf32>
        %swap3A_868 = arith.index_cast %add3A_860 : i32 to index
        %swap3A_869 = arith.constant 80 : index
        %swap3A_870 = tpu.vector_load %arg6[%swap3A_868, %swap3A_869] {strides = array<i32>} : memref<128x128xf32, #tpu.memory_space<vmem>>, vector<1x16xf32>,
        %swap3A_871 = vector.shape_cast %swap3A_870 : vector<1x16xf32> to vector<16xf32>
        %swap3A_872 = vector.shape_cast %mul3A_867 : vector<16xf32> to vector<1x16xf32>
        tpu.vector_store %arg6[%swap3A_868, %swap3A_869], %swap3A_872 {strides = array<i32>} : memref<128x128xf32, #tpu.memory_space<vmem>>, vector<1x16xf32>,
        %mul3A_873 = arith.constant 2 : i32
        %mul3A_874 = arith.muli %mul3A_873, %scan3A_650 : i32
        %add3A_875 = arith.constant 1 : i32
        %add3A_876 = arith.addi %mul3A_874, %add3A_875 : i32
        %get3A_877 = arith.index_cast %add3A_876 : i32 to index
        %get3A_878 = arith.constant 96 : index
        %get3A_879 = tpu.vector_load %arg6[%get3A_877, %get3A_878] {strides = array<i32>} : memref<128x128xf32, #tpu.memory_space<vmem>>, vector<1x16xf32>,
        %get3A_880 = vector.shape_cast %get3A_879 : vector<1x16xf32> to vector<16xf32>
        %mul3A_881 = arith.constant 11.3137083 : f32
        %mul3A_882 = vector.broadcast %mul3A_881 : f32 to vector<16xf32>
        %mul3A_883 = arith.mulf %get3A_880, %mul3A_882 : vector<16xf32>
        %swap3A_884 = arith.index_cast %add3A_876 : i32 to index
        %swap3A_885 = arith.constant 96 : index
        %swap3A_886 = tpu.vector_load %arg6[%swap3A_884, %swap3A_885] {strides = array<i32>} : memref<128x128xf32, #tpu.memory_space<vmem>>, vector<1x16xf32>,
        %swap3A_887 = vector.shape_cast %swap3A_886 : vector<1x16xf32> to vector<16xf32>
        %swap3A_888 = vector.shape_cast %mul3A_883 : vector<16xf32> to vector<1x16xf32>
        tpu.vector_store %arg6[%swap3A_884, %swap3A_885], %swap3A_888 {strides = array<i32>} : memref<128x128xf32, #tpu.memory_space<vmem>>, vector<1x16xf32>,
        %mul3A_889 = arith.constant 2 : i32
        %mul3A_890 = arith.muli %mul3A_889, %scan3A_650 : i32
        %add3A_891 = arith.constant 1 : i32
        %add3A_892 = arith.addi %mul3A_890, %add3A_891 : i32
        %get3A_893 = arith.index_cast %add3A_892 : i32 to index
        %get3A_894 = arith.constant 112 : index
        %get3A_895 = tpu.vector_load %arg6[%get3A_893, %get3A_894] {strides = array<i32>} : memref<128x128xf32, #tpu.memory_space<vmem>>, vector<1x16xf32>,
        %get3A_896 = vector.shape_cast %get3A_895 : vector<1x16xf32> to vector<16xf32>
        %mul3A_897 = arith.constant 11.3137083 : f32
        %mul3A_898 = vector.broadcast %mul3A_897 : f32 to vector<16xf32>
        %mul3A_899 = arith.mulf %get3A_896, %mul3A_898 : vector<16xf32>
        %swap3A_900 = arith.index_cast %add3A_892 : i32 to index
        %swap3A_901 = arith.constant 112 : index
        %swap3A_902 = tpu.vector_load %arg6[%swap3A_900, %swap3A_901] {strides = array<i32>} : memref<128x128xf32, #tpu.memory_space<vmem>>, vector<1x16xf32>,
        %swap3A_903 = vector.shape_cast %swap3A_902 : vector<1x16xf32> to vector<16xf32>
        %swap3A_904 = vector.shape_cast %mul3A_899 : vector<16xf32> to vector<1x16xf32>
        tpu.vector_store %arg6[%swap3A_900, %swap3A_901], %swap3A_904 {strides = array<i32>} : memref<128x128xf32, #tpu.memory_space<vmem>>, vector<1x16xf32>,
      }
      %scan3A_530 = arith.constant 64 : i32
      %mul3A_531 = arith.constant 128 : i32
      %mul3A_532 = arith.muli %add3A_511, %mul3A_531 : i32
      %add3A_533 = arith.addi %mul3A_2, %mul3A_532 : i32
      %dma_start3A_534 = arith.constant 0 : i32
      %dma_start3A_535 = tpu.memref_slice %arg4[%add3A_533, %dma_start3A_534] : memref<819200x128xf32, #tpu.memory_space<hbm>> -> memref<128x128xf32, #tpu.memory_space<hbm>>
      %dma_start3A_536 = arith.constant 0 : i32
      %dma_start3A_537 = tpu.memref_slice %arg4[%add3A_533, %dma_start3A_536] : memref<819200x128xf32, #tpu.memory_space<hbm>> -> memref<128x128xf32, #tpu.memory_space<hbm>>
      tpu.enqueue_dma source(%arg6 : memref<128x128xf32, #tpu.memory_space<vmem>>) target(%dma_start3A_537 : memref<128x128xf32, #tpu.memory_space<hbm>>) target_semaphore(%arg18 : memref<!tpu.dma_semaphore, #tpu.memory_space<semaphore_mem>>)
      %add3A_538 = arith.constant 7 : i32
      %add3A_539 = arith.addi %mul3A_314, %add3A_538 : i32
      %sub3A_540 = arith.constant 3 : i32
      %sub3A_541 = arith.subi %add3A_539, %sub3A_540 : i32
      %mul3A_542 = arith.constant 128 : i32
      %mul3A_543 = arith.muli %sub3A_541, %mul3A_542 : i32
      %add3A_544 = arith.addi %mul3A_2, %mul3A_543 : i32
      %dma_wait3A_545 = arith.constant 0 : i32
      %dma_wait3A_546 = tpu.memref_slice %arg4[%add3A_544, %dma_wait3A_545] : memref<819200x128xf32, #tpu.memory_space<hbm>> -> memref<128x128xf32, #tpu.memory_space<hbm>>
      %dma_wait3A_547 = arith.constant 0 : i32
      %dma_wait3A_548 = tpu.memref_slice %arg4[%add3A_544, %dma_wait3A_547] : memref<819200x128xf32, #tpu.memory_space<hbm>> -> memref<128x128xf32, #tpu.memory_space<hbm>>
      tpu.wait_dma2 semaphore(%arg22 : memref<!tpu.dma_semaphore, #tpu.memory_space<semaphore_mem>>) src(%arg10 : memref<128x128xf32, #tpu.memory_space<vmem>>) dst(%dma_wait3A_548 : memref<128x128xf32, #tpu.memory_space<hbm>>)
      %add3A_549 = arith.constant 7 : i32
      %add3A_550 = arith.addi %mul3A_314, %add3A_549 : i32
      %add3A_551 = arith.constant 3 : i32
      %add3A_552 = arith.addi %add3A_550, %add3A_551 : i32
      %mul3A_553 = arith.constant 1 : i32
      %mul3A_554 = arith.muli %add3A_552, %mul3A_553 : i32
      %add3A_555 = arith.constant 0 : i32
      %add3A_556 = arith.addi %mul3A_554, %add3A_555 : i32
      %dma_start3A_557 = arith.constant 0 : i32
      %dma_start3A_558 = arith.constant 0 : i32
      %dma_start3A_559 = tpu.memref_slice %arg10[%dma_start3A_557, %dma_start3A_558] : memref<128x128xf32, #tpu.memory_space<vmem>> -> memref<128x128xf32, #tpu.memory_space<vmem>>
      %dma_start3A_560 = arith.constant 0 : i32
      %dma_start3A_561 = tpu.memref_slice %arg5[%add3A_556, %dma_start3A_560] : memref<200x128xi32, #tpu.memory_space<vmem>> -> memref<1x128xi32, #tpu.memory_space<vmem>>
      %dma_start3A_562 = tpu.memref_squeeze %dma_start3A_561 : memref<1x128xi32, #tpu.memory_space<vmem>> -> memref<128xi32, #tpu.memory_space<vmem>>
      %dma_start3A_563 = arith.constant 0 : i32
      %dma_start3A_564 = arith.constant 0 : i32
      %dma_start3A_565 = tpu.memref_slice %arg3[%dma_start3A_563, %dma_start3A_564] : memref<100000x128xf32, #tpu.memory_space<hbm>> -> memref<100000x128xf32, #tpu.memory_space<hbm>>
      tpu.enqueue_indirect_dma source(%dma_start3A_565 : memref<100000x128xf32, #tpu.memory_space<hbm>>) target(%dma_start3A_559 : memref<128x128xf32, #tpu.memory_space<vmem>>) offsets(%dma_start3A_562 : memref<128xi32, #tpu.memory_space<vmem>>) semaphore(%arg16 : memref<!tpu.dma_semaphore, #tpu.memory_space<semaphore_mem>>)
      %add3A_566 = arith.constant 7 : i32
      %add3A_567 = arith.addi %mul3A_314, %add3A_566 : i32
      %mul3A_568 = arith.constant 1 : i32
      %mul3A_569 = arith.muli %add3A_567, %mul3A_568 : i32
      %add3A_570 = arith.constant 0 : i32
      %add3A_571 = arith.addi %mul3A_569, %add3A_570 : i32
      %dma_wait3A_572 = arith.constant 0 : i32
      %dma_wait3A_573 = arith.constant 0 : i32
      %dma_wait3A_574 = tpu.memref_slice %arg7[%dma_wait3A_572, %dma_wait3A_573] : memref<128x128xf32, #tpu.memory_space<vmem>> -> memref<128x128xf32, #tpu.memory_space<vmem>>
      %dma_wait3A_575 = arith.constant 0 : i32
      %dma_wait3A_576 = tpu.memref_slice %arg5[%add3A_571, %dma_wait3A_575] : memref<200x128xi32, #tpu.memory_space<vmem>> -> memref<1x128xi32, #tpu.memory_space<vmem>>
      %dma_wait3A_577 = tpu.memref_squeeze %dma_wait3A_576 : memref<1x128xi32, #tpu.memory_space<vmem>> -> memref<128xi32, #tpu.memory_space<vmem>>
      %dma_wait3A_578 = arith.constant 0 : i32
      %dma_wait3A_579 = arith.constant 0 : i32
      %dma_wait3A_580 = tpu.memref_slice %arg3[%dma_wait3A_578, %dma_wait3A_579] : memref<100000x128xf32, #tpu.memory_space<hbm>> -> memref<100000x128xf32, #tpu.memory_space<hbm>>
      tpu.wait_indirect_dma semaphore(%arg13 : memref<!tpu.dma_semaphore, #tpu.memory_space<semaphore_mem>>) src(%dma_wait3A_580 : memref<100000x128xf32, #tpu.memory_space<hbm>>) dst(%dma_wait3A_574 : memref<128x128xf32, #tpu.memory_space<vmem>>)
      %scan3A_581 = arith.constant 0 : i32
      %scan3A_582 = arith.constant 0 : i32
      %scan3A_583 = arith.constant 64 : i32
      %scan3A_584 = arith.addi %scan3A_582, %scan3A_583 : i32
      %scan3A_585 = arith.constant 1 : i32
      scf.for %scan3A_650 = %scan3A_582 to %scan3A_584 step %scan3A_585  : i32 {
        %mul3A_651 = arith.constant 2 : i32
        %mul3A_652 = arith.muli %mul3A_651, %scan3A_650 : i32
        %add3A_653 = arith.constant 0 : i32
        %add3A_654 = arith.addi %mul3A_652, %add3A_653 : i32
        %get3A = arith.index_cast %add3A_654 : i32 to index
        %get3A_655 = arith.constant 0 : index
        %get3A_656 = tpu.vector_load %arg7[%get3A, %get3A_655] {strides = array<i32>} : memref<128x128xf32, #tpu.memory_space<vmem>>, vector<1x16xf32>,
        %get3A_657 = vector.shape_cast %get3A_656 : vector<1x16xf32> to vector<16xf32>
        %mul3A_658 = arith.constant 11.3137083 : f32
        %mul3A_659 = vector.broadcast %mul3A_658 : f32 to vector<16xf32>
        %mul3A_660 = arith.mulf %get3A_657, %mul3A_659 : vector<16xf32>
        %swap3A = arith.index_cast %add3A_654 : i32 to index
        %swap3A_661 = arith.constant 0 : index
        %swap3A_662 = tpu.vector_load %arg7[%swap3A, %swap3A_661] {strides = array<i32>} : memref<128x128xf32, #tpu.memory_space<vmem>>, vector<1x16xf32>,
        %swap3A_663 = vector.shape_cast %swap3A_662 : vector<1x16xf32> to vector<16xf32>
        %swap3A_664 = vector.shape_cast %mul3A_660 : vector<16xf32> to vector<1x16xf32>
        tpu.vector_store %arg7[%swap3A, %swap3A_661], %swap3A_664 {strides = array<i32>} : memref<128x128xf32, #tpu.memory_space<vmem>>, vector<1x16xf32>,
        %mul3A_665 = arith.constant 2 : i32
        %mul3A_666 = arith.muli %mul3A_665, %scan3A_650 : i32
        %add3A_667 = arith.constant 0 : i32
        %add3A_668 = arith.addi %mul3A_666, %add3A_667 : i32
        %get3A_669 = arith.index_cast %add3A_668 : i32 to index
        %get3A_670 = arith.constant 16 : index
        %get3A_671 = tpu.vector_load %arg7[%get3A_669, %get3A_670] {strides = array<i32>} : memref<128x128xf32, #tpu.memory_space<vmem>>, vector<1x16xf32>,
        %get3A_672 = vector.shape_cast %get3A_671 : vector<1x16xf32> to vector<16xf32>
        %mul3A_673 = arith.constant 11.3137083 : f32
        %mul3A_674 = vector.broadcast %mul3A_673 : f32 to vector<16xf32>
        %mul3A_675 = arith.mulf %get3A_672, %mul3A_674 : vector<16xf32>
        %swap3A_676 = arith.index_cast %add3A_668 : i32 to index
        %swap3A_677 = arith.constant 16 : index
        %swap3A_678 = tpu.vector_load %arg7[%swap3A_676, %swap3A_677] {strides = array<i32>} : memref<128x128xf32, #tpu.memory_space<vmem>>, vector<1x16xf32>,
        %swap3A_679 = vector.shape_cast %swap3A_678 : vector<1x16xf32> to vector<16xf32>
        %swap3A_680 = vector.shape_cast %mul3A_675 : vector<16xf32> to vector<1x16xf32>
        tpu.vector_store %arg7[%swap3A_676, %swap3A_677], %swap3A_680 {strides = array<i32>} : memref<128x128xf32, #tpu.memory_space<vmem>>, vector<1x16xf32>,
        %mul3A_681 = arith.constant 2 : i32
        %mul3A_682 = arith.muli %mul3A_681, %scan3A_650 : i32
        %add3A_683 = arith.constant 0 : i32
        %add3A_684 = arith.addi %mul3A_682, %add3A_683 : i32
        %get3A_685 = arith.index_cast %add3A_684 : i32 to index
        %get3A_686 = arith.constant 32 : index
        %get3A_687 = tpu.vector_load %arg7[%get3A_685, %get3A_686] {strides = array<i32>} : memref<128x128xf32, #tpu.memory_space<vmem>>, vector<1x16xf32>,
        %get3A_688 = vector.shape_cast %get3A_687 : vector<1x16xf32> to vector<16xf32>
        %mul3A_689 = arith.constant 11.3137083 : f32
        %mul3A_690 = vector.broadcast %mul3A_689 : f32 to vector<16xf32>
        %mul3A_691 = arith.mulf %get3A_688, %mul3A_690 : vector<16xf32>
        %swap3A_692 = arith.index_cast %add3A_684 : i32 to index
        %swap3A_693 = arith.constant 32 : index
        %swap3A_694 = tpu.vector_load %arg7[%swap3A_692, %swap3A_693] {strides = array<i32>} : memref<128x128xf32, #tpu.memory_space<vmem>>, vector<1x16xf32>,
        %swap3A_695 = vector.shape_cast %swap3A_694 : vector<1x16xf32> to vector<16xf32>
        %swap3A_696 = vector.shape_cast %mul3A_691 : vector<16xf32> to vector<1x16xf32>
        tpu.vector_store %arg7[%swap3A_692, %swap3A_693], %swap3A_696 {strides = array<i32>} : memref<128x128xf32, #tpu.memory_space<vmem>>, vector<1x16xf32>,
        %mul3A_697 = arith.constant 2 : i32
        %mul3A_698 = arith.muli %mul3A_697, %scan3A_650 : i32
        %add3A_699 = arith.constant 0 : i32
        %add3A_700 = arith.addi %mul3A_698, %add3A_699 : i32
        %get3A_701 = arith.index_cast %add3A_700 : i32 to index
        %get3A_702 = arith.constant 48 : index
        %get3A_703 = tpu.vector_load %arg7[%get3A_701, %get3A_702] {strides = array<i32>} : memref<128x128xf32, #tpu.memory_space<vmem>>, vector<1x16xf32>,
        %get3A_704 = vector.shape_cast %get3A_703 : vector<1x16xf32> to vector<16xf32>
        %mul3A_705 = arith.constant 11.3137083 : f32
        %mul3A_706 = vector.broadcast %mul3A_705 : f32 to vector<16xf32>
        %mul3A_707 = arith.mulf %get3A_704, %mul3A_706 : vector<16xf32>
        %swap3A_708 = arith.index_cast %add3A_700 : i32 to index
        %swap3A_709 = arith.constant 48 : index
        %swap3A_710 = tpu.vector_load %arg7[%swap3A_708, %swap3A_709] {strides = array<i32>} : memref<128x128xf32, #tpu.memory_space<vmem>>, vector<1x16xf32>,
        %swap3A_711 = vector.shape_cast %swap3A_710 : vector<1x16xf32> to vector<16xf32>
        %swap3A_712 = vector.shape_cast %mul3A_707 : vector<16xf32> to vector<1x16xf32>
        tpu.vector_store %arg7[%swap3A_708, %swap3A_709], %swap3A_712 {strides = array<i32>} : memref<128x128xf32, #tpu.memory_space<vmem>>, vector<1x16xf32>,
        %mul3A_713 = arith.constant 2 : i32
        %mul3A_714 = arith.muli %mul3A_713, %scan3A_650 : i32
        %add3A_715 = arith.constant 0 : i32
        %add3A_716 = arith.addi %mul3A_714, %add3A_715 : i32
        %get3A_717 = arith.index_cast %add3A_716 : i32 to index
        %get3A_718 = arith.constant 64 : index
        %get3A_719 = tpu.vector_load %arg7[%get3A_717, %get3A_718] {strides = array<i32>} : memref<128x128xf32, #tpu.memory_space<vmem>>, vector<1x16xf32>,
        %get3A_720 = vector.shape_cast %get3A_719 : vector<1x16xf32> to vector<16xf32>
        %mul3A_721 = arith.constant 11.3137083 : f32
        %mul3A_722 = vector.broadcast %mul3A_721 : f32 to vector<16xf32>
        %mul3A_723 = arith.mulf %get3A_720, %mul3A_722 : vector<16xf32>
        %swap3A_724 = arith.index_cast %add3A_716 : i32 to index
        %swap3A_725 = arith.constant 64 : index
        %swap3A_726 = tpu.vector_load %arg7[%swap3A_724, %swap3A_725] {strides = array<i32>} : memref<128x128xf32, #tpu.memory_space<vmem>>, vector<1x16xf32>,
        %swap3A_727 = vector.shape_cast %swap3A_726 : vector<1x16xf32> to vector<16xf32>
        %swap3A_728 = vector.shape_cast %mul3A_723 : vector<16xf32> to vector<1x16xf32>
        tpu.vector_store %arg7[%swap3A_724, %swap3A_725], %swap3A_728 {strides = array<i32>} : memref<128x128xf32, #tpu.memory_space<vmem>>, vector<1x16xf32>,
        %mul3A_729 = arith.constant 2 : i32
        %mul3A_730 = arith.muli %mul3A_729, %scan3A_650 : i32
        %add3A_731 = arith.constant 0 : i32
        %add3A_732 = arith.addi %mul3A_730, %add3A_731 : i32
        %get3A_733 = arith.index_cast %add3A_732 : i32 to index
        %get3A_734 = arith.constant 80 : index
        %get3A_735 = tpu.vector_load %arg7[%get3A_733, %get3A_734] {strides = array<i32>} : memref<128x128xf32, #tpu.memory_space<vmem>>, vector<1x16xf32>,
        %get3A_736 = vector.shape_cast %get3A_735 : vector<1x16xf32> to vector<16xf32>
        %mul3A_737 = arith.constant 11.3137083 : f32
        %mul3A_738 = vector.broadcast %mul3A_737 : f32 to vector<16xf32>
        %mul3A_739 = arith.mulf %get3A_736, %mul3A_738 : vector<16xf32>
        %swap3A_740 = arith.index_cast %add3A_732 : i32 to index
        %swap3A_741 = arith.constant 80 : index
        %swap3A_742 = tpu.vector_load %arg7[%swap3A_740, %swap3A_741] {strides = array<i32>} : memref<128x128xf32, #tpu.memory_space<vmem>>, vector<1x16xf32>,
        %swap3A_743 = vector.shape_cast %swap3A_742 : vector<1x16xf32> to vector<16xf32>
        %swap3A_744 = vector.shape_cast %mul3A_739 : vector<16xf32> to vector<1x16xf32>
        tpu.vector_store %arg7[%swap3A_740, %swap3A_741], %swap3A_744 {strides = array<i32>} : memref<128x128xf32, #tpu.memory_space<vmem>>, vector<1x16xf32>,
        %mul3A_745 = arith.constant 2 : i32
        %mul3A_746 = arith.muli %mul3A_745, %scan3A_650 : i32
        %add3A_747 = arith.constant 0 : i32
        %add3A_748 = arith.addi %mul3A_746, %add3A_747 : i32
        %get3A_749 = arith.index_cast %add3A_748 : i32 to index
        %get3A_750 = arith.constant 96 : index
        %get3A_751 = tpu.vector_load %arg7[%get3A_749, %get3A_750] {strides = array<i32>} : memref<128x128xf32, #tpu.memory_space<vmem>>, vector<1x16xf32>,
        %get3A_752 = vector.shape_cast %get3A_751 : vector<1x16xf32> to vector<16xf32>
        %mul3A_753 = arith.constant 11.3137083 : f32
        %mul3A_754 = vector.broadcast %mul3A_753 : f32 to vector<16xf32>
        %mul3A_755 = arith.mulf %get3A_752, %mul3A_754 : vector<16xf32>
        %swap3A_756 = arith.index_cast %add3A_748 : i32 to index
        %swap3A_757 = arith.constant 96 : index
        %swap3A_758 = tpu.vector_load %arg7[%swap3A_756, %swap3A_757] {strides = array<i32>} : memref<128x128xf32, #tpu.memory_space<vmem>>, vector<1x16xf32>,
        %swap3A_759 = vector.shape_cast %swap3A_758 : vector<1x16xf32> to vector<16xf32>
        %swap3A_760 = vector.shape_cast %mul3A_755 : vector<16xf32> to vector<1x16xf32>
        tpu.vector_store %arg7[%swap3A_756, %swap3A_757], %swap3A_760 {strides = array<i32>} : memref<128x128xf32, #tpu.memory_space<vmem>>, vector<1x16xf32>,
        %mul3A_761 = arith.constant 2 : i32
        %mul3A_762 = arith.muli %mul3A_761, %scan3A_650 : i32
        %add3A_763 = arith.constant 0 : i32
        %add3A_764 = arith.addi %mul3A_762, %add3A_763 : i32
        %get3A_765 = arith.index_cast %add3A_764 : i32 to index
        %get3A_766 = arith.constant 112 : index
        %get3A_767 = tpu.vector_load %arg7[%get3A_765, %get3A_766] {strides = array<i32>} : memref<128x128xf32, #tpu.memory_space<vmem>>, vector<1x16xf32>,
        %get3A_768 = vector.shape_cast %get3A_767 : vector<1x16xf32> to vector<16xf32>
        %mul3A_769 = arith.constant 11.3137083 : f32
        %mul3A_770 = vector.broadcast %mul3A_769 : f32 to vector<16xf32>
        %mul3A_771 = arith.mulf %get3A_768, %mul3A_770 : vector<16xf32>
        %swap3A_772 = arith.index_cast %add3A_764 : i32 to index
        %swap3A_773 = arith.constant 112 : index
        %swap3A_774 = tpu.vector_load %arg7[%swap3A_772, %swap3A_773] {strides = array<i32>} : memref<128x128xf32, #tpu.memory_space<vmem>>, vector<1x16xf32>,
        %swap3A_775 = vector.shape_cast %swap3A_774 : vector<1x16xf32> to vector<16xf32>
        %swap3A_776 = vector.shape_cast %mul3A_771 : vector<16xf32> to vector<1x16xf32>
        tpu.vector_store %arg7[%swap3A_772, %swap3A_773], %swap3A_776 {strides = array<i32>} : memref<128x128xf32, #tpu.memory_space<vmem>>, vector<1x16xf32>,
        %mul3A_777 = arith.constant 2 : i32
        %mul3A_778 = arith.muli %mul3A_777, %scan3A_650 : i32
        %add3A_779 = arith.constant 1 : i32
        %add3A_780 = arith.addi %mul3A_778, %add3A_779 : i32
        %get3A_781 = arith.index_cast %add3A_780 : i32 to index
        %get3A_782 = arith.constant 0 : index
        %get3A_783 = tpu.vector_load %arg7[%get3A_781, %get3A_782] {strides = array<i32>} : memref<128x128xf32, #tpu.memory_space<vmem>>, vector<1x16xf32>,
        %get3A_784 = vector.shape_cast %get3A_783 : vector<1x16xf32> to vector<16xf32>
        %mul3A_785 = arith.constant 11.3137083 : f32
        %mul3A_786 = vector.broadcast %mul3A_785 : f32 to vector<16xf32>
        %mul3A_787 = arith.mulf %get3A_784, %mul3A_786 : vector<16xf32>
        %swap3A_788 = arith.index_cast %add3A_780 : i32 to index
        %swap3A_789 = arith.constant 0 : index
        %swap3A_790 = tpu.vector_load %arg7[%swap3A_788, %swap3A_789] {strides = array<i32>} : memref<128x128xf32, #tpu.memory_space<vmem>>, vector<1x16xf32>,
        %swap3A_791 = vector.shape_cast %swap3A_790 : vector<1x16xf32> to vector<16xf32>
        %swap3A_792 = vector.shape_cast %mul3A_787 : vector<16xf32> to vector<1x16xf32>
        tpu.vector_store %arg7[%swap3A_788, %swap3A_789], %swap3A_792 {strides = array<i32>} : memref<128x128xf32, #tpu.memory_space<vmem>>, vector<1x16xf32>,
        %mul3A_793 = arith.constant 2 : i32
        %mul3A_794 = arith.muli %mul3A_793, %scan3A_650 : i32
        %add3A_795 = arith.constant 1 : i32
        %add3A_796 = arith.addi %mul3A_794, %add3A_795 : i32
        %get3A_797 = arith.index_cast %add3A_796 : i32 to index
        %get3A_798 = arith.constant 16 : index
        %get3A_799 = tpu.vector_load %arg7[%get3A_797, %get3A_798] {strides = array<i32>} : memref<128x128xf32, #tpu.memory_space<vmem>>, vector<1x16xf32>,
        %get3A_800 = vector.shape_cast %get3A_799 : vector<1x16xf32> to vector<16xf32>
        %mul3A_801 = arith.constant 11.3137083 : f32
        %mul3A_802 = vector.broadcast %mul3A_801 : f32 to vector<16xf32>
        %mul3A_803 = arith.mulf %get3A_800, %mul3A_802 : vector<16xf32>
        %swap3A_804 = arith.index_cast %add3A_796 : i32 to index
        %swap3A_805 = arith.constant 16 : index
        %swap3A_806 = tpu.vector_load %arg7[%swap3A_804, %swap3A_805] {strides = array<i32>} : memref<128x128xf32, #tpu.memory_space<vmem>>, vector<1x16xf32>,
        %swap3A_807 = vector.shape_cast %swap3A_806 : vector<1x16xf32> to vector<16xf32>
        %swap3A_808 = vector.shape_cast %mul3A_803 : vector<16xf32> to vector<1x16xf32>
        tpu.vector_store %arg7[%swap3A_804, %swap3A_805], %swap3A_808 {strides = array<i32>} : memref<128x128xf32, #tpu.memory_space<vmem>>, vector<1x16xf32>,
        %mul3A_809 = arith.constant 2 : i32
        %mul3A_810 = arith.muli %mul3A_809, %scan3A_650 : i32
        %add3A_811 = arith.constant 1 : i32
        %add3A_812 = arith.addi %mul3A_810, %add3A_811 : i32
        %get3A_813 = arith.index_cast %add3A_812 : i32 to index
        %get3A_814 = arith.constant 32 : index
        %get3A_815 = tpu.vector_load %arg7[%get3A_813, %get3A_814] {strides = array<i32>} : memref<128x128xf32, #tpu.memory_space<vmem>>, vector<1x16xf32>,
        %get3A_816 = vector.shape_cast %get3A_815 : vector<1x16xf32> to vector<16xf32>
        %mul3A_817 = arith.constant 11.3137083 : f32
        %mul3A_818 = vector.broadcast %mul3A_817 : f32 to vector<16xf32>
        %mul3A_819 = arith.mulf %get3A_816, %mul3A_818 : vector<16xf32>
        %swap3A_820 = arith.index_cast %add3A_812 : i32 to index
        %swap3A_821 = arith.constant 32 : index
        %swap3A_822 = tpu.vector_load %arg7[%swap3A_820, %swap3A_821] {strides = array<i32>} : memref<128x128xf32, #tpu.memory_space<vmem>>, vector<1x16xf32>,
        %swap3A_823 = vector.shape_cast %swap3A_822 : vector<1x16xf32> to vector<16xf32>
        %swap3A_824 = vector.shape_cast %mul3A_819 : vector<16xf32> to vector<1x16xf32>
        tpu.vector_store %arg7[%swap3A_820, %swap3A_821], %swap3A_824 {strides = array<i32>} : memref<128x128xf32, #tpu.memory_space<vmem>>, vector<1x16xf32>,
        %mul3A_825 = arith.constant 2 : i32
        %mul3A_826 = arith.muli %mul3A_825, %scan3A_650 : i32
        %add3A_827 = arith.constant 1 : i32
        %add3A_828 = arith.addi %mul3A_826, %add3A_827 : i32
        %get3A_829 = arith.index_cast %add3A_828 : i32 to index
        %get3A_830 = arith.constant 48 : index
        %get3A_831 = tpu.vector_load %arg7[%get3A_829, %get3A_830] {strides = array<i32>} : memref<128x128xf32, #tpu.memory_space<vmem>>, vector<1x16xf32>,
        %get3A_832 = vector.shape_cast %get3A_831 : vector<1x16xf32> to vector<16xf32>
        %mul3A_833 = arith.constant 11.3137083 : f32
        %mul3A_834 = vector.broadcast %mul3A_833 : f32 to vector<16xf32>
        %mul3A_835 = arith.mulf %get3A_832, %mul3A_834 : vector<16xf32>
        %swap3A_836 = arith.index_cast %add3A_828 : i32 to index
        %swap3A_837 = arith.constant 48 : index
        %swap3A_838 = tpu.vector_load %arg7[%swap3A_836, %swap3A_837] {strides = array<i32>} : memref<128x128xf32, #tpu.memory_space<vmem>>, vector<1x16xf32>,
        %swap3A_839 = vector.shape_cast %swap3A_838 : vector<1x16xf32> to vector<16xf32>
        %swap3A_840 = vector.shape_cast %mul3A_835 : vector<16xf32> to vector<1x16xf32>
        tpu.vector_store %arg7[%swap3A_836, %swap3A_837], %swap3A_840 {strides = array<i32>} : memref<128x128xf32, #tpu.memory_space<vmem>>, vector<1x16xf32>,
        %mul3A_841 = arith.constant 2 : i32
        %mul3A_842 = arith.muli %mul3A_841, %scan3A_650 : i32
        %add3A_843 = arith.constant 1 : i32
        %add3A_844 = arith.addi %mul3A_842, %add3A_843 : i32
        %get3A_845 = arith.index_cast %add3A_844 : i32 to index
        %get3A_846 = arith.constant 64 : index
        %get3A_847 = tpu.vector_load %arg7[%get3A_845, %get3A_846] {strides = array<i32>} : memref<128x128xf32, #tpu.memory_space<vmem>>, vector<1x16xf32>,
        %get3A_848 = vector.shape_cast %get3A_847 : vector<1x16xf32> to vector<16xf32>
        %mul3A_849 = arith.constant 11.3137083 : f32
        %mul3A_850 = vector.broadcast %mul3A_849 : f32 to vector<16xf32>
        %mul3A_851 = arith.mulf %get3A_848, %mul3A_850 : vector<16xf32>
        %swap3A_852 = arith.index_cast %add3A_844 : i32 to index
        %swap3A_853 = arith.constant 64 : index
        %swap3A_854 = tpu.vector_load %arg7[%swap3A_852, %swap3A_853] {strides = array<i32>} : memref<128x128xf32, #tpu.memory_space<vmem>>, vector<1x16xf32>,
        %swap3A_855 = vector.shape_cast %swap3A_854 : vector<1x16xf32> to vector<16xf32>
        %swap3A_856 = vector.shape_cast %mul3A_851 : vector<16xf32> to vector<1x16xf32>
        tpu.vector_store %arg7[%swap3A_852, %swap3A_853], %swap3A_856 {strides = array<i32>} : memref<128x128xf32, #tpu.memory_space<vmem>>, vector<1x16xf32>,
        %mul3A_857 = arith.constant 2 : i32
        %mul3A_858 = arith.muli %mul3A_857, %scan3A_650 : i32
        %add3A_859 = arith.constant 1 : i32
        %add3A_860 = arith.addi %mul3A_858, %add3A_859 : i32
        %get3A_861 = arith.index_cast %add3A_860 : i32 to index
        %get3A_862 = arith.constant 80 : index
        %get3A_863 = tpu.vector_load %arg7[%get3A_861, %get3A_862] {strides = array<i32>} : memref<128x128xf32, #tpu.memory_space<vmem>>, vector<1x16xf32>,
        %get3A_864 = vector.shape_cast %get3A_863 : vector<1x16xf32> to vector<16xf32>
        %mul3A_865 = arith.constant 11.3137083 : f32
        %mul3A_866 = vector.broadcast %mul3A_865 : f32 to vector<16xf32>
        %mul3A_867 = arith.mulf %get3A_864, %mul3A_866 : vector<16xf32>
        %swap3A_868 = arith.index_cast %add3A_860 : i32 to index
        %swap3A_869 = arith.constant 80 : index
        %swap3A_870 = tpu.vector_load %arg7[%swap3A_868, %swap3A_869] {strides = array<i32>} : memref<128x128xf32, #tpu.memory_space<vmem>>, vector<1x16xf32>,
        %swap3A_871 = vector.shape_cast %swap3A_870 : vector<1x16xf32> to vector<16xf32>
        %swap3A_872 = vector.shape_cast %mul3A_867 : vector<16xf32> to vector<1x16xf32>
        tpu.vector_store %arg7[%swap3A_868, %swap3A_869], %swap3A_872 {strides = array<i32>} : memref<128x128xf32, #tpu.memory_space<vmem>>, vector<1x16xf32>,
        %mul3A_873 = arith.constant 2 : i32
        %mul3A_874 = arith.muli %mul3A_873, %scan3A_650 : i32
        %add3A_875 = arith.constant 1 : i32
        %add3A_876 = arith.addi %mul3A_874, %add3A_875 : i32
        %get3A_877 = arith.index_cast %add3A_876 : i32 to index
        %get3A_878 = arith.constant 96 : index
        %get3A_879 = tpu.vector_load %arg7[%get3A_877, %get3A_878] {strides = array<i32>} : memref<128x128xf32, #tpu.memory_space<vmem>>, vector<1x16xf32>,
        %get3A_880 = vector.shape_cast %get3A_879 : vector<1x16xf32> to vector<16xf32>
        %mul3A_881 = arith.constant 11.3137083 : f32
        %mul3A_882 = vector.broadcast %mul3A_881 : f32 to vector<16xf32>
        %mul3A_883 = arith.mulf %get3A_880, %mul3A_882 : vector<16xf32>
        %swap3A_884 = arith.index_cast %add3A_876 : i32 to index
        %swap3A_885 = arith.constant 96 : index
        %swap3A_886 = tpu.vector_load %arg7[%swap3A_884, %swap3A_885] {strides = array<i32>} : memref<128x128xf32, #tpu.memory_space<vmem>>, vector<1x16xf32>,
        %swap3A_887 = vector.shape_cast %swap3A_886 : vector<1x16xf32> to vector<16xf32>
        %swap3A_888 = vector.shape_cast %mul3A_883 : vector<16xf32> to vector<1x16xf32>
        tpu.vector_store %arg7[%swap3A_884, %swap3A_885], %swap3A_888 {strides = array<i32>} : memref<128x128xf32, #tpu.memory_space<vmem>>, vector<1x16xf32>,
        %mul3A_889 = arith.constant 2 : i32
        %mul3A_890 = arith.muli %mul3A_889, %scan3A_650 : i32
        %add3A_891 = arith.constant 1 : i32
        %add3A_892 = arith.addi %mul3A_890, %add3A_891 : i32
        %get3A_893 = arith.index_cast %add3A_892 : i32 to index
        %get3A_894 = arith.constant 112 : index
        %get3A_895 = tpu.vector_load %arg7[%get3A_893, %get3A_894] {strides = array<i32>} : memref<128x128xf32, #tpu.memory_space<vmem>>, vector<1x16xf32>,
        %get3A_896 = vector.shape_cast %get3A_895 : vector<1x16xf32> to vector<16xf32>
        %mul3A_897 = arith.constant 11.3137083 : f32
        %mul3A_898 = vector.broadcast %mul3A_897 : f32 to vector<16xf32>
        %mul3A_899 = arith.mulf %get3A_896, %mul3A_898 : vector<16xf32>
        %swap3A_900 = arith.index_cast %add3A_892 : i32 to index
        %swap3A_901 = arith.constant 112 : index
        %swap3A_902 = tpu.vector_load %arg7[%swap3A_900, %swap3A_901] {strides = array<i32>} : memref<128x128xf32, #tpu.memory_space<vmem>>, vector<1x16xf32>,
        %swap3A_903 = vector.shape_cast %swap3A_902 : vector<1x16xf32> to vector<16xf32>
        %swap3A_904 = vector.shape_cast %mul3A_899 : vector<16xf32> to vector<1x16xf32>
        tpu.vector_store %arg7[%swap3A_900, %swap3A_901], %swap3A_904 {strides = array<i32>} : memref<128x128xf32, #tpu.memory_space<vmem>>, vector<1x16xf32>,
      }
      %scan3A_586 = arith.constant 64 : i32
      %mul3A_587 = arith.constant 128 : i32
      %mul3A_588 = arith.muli %add3A_567, %mul3A_587 : i32
      %add3A_589 = arith.addi %mul3A_2, %mul3A_588 : i32
      %dma_start3A_590 = arith.constant 0 : i32
      %dma_start3A_591 = tpu.memref_slice %arg4[%add3A_589, %dma_start3A_590] : memref<819200x128xf32, #tpu.memory_space<hbm>> -> memref<128x128xf32, #tpu.memory_space<hbm>>
      %dma_start3A_592 = arith.constant 0 : i32
      %dma_start3A_593 = tpu.memref_slice %arg4[%add3A_589, %dma_start3A_592] : memref<819200x128xf32, #tpu.memory_space<hbm>> -> memref<128x128xf32, #tpu.memory_space<hbm>>
      tpu.enqueue_dma source(%arg7 : memref<128x128xf32, #tpu.memory_space<vmem>>) target(%dma_start3A_593 : memref<128x128xf32, #tpu.memory_space<hbm>>) target_semaphore(%arg19 : memref<!tpu.dma_semaphore, #tpu.memory_space<semaphore_mem>>)
      %add3A_594 = arith.constant 8 : i32
      %add3A_595 = arith.addi %mul3A_314, %add3A_594 : i32
      %sub3A_596 = arith.constant 3 : i32
      %sub3A_597 = arith.subi %add3A_595, %sub3A_596 : i32
      %mul3A_598 = arith.constant 128 : i32
      %mul3A_599 = arith.muli %sub3A_597, %mul3A_598 : i32
      %add3A_600 = arith.addi %mul3A_2, %mul3A_599 : i32
      %dma_wait3A_601 = arith.constant 0 : i32
      %dma_wait3A_602 = tpu.memref_slice %arg4[%add3A_600, %dma_wait3A_601] : memref<819200x128xf32, #tpu.memory_space<hbm>> -> memref<128x128xf32, #tpu.memory_space<hbm>>
      %dma_wait3A_603 = arith.constant 0 : i32
      %dma_wait3A_604 = tpu.memref_slice %arg4[%add3A_600, %dma_wait3A_603] : memref<819200x128xf32, #tpu.memory_space<hbm>> -> memref<128x128xf32, #tpu.memory_space<hbm>>
      tpu.wait_dma2 semaphore(%arg23 : memref<!tpu.dma_semaphore, #tpu.memory_space<semaphore_mem>>) src(%arg11 : memref<128x128xf32, #tpu.memory_space<vmem>>) dst(%dma_wait3A_604 : memref<128x128xf32, #tpu.memory_space<hbm>>)
      %add3A_605 = arith.constant 8 : i32
      %add3A_606 = arith.addi %mul3A_314, %add3A_605 : i32
      %add3A_607 = arith.constant 3 : i32
      %add3A_608 = arith.addi %add3A_606, %add3A_607 : i32
      %mul3A_609 = arith.constant 1 : i32
      %mul3A_610 = arith.muli %add3A_608, %mul3A_609 : i32
      %add3A_611 = arith.constant 0 : i32
      %add3A_612 = arith.addi %mul3A_610, %add3A_611 : i32
      %dma_start3A_613 = arith.constant 0 : i32
      %dma_start3A_614 = arith.constant 0 : i32
      %dma_start3A_615 = tpu.memref_slice %arg11[%dma_start3A_613, %dma_start3A_614] : memref<128x128xf32, #tpu.memory_space<vmem>> -> memref<128x128xf32, #tpu.memory_space<vmem>>
      %dma_start3A_616 = arith.constant 0 : i32
      %dma_start3A_617 = tpu.memref_slice %arg5[%add3A_612, %dma_start3A_616] : memref<200x128xi32, #tpu.memory_space<vmem>> -> memref<1x128xi32, #tpu.memory_space<vmem>>
      %dma_start3A_618 = tpu.memref_squeeze %dma_start3A_617 : memref<1x128xi32, #tpu.memory_space<vmem>> -> memref<128xi32, #tpu.memory_space<vmem>>
      %dma_start3A_619 = arith.constant 0 : i32
      %dma_start3A_620 = arith.constant 0 : i32
      %dma_start3A_621 = tpu.memref_slice %arg3[%dma_start3A_619, %dma_start3A_620] : memref<100000x128xf32, #tpu.memory_space<hbm>> -> memref<100000x128xf32, #tpu.memory_space<hbm>>
      tpu.enqueue_indirect_dma source(%dma_start3A_621 : memref<100000x128xf32, #tpu.memory_space<hbm>>) target(%dma_start3A_615 : memref<128x128xf32, #tpu.memory_space<vmem>>) offsets(%dma_start3A_618 : memref<128xi32, #tpu.memory_space<vmem>>) semaphore(%arg17 : memref<!tpu.dma_semaphore, #tpu.memory_space<semaphore_mem>>)
      %add3A_622 = arith.constant 8 : i32
      %add3A_623 = arith.addi %mul3A_314, %add3A_622 : i32
      %mul3A_624 = arith.constant 1 : i32
      %mul3A_625 = arith.muli %add3A_623, %mul3A_624 : i32
      %add3A_626 = arith.constant 0 : i32
      %add3A_627 = arith.addi %mul3A_625, %add3A_626 : i32
      %dma_wait3A_628 = arith.constant 0 : i32
      %dma_wait3A_629 = arith.constant 0 : i32
      %dma_wait3A_630 = tpu.memref_slice %arg8[%dma_wait3A_628, %dma_wait3A_629] : memref<128x128xf32, #tpu.memory_space<vmem>> -> memref<128x128xf32, #tpu.memory_space<vmem>>
      %dma_wait3A_631 = arith.constant 0 : i32
      %dma_wait3A_632 = tpu.memref_slice %arg5[%add3A_627, %dma_wait3A_631] : memref<200x128xi32, #tpu.memory_space<vmem>> -> memref<1x128xi32, #tpu.memory_space<vmem>>
      %dma_wait3A_633 = tpu.memref_squeeze %dma_wait3A_632 : memref<1x128xi32, #tpu.memory_space<vmem>> -> memref<128xi32, #tpu.memory_space<vmem>>
      %dma_wait3A_634 = arith.constant 0 : i32
      %dma_wait3A_635 = arith.constant 0 : i32
      %dma_wait3A_636 = tpu.memref_slice %arg3[%dma_wait3A_634, %dma_wait3A_635] : memref<100000x128xf32, #tpu.memory_space<hbm>> -> memref<100000x128xf32, #tpu.memory_space<hbm>>
      tpu.wait_indirect_dma semaphore(%arg14 : memref<!tpu.dma_semaphore, #tpu.memory_space<semaphore_mem>>) src(%dma_wait3A_636 : memref<100000x128xf32, #tpu.memory_space<hbm>>) dst(%dma_wait3A_630 : memref<128x128xf32, #tpu.memory_space<vmem>>)
      %scan3A_637 = arith.constant 0 : i32
      %scan3A_638 = arith.constant 0 : i32
      %scan3A_639 = arith.constant 64 : i32
      %scan3A_640 = arith.addi %scan3A_638, %scan3A_639 : i32
      %scan3A_641 = arith.constant 1 : i32
      scf.for %scan3A_650 = %scan3A_638 to %scan3A_640 step %scan3A_641  : i32 {
        %mul3A_651 = arith.constant 2 : i32
        %mul3A_652 = arith.muli %mul3A_651, %scan3A_650 : i32
        %add3A_653 = arith.constant 0 : i32
        %add3A_654 = arith.addi %mul3A_652, %add3A_653 : i32
        %get3A = arith.index_cast %add3A_654 : i32 to index
        %get3A_655 = arith.constant 0 : index
        %get3A_656 = tpu.vector_load %arg8[%get3A, %get3A_655] {strides = array<i32>} : memref<128x128xf32, #tpu.memory_space<vmem>>, vector<1x16xf32>,
        %get3A_657 = vector.shape_cast %get3A_656 : vector<1x16xf32> to vector<16xf32>
        %mul3A_658 = arith.constant 11.3137083 : f32
        %mul3A_659 = vector.broadcast %mul3A_658 : f32 to vector<16xf32>
        %mul3A_660 = arith.mulf %get3A_657, %mul3A_659 : vector<16xf32>
        %swap3A = arith.index_cast %add3A_654 : i32 to index
        %swap3A_661 = arith.constant 0 : index
        %swap3A_662 = tpu.vector_load %arg8[%swap3A, %swap3A_661] {strides = array<i32>} : memref<128x128xf32, #tpu.memory_space<vmem>>, vector<1x16xf32>,
        %swap3A_663 = vector.shape_cast %swap3A_662 : vector<1x16xf32> to vector<16xf32>
        %swap3A_664 = vector.shape_cast %mul3A_660 : vector<16xf32> to vector<1x16xf32>
        tpu.vector_store %arg8[%swap3A, %swap3A_661], %swap3A_664 {strides = array<i32>} : memref<128x128xf32, #tpu.memory_space<vmem>>, vector<1x16xf32>,
        %mul3A_665 = arith.constant 2 : i32
        %mul3A_666 = arith.muli %mul3A_665, %scan3A_650 : i32
        %add3A_667 = arith.constant 0 : i32
        %add3A_668 = arith.addi %mul3A_666, %add3A_667 : i32
        %get3A_669 = arith.index_cast %add3A_668 : i32 to index
        %get3A_670 = arith.constant 16 : index
        %get3A_671 = tpu.vector_load %arg8[%get3A_669, %get3A_670] {strides = array<i32>} : memref<128x128xf32, #tpu.memory_space<vmem>>, vector<1x16xf32>,
        %get3A_672 = vector.shape_cast %get3A_671 : vector<1x16xf32> to vector<16xf32>
        %mul3A_673 = arith.constant 11.3137083 : f32
        %mul3A_674 = vector.broadcast %mul3A_673 : f32 to vector<16xf32>
        %mul3A_675 = arith.mulf %get3A_672, %mul3A_674 : vector<16xf32>
        %swap3A_676 = arith.index_cast %add3A_668 : i32 to index
        %swap3A_677 = arith.constant 16 : index
        %swap3A_678 = tpu.vector_load %arg8[%swap3A_676, %swap3A_677] {strides = array<i32>} : memref<128x128xf32, #tpu.memory_space<vmem>>, vector<1x16xf32>,
        %swap3A_679 = vector.shape_cast %swap3A_678 : vector<1x16xf32> to vector<16xf32>
        %swap3A_680 = vector.shape_cast %mul3A_675 : vector<16xf32> to vector<1x16xf32>
        tpu.vector_store %arg8[%swap3A_676, %swap3A_677], %swap3A_680 {strides = array<i32>} : memref<128x128xf32, #tpu.memory_space<vmem>>, vector<1x16xf32>,
        %mul3A_681 = arith.constant 2 : i32
        %mul3A_682 = arith.muli %mul3A_681, %scan3A_650 : i32
        %add3A_683 = arith.constant 0 : i32
        %add3A_684 = arith.addi %mul3A_682, %add3A_683 : i32
        %get3A_685 = arith.index_cast %add3A_684 : i32 to index
        %get3A_686 = arith.constant 32 : index
        %get3A_687 = tpu.vector_load %arg8[%get3A_685, %get3A_686] {strides = array<i32>} : memref<128x128xf32, #tpu.memory_space<vmem>>, vector<1x16xf32>,
        %get3A_688 = vector.shape_cast %get3A_687 : vector<1x16xf32> to vector<16xf32>
        %mul3A_689 = arith.constant 11.3137083 : f32
        %mul3A_690 = vector.broadcast %mul3A_689 : f32 to vector<16xf32>
        %mul3A_691 = arith.mulf %get3A_688, %mul3A_690 : vector<16xf32>
        %swap3A_692 = arith.index_cast %add3A_684 : i32 to index
        %swap3A_693 = arith.constant 32 : index
        %swap3A_694 = tpu.vector_load %arg8[%swap3A_692, %swap3A_693] {strides = array<i32>} : memref<128x128xf32, #tpu.memory_space<vmem>>, vector<1x16xf32>,
        %swap3A_695 = vector.shape_cast %swap3A_694 : vector<1x16xf32> to vector<16xf32>
        %swap3A_696 = vector.shape_cast %mul3A_691 : vector<16xf32> to vector<1x16xf32>
        tpu.vector_store %arg8[%swap3A_692, %swap3A_693], %swap3A_696 {strides = array<i32>} : memref<128x128xf32, #tpu.memory_space<vmem>>, vector<1x16xf32>,
        %mul3A_697 = arith.constant 2 : i32
        %mul3A_698 = arith.muli %mul3A_697, %scan3A_650 : i32
        %add3A_699 = arith.constant 0 : i32
        %add3A_700 = arith.addi %mul3A_698, %add3A_699 : i32
        %get3A_701 = arith.index_cast %add3A_700 : i32 to index
        %get3A_702 = arith.constant 48 : index
        %get3A_703 = tpu.vector_load %arg8[%get3A_701, %get3A_702] {strides = array<i32>} : memref<128x128xf32, #tpu.memory_space<vmem>>, vector<1x16xf32>,
        %get3A_704 = vector.shape_cast %get3A_703 : vector<1x16xf32> to vector<16xf32>
        %mul3A_705 = arith.constant 11.3137083 : f32
        %mul3A_706 = vector.broadcast %mul3A_705 : f32 to vector<16xf32>
        %mul3A_707 = arith.mulf %get3A_704, %mul3A_706 : vector<16xf32>
        %swap3A_708 = arith.index_cast %add3A_700 : i32 to index
        %swap3A_709 = arith.constant 48 : index
        %swap3A_710 = tpu.vector_load %arg8[%swap3A_708, %swap3A_709] {strides = array<i32>} : memref<128x128xf32, #tpu.memory_space<vmem>>, vector<1x16xf32>,
        %swap3A_711 = vector.shape_cast %swap3A_710 : vector<1x16xf32> to vector<16xf32>
        %swap3A_712 = vector.shape_cast %mul3A_707 : vector<16xf32> to vector<1x16xf32>
        tpu.vector_store %arg8[%swap3A_708, %swap3A_709], %swap3A_712 {strides = array<i32>} : memref<128x128xf32, #tpu.memory_space<vmem>>, vector<1x16xf32>,
        %mul3A_713 = arith.constant 2 : i32
        %mul3A_714 = arith.muli %mul3A_713, %scan3A_650 : i32
        %add3A_715 = arith.constant 0 : i32
        %add3A_716 = arith.addi %mul3A_714, %add3A_715 : i32
        %get3A_717 = arith.index_cast %add3A_716 : i32 to index
        %get3A_718 = arith.constant 64 : index
        %get3A_719 = tpu.vector_load %arg8[%get3A_717, %get3A_718] {strides = array<i32>} : memref<128x128xf32, #tpu.memory_space<vmem>>, vector<1x16xf32>,
        %get3A_720 = vector.shape_cast %get3A_719 : vector<1x16xf32> to vector<16xf32>
        %mul3A_721 = arith.constant 11.3137083 : f32
        %mul3A_722 = vector.broadcast %mul3A_721 : f32 to vector<16xf32>
        %mul3A_723 = arith.mulf %get3A_720, %mul3A_722 : vector<16xf32>
        %swap3A_724 = arith.index_cast %add3A_716 : i32 to index
        %swap3A_725 = arith.constant 64 : index
        %swap3A_726 = tpu.vector_load %arg8[%swap3A_724, %swap3A_725] {strides = array<i32>} : memref<128x128xf32, #tpu.memory_space<vmem>>, vector<1x16xf32>,
        %swap3A_727 = vector.shape_cast %swap3A_726 : vector<1x16xf32> to vector<16xf32>
        %swap3A_728 = vector.shape_cast %mul3A_723 : vector<16xf32> to vector<1x16xf32>
        tpu.vector_store %arg8[%swap3A_724, %swap3A_725], %swap3A_728 {strides = array<i32>} : memref<128x128xf32, #tpu.memory_space<vmem>>, vector<1x16xf32>,
        %mul3A_729 = arith.constant 2 : i32
        %mul3A_730 = arith.muli %mul3A_729, %scan3A_650 : i32
        %add3A_731 = arith.constant 0 : i32
        %add3A_732 = arith.addi %mul3A_730, %add3A_731 : i32
        %get3A_733 = arith.index_cast %add3A_732 : i32 to index
        %get3A_734 = arith.constant 80 : index
        %get3A_735 = tpu.vector_load %arg8[%get3A_733, %get3A_734] {strides = array<i32>} : memref<128x128xf32, #tpu.memory_space<vmem>>, vector<1x16xf32>,
        %get3A_736 = vector.shape_cast %get3A_735 : vector<1x16xf32> to vector<16xf32>
        %mul3A_737 = arith.constant 11.3137083 : f32
        %mul3A_738 = vector.broadcast %mul3A_737 : f32 to vector<16xf32>
        %mul3A_739 = arith.mulf %get3A_736, %mul3A_738 : vector<16xf32>
        %swap3A_740 = arith.index_cast %add3A_732 : i32 to index
        %swap3A_741 = arith.constant 80 : index
        %swap3A_742 = tpu.vector_load %arg8[%swap3A_740, %swap3A_741] {strides = array<i32>} : memref<128x128xf32, #tpu.memory_space<vmem>>, vector<1x16xf32>,
        %swap3A_743 = vector.shape_cast %swap3A_742 : vector<1x16xf32> to vector<16xf32>
        %swap3A_744 = vector.shape_cast %mul3A_739 : vector<16xf32> to vector<1x16xf32>
        tpu.vector_store %arg8[%swap3A_740, %swap3A_741], %swap3A_744 {strides = array<i32>} : memref<128x128xf32, #tpu.memory_space<vmem>>, vector<1x16xf32>,
        %mul3A_745 = arith.constant 2 : i32
        %mul3A_746 = arith.muli %mul3A_745, %scan3A_650 : i32
        %add3A_747 = arith.constant 0 : i32
        %add3A_748 = arith.addi %mul3A_746, %add3A_747 : i32
        %get3A_749 = arith.index_cast %add3A_748 : i32 to index
        %get3A_750 = arith.constant 96 : index
        %get3A_751 = tpu.vector_load %arg8[%get3A_749, %get3A_750] {strides = array<i32>} : memref<128x128xf32, #tpu.memory_space<vmem>>, vector<1x16xf32>,
        %get3A_752 = vector.shape_cast %get3A_751 : vector<1x16xf32> to vector<16xf32>
        %mul3A_753 = arith.constant 11.3137083 : f32
        %mul3A_754 = vector.broadcast %mul3A_753 : f32 to vector<16xf32>
        %mul3A_755 = arith.mulf %get3A_752, %mul3A_754 : vector<16xf32>
        %swap3A_756 = arith.index_cast %add3A_748 : i32 to index
        %swap3A_757 = arith.constant 96 : index
        %swap3A_758 = tpu.vector_load %arg8[%swap3A_756, %swap3A_757] {strides = array<i32>} : memref<128x128xf32, #tpu.memory_space<vmem>>, vector<1x16xf32>,
        %swap3A_759 = vector.shape_cast %swap3A_758 : vector<1x16xf32> to vector<16xf32>
        %swap3A_760 = vector.shape_cast %mul3A_755 : vector<16xf32> to vector<1x16xf32>
        tpu.vector_store %arg8[%swap3A_756, %swap3A_757], %swap3A_760 {strides = array<i32>} : memref<128x128xf32, #tpu.memory_space<vmem>>, vector<1x16xf32>,
        %mul3A_761 = arith.constant 2 : i32
        %mul3A_762 = arith.muli %mul3A_761, %scan3A_650 : i32
        %add3A_763 = arith.constant 0 : i32
        %add3A_764 = arith.addi %mul3A_762, %add3A_763 : i32
        %get3A_765 = arith.index_cast %add3A_764 : i32 to index
        %get3A_766 = arith.constant 112 : index
        %get3A_767 = tpu.vector_load %arg8[%get3A_765, %get3A_766] {strides = array<i32>} : memref<128x128xf32, #tpu.memory_space<vmem>>, vector<1x16xf32>,
        %get3A_768 = vector.shape_cast %get3A_767 : vector<1x16xf32> to vector<16xf32>
        %mul3A_769 = arith.constant 11.3137083 : f32
        %mul3A_770 = vector.broadcast %mul3A_769 : f32 to vector<16xf32>
        %mul3A_771 = arith.mulf %get3A_768, %mul3A_770 : vector<16xf32>
        %swap3A_772 = arith.index_cast %add3A_764 : i32 to index
        %swap3A_773 = arith.constant 112 : index
        %swap3A_774 = tpu.vector_load %arg8[%swap3A_772, %swap3A_773] {strides = array<i32>} : memref<128x128xf32, #tpu.memory_space<vmem>>, vector<1x16xf32>,
        %swap3A_775 = vector.shape_cast %swap3A_774 : vector<1x16xf32> to vector<16xf32>
        %swap3A_776 = vector.shape_cast %mul3A_771 : vector<16xf32> to vector<1x16xf32>
        tpu.vector_store %arg8[%swap3A_772, %swap3A_773], %swap3A_776 {strides = array<i32>} : memref<128x128xf32, #tpu.memory_space<vmem>>, vector<1x16xf32>,
        %mul3A_777 = arith.constant 2 : i32
        %mul3A_778 = arith.muli %mul3A_777, %scan3A_650 : i32
        %add3A_779 = arith.constant 1 : i32
        %add3A_780 = arith.addi %mul3A_778, %add3A_779 : i32
        %get3A_781 = arith.index_cast %add3A_780 : i32 to index
        %get3A_782 = arith.constant 0 : index
        %get3A_783 = tpu.vector_load %arg8[%get3A_781, %get3A_782] {strides = array<i32>} : memref<128x128xf32, #tpu.memory_space<vmem>>, vector<1x16xf32>,
        %get3A_784 = vector.shape_cast %get3A_783 : vector<1x16xf32> to vector<16xf32>
        %mul3A_785 = arith.constant 11.3137083 : f32
        %mul3A_786 = vector.broadcast %mul3A_785 : f32 to vector<16xf32>
        %mul3A_787 = arith.mulf %get3A_784, %mul3A_786 : vector<16xf32>
        %swap3A_788 = arith.index_cast %add3A_780 : i32 to index
        %swap3A_789 = arith.constant 0 : index
        %swap3A_790 = tpu.vector_load %arg8[%swap3A_788, %swap3A_789] {strides = array<i32>} : memref<128x128xf32, #tpu.memory_space<vmem>>, vector<1x16xf32>,
        %swap3A_791 = vector.shape_cast %swap3A_790 : vector<1x16xf32> to vector<16xf32>
        %swap3A_792 = vector.shape_cast %mul3A_787 : vector<16xf32> to vector<1x16xf32>
        tpu.vector_store %arg8[%swap3A_788, %swap3A_789], %swap3A_792 {strides = array<i32>} : memref<128x128xf32, #tpu.memory_space<vmem>>, vector<1x16xf32>,
        %mul3A_793 = arith.constant 2 : i32
        %mul3A_794 = arith.muli %mul3A_793, %scan3A_650 : i32
        %add3A_795 = arith.constant 1 : i32
        %add3A_796 = arith.addi %mul3A_794, %add3A_795 : i32
        %get3A_797 = arith.index_cast %add3A_796 : i32 to index
        %get3A_798 = arith.constant 16 : index
        %get3A_799 = tpu.vector_load %arg8[%get3A_797, %get3A_798] {strides = array<i32>} : memref<128x128xf32, #tpu.memory_space<vmem>>, vector<1x16xf32>,
        %get3A_800 = vector.shape_cast %get3A_799 : vector<1x16xf32> to vector<16xf32>
        %mul3A_801 = arith.constant 11.3137083 : f32
        %mul3A_802 = vector.broadcast %mul3A_801 : f32 to vector<16xf32>
        %mul3A_803 = arith.mulf %get3A_800, %mul3A_802 : vector<16xf32>
        %swap3A_804 = arith.index_cast %add3A_796 : i32 to index
        %swap3A_805 = arith.constant 16 : index
        %swap3A_806 = tpu.vector_load %arg8[%swap3A_804, %swap3A_805] {strides = array<i32>} : memref<128x128xf32, #tpu.memory_space<vmem>>, vector<1x16xf32>,
        %swap3A_807 = vector.shape_cast %swap3A_806 : vector<1x16xf32> to vector<16xf32>
        %swap3A_808 = vector.shape_cast %mul3A_803 : vector<16xf32> to vector<1x16xf32>
        tpu.vector_store %arg8[%swap3A_804, %swap3A_805], %swap3A_808 {strides = array<i32>} : memref<128x128xf32, #tpu.memory_space<vmem>>, vector<1x16xf32>,
        %mul3A_809 = arith.constant 2 : i32
        %mul3A_810 = arith.muli %mul3A_809, %scan3A_650 : i32
        %add3A_811 = arith.constant 1 : i32
        %add3A_812 = arith.addi %mul3A_810, %add3A_811 : i32
        %get3A_813 = arith.index_cast %add3A_812 : i32 to index
        %get3A_814 = arith.constant 32 : index
        %get3A_815 = tpu.vector_load %arg8[%get3A_813, %get3A_814] {strides = array<i32>} : memref<128x128xf32, #tpu.memory_space<vmem>>, vector<1x16xf32>,
        %get3A_816 = vector.shape_cast %get3A_815 : vector<1x16xf32> to vector<16xf32>
        %mul3A_817 = arith.constant 11.3137083 : f32
        %mul3A_818 = vector.broadcast %mul3A_817 : f32 to vector<16xf32>
        %mul3A_819 = arith.mulf %get3A_816, %mul3A_818 : vector<16xf32>
        %swap3A_820 = arith.index_cast %add3A_812 : i32 to index
        %swap3A_821 = arith.constant 32 : index
        %swap3A_822 = tpu.vector_load %arg8[%swap3A_820, %swap3A_821] {strides = array<i32>} : memref<128x128xf32, #tpu.memory_space<vmem>>, vector<1x16xf32>,
        %swap3A_823 = vector.shape_cast %swap3A_822 : vector<1x16xf32> to vector<16xf32>
        %swap3A_824 = vector.shape_cast %mul3A_819 : vector<16xf32> to vector<1x16xf32>
        tpu.vector_store %arg8[%swap3A_820, %swap3A_821], %swap3A_824 {strides = array<i32>} : memref<128x128xf32, #tpu.memory_space<vmem>>, vector<1x16xf32>,
        %mul3A_825 = arith.constant 2 : i32
        %mul3A_826 = arith.muli %mul3A_825, %scan3A_650 : i32
        %add3A_827 = arith.constant 1 : i32
        %add3A_828 = arith.addi %mul3A_826, %add3A_827 : i32
        %get3A_829 = arith.index_cast %add3A_828 : i32 to index
        %get3A_830 = arith.constant 48 : index
        %get3A_831 = tpu.vector_load %arg8[%get3A_829, %get3A_830] {strides = array<i32>} : memref<128x128xf32, #tpu.memory_space<vmem>>, vector<1x16xf32>,
        %get3A_832 = vector.shape_cast %get3A_831 : vector<1x16xf32> to vector<16xf32>
        %mul3A_833 = arith.constant 11.3137083 : f32
        %mul3A_834 = vector.broadcast %mul3A_833 : f32 to vector<16xf32>
        %mul3A_835 = arith.mulf %get3A_832, %mul3A_834 : vector<16xf32>
        %swap3A_836 = arith.index_cast %add3A_828 : i32 to index
        %swap3A_837 = arith.constant 48 : index
        %swap3A_838 = tpu.vector_load %arg8[%swap3A_836, %swap3A_837] {strides = array<i32>} : memref<128x128xf32, #tpu.memory_space<vmem>>, vector<1x16xf32>,
        %swap3A_839 = vector.shape_cast %swap3A_838 : vector<1x16xf32> to vector<16xf32>
        %swap3A_840 = vector.shape_cast %mul3A_835 : vector<16xf32> to vector<1x16xf32>
        tpu.vector_store %arg8[%swap3A_836, %swap3A_837], %swap3A_840 {strides = array<i32>} : memref<128x128xf32, #tpu.memory_space<vmem>>, vector<1x16xf32>,
        %mul3A_841 = arith.constant 2 : i32
        %mul3A_842 = arith.muli %mul3A_841, %scan3A_650 : i32
        %add3A_843 = arith.constant 1 : i32
        %add3A_844 = arith.addi %mul3A_842, %add3A_843 : i32
        %get3A_845 = arith.index_cast %add3A_844 : i32 to index
        %get3A_846 = arith.constant 64 : index
        %get3A_847 = tpu.vector_load %arg8[%get3A_845, %get3A_846] {strides = array<i32>} : memref<128x128xf32, #tpu.memory_space<vmem>>, vector<1x16xf32>,
        %get3A_848 = vector.shape_cast %get3A_847 : vector<1x16xf32> to vector<16xf32>
        %mul3A_849 = arith.constant 11.3137083 : f32
        %mul3A_850 = vector.broadcast %mul3A_849 : f32 to vector<16xf32>
        %mul3A_851 = arith.mulf %get3A_848, %mul3A_850 : vector<16xf32>
        %swap3A_852 = arith.index_cast %add3A_844 : i32 to index
        %swap3A_853 = arith.constant 64 : index
        %swap3A_854 = tpu.vector_load %arg8[%swap3A_852, %swap3A_853] {strides = array<i32>} : memref<128x128xf32, #tpu.memory_space<vmem>>, vector<1x16xf32>,
        %swap3A_855 = vector.shape_cast %swap3A_854 : vector<1x16xf32> to vector<16xf32>
        %swap3A_856 = vector.shape_cast %mul3A_851 : vector<16xf32> to vector<1x16xf32>
        tpu.vector_store %arg8[%swap3A_852, %swap3A_853], %swap3A_856 {strides = array<i32>} : memref<128x128xf32, #tpu.memory_space<vmem>>, vector<1x16xf32>,
        %mul3A_857 = arith.constant 2 : i32
        %mul3A_858 = arith.muli %mul3A_857, %scan3A_650 : i32
        %add3A_859 = arith.constant 1 : i32
        %add3A_860 = arith.addi %mul3A_858, %add3A_859 : i32
        %get3A_861 = arith.index_cast %add3A_860 : i32 to index
        %get3A_862 = arith.constant 80 : index
        %get3A_863 = tpu.vector_load %arg8[%get3A_861, %get3A_862] {strides = array<i32>} : memref<128x128xf32, #tpu.memory_space<vmem>>, vector<1x16xf32>,
        %get3A_864 = vector.shape_cast %get3A_863 : vector<1x16xf32> to vector<16xf32>
        %mul3A_865 = arith.constant 11.3137083 : f32
        %mul3A_866 = vector.broadcast %mul3A_865 : f32 to vector<16xf32>
        %mul3A_867 = arith.mulf %get3A_864, %mul3A_866 : vector<16xf32>
        %swap3A_868 = arith.index_cast %add3A_860 : i32 to index
        %swap3A_869 = arith.constant 80 : index
        %swap3A_870 = tpu.vector_load %arg8[%swap3A_868, %swap3A_869] {strides = array<i32>} : memref<128x128xf32, #tpu.memory_space<vmem>>, vector<1x16xf32>,
        %swap3A_871 = vector.shape_cast %swap3A_870 : vector<1x16xf32> to vector<16xf32>
        %swap3A_872 = vector.shape_cast %mul3A_867 : vector<16xf32> to vector<1x16xf32>
        tpu.vector_store %arg8[%swap3A_868, %swap3A_869], %swap3A_872 {strides = array<i32>} : memref<128x128xf32, #tpu.memory_space<vmem>>, vector<1x16xf32>,
        %mul3A_873 = arith.constant 2 : i32
        %mul3A_874 = arith.muli %mul3A_873, %scan3A_650 : i32
        %add3A_875 = arith.constant 1 : i32
        %add3A_876 = arith.addi %mul3A_874, %add3A_875 : i32
        %get3A_877 = arith.index_cast %add3A_876 : i32 to index
        %get3A_878 = arith.constant 96 : index
        %get3A_879 = tpu.vector_load %arg8[%get3A_877, %get3A_878] {strides = array<i32>} : memref<128x128xf32, #tpu.memory_space<vmem>>, vector<1x16xf32>,
        %get3A_880 = vector.shape_cast %get3A_879 : vector<1x16xf32> to vector<16xf32>
        %mul3A_881 = arith.constant 11.3137083 : f32
        %mul3A_882 = vector.broadcast %mul3A_881 : f32 to vector<16xf32>
        %mul3A_883 = arith.mulf %get3A_880, %mul3A_882 : vector<16xf32>
        %swap3A_884 = arith.index_cast %add3A_876 : i32 to index
        %swap3A_885 = arith.constant 96 : index
        %swap3A_886 = tpu.vector_load %arg8[%swap3A_884, %swap3A_885] {strides = array<i32>} : memref<128x128xf32, #tpu.memory_space<vmem>>, vector<1x16xf32>,
        %swap3A_887 = vector.shape_cast %swap3A_886 : vector<1x16xf32> to vector<16xf32>
        %swap3A_888 = vector.shape_cast %mul3A_883 : vector<16xf32> to vector<1x16xf32>
        tpu.vector_store %arg8[%swap3A_884, %swap3A_885], %swap3A_888 {strides = array<i32>} : memref<128x128xf32, #tpu.memory_space<vmem>>, vector<1x16xf32>,
        %mul3A_889 = arith.constant 2 : i32
        %mul3A_890 = arith.muli %mul3A_889, %scan3A_650 : i32
        %add3A_891 = arith.constant 1 : i32
        %add3A_892 = arith.addi %mul3A_890, %add3A_891 : i32
        %get3A_893 = arith.index_cast %add3A_892 : i32 to index
        %get3A_894 = arith.constant 112 : index
        %get3A_895 = tpu.vector_load %arg8[%get3A_893, %get3A_894] {strides = array<i32>} : memref<128x128xf32, #tpu.memory_space<vmem>>, vector<1x16xf32>,
        %get3A_896 = vector.shape_cast %get3A_895 : vector<1x16xf32> to vector<16xf32>
        %mul3A_897 = arith.constant 11.3137083 : f32
        %mul3A_898 = vector.broadcast %mul3A_897 : f32 to vector<16xf32>
        %mul3A_899 = arith.mulf %get3A_896, %mul3A_898 : vector<16xf32>
        %swap3A_900 = arith.index_cast %add3A_892 : i32 to index
        %swap3A_901 = arith.constant 112 : index
        %swap3A_902 = tpu.vector_load %arg8[%swap3A_900, %swap3A_901] {strides = array<i32>} : memref<128x128xf32, #tpu.memory_space<vmem>>, vector<1x16xf32>,
        %swap3A_903 = vector.shape_cast %swap3A_902 : vector<1x16xf32> to vector<16xf32>
        %swap3A_904 = vector.shape_cast %mul3A_899 : vector<16xf32> to vector<1x16xf32>
        tpu.vector_store %arg8[%swap3A_900, %swap3A_901], %swap3A_904 {strides = array<i32>} : memref<128x128xf32, #tpu.memory_space<vmem>>, vector<1x16xf32>,
      }
      %scan3A_642 = arith.constant 64 : i32
      %mul3A_643 = arith.constant 128 : i32
      %mul3A_644 = arith.muli %add3A_623, %mul3A_643 : i32
      %add3A_645 = arith.addi %mul3A_2, %mul3A_644 : i32
      %dma_start3A_646 = arith.constant 0 : i32
      %dma_start3A_647 = tpu.memref_slice %arg4[%add3A_645, %dma_start3A_646] : memref<819200x128xf32, #tpu.memory_space<hbm>> -> memref<128x128xf32, #tpu.memory_space<hbm>>
      %dma_start3A_648 = arith.constant 0 : i32
      %dma_start3A_649 = tpu.memref_slice %arg4[%add3A_645, %dma_start3A_648] : memref<819200x128xf32, #tpu.memory_space<hbm>> -> memref<128x128xf32, #tpu.memory_space<hbm>>
      tpu.enqueue_dma source(%arg8 : memref<128x128xf32, #tpu.memory_space<vmem>>) target(%dma_start3A_649 : memref<128x128xf32, #tpu.memory_space<hbm>>) target_semaphore(%arg20 : memref<!tpu.dma_semaphore, #tpu.memory_space<semaphore_mem>>)
    }
    %scan3A_133 = arith.constant 32 : i32
    %add3A_134 = arith.constant 24576 : i32
    %add3A_135 = arith.addi %mul3A_2, %add3A_134 : i32
    %dma_wait3A_136 = arith.constant 0 : i32
    %dma_wait3A_137 = tpu.memref_slice %arg4[%add3A_135, %dma_wait3A_136] : memref<819200x128xf32, #tpu.memory_space<hbm>> -> memref<128x128xf32, #tpu.memory_space<hbm>>
    %dma_wait3A_138 = arith.constant 0 : i32
    %dma_wait3A_139 = tpu.memref_slice %arg4[%add3A_135, %dma_wait3A_138] : memref<819200x128xf32, #tpu.memory_space<hbm>> -> memref<128x128xf32, #tpu.memory_space<hbm>>
    tpu.wait_dma2 semaphore(%arg18 : memref<!tpu.dma_semaphore, #tpu.memory_space<semaphore_mem>>) src(%arg6 : memref<128x128xf32, #tpu.memory_space<vmem>>) dst(%dma_wait3A_139 : memref<128x128xf32, #tpu.memory_space<hbm>>)
    %dma_start3A_140 = arith.constant 198 : i32
    %dma_start3A_141 = arith.constant 0 : i32
    %dma_start3A_142 = arith.constant 0 : i32
    %dma_start3A_143 = tpu.memref_slice %arg6[%dma_start3A_141, %dma_start3A_142] : memref<128x128xf32, #tpu.memory_space<vmem>> -> memref<128x128xf32, #tpu.memory_space<vmem>>
    %dma_start3A_144 = arith.constant 0 : i32
    %dma_start3A_145 = tpu.memref_slice %arg5[%dma_start3A_140, %dma_start3A_144] : memref<200x128xi32, #tpu.memory_space<vmem>> -> memref<1x128xi32, #tpu.memory_space<vmem>>
    %dma_start3A_146 = tpu.memref_squeeze %dma_start3A_145 : memref<1x128xi32, #tpu.memory_space<vmem>> -> memref<128xi32, #tpu.memory_space<vmem>>
    %dma_start3A_147 = arith.constant 0 : i32
    %dma_start3A_148 = arith.constant 0 : i32
    %dma_start3A_149 = tpu.memref_slice %arg3[%dma_start3A_147, %dma_start3A_148] : memref<100000x128xf32, #tpu.memory_space<hbm>> -> memref<100000x128xf32, #tpu.memory_space<hbm>>
    tpu.enqueue_indirect_dma source(%dma_start3A_149 : memref<100000x128xf32, #tpu.memory_space<hbm>>) target(%dma_start3A_143 : memref<128x128xf32, #tpu.memory_space<vmem>>) offsets(%dma_start3A_146 : memref<128xi32, #tpu.memory_space<vmem>>) semaphore(%arg12 : memref<!tpu.dma_semaphore, #tpu.memory_space<semaphore_mem>>)
    %add3A_150 = arith.constant 24704 : i32
    %add3A_151 = arith.addi %mul3A_2, %add3A_150 : i32
    %dma_wait3A_152 = arith.constant 0 : i32
    %dma_wait3A_153 = tpu.memref_slice %arg4[%add3A_151, %dma_wait3A_152] : memref<819200x128xf32, #tpu.memory_space<hbm>> -> memref<128x128xf32, #tpu.memory_space<hbm>>
    %dma_wait3A_154 = arith.constant 0 : i32
    %dma_wait3A_155 = tpu.memref_slice %arg4[%add3A_151, %dma_wait3A_154] : memref<819200x128xf32, #tpu.memory_space<hbm>> -> memref<128x128xf32, #tpu.memory_space<hbm>>
    tpu.wait_dma2 semaphore(%arg19 : memref<!tpu.dma_semaphore, #tpu.memory_space<semaphore_mem>>) src(%arg7 : memref<128x128xf32, #tpu.memory_space<vmem>>) dst(%dma_wait3A_155 : memref<128x128xf32, #tpu.memory_space<hbm>>)
    %dma_start3A_156 = arith.constant 199 : i32
    %dma_start3A_157 = arith.constant 0 : i32
    %dma_start3A_158 = arith.constant 0 : i32
    %dma_start3A_159 = tpu.memref_slice %arg7[%dma_start3A_157, %dma_start3A_158] : memref<128x128xf32, #tpu.memory_space<vmem>> -> memref<128x128xf32, #tpu.memory_space<vmem>>
    %dma_start3A_160 = arith.constant 0 : i32
    %dma_start3A_161 = tpu.memref_slice %arg5[%dma_start3A_156, %dma_start3A_160] : memref<200x128xi32, #tpu.memory_space<vmem>> -> memref<1x128xi32, #tpu.memory_space<vmem>>
    %dma_start3A_162 = tpu.memref_squeeze %dma_start3A_161 : memref<1x128xi32, #tpu.memory_space<vmem>> -> memref<128xi32, #tpu.memory_space<vmem>>
    %dma_start3A_163 = arith.constant 0 : i32
    %dma_start3A_164 = arith.constant 0 : i32
    %dma_start3A_165 = tpu.memref_slice %arg3[%dma_start3A_163, %dma_start3A_164] : memref<100000x128xf32, #tpu.memory_space<hbm>> -> memref<100000x128xf32, #tpu.memory_space<hbm>>
    tpu.enqueue_indirect_dma source(%dma_start3A_165 : memref<100000x128xf32, #tpu.memory_space<hbm>>) target(%dma_start3A_159 : memref<128x128xf32, #tpu.memory_space<vmem>>) offsets(%dma_start3A_162 : memref<128xi32, #tpu.memory_space<vmem>>) semaphore(%arg13 : memref<!tpu.dma_semaphore, #tpu.memory_space<semaphore_mem>>)
    %dma_wait3A_166 = arith.constant 195 : i32
    %dma_wait3A_167 = arith.constant 0 : i32
    %dma_wait3A_168 = arith.constant 0 : i32
    %dma_wait3A_169 = tpu.memref_slice %arg9[%dma_wait3A_167, %dma_wait3A_168] : memref<128x128xf32, #tpu.memory_space<vmem>> -> memref<128x128xf32, #tpu.memory_space<vmem>>
    %dma_wait3A_170 = arith.constant 0 : i32
    %dma_wait3A_171 = tpu.memref_slice %arg5[%dma_wait3A_166, %dma_wait3A_170] : memref<200x128xi32, #tpu.memory_space<vmem>> -> memref<1x128xi32, #tpu.memory_space<vmem>>
    %dma_wait3A_172 = tpu.memref_squeeze %dma_wait3A_171 : memref<1x128xi32, #tpu.memory_space<vmem>> -> memref<128xi32, #tpu.memory_space<vmem>>
    %dma_wait3A_173 = arith.constant 0 : i32
    %dma_wait3A_174 = arith.constant 0 : i32
    %dma_wait3A_175 = tpu.memref_slice %arg3[%dma_wait3A_173, %dma_wait3A_174] : memref<100000x128xf32, #tpu.memory_space<hbm>> -> memref<100000x128xf32, #tpu.memory_space<hbm>>
    tpu.wait_indirect_dma semaphore(%arg15 : memref<!tpu.dma_semaphore, #tpu.memory_space<semaphore_mem>>) src(%dma_wait3A_175 : memref<100000x128xf32, #tpu.memory_space<hbm>>) dst(%dma_wait3A_169 : memref<128x128xf32, #tpu.memory_space<vmem>>)
    %scan3A_176 = arith.constant 0 : i32
    %scan3A_177 = arith.constant 0 : i32
    %scan3A_178 = arith.constant 64 : i32
    %scan3A_179 = arith.addi %scan3A_177, %scan3A_178 : i32
    %scan3A_180 = arith.constant 1 : i32
    scf.for %scan3A_312 = %scan3A_177 to %scan3A_179 step %scan3A_180  : i32 {
      %mul3A_313 = arith.constant 2 : i32
      %mul3A_314 = arith.muli %mul3A_313, %scan3A_312 : i32
      %add3A_315 = arith.constant 0 : i32
      %add3A_316 = arith.addi %mul3A_314, %add3A_315 : i32
      %get3A = arith.index_cast %add3A_316 : i32 to index
      %get3A_317 = arith.constant 0 : index
      %get3A_318 = tpu.vector_load %arg9[%get3A, %get3A_317] {strides = array<i32>} : memref<128x128xf32, #tpu.memory_space<vmem>>, vector<1x16xf32>,
      %get3A_319 = vector.shape_cast %get3A_318 : vector<1x16xf32> to vector<16xf32>
      %mul3A_320 = arith.constant 11.3137083 : f32
      %mul3A_321 = vector.broadcast %mul3A_320 : f32 to vector<16xf32>
      %mul3A_322 = arith.mulf %get3A_319, %mul3A_321 : vector<16xf32>
      %swap3A = arith.index_cast %add3A_316 : i32 to index
      %swap3A_323 = arith.constant 0 : index
      %swap3A_324 = tpu.vector_load %arg9[%swap3A, %swap3A_323] {strides = array<i32>} : memref<128x128xf32, #tpu.memory_space<vmem>>, vector<1x16xf32>,
      %swap3A_325 = vector.shape_cast %swap3A_324 : vector<1x16xf32> to vector<16xf32>
      %swap3A_326 = vector.shape_cast %mul3A_322 : vector<16xf32> to vector<1x16xf32>
      tpu.vector_store %arg9[%swap3A, %swap3A_323], %swap3A_326 {strides = array<i32>} : memref<128x128xf32, #tpu.memory_space<vmem>>, vector<1x16xf32>,
      %mul3A_327 = arith.constant 2 : i32
      %mul3A_328 = arith.muli %mul3A_327, %scan3A_312 : i32
      %add3A_329 = arith.constant 0 : i32
      %add3A_330 = arith.addi %mul3A_328, %add3A_329 : i32
      %get3A_331 = arith.index_cast %add3A_330 : i32 to index
      %get3A_332 = arith.constant 16 : index
      %get3A_333 = tpu.vector_load %arg9[%get3A_331, %get3A_332] {strides = array<i32>} : memref<128x128xf32, #tpu.memory_space<vmem>>, vector<1x16xf32>,
      %get3A_334 = vector.shape_cast %get3A_333 : vector<1x16xf32> to vector<16xf32>
      %mul3A_335 = arith.constant 11.3137083 : f32
      %mul3A_336 = vector.broadcast %mul3A_335 : f32 to vector<16xf32>
      %mul3A_337 = arith.mulf %get3A_334, %mul3A_336 : vector<16xf32>
      %swap3A_338 = arith.index_cast %add3A_330 : i32 to index
      %swap3A_339 = arith.constant 16 : index
      %swap3A_340 = tpu.vector_load %arg9[%swap3A_338, %swap3A_339] {strides = array<i32>} : memref<128x128xf32, #tpu.memory_space<vmem>>, vector<1x16xf32>,
      %swap3A_341 = vector.shape_cast %swap3A_340 : vector<1x16xf32> to vector<16xf32>
      %swap3A_342 = vector.shape_cast %mul3A_337 : vector<16xf32> to vector<1x16xf32>
      tpu.vector_store %arg9[%swap3A_338, %swap3A_339], %swap3A_342 {strides = array<i32>} : memref<128x128xf32, #tpu.memory_space<vmem>>, vector<1x16xf32>,
      %mul3A_343 = arith.constant 2 : i32
      %mul3A_344 = arith.muli %mul3A_343, %scan3A_312 : i32
      %add3A_345 = arith.constant 0 : i32
      %add3A_346 = arith.addi %mul3A_344, %add3A_345 : i32
      %get3A_347 = arith.index_cast %add3A_346 : i32 to index
      %get3A_348 = arith.constant 32 : index
      %get3A_349 = tpu.vector_load %arg9[%get3A_347, %get3A_348] {strides = array<i32>} : memref<128x128xf32, #tpu.memory_space<vmem>>, vector<1x16xf32>,
      %get3A_350 = vector.shape_cast %get3A_349 : vector<1x16xf32> to vector<16xf32>
      %mul3A_351 = arith.constant 11.3137083 : f32
      %mul3A_352 = vector.broadcast %mul3A_351 : f32 to vector<16xf32>
      %mul3A_353 = arith.mulf %get3A_350, %mul3A_352 : vector<16xf32>
      %swap3A_354 = arith.index_cast %add3A_346 : i32 to index
      %swap3A_355 = arith.constant 32 : index
      %swap3A_356 = tpu.vector_load %arg9[%swap3A_354, %swap3A_355] {strides = array<i32>} : memref<128x128xf32, #tpu.memory_space<vmem>>, vector<1x16xf32>,
      %swap3A_357 = vector.shape_cast %swap3A_356 : vector<1x16xf32> to vector<16xf32>
      %swap3A_358 = vector.shape_cast %mul3A_353 : vector<16xf32> to vector<1x16xf32>
      tpu.vector_store %arg9[%swap3A_354, %swap3A_355], %swap3A_358 {strides = array<i32>} : memref<128x128xf32, #tpu.memory_space<vmem>>, vector<1x16xf32>,
      %mul3A_359 = arith.constant 2 : i32
      %mul3A_360 = arith.muli %mul3A_359, %scan3A_312 : i32
      %add3A_361 = arith.constant 0 : i32
      %add3A_362 = arith.addi %mul3A_360, %add3A_361 : i32
      %get3A_363 = arith.index_cast %add3A_362 : i32 to index
      %get3A_364 = arith.constant 48 : index
      %get3A_365 = tpu.vector_load %arg9[%get3A_363, %get3A_364] {strides = array<i32>} : memref<128x128xf32, #tpu.memory_space<vmem>>, vector<1x16xf32>,
      %get3A_366 = vector.shape_cast %get3A_365 : vector<1x16xf32> to vector<16xf32>
      %mul3A_367 = arith.constant 11.3137083 : f32
      %mul3A_368 = vector.broadcast %mul3A_367 : f32 to vector<16xf32>
      %mul3A_369 = arith.mulf %get3A_366, %mul3A_368 : vector<16xf32>
      %swap3A_370 = arith.index_cast %add3A_362 : i32 to index
      %swap3A_371 = arith.constant 48 : index
      %swap3A_372 = tpu.vector_load %arg9[%swap3A_370, %swap3A_371] {strides = array<i32>} : memref<128x128xf32, #tpu.memory_space<vmem>>, vector<1x16xf32>,
      %swap3A_373 = vector.shape_cast %swap3A_372 : vector<1x16xf32> to vector<16xf32>
      %swap3A_374 = vector.shape_cast %mul3A_369 : vector<16xf32> to vector<1x16xf32>
      tpu.vector_store %arg9[%swap3A_370, %swap3A_371], %swap3A_374 {strides = array<i32>} : memref<128x128xf32, #tpu.memory_space<vmem>>, vector<1x16xf32>,
      %mul3A_375 = arith.constant 2 : i32
      %mul3A_376 = arith.muli %mul3A_375, %scan3A_312 : i32
      %add3A_377 = arith.constant 0 : i32
      %add3A_378 = arith.addi %mul3A_376, %add3A_377 : i32
      %get3A_379 = arith.index_cast %add3A_378 : i32 to index
      %get3A_380 = arith.constant 64 : index
      %get3A_381 = tpu.vector_load %arg9[%get3A_379, %get3A_380] {strides = array<i32>} : memref<128x128xf32, #tpu.memory_space<vmem>>, vector<1x16xf32>,
      %get3A_382 = vector.shape_cast %get3A_381 : vector<1x16xf32> to vector<16xf32>
      %mul3A_383 = arith.constant 11.3137083 : f32
      %mul3A_384 = vector.broadcast %mul3A_383 : f32 to vector<16xf32>
      %mul3A_385 = arith.mulf %get3A_382, %mul3A_384 : vector<16xf32>
      %swap3A_386 = arith.index_cast %add3A_378 : i32 to index
      %swap3A_387 = arith.constant 64 : index
      %swap3A_388 = tpu.vector_load %arg9[%swap3A_386, %swap3A_387] {strides = array<i32>} : memref<128x128xf32, #tpu.memory_space<vmem>>, vector<1x16xf32>,
      %swap3A_389 = vector.shape_cast %swap3A_388 : vector<1x16xf32> to vector<16xf32>
      %swap3A_390 = vector.shape_cast %mul3A_385 : vector<16xf32> to vector<1x16xf32>
      tpu.vector_store %arg9[%swap3A_386, %swap3A_387], %swap3A_390 {strides = array<i32>} : memref<128x128xf32, #tpu.memory_space<vmem>>, vector<1x16xf32>,
      %mul3A_391 = arith.constant 2 : i32
      %mul3A_392 = arith.muli %mul3A_391, %scan3A_312 : i32
      %add3A_393 = arith.constant 0 : i32
      %add3A_394 = arith.addi %mul3A_392, %add3A_393 : i32
      %get3A_395 = arith.index_cast %add3A_394 : i32 to index
      %get3A_396 = arith.constant 80 : index
      %get3A_397 = tpu.vector_load %arg9[%get3A_395, %get3A_396] {strides = array<i32>} : memref<128x128xf32, #tpu.memory_space<vmem>>, vector<1x16xf32>,
      %get3A_398 = vector.shape_cast %get3A_397 : vector<1x16xf32> to vector<16xf32>
      %mul3A_399 = arith.constant 11.3137083 : f32
      %mul3A_400 = vector.broadcast %mul3A_399 : f32 to vector<16xf32>
      %mul3A_401 = arith.mulf %get3A_398, %mul3A_400 : vector<16xf32>
      %swap3A_402 = arith.index_cast %add3A_394 : i32 to index
      %swap3A_403 = arith.constant 80 : index
      %swap3A_404 = tpu.vector_load %arg9[%swap3A_402, %swap3A_403] {strides = array<i32>} : memref<128x128xf32, #tpu.memory_space<vmem>>, vector<1x16xf32>,
      %swap3A_405 = vector.shape_cast %swap3A_404 : vector<1x16xf32> to vector<16xf32>
      %swap3A_406 = vector.shape_cast %mul3A_401 : vector<16xf32> to vector<1x16xf32>
      tpu.vector_store %arg9[%swap3A_402, %swap3A_403], %swap3A_406 {strides = array<i32>} : memref<128x128xf32, #tpu.memory_space<vmem>>, vector<1x16xf32>,
      %mul3A_407 = arith.constant 2 : i32
      %mul3A_408 = arith.muli %mul3A_407, %scan3A_312 : i32
      %add3A_409 = arith.constant 0 : i32
      %add3A_410 = arith.addi %mul3A_408, %add3A_409 : i32
      %get3A_411 = arith.index_cast %add3A_410 : i32 to index
      %get3A_412 = arith.constant 96 : index
      %get3A_413 = tpu.vector_load %arg9[%get3A_411, %get3A_412] {strides = array<i32>} : memref<128x128xf32, #tpu.memory_space<vmem>>, vector<1x16xf32>,
      %get3A_414 = vector.shape_cast %get3A_413 : vector<1x16xf32> to vector<16xf32>
      %mul3A_415 = arith.constant 11.3137083 : f32
      %mul3A_416 = vector.broadcast %mul3A_415 : f32 to vector<16xf32>
      %mul3A_417 = arith.mulf %get3A_414, %mul3A_416 : vector<16xf32>
      %swap3A_418 = arith.index_cast %add3A_410 : i32 to index
      %swap3A_419 = arith.constant 96 : index
      %swap3A_420 = tpu.vector_load %arg9[%swap3A_418, %swap3A_419] {strides = array<i32>} : memref<128x128xf32, #tpu.memory_space<vmem>>, vector<1x16xf32>,
      %swap3A_421 = vector.shape_cast %swap3A_420 : vector<1x16xf32> to vector<16xf32>
      %swap3A_422 = vector.shape_cast %mul3A_417 : vector<16xf32> to vector<1x16xf32>
      tpu.vector_store %arg9[%swap3A_418, %swap3A_419], %swap3A_422 {strides = array<i32>} : memref<128x128xf32, #tpu.memory_space<vmem>>, vector<1x16xf32>,
      %mul3A_423 = arith.constant 2 : i32
      %mul3A_424 = arith.muli %mul3A_423, %scan3A_312 : i32
      %add3A_425 = arith.constant 0 : i32
      %add3A_426 = arith.addi %mul3A_424, %add3A_425 : i32
      %get3A_427 = arith.index_cast %add3A_426 : i32 to index
      %get3A_428 = arith.constant 112 : index
      %get3A_429 = tpu.vector_load %arg9[%get3A_427, %get3A_428] {strides = array<i32>} : memref<128x128xf32, #tpu.memory_space<vmem>>, vector<1x16xf32>,
      %get3A_430 = vector.shape_cast %get3A_429 : vector<1x16xf32> to vector<16xf32>
      %mul3A_431 = arith.constant 11.3137083 : f32
      %mul3A_432 = vector.broadcast %mul3A_431 : f32 to vector<16xf32>
      %mul3A_433 = arith.mulf %get3A_430, %mul3A_432 : vector<16xf32>
      %swap3A_434 = arith.index_cast %add3A_426 : i32 to index
      %swap3A_435 = arith.constant 112 : index
      %swap3A_436 = tpu.vector_load %arg9[%swap3A_434, %swap3A_435] {strides = array<i32>} : memref<128x128xf32, #tpu.memory_space<vmem>>, vector<1x16xf32>,
      %swap3A_437 = vector.shape_cast %swap3A_436 : vector<1x16xf32> to vector<16xf32>
      %swap3A_438 = vector.shape_cast %mul3A_433 : vector<16xf32> to vector<1x16xf32>
      tpu.vector_store %arg9[%swap3A_434, %swap3A_435], %swap3A_438 {strides = array<i32>} : memref<128x128xf32, #tpu.memory_space<vmem>>, vector<1x16xf32>,
      %mul3A_439 = arith.constant 2 : i32
      %mul3A_440 = arith.muli %mul3A_439, %scan3A_312 : i32
      %add3A_441 = arith.constant 1 : i32
      %add3A_442 = arith.addi %mul3A_440, %add3A_441 : i32
      %get3A_443 = arith.index_cast %add3A_442 : i32 to index
      %get3A_444 = arith.constant 0 : index
      %get3A_445 = tpu.vector_load %arg9[%get3A_443, %get3A_444] {strides = array<i32>} : memref<128x128xf32, #tpu.memory_space<vmem>>, vector<1x16xf32>,
      %get3A_446 = vector.shape_cast %get3A_445 : vector<1x16xf32> to vector<16xf32>
      %mul3A_447 = arith.constant 11.3137083 : f32
      %mul3A_448 = vector.broadcast %mul3A_447 : f32 to vector<16xf32>
      %mul3A_449 = arith.mulf %get3A_446, %mul3A_448 : vector<16xf32>
      %swap3A_450 = arith.index_cast %add3A_442 : i32 to index
      %swap3A_451 = arith.constant 0 : index
      %swap3A_452 = tpu.vector_load %arg9[%swap3A_450, %swap3A_451] {strides = array<i32>} : memref<128x128xf32, #tpu.memory_space<vmem>>, vector<1x16xf32>,
      %swap3A_453 = vector.shape_cast %swap3A_452 : vector<1x16xf32> to vector<16xf32>
      %swap3A_454 = vector.shape_cast %mul3A_449 : vector<16xf32> to vector<1x16xf32>
      tpu.vector_store %arg9[%swap3A_450, %swap3A_451], %swap3A_454 {strides = array<i32>} : memref<128x128xf32, #tpu.memory_space<vmem>>, vector<1x16xf32>,
      %mul3A_455 = arith.constant 2 : i32
      %mul3A_456 = arith.muli %mul3A_455, %scan3A_312 : i32
      %add3A_457 = arith.constant 1 : i32
      %add3A_458 = arith.addi %mul3A_456, %add3A_457 : i32
      %get3A_459 = arith.index_cast %add3A_458 : i32 to index
      %get3A_460 = arith.constant 16 : index
      %get3A_461 = tpu.vector_load %arg9[%get3A_459, %get3A_460] {strides = array<i32>} : memref<128x128xf32, #tpu.memory_space<vmem>>, vector<1x16xf32>,
      %get3A_462 = vector.shape_cast %get3A_461 : vector<1x16xf32> to vector<16xf32>
      %mul3A_463 = arith.constant 11.3137083 : f32
      %mul3A_464 = vector.broadcast %mul3A_463 : f32 to vector<16xf32>
      %mul3A_465 = arith.mulf %get3A_462, %mul3A_464 : vector<16xf32>
      %swap3A_466 = arith.index_cast %add3A_458 : i32 to index
      %swap3A_467 = arith.constant 16 : index
      %swap3A_468 = tpu.vector_load %arg9[%swap3A_466, %swap3A_467] {strides = array<i32>} : memref<128x128xf32, #tpu.memory_space<vmem>>, vector<1x16xf32>,
      %swap3A_469 = vector.shape_cast %swap3A_468 : vector<1x16xf32> to vector<16xf32>
      %swap3A_470 = vector.shape_cast %mul3A_465 : vector<16xf32> to vector<1x16xf32>
      tpu.vector_store %arg9[%swap3A_466, %swap3A_467], %swap3A_470 {strides = array<i32>} : memref<128x128xf32, #tpu.memory_space<vmem>>, vector<1x16xf32>,
      %mul3A_471 = arith.constant 2 : i32
      %mul3A_472 = arith.muli %mul3A_471, %scan3A_312 : i32
      %add3A_473 = arith.constant 1 : i32
      %add3A_474 = arith.addi %mul3A_472, %add3A_473 : i32
      %get3A_475 = arith.index_cast %add3A_474 : i32 to index
      %get3A_476 = arith.constant 32 : index
      %get3A_477 = tpu.vector_load %arg9[%get3A_475, %get3A_476] {strides = array<i32>} : memref<128x128xf32, #tpu.memory_space<vmem>>, vector<1x16xf32>,
      %get3A_478 = vector.shape_cast %get3A_477 : vector<1x16xf32> to vector<16xf32>
      %mul3A_479 = arith.constant 11.3137083 : f32
      %mul3A_480 = vector.broadcast %mul3A_479 : f32 to vector<16xf32>
      %mul3A_481 = arith.mulf %get3A_478, %mul3A_480 : vector<16xf32>
      %swap3A_482 = arith.index_cast %add3A_474 : i32 to index
      %swap3A_483 = arith.constant 32 : index
      %swap3A_484 = tpu.vector_load %arg9[%swap3A_482, %swap3A_483] {strides = array<i32>} : memref<128x128xf32, #tpu.memory_space<vmem>>, vector<1x16xf32>,
      %swap3A_485 = vector.shape_cast %swap3A_484 : vector<1x16xf32> to vector<16xf32>
      %swap3A_486 = vector.shape_cast %mul3A_481 : vector<16xf32> to vector<1x16xf32>
      tpu.vector_store %arg9[%swap3A_482, %swap3A_483], %swap3A_486 {strides = array<i32>} : memref<128x128xf32, #tpu.memory_space<vmem>>, vector<1x16xf32>,
      %mul3A_487 = arith.constant 2 : i32
      %mul3A_488 = arith.muli %mul3A_487, %scan3A_312 : i32
      %add3A_489 = arith.constant 1 : i32
      %add3A_490 = arith.addi %mul3A_488, %add3A_489 : i32
      %get3A_491 = arith.index_cast %add3A_490 : i32 to index
      %get3A_492 = arith.constant 48 : index
      %get3A_493 = tpu.vector_load %arg9[%get3A_491, %get3A_492] {strides = array<i32>} : memref<128x128xf32, #tpu.memory_space<vmem>>, vector<1x16xf32>,
      %get3A_494 = vector.shape_cast %get3A_493 : vector<1x16xf32> to vector<16xf32>
      %mul3A_495 = arith.constant 11.3137083 : f32
      %mul3A_496 = vector.broadcast %mul3A_495 : f32 to vector<16xf32>
      %mul3A_497 = arith.mulf %get3A_494, %mul3A_496 : vector<16xf32>
      %swap3A_498 = arith.index_cast %add3A_490 : i32 to index
      %swap3A_499 = arith.constant 48 : index
      %swap3A_500 = tpu.vector_load %arg9[%swap3A_498, %swap3A_499] {strides = array<i32>} : memref<128x128xf32, #tpu.memory_space<vmem>>, vector<1x16xf32>,
      %swap3A_501 = vector.shape_cast %swap3A_500 : vector<1x16xf32> to vector<16xf32>
      %swap3A_502 = vector.shape_cast %mul3A_497 : vector<16xf32> to vector<1x16xf32>
      tpu.vector_store %arg9[%swap3A_498, %swap3A_499], %swap3A_502 {strides = array<i32>} : memref<128x128xf32, #tpu.memory_space<vmem>>, vector<1x16xf32>,
      %mul3A_503 = arith.constant 2 : i32
      %mul3A_504 = arith.muli %mul3A_503, %scan3A_312 : i32
      %add3A_505 = arith.constant 1 : i32
      %add3A_506 = arith.addi %mul3A_504, %add3A_505 : i32
      %get3A_507 = arith.index_cast %add3A_506 : i32 to index
      %get3A_508 = arith.constant 64 : index
      %get3A_509 = tpu.vector_load %arg9[%get3A_507, %get3A_508] {strides = array<i32>} : memref<128x128xf32, #tpu.memory_space<vmem>>, vector<1x16xf32>,
      %get3A_510 = vector.shape_cast %get3A_509 : vector<1x16xf32> to vector<16xf32>
      %mul3A_511 = arith.constant 11.3137083 : f32
      %mul3A_512 = vector.broadcast %mul3A_511 : f32 to vector<16xf32>
      %mul3A_513 = arith.mulf %get3A_510, %mul3A_512 : vector<16xf32>
      %swap3A_514 = arith.index_cast %add3A_506 : i32 to index
      %swap3A_515 = arith.constant 64 : index
      %swap3A_516 = tpu.vector_load %arg9[%swap3A_514, %swap3A_515] {strides = array<i32>} : memref<128x128xf32, #tpu.memory_space<vmem>>, vector<1x16xf32>,
      %swap3A_517 = vector.shape_cast %swap3A_516 : vector<1x16xf32> to vector<16xf32>
      %swap3A_518 = vector.shape_cast %mul3A_513 : vector<16xf32> to vector<1x16xf32>
      tpu.vector_store %arg9[%swap3A_514, %swap3A_515], %swap3A_518 {strides = array<i32>} : memref<128x128xf32, #tpu.memory_space<vmem>>, vector<1x16xf32>,
      %mul3A_519 = arith.constant 2 : i32
      %mul3A_520 = arith.muli %mul3A_519, %scan3A_312 : i32
      %add3A_521 = arith.constant 1 : i32
      %add3A_522 = arith.addi %mul3A_520, %add3A_521 : i32
      %get3A_523 = arith.index_cast %add3A_522 : i32 to index
      %get3A_524 = arith.constant 80 : index
      %get3A_525 = tpu.vector_load %arg9[%get3A_523, %get3A_524] {strides = array<i32>} : memref<128x128xf32, #tpu.memory_space<vmem>>, vector<1x16xf32>,
      %get3A_526 = vector.shape_cast %get3A_525 : vector<1x16xf32> to vector<16xf32>
      %mul3A_527 = arith.constant 11.3137083 : f32
      %mul3A_528 = vector.broadcast %mul3A_527 : f32 to vector<16xf32>
      %mul3A_529 = arith.mulf %get3A_526, %mul3A_528 : vector<16xf32>
      %swap3A_530 = arith.index_cast %add3A_522 : i32 to index
      %swap3A_531 = arith.constant 80 : index
      %swap3A_532 = tpu.vector_load %arg9[%swap3A_530, %swap3A_531] {strides = array<i32>} : memref<128x128xf32, #tpu.memory_space<vmem>>, vector<1x16xf32>,
      %swap3A_533 = vector.shape_cast %swap3A_532 : vector<1x16xf32> to vector<16xf32>
      %swap3A_534 = vector.shape_cast %mul3A_529 : vector<16xf32> to vector<1x16xf32>
      tpu.vector_store %arg9[%swap3A_530, %swap3A_531], %swap3A_534 {strides = array<i32>} : memref<128x128xf32, #tpu.memory_space<vmem>>, vector<1x16xf32>,
      %mul3A_535 = arith.constant 2 : i32
      %mul3A_536 = arith.muli %mul3A_535, %scan3A_312 : i32
      %add3A_537 = arith.constant 1 : i32
      %add3A_538 = arith.addi %mul3A_536, %add3A_537 : i32
      %get3A_539 = arith.index_cast %add3A_538 : i32 to index
      %get3A_540 = arith.constant 96 : index
      %get3A_541 = tpu.vector_load %arg9[%get3A_539, %get3A_540] {strides = array<i32>} : memref<128x128xf32, #tpu.memory_space<vmem>>, vector<1x16xf32>,
      %get3A_542 = vector.shape_cast %get3A_541 : vector<1x16xf32> to vector<16xf32>
      %mul3A_543 = arith.constant 11.3137083 : f32
      %mul3A_544 = vector.broadcast %mul3A_543 : f32 to vector<16xf32>
      %mul3A_545 = arith.mulf %get3A_542, %mul3A_544 : vector<16xf32>
      %swap3A_546 = arith.index_cast %add3A_538 : i32 to index
      %swap3A_547 = arith.constant 96 : index
      %swap3A_548 = tpu.vector_load %arg9[%swap3A_546, %swap3A_547] {strides = array<i32>} : memref<128x128xf32, #tpu.memory_space<vmem>>, vector<1x16xf32>,
      %swap3A_549 = vector.shape_cast %swap3A_548 : vector<1x16xf32> to vector<16xf32>
      %swap3A_550 = vector.shape_cast %mul3A_545 : vector<16xf32> to vector<1x16xf32>
      tpu.vector_store %arg9[%swap3A_546, %swap3A_547], %swap3A_550 {strides = array<i32>} : memref<128x128xf32, #tpu.memory_space<vmem>>, vector<1x16xf32>,
      %mul3A_551 = arith.constant 2 : i32
      %mul3A_552 = arith.muli %mul3A_551, %scan3A_312 : i32
      %add3A_553 = arith.constant 1 : i32
      %add3A_554 = arith.addi %mul3A_552, %add3A_553 : i32
      %get3A_555 = arith.index_cast %add3A_554 : i32 to index
      %get3A_556 = arith.constant 112 : index
      %get3A_557 = tpu.vector_load %arg9[%get3A_555, %get3A_556] {strides = array<i32>} : memref<128x128xf32, #tpu.memory_space<vmem>>, vector<1x16xf32>,
      %get3A_558 = vector.shape_cast %get3A_557 : vector<1x16xf32> to vector<16xf32>
      %mul3A_559 = arith.constant 11.3137083 : f32
      %mul3A_560 = vector.broadcast %mul3A_559 : f32 to vector<16xf32>
      %mul3A_561 = arith.mulf %get3A_558, %mul3A_560 : vector<16xf32>
      %swap3A_562 = arith.index_cast %add3A_554 : i32 to index
      %swap3A_563 = arith.constant 112 : index
      %swap3A_564 = tpu.vector_load %arg9[%swap3A_562, %swap3A_563] {strides = array<i32>} : memref<128x128xf32, #tpu.memory_space<vmem>>, vector<1x16xf32>,
      %swap3A_565 = vector.shape_cast %swap3A_564 : vector<1x16xf32> to vector<16xf32>
      %swap3A_566 = vector.shape_cast %mul3A_561 : vector<16xf32> to vector<1x16xf32>
      tpu.vector_store %arg9[%swap3A_562, %swap3A_563], %swap3A_566 {strides = array<i32>} : memref<128x128xf32, #tpu.memory_space<vmem>>, vector<1x16xf32>,
    }
    %scan3A_181 = arith.constant 64 : i32
    %add3A_182 = arith.constant 24960 : i32
    %add3A_183 = arith.addi %mul3A_2, %add3A_182 : i32
    %dma_start3A_184 = arith.constant 0 : i32
    %dma_start3A_185 = tpu.memref_slice %arg4[%add3A_183, %dma_start3A_184] : memref<819200x128xf32, #tpu.memory_space<hbm>> -> memref<128x128xf32, #tpu.memory_space<hbm>>
    %dma_start3A_186 = arith.constant 0 : i32
    %dma_start3A_187 = tpu.memref_slice %arg4[%add3A_183, %dma_start3A_186] : memref<819200x128xf32, #tpu.memory_space<hbm>> -> memref<128x128xf32, #tpu.memory_space<hbm>>
    tpu.enqueue_dma source(%arg9 : memref<128x128xf32, #tpu.memory_space<vmem>>) target(%dma_start3A_187 : memref<128x128xf32, #tpu.memory_space<hbm>>) target_semaphore(%arg21 : memref<!tpu.dma_semaphore, #tpu.memory_space<semaphore_mem>>)
    %dma_wait3A_188 = arith.constant 196 : i32
    %dma_wait3A_189 = arith.constant 0 : i32
    %dma_wait3A_190 = arith.constant 0 : i32
    %dma_wait3A_191 = tpu.memref_slice %arg10[%dma_wait3A_189, %dma_wait3A_190] : memref<128x128xf32, #tpu.memory_space<vmem>> -> memref<128x128xf32, #tpu.memory_space<vmem>>
    %dma_wait3A_192 = arith.constant 0 : i32
    %dma_wait3A_193 = tpu.memref_slice %arg5[%dma_wait3A_188, %dma_wait3A_192] : memref<200x128xi32, #tpu.memory_space<vmem>> -> memref<1x128xi32, #tpu.memory_space<vmem>>
    %dma_wait3A_194 = tpu.memref_squeeze %dma_wait3A_193 : memref<1x128xi32, #tpu.memory_space<vmem>> -> memref<128xi32, #tpu.memory_space<vmem>>
    %dma_wait3A_195 = arith.constant 0 : i32
    %dma_wait3A_196 = arith.constant 0 : i32
    %dma_wait3A_197 = tpu.memref_slice %arg3[%dma_wait3A_195, %dma_wait3A_196] : memref<100000x128xf32, #tpu.memory_space<hbm>> -> memref<100000x128xf32, #tpu.memory_space<hbm>>
    tpu.wait_indirect_dma semaphore(%arg16 : memref<!tpu.dma_semaphore, #tpu.memory_space<semaphore_mem>>) src(%dma_wait3A_197 : memref<100000x128xf32, #tpu.memory_space<hbm>>) dst(%dma_wait3A_191 : memref<128x128xf32, #tpu.memory_space<vmem>>)
    %scan3A_198 = arith.constant 0 : i32
    %scan3A_199 = arith.constant 0 : i32
    %scan3A_200 = arith.constant 64 : i32
    %scan3A_201 = arith.addi %scan3A_199, %scan3A_200 : i32
    %scan3A_202 = arith.constant 1 : i32
    scf.for %scan3A_312 = %scan3A_199 to %scan3A_201 step %scan3A_202  : i32 {
      %mul3A_313 = arith.constant 2 : i32
      %mul3A_314 = arith.muli %mul3A_313, %scan3A_312 : i32
      %add3A_315 = arith.constant 0 : i32
      %add3A_316 = arith.addi %mul3A_314, %add3A_315 : i32
      %get3A = arith.index_cast %add3A_316 : i32 to index
      %get3A_317 = arith.constant 0 : index
      %get3A_318 = tpu.vector_load %arg10[%get3A, %get3A_317] {strides = array<i32>} : memref<128x128xf32, #tpu.memory_space<vmem>>, vector<1x16xf32>,
      %get3A_319 = vector.shape_cast %get3A_318 : vector<1x16xf32> to vector<16xf32>
      %mul3A_320 = arith.constant 11.3137083 : f32
      %mul3A_321 = vector.broadcast %mul3A_320 : f32 to vector<16xf32>
      %mul3A_322 = arith.mulf %get3A_319, %mul3A_321 : vector<16xf32>
      %swap3A = arith.index_cast %add3A_316 : i32 to index
      %swap3A_323 = arith.constant 0 : index
      %swap3A_324 = tpu.vector_load %arg10[%swap3A, %swap3A_323] {strides = array<i32>} : memref<128x128xf32, #tpu.memory_space<vmem>>, vector<1x16xf32>,
      %swap3A_325 = vector.shape_cast %swap3A_324 : vector<1x16xf32> to vector<16xf32>
      %swap3A_326 = vector.shape_cast %mul3A_322 : vector<16xf32> to vector<1x16xf32>
      tpu.vector_store %arg10[%swap3A, %swap3A_323], %swap3A_326 {strides = array<i32>} : memref<128x128xf32, #tpu.memory_space<vmem>>, vector<1x16xf32>,
      %mul3A_327 = arith.constant 2 : i32
      %mul3A_328 = arith.muli %mul3A_327, %scan3A_312 : i32
      %add3A_329 = arith.constant 0 : i32
      %add3A_330 = arith.addi %mul3A_328, %add3A_329 : i32
      %get3A_331 = arith.index_cast %add3A_330 : i32 to index
      %get3A_332 = arith.constant 16 : index
      %get3A_333 = tpu.vector_load %arg10[%get3A_331, %get3A_332] {strides = array<i32>} : memref<128x128xf32, #tpu.memory_space<vmem>>, vector<1x16xf32>,
      %get3A_334 = vector.shape_cast %get3A_333 : vector<1x16xf32> to vector<16xf32>
      %mul3A_335 = arith.constant 11.3137083 : f32
      %mul3A_336 = vector.broadcast %mul3A_335 : f32 to vector<16xf32>
      %mul3A_337 = arith.mulf %get3A_334, %mul3A_336 : vector<16xf32>
      %swap3A_338 = arith.index_cast %add3A_330 : i32 to index
      %swap3A_339 = arith.constant 16 : index
      %swap3A_340 = tpu.vector_load %arg10[%swap3A_338, %swap3A_339] {strides = array<i32>} : memref<128x128xf32, #tpu.memory_space<vmem>>, vector<1x16xf32>,
      %swap3A_341 = vector.shape_cast %swap3A_340 : vector<1x16xf32> to vector<16xf32>
      %swap3A_342 = vector.shape_cast %mul3A_337 : vector<16xf32> to vector<1x16xf32>
      tpu.vector_store %arg10[%swap3A_338, %swap3A_339], %swap3A_342 {strides = array<i32>} : memref<128x128xf32, #tpu.memory_space<vmem>>, vector<1x16xf32>,
      %mul3A_343 = arith.constant 2 : i32
      %mul3A_344 = arith.muli %mul3A_343, %scan3A_312 : i32
      %add3A_345 = arith.constant 0 : i32
      %add3A_346 = arith.addi %mul3A_344, %add3A_345 : i32
      %get3A_347 = arith.index_cast %add3A_346 : i32 to index
      %get3A_348 = arith.constant 32 : index
      %get3A_349 = tpu.vector_load %arg10[%get3A_347, %get3A_348] {strides = array<i32>} : memref<128x128xf32, #tpu.memory_space<vmem>>, vector<1x16xf32>,
      %get3A_350 = vector.shape_cast %get3A_349 : vector<1x16xf32> to vector<16xf32>
      %mul3A_351 = arith.constant 11.3137083 : f32
      %mul3A_352 = vector.broadcast %mul3A_351 : f32 to vector<16xf32>
      %mul3A_353 = arith.mulf %get3A_350, %mul3A_352 : vector<16xf32>
      %swap3A_354 = arith.index_cast %add3A_346 : i32 to index
      %swap3A_355 = arith.constant 32 : index
      %swap3A_356 = tpu.vector_load %arg10[%swap3A_354, %swap3A_355] {strides = array<i32>} : memref<128x128xf32, #tpu.memory_space<vmem>>, vector<1x16xf32>,
      %swap3A_357 = vector.shape_cast %swap3A_356 : vector<1x16xf32> to vector<16xf32>
      %swap3A_358 = vector.shape_cast %mul3A_353 : vector<16xf32> to vector<1x16xf32>
      tpu.vector_store %arg10[%swap3A_354, %swap3A_355], %swap3A_358 {strides = array<i32>} : memref<128x128xf32, #tpu.memory_space<vmem>>, vector<1x16xf32>,
      %mul3A_359 = arith.constant 2 : i32
      %mul3A_360 = arith.muli %mul3A_359, %scan3A_312 : i32
      %add3A_361 = arith.constant 0 : i32
      %add3A_362 = arith.addi %mul3A_360, %add3A_361 : i32
      %get3A_363 = arith.index_cast %add3A_362 : i32 to index
      %get3A_364 = arith.constant 48 : index
      %get3A_365 = tpu.vector_load %arg10[%get3A_363, %get3A_364] {strides = array<i32>} : memref<128x128xf32, #tpu.memory_space<vmem>>, vector<1x16xf32>,
      %get3A_366 = vector.shape_cast %get3A_365 : vector<1x16xf32> to vector<16xf32>
      %mul3A_367 = arith.constant 11.3137083 : f32
      %mul3A_368 = vector.broadcast %mul3A_367 : f32 to vector<16xf32>
      %mul3A_369 = arith.mulf %get3A_366, %mul3A_368 : vector<16xf32>
      %swap3A_370 = arith.index_cast %add3A_362 : i32 to index
      %swap3A_371 = arith.constant 48 : index
      %swap3A_372 = tpu.vector_load %arg10[%swap3A_370, %swap3A_371] {strides = array<i32>} : memref<128x128xf32, #tpu.memory_space<vmem>>, vector<1x16xf32>,
      %swap3A_373 = vector.shape_cast %swap3A_372 : vector<1x16xf32> to vector<16xf32>
      %swap3A_374 = vector.shape_cast %mul3A_369 : vector<16xf32> to vector<1x16xf32>
      tpu.vector_store %arg10[%swap3A_370, %swap3A_371], %swap3A_374 {strides = array<i32>} : memref<128x128xf32, #tpu.memory_space<vmem>>, vector<1x16xf32>,
      %mul3A_375 = arith.constant 2 : i32
      %mul3A_376 = arith.muli %mul3A_375, %scan3A_312 : i32
      %add3A_377 = arith.constant 0 : i32
      %add3A_378 = arith.addi %mul3A_376, %add3A_377 : i32
      %get3A_379 = arith.index_cast %add3A_378 : i32 to index
      %get3A_380 = arith.constant 64 : index
      %get3A_381 = tpu.vector_load %arg10[%get3A_379, %get3A_380] {strides = array<i32>} : memref<128x128xf32, #tpu.memory_space<vmem>>, vector<1x16xf32>,
      %get3A_382 = vector.shape_cast %get3A_381 : vector<1x16xf32> to vector<16xf32>
      %mul3A_383 = arith.constant 11.3137083 : f32
      %mul3A_384 = vector.broadcast %mul3A_383 : f32 to vector<16xf32>
      %mul3A_385 = arith.mulf %get3A_382, %mul3A_384 : vector<16xf32>
      %swap3A_386 = arith.index_cast %add3A_378 : i32 to index
      %swap3A_387 = arith.constant 64 : index
      %swap3A_388 = tpu.vector_load %arg10[%swap3A_386, %swap3A_387] {strides = array<i32>} : memref<128x128xf32, #tpu.memory_space<vmem>>, vector<1x16xf32>,
      %swap3A_389 = vector.shape_cast %swap3A_388 : vector<1x16xf32> to vector<16xf32>
      %swap3A_390 = vector.shape_cast %mul3A_385 : vector<16xf32> to vector<1x16xf32>
      tpu.vector_store %arg10[%swap3A_386, %swap3A_387], %swap3A_390 {strides = array<i32>} : memref<128x128xf32, #tpu.memory_space<vmem>>, vector<1x16xf32>,
      %mul3A_391 = arith.constant 2 : i32
      %mul3A_392 = arith.muli %mul3A_391, %scan3A_312 : i32
      %add3A_393 = arith.constant 0 : i32
      %add3A_394 = arith.addi %mul3A_392, %add3A_393 : i32
      %get3A_395 = arith.index_cast %add3A_394 : i32 to index
      %get3A_396 = arith.constant 80 : index
      %get3A_397 = tpu.vector_load %arg10[%get3A_395, %get3A_396] {strides = array<i32>} : memref<128x128xf32, #tpu.memory_space<vmem>>, vector<1x16xf32>,
      %get3A_398 = vector.shape_cast %get3A_397 : vector<1x16xf32> to vector<16xf32>
      %mul3A_399 = arith.constant 11.3137083 : f32
      %mul3A_400 = vector.broadcast %mul3A_399 : f32 to vector<16xf32>
      %mul3A_401 = arith.mulf %get3A_398, %mul3A_400 : vector<16xf32>
      %swap3A_402 = arith.index_cast %add3A_394 : i32 to index
      %swap3A_403 = arith.constant 80 : index
      %swap3A_404 = tpu.vector_load %arg10[%swap3A_402, %swap3A_403] {strides = array<i32>} : memref<128x128xf32, #tpu.memory_space<vmem>>, vector<1x16xf32>,
      %swap3A_405 = vector.shape_cast %swap3A_404 : vector<1x16xf32> to vector<16xf32>
      %swap3A_406 = vector.shape_cast %mul3A_401 : vector<16xf32> to vector<1x16xf32>
      tpu.vector_store %arg10[%swap3A_402, %swap3A_403], %swap3A_406 {strides = array<i32>} : memref<128x128xf32, #tpu.memory_space<vmem>>, vector<1x16xf32>,
      %mul3A_407 = arith.constant 2 : i32
      %mul3A_408 = arith.muli %mul3A_407, %scan3A_312 : i32
      %add3A_409 = arith.constant 0 : i32
      %add3A_410 = arith.addi %mul3A_408, %add3A_409 : i32
      %get3A_411 = arith.index_cast %add3A_410 : i32 to index
      %get3A_412 = arith.constant 96 : index
      %get3A_413 = tpu.vector_load %arg10[%get3A_411, %get3A_412] {strides = array<i32>} : memref<128x128xf32, #tpu.memory_space<vmem>>, vector<1x16xf32>,
      %get3A_414 = vector.shape_cast %get3A_413 : vector<1x16xf32> to vector<16xf32>
      %mul3A_415 = arith.constant 11.3137083 : f32
      %mul3A_416 = vector.broadcast %mul3A_415 : f32 to vector<16xf32>
      %mul3A_417 = arith.mulf %get3A_414, %mul3A_416 : vector<16xf32>
      %swap3A_418 = arith.index_cast %add3A_410 : i32 to index
      %swap3A_419 = arith.constant 96 : index
      %swap3A_420 = tpu.vector_load %arg10[%swap3A_418, %swap3A_419] {strides = array<i32>} : memref<128x128xf32, #tpu.memory_space<vmem>>, vector<1x16xf32>,
      %swap3A_421 = vector.shape_cast %swap3A_420 : vector<1x16xf32> to vector<16xf32>
      %swap3A_422 = vector.shape_cast %mul3A_417 : vector<16xf32> to vector<1x16xf32>
      tpu.vector_store %arg10[%swap3A_418, %swap3A_419], %swap3A_422 {strides = array<i32>} : memref<128x128xf32, #tpu.memory_space<vmem>>, vector<1x16xf32>,
      %mul3A_423 = arith.constant 2 : i32
      %mul3A_424 = arith.muli %mul3A_423, %scan3A_312 : i32
      %add3A_425 = arith.constant 0 : i32
      %add3A_426 = arith.addi %mul3A_424, %add3A_425 : i32
      %get3A_427 = arith.index_cast %add3A_426 : i32 to index
      %get3A_428 = arith.constant 112 : index
      %get3A_429 = tpu.vector_load %arg10[%get3A_427, %get3A_428] {strides = array<i32>} : memref<128x128xf32, #tpu.memory_space<vmem>>, vector<1x16xf32>,
      %get3A_430 = vector.shape_cast %get3A_429 : vector<1x16xf32> to vector<16xf32>
      %mul3A_431 = arith.constant 11.3137083 : f32
      %mul3A_432 = vector.broadcast %mul3A_431 : f32 to vector<16xf32>
      %mul3A_433 = arith.mulf %get3A_430, %mul3A_432 : vector<16xf32>
      %swap3A_434 = arith.index_cast %add3A_426 : i32 to index
      %swap3A_435 = arith.constant 112 : index
      %swap3A_436 = tpu.vector_load %arg10[%swap3A_434, %swap3A_435] {strides = array<i32>} : memref<128x128xf32, #tpu.memory_space<vmem>>, vector<1x16xf32>,
      %swap3A_437 = vector.shape_cast %swap3A_436 : vector<1x16xf32> to vector<16xf32>
      %swap3A_438 = vector.shape_cast %mul3A_433 : vector<16xf32> to vector<1x16xf32>
      tpu.vector_store %arg10[%swap3A_434, %swap3A_435], %swap3A_438 {strides = array<i32>} : memref<128x128xf32, #tpu.memory_space<vmem>>, vector<1x16xf32>,
      %mul3A_439 = arith.constant 2 : i32
      %mul3A_440 = arith.muli %mul3A_439, %scan3A_312 : i32
      %add3A_441 = arith.constant 1 : i32
      %add3A_442 = arith.addi %mul3A_440, %add3A_441 : i32
      %get3A_443 = arith.index_cast %add3A_442 : i32 to index
      %get3A_444 = arith.constant 0 : index
      %get3A_445 = tpu.vector_load %arg10[%get3A_443, %get3A_444] {strides = array<i32>} : memref<128x128xf32, #tpu.memory_space<vmem>>, vector<1x16xf32>,
      %get3A_446 = vector.shape_cast %get3A_445 : vector<1x16xf32> to vector<16xf32>
      %mul3A_447 = arith.constant 11.3137083 : f32
      %mul3A_448 = vector.broadcast %mul3A_447 : f32 to vector<16xf32>
      %mul3A_449 = arith.mulf %get3A_446, %mul3A_448 : vector<16xf32>
      %swap3A_450 = arith.index_cast %add3A_442 : i32 to index
      %swap3A_451 = arith.constant 0 : index
      %swap3A_452 = tpu.vector_load %arg10[%swap3A_450, %swap3A_451] {strides = array<i32>} : memref<128x128xf32, #tpu.memory_space<vmem>>, vector<1x16xf32>,
      %swap3A_453 = vector.shape_cast %swap3A_452 : vector<1x16xf32> to vector<16xf32>
      %swap3A_454 = vector.shape_cast %mul3A_449 : vector<16xf32> to vector<1x16xf32>
      tpu.vector_store %arg10[%swap3A_450, %swap3A_451], %swap3A_454 {strides = array<i32>} : memref<128x128xf32, #tpu.memory_space<vmem>>, vector<1x16xf32>,
      %mul3A_455 = arith.constant 2 : i32
      %mul3A_456 = arith.muli %mul3A_455, %scan3A_312 : i32
      %add3A_457 = arith.constant 1 : i32
      %add3A_458 = arith.addi %mul3A_456, %add3A_457 : i32
      %get3A_459 = arith.index_cast %add3A_458 : i32 to index
      %get3A_460 = arith.constant 16 : index
      %get3A_461 = tpu.vector_load %arg10[%get3A_459, %get3A_460] {strides = array<i32>} : memref<128x128xf32, #tpu.memory_space<vmem>>, vector<1x16xf32>,
      %get3A_462 = vector.shape_cast %get3A_461 : vector<1x16xf32> to vector<16xf32>
      %mul3A_463 = arith.constant 11.3137083 : f32
      %mul3A_464 = vector.broadcast %mul3A_463 : f32 to vector<16xf32>
      %mul3A_465 = arith.mulf %get3A_462, %mul3A_464 : vector<16xf32>
      %swap3A_466 = arith.index_cast %add3A_458 : i32 to index
      %swap3A_467 = arith.constant 16 : index
      %swap3A_468 = tpu.vector_load %arg10[%swap3A_466, %swap3A_467] {strides = array<i32>} : memref<128x128xf32, #tpu.memory_space<vmem>>, vector<1x16xf32>,
      %swap3A_469 = vector.shape_cast %swap3A_468 : vector<1x16xf32> to vector<16xf32>
      %swap3A_470 = vector.shape_cast %mul3A_465 : vector<16xf32> to vector<1x16xf32>
      tpu.vector_store %arg10[%swap3A_466, %swap3A_467], %swap3A_470 {strides = array<i32>} : memref<128x128xf32, #tpu.memory_space<vmem>>, vector<1x16xf32>,
      %mul3A_471 = arith.constant 2 : i32
      %mul3A_472 = arith.muli %mul3A_471, %scan3A_312 : i32
      %add3A_473 = arith.constant 1 : i32
      %add3A_474 = arith.addi %mul3A_472, %add3A_473 : i32
      %get3A_475 = arith.index_cast %add3A_474 : i32 to index
      %get3A_476 = arith.constant 32 : index
      %get3A_477 = tpu.vector_load %arg10[%get3A_475, %get3A_476] {strides = array<i32>} : memref<128x128xf32, #tpu.memory_space<vmem>>, vector<1x16xf32>,
      %get3A_478 = vector.shape_cast %get3A_477 : vector<1x16xf32> to vector<16xf32>
      %mul3A_479 = arith.constant 11.3137083 : f32
      %mul3A_480 = vector.broadcast %mul3A_479 : f32 to vector<16xf32>
      %mul3A_481 = arith.mulf %get3A_478, %mul3A_480 : vector<16xf32>
      %swap3A_482 = arith.index_cast %add3A_474 : i32 to index
      %swap3A_483 = arith.constant 32 : index
      %swap3A_484 = tpu.vector_load %arg10[%swap3A_482, %swap3A_483] {strides = array<i32>} : memref<128x128xf32, #tpu.memory_space<vmem>>, vector<1x16xf32>,
      %swap3A_485 = vector.shape_cast %swap3A_484 : vector<1x16xf32> to vector<16xf32>
      %swap3A_486 = vector.shape_cast %mul3A_481 : vector<16xf32> to vector<1x16xf32>
      tpu.vector_store %arg10[%swap3A_482, %swap3A_483], %swap3A_486 {strides = array<i32>} : memref<128x128xf32, #tpu.memory_space<vmem>>, vector<1x16xf32>,
      %mul3A_487 = arith.constant 2 : i32
      %mul3A_488 = arith.muli %mul3A_487, %scan3A_312 : i32
      %add3A_489 = arith.constant 1 : i32
      %add3A_490 = arith.addi %mul3A_488, %add3A_489 : i32
      %get3A_491 = arith.index_cast %add3A_490 : i32 to index
      %get3A_492 = arith.constant 48 : index
      %get3A_493 = tpu.vector_load %arg10[%get3A_491, %get3A_492] {strides = array<i32>} : memref<128x128xf32, #tpu.memory_space<vmem>>, vector<1x16xf32>,
      %get3A_494 = vector.shape_cast %get3A_493 : vector<1x16xf32> to vector<16xf32>
      %mul3A_495 = arith.constant 11.3137083 : f32
      %mul3A_496 = vector.broadcast %mul3A_495 : f32 to vector<16xf32>
      %mul3A_497 = arith.mulf %get3A_494, %mul3A_496 : vector<16xf32>
      %swap3A_498 = arith.index_cast %add3A_490 : i32 to index
      %swap3A_499 = arith.constant 48 : index
      %swap3A_500 = tpu.vector_load %arg10[%swap3A_498, %swap3A_499] {strides = array<i32>} : memref<128x128xf32, #tpu.memory_space<vmem>>, vector<1x16xf32>,
      %swap3A_501 = vector.shape_cast %swap3A_500 : vector<1x16xf32> to vector<16xf32>
      %swap3A_502 = vector.shape_cast %mul3A_497 : vector<16xf32> to vector<1x16xf32>
      tpu.vector_store %arg10[%swap3A_498, %swap3A_499], %swap3A_502 {strides = array<i32>} : memref<128x128xf32, #tpu.memory_space<vmem>>, vector<1x16xf32>,
      %mul3A_503 = arith.constant 2 : i32
      %mul3A_504 = arith.muli %mul3A_503, %scan3A_312 : i32
      %add3A_505 = arith.constant 1 : i32
      %add3A_506 = arith.addi %mul3A_504, %add3A_505 : i32
      %get3A_507 = arith.index_cast %add3A_506 : i32 to index
      %get3A_508 = arith.constant 64 : index
      %get3A_509 = tpu.vector_load %arg10[%get3A_507, %get3A_508] {strides = array<i32>} : memref<128x128xf32, #tpu.memory_space<vmem>>, vector<1x16xf32>,
      %get3A_510 = vector.shape_cast %get3A_509 : vector<1x16xf32> to vector<16xf32>
      %mul3A_511 = arith.constant 11.3137083 : f32
      %mul3A_512 = vector.broadcast %mul3A_511 : f32 to vector<16xf32>
      %mul3A_513 = arith.mulf %get3A_510, %mul3A_512 : vector<16xf32>
      %swap3A_514 = arith.index_cast %add3A_506 : i32 to index
      %swap3A_515 = arith.constant 64 : index
      %swap3A_516 = tpu.vector_load %arg10[%swap3A_514, %swap3A_515] {strides = array<i32>} : memref<128x128xf32, #tpu.memory_space<vmem>>, vector<1x16xf32>,
      %swap3A_517 = vector.shape_cast %swap3A_516 : vector<1x16xf32> to vector<16xf32>
      %swap3A_518 = vector.shape_cast %mul3A_513 : vector<16xf32> to vector<1x16xf32>
      tpu.vector_store %arg10[%swap3A_514, %swap3A_515], %swap3A_518 {strides = array<i32>} : memref<128x128xf32, #tpu.memory_space<vmem>>, vector<1x16xf32>,
      %mul3A_519 = arith.constant 2 : i32
      %mul3A_520 = arith.muli %mul3A_519, %scan3A_312 : i32
      %add3A_521 = arith.constant 1 : i32
      %add3A_522 = arith.addi %mul3A_520, %add3A_521 : i32
      %get3A_523 = arith.index_cast %add3A_522 : i32 to index
      %get3A_524 = arith.constant 80 : index
      %get3A_525 = tpu.vector_load %arg10[%get3A_523, %get3A_524] {strides = array<i32>} : memref<128x128xf32, #tpu.memory_space<vmem>>, vector<1x16xf32>,
      %get3A_526 = vector.shape_cast %get3A_525 : vector<1x16xf32> to vector<16xf32>
      %mul3A_527 = arith.constant 11.3137083 : f32
      %mul3A_528 = vector.broadcast %mul3A_527 : f32 to vector<16xf32>
      %mul3A_529 = arith.mulf %get3A_526, %mul3A_528 : vector<16xf32>
      %swap3A_530 = arith.index_cast %add3A_522 : i32 to index
      %swap3A_531 = arith.constant 80 : index
      %swap3A_532 = tpu.vector_load %arg10[%swap3A_530, %swap3A_531] {strides = array<i32>} : memref<128x128xf32, #tpu.memory_space<vmem>>, vector<1x16xf32>,
      %swap3A_533 = vector.shape_cast %swap3A_532 : vector<1x16xf32> to vector<16xf32>
      %swap3A_534 = vector.shape_cast %mul3A_529 : vector<16xf32> to vector<1x16xf32>
      tpu.vector_store %arg10[%swap3A_530, %swap3A_531], %swap3A_534 {strides = array<i32>} : memref<128x128xf32, #tpu.memory_space<vmem>>, vector<1x16xf32>,
      %mul3A_535 = arith.constant 2 : i32
      %mul3A_536 = arith.muli %mul3A_535, %scan3A_312 : i32
      %add3A_537 = arith.constant 1 : i32
      %add3A_538 = arith.addi %mul3A_536, %add3A_537 : i32
      %get3A_539 = arith.index_cast %add3A_538 : i32 to index
      %get3A_540 = arith.constant 96 : index
      %get3A_541 = tpu.vector_load %arg10[%get3A_539, %get3A_540] {strides = array<i32>} : memref<128x128xf32, #tpu.memory_space<vmem>>, vector<1x16xf32>,
      %get3A_542 = vector.shape_cast %get3A_541 : vector<1x16xf32> to vector<16xf32>
      %mul3A_543 = arith.constant 11.3137083 : f32
      %mul3A_544 = vector.broadcast %mul3A_543 : f32 to vector<16xf32>
      %mul3A_545 = arith.mulf %get3A_542, %mul3A_544 : vector<16xf32>
      %swap3A_546 = arith.index_cast %add3A_538 : i32 to index
      %swap3A_547 = arith.constant 96 : index
      %swap3A_548 = tpu.vector_load %arg10[%swap3A_546, %swap3A_547] {strides = array<i32>} : memref<128x128xf32, #tpu.memory_space<vmem>>, vector<1x16xf32>,
      %swap3A_549 = vector.shape_cast %swap3A_548 : vector<1x16xf32> to vector<16xf32>
      %swap3A_550 = vector.shape_cast %mul3A_545 : vector<16xf32> to vector<1x16xf32>
      tpu.vector_store %arg10[%swap3A_546, %swap3A_547], %swap3A_550 {strides = array<i32>} : memref<128x128xf32, #tpu.memory_space<vmem>>, vector<1x16xf32>,
      %mul3A_551 = arith.constant 2 : i32
      %mul3A_552 = arith.muli %mul3A_551, %scan3A_312 : i32
      %add3A_553 = arith.constant 1 : i32
      %add3A_554 = arith.addi %mul3A_552, %add3A_553 : i32
      %get3A_555 = arith.index_cast %add3A_554 : i32 to index
      %get3A_556 = arith.constant 112 : index
      %get3A_557 = tpu.vector_load %arg10[%get3A_555, %get3A_556] {strides = array<i32>} : memref<128x128xf32, #tpu.memory_space<vmem>>, vector<1x16xf32>,
      %get3A_558 = vector.shape_cast %get3A_557 : vector<1x16xf32> to vector<16xf32>
      %mul3A_559 = arith.constant 11.3137083 : f32
      %mul3A_560 = vector.broadcast %mul3A_559 : f32 to vector<16xf32>
      %mul3A_561 = arith.mulf %get3A_558, %mul3A_560 : vector<16xf32>
      %swap3A_562 = arith.index_cast %add3A_554 : i32 to index
      %swap3A_563 = arith.constant 112 : index
      %swap3A_564 = tpu.vector_load %arg10[%swap3A_562, %swap3A_563] {strides = array<i32>} : memref<128x128xf32, #tpu.memory_space<vmem>>, vector<1x16xf32>,
      %swap3A_565 = vector.shape_cast %swap3A_564 : vector<1x16xf32> to vector<16xf32>
      %swap3A_566 = vector.shape_cast %mul3A_561 : vector<16xf32> to vector<1x16xf32>
      tpu.vector_store %arg10[%swap3A_562, %swap3A_563], %swap3A_566 {strides = array<i32>} : memref<128x128xf32, #tpu.memory_space<vmem>>, vector<1x16xf32>,
    }
    %scan3A_203 = arith.constant 64 : i32
    %add3A_204 = arith.constant 25088 : i32
    %add3A_205 = arith.addi %mul3A_2, %add3A_204 : i32
    %dma_start3A_206 = arith.constant 0 : i32
    %dma_start3A_207 = tpu.memref_slice %arg4[%add3A_205, %dma_start3A_206] : memref<819200x128xf32, #tpu.memory_space<hbm>> -> memref<128x128xf32, #tpu.memory_space<hbm>>
    %dma_start3A_208 = arith.constant 0 : i32
    %dma_start3A_209 = tpu.memref_slice %arg4[%add3A_205, %dma_start3A_208] : memref<819200x128xf32, #tpu.memory_space<hbm>> -> memref<128x128xf32, #tpu.memory_space<hbm>>
    tpu.enqueue_dma source(%arg10 : memref<128x128xf32, #tpu.memory_space<vmem>>) target(%dma_start3A_209 : memref<128x128xf32, #tpu.memory_space<hbm>>) target_semaphore(%arg22 : memref<!tpu.dma_semaphore, #tpu.memory_space<semaphore_mem>>)
    %dma_wait3A_210 = arith.constant 197 : i32
    %dma_wait3A_211 = arith.constant 0 : i32
    %dma_wait3A_212 = arith.constant 0 : i32
    %dma_wait3A_213 = tpu.memref_slice %arg11[%dma_wait3A_211, %dma_wait3A_212] : memref<128x128xf32, #tpu.memory_space<vmem>> -> memref<128x128xf32, #tpu.memory_space<vmem>>
    %dma_wait3A_214 = arith.constant 0 : i32
    %dma_wait3A_215 = tpu.memref_slice %arg5[%dma_wait3A_210, %dma_wait3A_214] : memref<200x128xi32, #tpu.memory_space<vmem>> -> memref<1x128xi32, #tpu.memory_space<vmem>>
    %dma_wait3A_216 = tpu.memref_squeeze %dma_wait3A_215 : memref<1x128xi32, #tpu.memory_space<vmem>> -> memref<128xi32, #tpu.memory_space<vmem>>
    %dma_wait3A_217 = arith.constant 0 : i32
    %dma_wait3A_218 = arith.constant 0 : i32
    %dma_wait3A_219 = tpu.memref_slice %arg3[%dma_wait3A_217, %dma_wait3A_218] : memref<100000x128xf32, #tpu.memory_space<hbm>> -> memref<100000x128xf32, #tpu.memory_space<hbm>>
    tpu.wait_indirect_dma semaphore(%arg17 : memref<!tpu.dma_semaphore, #tpu.memory_space<semaphore_mem>>) src(%dma_wait3A_219 : memref<100000x128xf32, #tpu.memory_space<hbm>>) dst(%dma_wait3A_213 : memref<128x128xf32, #tpu.memory_space<vmem>>)
    %scan3A_220 = arith.constant 0 : i32
    %scan3A_221 = arith.constant 0 : i32
    %scan3A_222 = arith.constant 64 : i32
    %scan3A_223 = arith.addi %scan3A_221, %scan3A_222 : i32
    %scan3A_224 = arith.constant 1 : i32
    scf.for %scan3A_312 = %scan3A_221 to %scan3A_223 step %scan3A_224  : i32 {
      %mul3A_313 = arith.constant 2 : i32
      %mul3A_314 = arith.muli %mul3A_313, %scan3A_312 : i32
      %add3A_315 = arith.constant 0 : i32
      %add3A_316 = arith.addi %mul3A_314, %add3A_315 : i32
      %get3A = arith.index_cast %add3A_316 : i32 to index
      %get3A_317 = arith.constant 0 : index
      %get3A_318 = tpu.vector_load %arg11[%get3A, %get3A_317] {strides = array<i32>} : memref<128x128xf32, #tpu.memory_space<vmem>>, vector<1x16xf32>,
      %get3A_319 = vector.shape_cast %get3A_318 : vector<1x16xf32> to vector<16xf32>
      %mul3A_320 = arith.constant 11.3137083 : f32
      %mul3A_321 = vector.broadcast %mul3A_320 : f32 to vector<16xf32>
      %mul3A_322 = arith.mulf %get3A_319, %mul3A_321 : vector<16xf32>
      %swap3A = arith.index_cast %add3A_316 : i32 to index
      %swap3A_323 = arith.constant 0 : index
      %swap3A_324 = tpu.vector_load %arg11[%swap3A, %swap3A_323] {strides = array<i32>} : memref<128x128xf32, #tpu.memory_space<vmem>>, vector<1x16xf32>,
      %swap3A_325 = vector.shape_cast %swap3A_324 : vector<1x16xf32> to vector<16xf32>
      %swap3A_326 = vector.shape_cast %mul3A_322 : vector<16xf32> to vector<1x16xf32>
      tpu.vector_store %arg11[%swap3A, %swap3A_323], %swap3A_326 {strides = array<i32>} : memref<128x128xf32, #tpu.memory_space<vmem>>, vector<1x16xf32>,
      %mul3A_327 = arith.constant 2 : i32
      %mul3A_328 = arith.muli %mul3A_327, %scan3A_312 : i32
      %add3A_329 = arith.constant 0 : i32
      %add3A_330 = arith.addi %mul3A_328, %add3A_329 : i32
      %get3A_331 = arith.index_cast %add3A_330 : i32 to index
      %get3A_332 = arith.constant 16 : index
      %get3A_333 = tpu.vector_load %arg11[%get3A_331, %get3A_332] {strides = array<i32>} : memref<128x128xf32, #tpu.memory_space<vmem>>, vector<1x16xf32>,
      %get3A_334 = vector.shape_cast %get3A_333 : vector<1x16xf32> to vector<16xf32>
      %mul3A_335 = arith.constant 11.3137083 : f32
      %mul3A_336 = vector.broadcast %mul3A_335 : f32 to vector<16xf32>
      %mul3A_337 = arith.mulf %get3A_334, %mul3A_336 : vector<16xf32>
      %swap3A_338 = arith.index_cast %add3A_330 : i32 to index
      %swap3A_339 = arith.constant 16 : index
      %swap3A_340 = tpu.vector_load %arg11[%swap3A_338, %swap3A_339] {strides = array<i32>} : memref<128x128xf32, #tpu.memory_space<vmem>>, vector<1x16xf32>,
      %swap3A_341 = vector.shape_cast %swap3A_340 : vector<1x16xf32> to vector<16xf32>
      %swap3A_342 = vector.shape_cast %mul3A_337 : vector<16xf32> to vector<1x16xf32>
      tpu.vector_store %arg11[%swap3A_338, %swap3A_339], %swap3A_342 {strides = array<i32>} : memref<128x128xf32, #tpu.memory_space<vmem>>, vector<1x16xf32>,
      %mul3A_343 = arith.constant 2 : i32
      %mul3A_344 = arith.muli %mul3A_343, %scan3A_312 : i32
      %add3A_345 = arith.constant 0 : i32
      %add3A_346 = arith.addi %mul3A_344, %add3A_345 : i32
      %get3A_347 = arith.index_cast %add3A_346 : i32 to index
      %get3A_348 = arith.constant 32 : index
      %get3A_349 = tpu.vector_load %arg11[%get3A_347, %get3A_348] {strides = array<i32>} : memref<128x128xf32, #tpu.memory_space<vmem>>, vector<1x16xf32>,
      %get3A_350 = vector.shape_cast %get3A_349 : vector<1x16xf32> to vector<16xf32>
      %mul3A_351 = arith.constant 11.3137083 : f32
      %mul3A_352 = vector.broadcast %mul3A_351 : f32 to vector<16xf32>
      %mul3A_353 = arith.mulf %get3A_350, %mul3A_352 : vector<16xf32>
      %swap3A_354 = arith.index_cast %add3A_346 : i32 to index
      %swap3A_355 = arith.constant 32 : index
      %swap3A_356 = tpu.vector_load %arg11[%swap3A_354, %swap3A_355] {strides = array<i32>} : memref<128x128xf32, #tpu.memory_space<vmem>>, vector<1x16xf32>,
      %swap3A_357 = vector.shape_cast %swap3A_356 : vector<1x16xf32> to vector<16xf32>
      %swap3A_358 = vector.shape_cast %mul3A_353 : vector<16xf32> to vector<1x16xf32>
      tpu.vector_store %arg11[%swap3A_354, %swap3A_355], %swap3A_358 {strides = array<i32>} : memref<128x128xf32, #tpu.memory_space<vmem>>, vector<1x16xf32>,
      %mul3A_359 = arith.constant 2 : i32
      %mul3A_360 = arith.muli %mul3A_359, %scan3A_312 : i32
      %add3A_361 = arith.constant 0 : i32
      %add3A_362 = arith.addi %mul3A_360, %add3A_361 : i32
      %get3A_363 = arith.index_cast %add3A_362 : i32 to index
      %get3A_364 = arith.constant 48 : index
      %get3A_365 = tpu.vector_load %arg11[%get3A_363, %get3A_364] {strides = array<i32>} : memref<128x128xf32, #tpu.memory_space<vmem>>, vector<1x16xf32>,
      %get3A_366 = vector.shape_cast %get3A_365 : vector<1x16xf32> to vector<16xf32>
      %mul3A_367 = arith.constant 11.3137083 : f32
      %mul3A_368 = vector.broadcast %mul3A_367 : f32 to vector<16xf32>
      %mul3A_369 = arith.mulf %get3A_366, %mul3A_368 : vector<16xf32>
      %swap3A_370 = arith.index_cast %add3A_362 : i32 to index
      %swap3A_371 = arith.constant 48 : index
      %swap3A_372 = tpu.vector_load %arg11[%swap3A_370, %swap3A_371] {strides = array<i32>} : memref<128x128xf32, #tpu.memory_space<vmem>>, vector<1x16xf32>,
      %swap3A_373 = vector.shape_cast %swap3A_372 : vector<1x16xf32> to vector<16xf32>
      %swap3A_374 = vector.shape_cast %mul3A_369 : vector<16xf32> to vector<1x16xf32>
      tpu.vector_store %arg11[%swap3A_370, %swap3A_371], %swap3A_374 {strides = array<i32>} : memref<128x128xf32, #tpu.memory_space<vmem>>, vector<1x16xf32>,
      %mul3A_375 = arith.constant 2 : i32
      %mul3A_376 = arith.muli %mul3A_375, %scan3A_312 : i32
      %add3A_377 = arith.constant 0 : i32
      %add3A_378 = arith.addi %mul3A_376, %add3A_377 : i32
      %get3A_379 = arith.index_cast %add3A_378 : i32 to index
      %get3A_380 = arith.constant 64 : index
      %get3A_381 = tpu.vector_load %arg11[%get3A_379, %get3A_380] {strides = array<i32>} : memref<128x128xf32, #tpu.memory_space<vmem>>, vector<1x16xf32>,
      %get3A_382 = vector.shape_cast %get3A_381 : vector<1x16xf32> to vector<16xf32>
      %mul3A_383 = arith.constant 11.3137083 : f32
      %mul3A_384 = vector.broadcast %mul3A_383 : f32 to vector<16xf32>
      %mul3A_385 = arith.mulf %get3A_382, %mul3A_384 : vector<16xf32>
      %swap3A_386 = arith.index_cast %add3A_378 : i32 to index
      %swap3A_387 = arith.constant 64 : index
      %swap3A_388 = tpu.vector_load %arg11[%swap3A_386, %swap3A_387] {strides = array<i32>} : memref<128x128xf32, #tpu.memory_space<vmem>>, vector<1x16xf32>,
      %swap3A_389 = vector.shape_cast %swap3A_388 : vector<1x16xf32> to vector<16xf32>
      %swap3A_390 = vector.shape_cast %mul3A_385 : vector<16xf32> to vector<1x16xf32>
      tpu.vector_store %arg11[%swap3A_386, %swap3A_387], %swap3A_390 {strides = array<i32>} : memref<128x128xf32, #tpu.memory_space<vmem>>, vector<1x16xf32>,
      %mul3A_391 = arith.constant 2 : i32
      %mul3A_392 = arith.muli %mul3A_391, %scan3A_312 : i32
      %add3A_393 = arith.constant 0 : i32
      %add3A_394 = arith.addi %mul3A_392, %add3A_393 : i32
      %get3A_395 = arith.index_cast %add3A_394 : i32 to index
      %get3A_396 = arith.constant 80 : index
      %get3A_397 = tpu.vector_load %arg11[%get3A_395, %get3A_396] {strides = array<i32>} : memref<128x128xf32, #tpu.memory_space<vmem>>, vector<1x16xf32>,
      %get3A_398 = vector.shape_cast %get3A_397 : vector<1x16xf32> to vector<16xf32>
      %mul3A_399 = arith.constant 11.3137083 : f32
      %mul3A_400 = vector.broadcast %mul3A_399 : f32 to vector<16xf32>
      %mul3A_401 = arith.mulf %get3A_398, %mul3A_400 : vector<16xf32>
      %swap3A_402 = arith.index_cast %add3A_394 : i32 to index
      %swap3A_403 = arith.constant 80 : index
      %swap3A_404 = tpu.vector_load %arg11[%swap3A_402, %swap3A_403] {strides = array<i32>} : memref<128x128xf32, #tpu.memory_space<vmem>>, vector<1x16xf32>,
      %swap3A_405 = vector.shape_cast %swap3A_404 : vector<1x16xf32> to vector<16xf32>
      %swap3A_406 = vector.shape_cast %mul3A_401 : vector<16xf32> to vector<1x16xf32>
      tpu.vector_store %arg11[%swap3A_402, %swap3A_403], %swap3A_406 {strides = array<i32>} : memref<128x128xf32, #tpu.memory_space<vmem>>, vector<1x16xf32>,
      %mul3A_407 = arith.constant 2 : i32
      %mul3A_408 = arith.muli %mul3A_407, %scan3A_312 : i32
      %add3A_409 = arith.constant 0 : i32
      %add3A_410 = arith.addi %mul3A_408, %add3A_409 : i32
      %get3A_411 = arith.index_cast %add3A_410 : i32 to index
      %get3A_412 = arith.constant 96 : index
      %get3A_413 = tpu.vector_load %arg11[%get3A_411, %get3A_412] {strides = array<i32>} : memref<128x128xf32, #tpu.memory_space<vmem>>, vector<1x16xf32>,
      %get3A_414 = vector.shape_cast %get3A_413 : vector<1x16xf32> to vector<16xf32>
      %mul3A_415 = arith.constant 11.3137083 : f32
      %mul3A_416 = vector.broadcast %mul3A_415 : f32 to vector<16xf32>
      %mul3A_417 = arith.mulf %get3A_414, %mul3A_416 : vector<16xf32>
      %swap3A_418 = arith.index_cast %add3A_410 : i32 to index
      %swap3A_419 = arith.constant 96 : index
      %swap3A_420 = tpu.vector_load %arg11[%swap3A_418, %swap3A_419] {strides = array<i32>} : memref<128x128xf32, #tpu.memory_space<vmem>>, vector<1x16xf32>,
      %swap3A_421 = vector.shape_cast %swap3A_420 : vector<1x16xf32> to vector<16xf32>
      %swap3A_422 = vector.shape_cast %mul3A_417 : vector<16xf32> to vector<1x16xf32>
      tpu.vector_store %arg11[%swap3A_418, %swap3A_419], %swap3A_422 {strides = array<i32>} : memref<128x128xf32, #tpu.memory_space<vmem>>, vector<1x16xf32>,
      %mul3A_423 = arith.constant 2 : i32
      %mul3A_424 = arith.muli %mul3A_423, %scan3A_312 : i32
      %add3A_425 = arith.constant 0 : i32
      %add3A_426 = arith.addi %mul3A_424, %add3A_425 : i32
      %get3A_427 = arith.index_cast %add3A_426 : i32 to index
      %get3A_428 = arith.constant 112 : index
      %get3A_429 = tpu.vector_load %arg11[%get3A_427, %get3A_428] {strides = array<i32>} : memref<128x128xf32, #tpu.memory_space<vmem>>, vector<1x16xf32>,
      %get3A_430 = vector.shape_cast %get3A_429 : vector<1x16xf32> to vector<16xf32>
      %mul3A_431 = arith.constant 11.3137083 : f32
      %mul3A_432 = vector.broadcast %mul3A_431 : f32 to vector<16xf32>
      %mul3A_433 = arith.mulf %get3A_430, %mul3A_432 : vector<16xf32>
      %swap3A_434 = arith.index_cast %add3A_426 : i32 to index
      %swap3A_435 = arith.constant 112 : index
      %swap3A_436 = tpu.vector_load %arg11[%swap3A_434, %swap3A_435] {strides = array<i32>} : memref<128x128xf32, #tpu.memory_space<vmem>>, vector<1x16xf32>,
      %swap3A_437 = vector.shape_cast %swap3A_436 : vector<1x16xf32> to vector<16xf32>
      %swap3A_438 = vector.shape_cast %mul3A_433 : vector<16xf32> to vector<1x16xf32>
      tpu.vector_store %arg11[%swap3A_434, %swap3A_435], %swap3A_438 {strides = array<i32>} : memref<128x128xf32, #tpu.memory_space<vmem>>, vector<1x16xf32>,
      %mul3A_439 = arith.constant 2 : i32
      %mul3A_440 = arith.muli %mul3A_439, %scan3A_312 : i32
      %add3A_441 = arith.constant 1 : i32
      %add3A_442 = arith.addi %mul3A_440, %add3A_441 : i32
      %get3A_443 = arith.index_cast %add3A_442 : i32 to index
      %get3A_444 = arith.constant 0 : index
      %get3A_445 = tpu.vector_load %arg11[%get3A_443, %get3A_444] {strides = array<i32>} : memref<128x128xf32, #tpu.memory_space<vmem>>, vector<1x16xf32>,
      %get3A_446 = vector.shape_cast %get3A_445 : vector<1x16xf32> to vector<16xf32>
      %mul3A_447 = arith.constant 11.3137083 : f32
      %mul3A_448 = vector.broadcast %mul3A_447 : f32 to vector<16xf32>
      %mul3A_449 = arith.mulf %get3A_446, %mul3A_448 : vector<16xf32>
      %swap3A_450 = arith.index_cast %add3A_442 : i32 to index
      %swap3A_451 = arith.constant 0 : index
      %swap3A_452 = tpu.vector_load %arg11[%swap3A_450, %swap3A_451] {strides = array<i32>} : memref<128x128xf32, #tpu.memory_space<vmem>>, vector<1x16xf32>,
      %swap3A_453 = vector.shape_cast %swap3A_452 : vector<1x16xf32> to vector<16xf32>
      %swap3A_454 = vector.shape_cast %mul3A_449 : vector<16xf32> to vector<1x16xf32>
      tpu.vector_store %arg11[%swap3A_450, %swap3A_451], %swap3A_454 {strides = array<i32>} : memref<128x128xf32, #tpu.memory_space<vmem>>, vector<1x16xf32>,
      %mul3A_455 = arith.constant 2 : i32
      %mul3A_456 = arith.muli %mul3A_455, %scan3A_312 : i32
      %add3A_457 = arith.constant 1 : i32
      %add3A_458 = arith.addi %mul3A_456, %add3A_457 : i32
      %get3A_459 = arith.index_cast %add3A_458 : i32 to index
      %get3A_460 = arith.constant 16 : index
      %get3A_461 = tpu.vector_load %arg11[%get3A_459, %get3A_460] {strides = array<i32>} : memref<128x128xf32, #tpu.memory_space<vmem>>, vector<1x16xf32>,
      %get3A_462 = vector.shape_cast %get3A_461 : vector<1x16xf32> to vector<16xf32>
      %mul3A_463 = arith.constant 11.3137083 : f32
      %mul3A_464 = vector.broadcast %mul3A_463 : f32 to vector<16xf32>
      %mul3A_465 = arith.mulf %get3A_462, %mul3A_464 : vector<16xf32>
      %swap3A_466 = arith.index_cast %add3A_458 : i32 to index
      %swap3A_467 = arith.constant 16 : index
      %swap3A_468 = tpu.vector_load %arg11[%swap3A_466, %swap3A_467] {strides = array<i32>} : memref<128x128xf32, #tpu.memory_space<vmem>>, vector<1x16xf32>,
      %swap3A_469 = vector.shape_cast %swap3A_468 : vector<1x16xf32> to vector<16xf32>
      %swap3A_470 = vector.shape_cast %mul3A_465 : vector<16xf32> to vector<1x16xf32>
      tpu.vector_store %arg11[%swap3A_466, %swap3A_467], %swap3A_470 {strides = array<i32>} : memref<128x128xf32, #tpu.memory_space<vmem>>, vector<1x16xf32>,
      %mul3A_471 = arith.constant 2 : i32
      %mul3A_472 = arith.muli %mul3A_471, %scan3A_312 : i32
      %add3A_473 = arith.constant 1 : i32
      %add3A_474 = arith.addi %mul3A_472, %add3A_473 : i32
      %get3A_475 = arith.index_cast %add3A_474 : i32 to index
      %get3A_476 = arith.constant 32 : index
      %get3A_477 = tpu.vector_load %arg11[%get3A_475, %get3A_476] {strides = array<i32>} : memref<128x128xf32, #tpu.memory_space<vmem>>, vector<1x16xf32>,
      %get3A_478 = vector.shape_cast %get3A_477 : vector<1x16xf32> to vector<16xf32>
      %mul3A_479 = arith.constant 11.3137083 : f32
      %mul3A_480 = vector.broadcast %mul3A_479 : f32 to vector<16xf32>
      %mul3A_481 = arith.mulf %get3A_478, %mul3A_480 : vector<16xf32>
      %swap3A_482 = arith.index_cast %add3A_474 : i32 to index
      %swap3A_483 = arith.constant 32 : index
      %swap3A_484 = tpu.vector_load %arg11[%swap3A_482, %swap3A_483] {strides = array<i32>} : memref<128x128xf32, #tpu.memory_space<vmem>>, vector<1x16xf32>,
      %swap3A_485 = vector.shape_cast %swap3A_484 : vector<1x16xf32> to vector<16xf32>
      %swap3A_486 = vector.shape_cast %mul3A_481 : vector<16xf32> to vector<1x16xf32>
      tpu.vector_store %arg11[%swap3A_482, %swap3A_483], %swap3A_486 {strides = array<i32>} : memref<128x128xf32, #tpu.memory_space<vmem>>, vector<1x16xf32>,
      %mul3A_487 = arith.constant 2 : i32
      %mul3A_488 = arith.muli %mul3A_487, %scan3A_312 : i32
      %add3A_489 = arith.constant 1 : i32
      %add3A_490 = arith.addi %mul3A_488, %add3A_489 : i32
      %get3A_491 = arith.index_cast %add3A_490 : i32 to index
      %get3A_492 = arith.constant 48 : index
      %get3A_493 = tpu.vector_load %arg11[%get3A_491, %get3A_492] {strides = array<i32>} : memref<128x128xf32, #tpu.memory_space<vmem>>, vector<1x16xf32>,
      %get3A_494 = vector.shape_cast %get3A_493 : vector<1x16xf32> to vector<16xf32>
      %mul3A_495 = arith.constant 11.3137083 : f32
      %mul3A_496 = vector.broadcast %mul3A_495 : f32 to vector<16xf32>
      %mul3A_497 = arith.mulf %get3A_494, %mul3A_496 : vector<16xf32>
      %swap3A_498 = arith.index_cast %add3A_490 : i32 to index
      %swap3A_499 = arith.constant 48 : index
      %swap3A_500 = tpu.vector_load %arg11[%swap3A_498, %swap3A_499] {strides = array<i32>} : memref<128x128xf32, #tpu.memory_space<vmem>>, vector<1x16xf32>,
      %swap3A_501 = vector.shape_cast %swap3A_500 : vector<1x16xf32> to vector<16xf32>
      %swap3A_502 = vector.shape_cast %mul3A_497 : vector<16xf32> to vector<1x16xf32>
      tpu.vector_store %arg11[%swap3A_498, %swap3A_499], %swap3A_502 {strides = array<i32>} : memref<128x128xf32, #tpu.memory_space<vmem>>, vector<1x16xf32>,
      %mul3A_503 = arith.constant 2 : i32
      %mul3A_504 = arith.muli %mul3A_503, %scan3A_312 : i32
      %add3A_505 = arith.constant 1 : i32
      %add3A_506 = arith.addi %mul3A_504, %add3A_505 : i32
      %get3A_507 = arith.index_cast %add3A_506 : i32 to index
      %get3A_508 = arith.constant 64 : index
      %get3A_509 = tpu.vector_load %arg11[%get3A_507, %get3A_508] {strides = array<i32>} : memref<128x128xf32, #tpu.memory_space<vmem>>, vector<1x16xf32>,
      %get3A_510 = vector.shape_cast %get3A_509 : vector<1x16xf32> to vector<16xf32>
      %mul3A_511 = arith.constant 11.3137083 : f32
      %mul3A_512 = vector.broadcast %mul3A_511 : f32 to vector<16xf32>
      %mul3A_513 = arith.mulf %get3A_510, %mul3A_512 : vector<16xf32>
      %swap3A_514 = arith.index_cast %add3A_506 : i32 to index
      %swap3A_515 = arith.constant 64 : index
      %swap3A_516 = tpu.vector_load %arg11[%swap3A_514, %swap3A_515] {strides = array<i32>} : memref<128x128xf32, #tpu.memory_space<vmem>>, vector<1x16xf32>,
      %swap3A_517 = vector.shape_cast %swap3A_516 : vector<1x16xf32> to vector<16xf32>
      %swap3A_518 = vector.shape_cast %mul3A_513 : vector<16xf32> to vector<1x16xf32>
      tpu.vector_store %arg11[%swap3A_514, %swap3A_515], %swap3A_518 {strides = array<i32>} : memref<128x128xf32, #tpu.memory_space<vmem>>, vector<1x16xf32>,
      %mul3A_519 = arith.constant 2 : i32
      %mul3A_520 = arith.muli %mul3A_519, %scan3A_312 : i32
      %add3A_521 = arith.constant 1 : i32
      %add3A_522 = arith.addi %mul3A_520, %add3A_521 : i32
      %get3A_523 = arith.index_cast %add3A_522 : i32 to index
      %get3A_524 = arith.constant 80 : index
      %get3A_525 = tpu.vector_load %arg11[%get3A_523, %get3A_524] {strides = array<i32>} : memref<128x128xf32, #tpu.memory_space<vmem>>, vector<1x16xf32>,
      %get3A_526 = vector.shape_cast %get3A_525 : vector<1x16xf32> to vector<16xf32>
      %mul3A_527 = arith.constant 11.3137083 : f32
      %mul3A_528 = vector.broadcast %mul3A_527 : f32 to vector<16xf32>
      %mul3A_529 = arith.mulf %get3A_526, %mul3A_528 : vector<16xf32>
      %swap3A_530 = arith.index_cast %add3A_522 : i32 to index
      %swap3A_531 = arith.constant 80 : index
      %swap3A_532 = tpu.vector_load %arg11[%swap3A_530, %swap3A_531] {strides = array<i32>} : memref<128x128xf32, #tpu.memory_space<vmem>>, vector<1x16xf32>,
      %swap3A_533 = vector.shape_cast %swap3A_532 : vector<1x16xf32> to vector<16xf32>
      %swap3A_534 = vector.shape_cast %mul3A_529 : vector<16xf32> to vector<1x16xf32>
      tpu.vector_store %arg11[%swap3A_530, %swap3A_531], %swap3A_534 {strides = array<i32>} : memref<128x128xf32, #tpu.memory_space<vmem>>, vector<1x16xf32>,
      %mul3A_535 = arith.constant 2 : i32
      %mul3A_536 = arith.muli %mul3A_535, %scan3A_312 : i32
      %add3A_537 = arith.constant 1 : i32
      %add3A_538 = arith.addi %mul3A_536, %add3A_537 : i32
      %get3A_539 = arith.index_cast %add3A_538 : i32 to index
      %get3A_540 = arith.constant 96 : index
      %get3A_541 = tpu.vector_load %arg11[%get3A_539, %get3A_540] {strides = array<i32>} : memref<128x128xf32, #tpu.memory_space<vmem>>, vector<1x16xf32>,
      %get3A_542 = vector.shape_cast %get3A_541 : vector<1x16xf32> to vector<16xf32>
      %mul3A_543 = arith.constant 11.3137083 : f32
      %mul3A_544 = vector.broadcast %mul3A_543 : f32 to vector<16xf32>
      %mul3A_545 = arith.mulf %get3A_542, %mul3A_544 : vector<16xf32>
      %swap3A_546 = arith.index_cast %add3A_538 : i32 to index
      %swap3A_547 = arith.constant 96 : index
      %swap3A_548 = tpu.vector_load %arg11[%swap3A_546, %swap3A_547] {strides = array<i32>} : memref<128x128xf32, #tpu.memory_space<vmem>>, vector<1x16xf32>,
      %swap3A_549 = vector.shape_cast %swap3A_548 : vector<1x16xf32> to vector<16xf32>
      %swap3A_550 = vector.shape_cast %mul3A_545 : vector<16xf32> to vector<1x16xf32>
      tpu.vector_store %arg11[%swap3A_546, %swap3A_547], %swap3A_550 {strides = array<i32>} : memref<128x128xf32, #tpu.memory_space<vmem>>, vector<1x16xf32>,
      %mul3A_551 = arith.constant 2 : i32
      %mul3A_552 = arith.muli %mul3A_551, %scan3A_312 : i32
      %add3A_553 = arith.constant 1 : i32
      %add3A_554 = arith.addi %mul3A_552, %add3A_553 : i32
      %get3A_555 = arith.index_cast %add3A_554 : i32 to index
      %get3A_556 = arith.constant 112 : index
      %get3A_557 = tpu.vector_load %arg11[%get3A_555, %get3A_556] {strides = array<i32>} : memref<128x128xf32, #tpu.memory_space<vmem>>, vector<1x16xf32>,
      %get3A_558 = vector.shape_cast %get3A_557 : vector<1x16xf32> to vector<16xf32>
      %mul3A_559 = arith.constant 11.3137083 : f32
      %mul3A_560 = vector.broadcast %mul3A_559 : f32 to vector<16xf32>
      %mul3A_561 = arith.mulf %get3A_558, %mul3A_560 : vector<16xf32>
      %swap3A_562 = arith.index_cast %add3A_554 : i32 to index
      %swap3A_563 = arith.constant 112 : index
      %swap3A_564 = tpu.vector_load %arg11[%swap3A_562, %swap3A_563] {strides = array<i32>} : memref<128x128xf32, #tpu.memory_space<vmem>>, vector<1x16xf32>,
      %swap3A_565 = vector.shape_cast %swap3A_564 : vector<1x16xf32> to vector<16xf32>
      %swap3A_566 = vector.shape_cast %mul3A_561 : vector<16xf32> to vector<1x16xf32>
      tpu.vector_store %arg11[%swap3A_562, %swap3A_563], %swap3A_566 {strides = array<i32>} : memref<128x128xf32, #tpu.memory_space<vmem>>, vector<1x16xf32>,
    }
    %scan3A_225 = arith.constant 64 : i32
    %add3A_226 = arith.constant 25216 : i32
    %add3A_227 = arith.addi %mul3A_2, %add3A_226 : i32
    %dma_start3A_228 = arith.constant 0 : i32
    %dma_start3A_229 = tpu.memref_slice %arg4[%add3A_227, %dma_start3A_228] : memref<819200x128xf32, #tpu.memory_space<hbm>> -> memref<128x128xf32, #tpu.memory_space<hbm>>
    %dma_start3A_230 = arith.constant 0 : i32
    %dma_start3A_231 = tpu.memref_slice %arg4[%add3A_227, %dma_start3A_230] : memref<819200x128xf32, #tpu.memory_space<hbm>> -> memref<128x128xf32, #tpu.memory_space<hbm>>
    tpu.enqueue_dma source(%arg11 : memref<128x128xf32, #tpu.memory_space<vmem>>) target(%dma_start3A_231 : memref<128x128xf32, #tpu.memory_space<hbm>>) target_semaphore(%arg23 : memref<!tpu.dma_semaphore, #tpu.memory_space<semaphore_mem>>)
    %dma_wait3A_232 = arith.constant 198 : i32
    %dma_wait3A_233 = arith.constant 0 : i32
    %dma_wait3A_234 = arith.constant 0 : i32
    %dma_wait3A_235 = tpu.memref_slice %arg6[%dma_wait3A_233, %dma_wait3A_234] : memref<128x128xf32, #tpu.memory_space<vmem>> -> memref<128x128xf32, #tpu.memory_space<vmem>>
    %dma_wait3A_236 = arith.constant 0 : i32
    %dma_wait3A_237 = tpu.memref_slice %arg5[%dma_wait3A_232, %dma_wait3A_236] : memref<200x128xi32, #tpu.memory_space<vmem>> -> memref<1x128xi32, #tpu.memory_space<vmem>>
    %dma_wait3A_238 = tpu.memref_squeeze %dma_wait3A_237 : memref<1x128xi32, #tpu.memory_space<vmem>> -> memref<128xi32, #tpu.memory_space<vmem>>
    %dma_wait3A_239 = arith.constant 0 : i32
    %dma_wait3A_240 = arith.constant 0 : i32
    %dma_wait3A_241 = tpu.memref_slice %arg3[%dma_wait3A_239, %dma_wait3A_240] : memref<100000x128xf32, #tpu.memory_space<hbm>> -> memref<100000x128xf32, #tpu.memory_space<hbm>>
    tpu.wait_indirect_dma semaphore(%arg12 : memref<!tpu.dma_semaphore, #tpu.memory_space<semaphore_mem>>) src(%dma_wait3A_241 : memref<100000x128xf32, #tpu.memory_space<hbm>>) dst(%dma_wait3A_235 : memref<128x128xf32, #tpu.memory_space<vmem>>)
    %scan3A_242 = arith.constant 0 : i32
    %scan3A_243 = arith.constant 0 : i32
    %scan3A_244 = arith.constant 64 : i32
    %scan3A_245 = arith.addi %scan3A_243, %scan3A_244 : i32
    %scan3A_246 = arith.constant 1 : i32
    scf.for %scan3A_312 = %scan3A_243 to %scan3A_245 step %scan3A_246  : i32 {
      %mul3A_313 = arith.constant 2 : i32
      %mul3A_314 = arith.muli %mul3A_313, %scan3A_312 : i32
      %add3A_315 = arith.constant 0 : i32
      %add3A_316 = arith.addi %mul3A_314, %add3A_315 : i32
      %get3A = arith.index_cast %add3A_316 : i32 to index
      %get3A_317 = arith.constant 0 : index
      %get3A_318 = tpu.vector_load %arg6[%get3A, %get3A_317] {strides = array<i32>} : memref<128x128xf32, #tpu.memory_space<vmem>>, vector<1x16xf32>,
      %get3A_319 = vector.shape_cast %get3A_318 : vector<1x16xf32> to vector<16xf32>
      %mul3A_320 = arith.constant 11.3137083 : f32
      %mul3A_321 = vector.broadcast %mul3A_320 : f32 to vector<16xf32>
      %mul3A_322 = arith.mulf %get3A_319, %mul3A_321 : vector<16xf32>
      %swap3A = arith.index_cast %add3A_316 : i32 to index
      %swap3A_323 = arith.constant 0 : index
      %swap3A_324 = tpu.vector_load %arg6[%swap3A, %swap3A_323] {strides = array<i32>} : memref<128x128xf32, #tpu.memory_space<vmem>>, vector<1x16xf32>,
      %swap3A_325 = vector.shape_cast %swap3A_324 : vector<1x16xf32> to vector<16xf32>
      %swap3A_326 = vector.shape_cast %mul3A_322 : vector<16xf32> to vector<1x16xf32>
      tpu.vector_store %arg6[%swap3A, %swap3A_323], %swap3A_326 {strides = array<i32>} : memref<128x128xf32, #tpu.memory_space<vmem>>, vector<1x16xf32>,
      %mul3A_327 = arith.constant 2 : i32
      %mul3A_328 = arith.muli %mul3A_327, %scan3A_312 : i32
      %add3A_329 = arith.constant 0 : i32
      %add3A_330 = arith.addi %mul3A_328, %add3A_329 : i32
      %get3A_331 = arith.index_cast %add3A_330 : i32 to index
      %get3A_332 = arith.constant 16 : index
      %get3A_333 = tpu.vector_load %arg6[%get3A_331, %get3A_332] {strides = array<i32>} : memref<128x128xf32, #tpu.memory_space<vmem>>, vector<1x16xf32>,
      %get3A_334 = vector.shape_cast %get3A_333 : vector<1x16xf32> to vector<16xf32>
      %mul3A_335 = arith.constant 11.3137083 : f32
      %mul3A_336 = vector.broadcast %mul3A_335 : f32 to vector<16xf32>
      %mul3A_337 = arith.mulf %get3A_334, %mul3A_336 : vector<16xf32>
      %swap3A_338 = arith.index_cast %add3A_330 : i32 to index
      %swap3A_339 = arith.constant 16 : index
      %swap3A_340 = tpu.vector_load %arg6[%swap3A_338, %swap3A_339] {strides = array<i32>} : memref<128x128xf32, #tpu.memory_space<vmem>>, vector<1x16xf32>,
      %swap3A_341 = vector.shape_cast %swap3A_340 : vector<1x16xf32> to vector<16xf32>
      %swap3A_342 = vector.shape_cast %mul3A_337 : vector<16xf32> to vector<1x16xf32>
      tpu.vector_store %arg6[%swap3A_338, %swap3A_339], %swap3A_342 {strides = array<i32>} : memref<128x128xf32, #tpu.memory_space<vmem>>, vector<1x16xf32>,
      %mul3A_343 = arith.constant 2 : i32
      %mul3A_344 = arith.muli %mul3A_343, %scan3A_312 : i32
      %add3A_345 = arith.constant 0 : i32
      %add3A_346 = arith.addi %mul3A_344, %add3A_345 : i32
      %get3A_347 = arith.index_cast %add3A_346 : i32 to index
      %get3A_348 = arith.constant 32 : index
      %get3A_349 = tpu.vector_load %arg6[%get3A_347, %get3A_348] {strides = array<i32>} : memref<128x128xf32, #tpu.memory_space<vmem>>, vector<1x16xf32>,
      %get3A_350 = vector.shape_cast %get3A_349 : vector<1x16xf32> to vector<16xf32>
      %mul3A_351 = arith.constant 11.3137083 : f32
      %mul3A_352 = vector.broadcast %mul3A_351 : f32 to vector<16xf32>
      %mul3A_353 = arith.mulf %get3A_350, %mul3A_352 : vector<16xf32>
      %swap3A_354 = arith.index_cast %add3A_346 : i32 to index
      %swap3A_355 = arith.constant 32 : index
      %swap3A_356 = tpu.vector_load %arg6[%swap3A_354, %swap3A_355] {strides = array<i32>} : memref<128x128xf32, #tpu.memory_space<vmem>>, vector<1x16xf32>,
      %swap3A_357 = vector.shape_cast %swap3A_356 : vector<1x16xf32> to vector<16xf32>
      %swap3A_358 = vector.shape_cast %mul3A_353 : vector<16xf32> to vector<1x16xf32>
      tpu.vector_store %arg6[%swap3A_354, %swap3A_355], %swap3A_358 {strides = array<i32>} : memref<128x128xf32, #tpu.memory_space<vmem>>, vector<1x16xf32>,
      %mul3A_359 = arith.constant 2 : i32
      %mul3A_360 = arith.muli %mul3A_359, %scan3A_312 : i32
      %add3A_361 = arith.constant 0 : i32
      %add3A_362 = arith.addi %mul3A_360, %add3A_361 : i32
      %get3A_363 = arith.index_cast %add3A_362 : i32 to index
      %get3A_364 = arith.constant 48 : index
      %get3A_365 = tpu.vector_load %arg6[%get3A_363, %get3A_364] {strides = array<i32>} : memref<128x128xf32, #tpu.memory_space<vmem>>, vector<1x16xf32>,
      %get3A_366 = vector.shape_cast %get3A_365 : vector<1x16xf32> to vector<16xf32>
      %mul3A_367 = arith.constant 11.3137083 : f32
      %mul3A_368 = vector.broadcast %mul3A_367 : f32 to vector<16xf32>
      %mul3A_369 = arith.mulf %get3A_366, %mul3A_368 : vector<16xf32>
      %swap3A_370 = arith.index_cast %add3A_362 : i32 to index
      %swap3A_371 = arith.constant 48 : index
      %swap3A_372 = tpu.vector_load %arg6[%swap3A_370, %swap3A_371] {strides = array<i32>} : memref<128x128xf32, #tpu.memory_space<vmem>>, vector<1x16xf32>,
      %swap3A_373 = vector.shape_cast %swap3A_372 : vector<1x16xf32> to vector<16xf32>
      %swap3A_374 = vector.shape_cast %mul3A_369 : vector<16xf32> to vector<1x16xf32>
      tpu.vector_store %arg6[%swap3A_370, %swap3A_371], %swap3A_374 {strides = array<i32>} : memref<128x128xf32, #tpu.memory_space<vmem>>, vector<1x16xf32>,
      %mul3A_375 = arith.constant 2 : i32
      %mul3A_376 = arith.muli %mul3A_375, %scan3A_312 : i32
      %add3A_377 = arith.constant 0 : i32
      %add3A_378 = arith.addi %mul3A_376, %add3A_377 : i32
      %get3A_379 = arith.index_cast %add3A_378 : i32 to index
      %get3A_380 = arith.constant 64 : index
      %get3A_381 = tpu.vector_load %arg6[%get3A_379, %get3A_380] {strides = array<i32>} : memref<128x128xf32, #tpu.memory_space<vmem>>, vector<1x16xf32>,
      %get3A_382 = vector.shape_cast %get3A_381 : vector<1x16xf32> to vector<16xf32>
      %mul3A_383 = arith.constant 11.3137083 : f32
      %mul3A_384 = vector.broadcast %mul3A_383 : f32 to vector<16xf32>
      %mul3A_385 = arith.mulf %get3A_382, %mul3A_384 : vector<16xf32>
      %swap3A_386 = arith.index_cast %add3A_378 : i32 to index
      %swap3A_387 = arith.constant 64 : index
      %swap3A_388 = tpu.vector_load %arg6[%swap3A_386, %swap3A_387] {strides = array<i32>} : memref<128x128xf32, #tpu.memory_space<vmem>>, vector<1x16xf32>,
      %swap3A_389 = vector.shape_cast %swap3A_388 : vector<1x16xf32> to vector<16xf32>
      %swap3A_390 = vector.shape_cast %mul3A_385 : vector<16xf32> to vector<1x16xf32>
      tpu.vector_store %arg6[%swap3A_386, %swap3A_387], %swap3A_390 {strides = array<i32>} : memref<128x128xf32, #tpu.memory_space<vmem>>, vector<1x16xf32>,
      %mul3A_391 = arith.constant 2 : i32
      %mul3A_392 = arith.muli %mul3A_391, %scan3A_312 : i32
      %add3A_393 = arith.constant 0 : i32
      %add3A_394 = arith.addi %mul3A_392, %add3A_393 : i32
      %get3A_395 = arith.index_cast %add3A_394 : i32 to index
      %get3A_396 = arith.constant 80 : index
      %get3A_397 = tpu.vector_load %arg6[%get3A_395, %get3A_396] {strides = array<i32>} : memref<128x128xf32, #tpu.memory_space<vmem>>, vector<1x16xf32>,
      %get3A_398 = vector.shape_cast %get3A_397 : vector<1x16xf32> to vector<16xf32>
      %mul3A_399 = arith.constant 11.3137083 : f32
      %mul3A_400 = vector.broadcast %mul3A_399 : f32 to vector<16xf32>
      %mul3A_401 = arith.mulf %get3A_398, %mul3A_400 : vector<16xf32>
      %swap3A_402 = arith.index_cast %add3A_394 : i32 to index
      %swap3A_403 = arith.constant 80 : index
      %swap3A_404 = tpu.vector_load %arg6[%swap3A_402, %swap3A_403] {strides = array<i32>} : memref<128x128xf32, #tpu.memory_space<vmem>>, vector<1x16xf32>,
      %swap3A_405 = vector.shape_cast %swap3A_404 : vector<1x16xf32> to vector<16xf32>
      %swap3A_406 = vector.shape_cast %mul3A_401 : vector<16xf32> to vector<1x16xf32>
      tpu.vector_store %arg6[%swap3A_402, %swap3A_403], %swap3A_406 {strides = array<i32>} : memref<128x128xf32, #tpu.memory_space<vmem>>, vector<1x16xf32>,
      %mul3A_407 = arith.constant 2 : i32
      %mul3A_408 = arith.muli %mul3A_407, %scan3A_312 : i32
      %add3A_409 = arith.constant 0 : i32
      %add3A_410 = arith.addi %mul3A_408, %add3A_409 : i32
      %get3A_411 = arith.index_cast %add3A_410 : i32 to index
      %get3A_412 = arith.constant 96 : index
      %get3A_413 = tpu.vector_load %arg6[%get3A_411, %get3A_412] {strides = array<i32>} : memref<128x128xf32, #tpu.memory_space<vmem>>, vector<1x16xf32>,
      %get3A_414 = vector.shape_cast %get3A_413 : vector<1x16xf32> to vector<16xf32>
      %mul3A_415 = arith.constant 11.3137083 : f32
      %mul3A_416 = vector.broadcast %mul3A_415 : f32 to vector<16xf32>
      %mul3A_417 = arith.mulf %get3A_414, %mul3A_416 : vector<16xf32>
      %swap3A_418 = arith.index_cast %add3A_410 : i32 to index
      %swap3A_419 = arith.constant 96 : index
      %swap3A_420 = tpu.vector_load %arg6[%swap3A_418, %swap3A_419] {strides = array<i32>} : memref<128x128xf32, #tpu.memory_space<vmem>>, vector<1x16xf32>,
      %swap3A_421 = vector.shape_cast %swap3A_420 : vector<1x16xf32> to vector<16xf32>
      %swap3A_422 = vector.shape_cast %mul3A_417 : vector<16xf32> to vector<1x16xf32>
      tpu.vector_store %arg6[%swap3A_418, %swap3A_419], %swap3A_422 {strides = array<i32>} : memref<128x128xf32, #tpu.memory_space<vmem>>, vector<1x16xf32>,
      %mul3A_423 = arith.constant 2 : i32
      %mul3A_424 = arith.muli %mul3A_423, %scan3A_312 : i32
      %add3A_425 = arith.constant 0 : i32
      %add3A_426 = arith.addi %mul3A_424, %add3A_425 : i32
      %get3A_427 = arith.index_cast %add3A_426 : i32 to index
      %get3A_428 = arith.constant 112 : index
      %get3A_429 = tpu.vector_load %arg6[%get3A_427, %get3A_428] {strides = array<i32>} : memref<128x128xf32, #tpu.memory_space<vmem>>, vector<1x16xf32>,
      %get3A_430 = vector.shape_cast %get3A_429 : vector<1x16xf32> to vector<16xf32>
      %mul3A_431 = arith.constant 11.3137083 : f32
      %mul3A_432 = vector.broadcast %mul3A_431 : f32 to vector<16xf32>
      %mul3A_433 = arith.mulf %get3A_430, %mul3A_432 : vector<16xf32>
      %swap3A_434 = arith.index_cast %add3A_426 : i32 to index
      %swap3A_435 = arith.constant 112 : index
      %swap3A_436 = tpu.vector_load %arg6[%swap3A_434, %swap3A_435] {strides = array<i32>} : memref<128x128xf32, #tpu.memory_space<vmem>>, vector<1x16xf32>,
      %swap3A_437 = vector.shape_cast %swap3A_436 : vector<1x16xf32> to vector<16xf32>
      %swap3A_438 = vector.shape_cast %mul3A_433 : vector<16xf32> to vector<1x16xf32>
      tpu.vector_store %arg6[%swap3A_434, %swap3A_435], %swap3A_438 {strides = array<i32>} : memref<128x128xf32, #tpu.memory_space<vmem>>, vector<1x16xf32>,
      %mul3A_439 = arith.constant 2 : i32
      %mul3A_440 = arith.muli %mul3A_439, %scan3A_312 : i32
      %add3A_441 = arith.constant 1 : i32
      %add3A_442 = arith.addi %mul3A_440, %add3A_441 : i32
      %get3A_443 = arith.index_cast %add3A_442 : i32 to index
      %get3A_444 = arith.constant 0 : index
      %get3A_445 = tpu.vector_load %arg6[%get3A_443, %get3A_444] {strides = array<i32>} : memref<128x128xf32, #tpu.memory_space<vmem>>, vector<1x16xf32>,
      %get3A_446 = vector.shape_cast %get3A_445 : vector<1x16xf32> to vector<16xf32>
      %mul3A_447 = arith.constant 11.3137083 : f32
      %mul3A_448 = vector.broadcast %mul3A_447 : f32 to vector<16xf32>
      %mul3A_449 = arith.mulf %get3A_446, %mul3A_448 : vector<16xf32>
      %swap3A_450 = arith.index_cast %add3A_442 : i32 to index
      %swap3A_451 = arith.constant 0 : index
      %swap3A_452 = tpu.vector_load %arg6[%swap3A_450, %swap3A_451] {strides = array<i32>} : memref<128x128xf32, #tpu.memory_space<vmem>>, vector<1x16xf32>,
      %swap3A_453 = vector.shape_cast %swap3A_452 : vector<1x16xf32> to vector<16xf32>
      %swap3A_454 = vector.shape_cast %mul3A_449 : vector<16xf32> to vector<1x16xf32>
      tpu.vector_store %arg6[%swap3A_450, %swap3A_451], %swap3A_454 {strides = array<i32>} : memref<128x128xf32, #tpu.memory_space<vmem>>, vector<1x16xf32>,
      %mul3A_455 = arith.constant 2 : i32
      %mul3A_456 = arith.muli %mul3A_455, %scan3A_312 : i32
      %add3A_457 = arith.constant 1 : i32
      %add3A_458 = arith.addi %mul3A_456, %add3A_457 : i32
      %get3A_459 = arith.index_cast %add3A_458 : i32 to index
      %get3A_460 = arith.constant 16 : index
      %get3A_461 = tpu.vector_load %arg6[%get3A_459, %get3A_460] {strides = array<i32>} : memref<128x128xf32, #tpu.memory_space<vmem>>, vector<1x16xf32>,
      %get3A_462 = vector.shape_cast %get3A_461 : vector<1x16xf32> to vector<16xf32>
      %mul3A_463 = arith.constant 11.3137083 : f32
      %mul3A_464 = vector.broadcast %mul3A_463 : f32 to vector<16xf32>
      %mul3A_465 = arith.mulf %get3A_462, %mul3A_464 : vector<16xf32>
      %swap3A_466 = arith.index_cast %add3A_458 : i32 to index
      %swap3A_467 = arith.constant 16 : index
      %swap3A_468 = tpu.vector_load %arg6[%swap3A_466, %swap3A_467] {strides = array<i32>} : memref<128x128xf32, #tpu.memory_space<vmem>>, vector<1x16xf32>,
      %swap3A_469 = vector.shape_cast %swap3A_468 : vector<1x16xf32> to vector<16xf32>
      %swap3A_470 = vector.shape_cast %mul3A_465 : vector<16xf32> to vector<1x16xf32>
      tpu.vector_store %arg6[%swap3A_466, %swap3A_467], %swap3A_470 {strides = array<i32>} : memref<128x128xf32, #tpu.memory_space<vmem>>, vector<1x16xf32>,
      %mul3A_471 = arith.constant 2 : i32
      %mul3A_472 = arith.muli %mul3A_471, %scan3A_312 : i32
      %add3A_473 = arith.constant 1 : i32
      %add3A_474 = arith.addi %mul3A_472, %add3A_473 : i32
      %get3A_475 = arith.index_cast %add3A_474 : i32 to index
      %get3A_476 = arith.constant 32 : index
      %get3A_477 = tpu.vector_load %arg6[%get3A_475, %get3A_476] {strides = array<i32>} : memref<128x128xf32, #tpu.memory_space<vmem>>, vector<1x16xf32>,
      %get3A_478 = vector.shape_cast %get3A_477 : vector<1x16xf32> to vector<16xf32>
      %mul3A_479 = arith.constant 11.3137083 : f32
      %mul3A_480 = vector.broadcast %mul3A_479 : f32 to vector<16xf32>
      %mul3A_481 = arith.mulf %get3A_478, %mul3A_480 : vector<16xf32>
      %swap3A_482 = arith.index_cast %add3A_474 : i32 to index
      %swap3A_483 = arith.constant 32 : index
      %swap3A_484 = tpu.vector_load %arg6[%swap3A_482, %swap3A_483] {strides = array<i32>} : memref<128x128xf32, #tpu.memory_space<vmem>>, vector<1x16xf32>,
      %swap3A_485 = vector.shape_cast %swap3A_484 : vector<1x16xf32> to vector<16xf32>
      %swap3A_486 = vector.shape_cast %mul3A_481 : vector<16xf32> to vector<1x16xf32>
      tpu.vector_store %arg6[%swap3A_482, %swap3A_483], %swap3A_486 {strides = array<i32>} : memref<128x128xf32, #tpu.memory_space<vmem>>, vector<1x16xf32>,
      %mul3A_487 = arith.constant 2 : i32
      %mul3A_488 = arith.muli %mul3A_487, %scan3A_312 : i32
      %add3A_489 = arith.constant 1 : i32
      %add3A_490 = arith.addi %mul3A_488, %add3A_489 : i32
      %get3A_491 = arith.index_cast %add3A_490 : i32 to index
      %get3A_492 = arith.constant 48 : index
      %get3A_493 = tpu.vector_load %arg6[%get3A_491, %get3A_492] {strides = array<i32>} : memref<128x128xf32, #tpu.memory_space<vmem>>, vector<1x16xf32>,
      %get3A_494 = vector.shape_cast %get3A_493 : vector<1x16xf32> to vector<16xf32>
      %mul3A_495 = arith.constant 11.3137083 : f32
      %mul3A_496 = vector.broadcast %mul3A_495 : f32 to vector<16xf32>
      %mul3A_497 = arith.mulf %get3A_494, %mul3A_496 : vector<16xf32>
      %swap3A_498 = arith.index_cast %add3A_490 : i32 to index
      %swap3A_499 = arith.constant 48 : index
      %swap3A_500 = tpu.vector_load %arg6[%swap3A_498, %swap3A_499] {strides = array<i32>} : memref<128x128xf32, #tpu.memory_space<vmem>>, vector<1x16xf32>,
      %swap3A_501 = vector.shape_cast %swap3A_500 : vector<1x16xf32> to vector<16xf32>
      %swap3A_502 = vector.shape_cast %mul3A_497 : vector<16xf32> to vector<1x16xf32>
      tpu.vector_store %arg6[%swap3A_498, %swap3A_499], %swap3A_502 {strides = array<i32>} : memref<128x128xf32, #tpu.memory_space<vmem>>, vector<1x16xf32>,
      %mul3A_503 = arith.constant 2 : i32
      %mul3A_504 = arith.muli %mul3A_503, %scan3A_312 : i32
      %add3A_505 = arith.constant 1 : i32
      %add3A_506 = arith.addi %mul3A_504, %add3A_505 : i32
      %get3A_507 = arith.index_cast %add3A_506 : i32 to index
      %get3A_508 = arith.constant 64 : index
      %get3A_509 = tpu.vector_load %arg6[%get3A_507, %get3A_508] {strides = array<i32>} : memref<128x128xf32, #tpu.memory_space<vmem>>, vector<1x16xf32>,
      %get3A_510 = vector.shape_cast %get3A_509 : vector<1x16xf32> to vector<16xf32>
      %mul3A_511 = arith.constant 11.3137083 : f32
      %mul3A_512 = vector.broadcast %mul3A_511 : f32 to vector<16xf32>
      %mul3A_513 = arith.mulf %get3A_510, %mul3A_512 : vector<16xf32>
      %swap3A_514 = arith.index_cast %add3A_506 : i32 to index
      %swap3A_515 = arith.constant 64 : index
      %swap3A_516 = tpu.vector_load %arg6[%swap3A_514, %swap3A_515] {strides = array<i32>} : memref<128x128xf32, #tpu.memory_space<vmem>>, vector<1x16xf32>,
      %swap3A_517 = vector.shape_cast %swap3A_516 : vector<1x16xf32> to vector<16xf32>
      %swap3A_518 = vector.shape_cast %mul3A_513 : vector<16xf32> to vector<1x16xf32>
      tpu.vector_store %arg6[%swap3A_514, %swap3A_515], %swap3A_518 {strides = array<i32>} : memref<128x128xf32, #tpu.memory_space<vmem>>, vector<1x16xf32>,
      %mul3A_519 = arith.constant 2 : i32
      %mul3A_520 = arith.muli %mul3A_519, %scan3A_312 : i32
      %add3A_521 = arith.constant 1 : i32
      %add3A_522 = arith.addi %mul3A_520, %add3A_521 : i32
      %get3A_523 = arith.index_cast %add3A_522 : i32 to index
      %get3A_524 = arith.constant 80 : index
      %get3A_525 = tpu.vector_load %arg6[%get3A_523, %get3A_524] {strides = array<i32>} : memref<128x128xf32, #tpu.memory_space<vmem>>, vector<1x16xf32>,
      %get3A_526 = vector.shape_cast %get3A_525 : vector<1x16xf32> to vector<16xf32>
      %mul3A_527 = arith.constant 11.3137083 : f32
      %mul3A_528 = vector.broadcast %mul3A_527 : f32 to vector<16xf32>
      %mul3A_529 = arith.mulf %get3A_526, %mul3A_528 : vector<16xf32>
      %swap3A_530 = arith.index_cast %add3A_522 : i32 to index
      %swap3A_531 = arith.constant 80 : index
      %swap3A_532 = tpu.vector_load %arg6[%swap3A_530, %swap3A_531] {strides = array<i32>} : memref<128x128xf32, #tpu.memory_space<vmem>>, vector<1x16xf32>,
      %swap3A_533 = vector.shape_cast %swap3A_532 : vector<1x16xf32> to vector<16xf32>
      %swap3A_534 = vector.shape_cast %mul3A_529 : vector<16xf32> to vector<1x16xf32>
      tpu.vector_store %arg6[%swap3A_530, %swap3A_531], %swap3A_534 {strides = array<i32>} : memref<128x128xf32, #tpu.memory_space<vmem>>, vector<1x16xf32>,
      %mul3A_535 = arith.constant 2 : i32
      %mul3A_536 = arith.muli %mul3A_535, %scan3A_312 : i32
      %add3A_537 = arith.constant 1 : i32
      %add3A_538 = arith.addi %mul3A_536, %add3A_537 : i32
      %get3A_539 = arith.index_cast %add3A_538 : i32 to index
      %get3A_540 = arith.constant 96 : index
      %get3A_541 = tpu.vector_load %arg6[%get3A_539, %get3A_540] {strides = array<i32>} : memref<128x128xf32, #tpu.memory_space<vmem>>, vector<1x16xf32>,
      %get3A_542 = vector.shape_cast %get3A_541 : vector<1x16xf32> to vector<16xf32>
      %mul3A_543 = arith.constant 11.3137083 : f32
      %mul3A_544 = vector.broadcast %mul3A_543 : f32 to vector<16xf32>
      %mul3A_545 = arith.mulf %get3A_542, %mul3A_544 : vector<16xf32>
      %swap3A_546 = arith.index_cast %add3A_538 : i32 to index
      %swap3A_547 = arith.constant 96 : index
      %swap3A_548 = tpu.vector_load %arg6[%swap3A_546, %swap3A_547] {strides = array<i32>} : memref<128x128xf32, #tpu.memory_space<vmem>>, vector<1x16xf32>,
      %swap3A_549 = vector.shape_cast %swap3A_548 : vector<1x16xf32> to vector<16xf32>
      %swap3A_550 = vector.shape_cast %mul3A_545 : vector<16xf32> to vector<1x16xf32>
      tpu.vector_store %arg6[%swap3A_546, %swap3A_547], %swap3A_550 {strides = array<i32>} : memref<128x128xf32, #tpu.memory_space<vmem>>, vector<1x16xf32>,
      %mul3A_551 = arith.constant 2 : i32
      %mul3A_552 = arith.muli %mul3A_551, %scan3A_312 : i32
      %add3A_553 = arith.constant 1 : i32
      %add3A_554 = arith.addi %mul3A_552, %add3A_553 : i32
      %get3A_555 = arith.index_cast %add3A_554 : i32 to index
      %get3A_556 = arith.constant 112 : index
      %get3A_557 = tpu.vector_load %arg6[%get3A_555, %get3A_556] {strides = array<i32>} : memref<128x128xf32, #tpu.memory_space<vmem>>, vector<1x16xf32>,
      %get3A_558 = vector.shape_cast %get3A_557 : vector<1x16xf32> to vector<16xf32>
      %mul3A_559 = arith.constant 11.3137083 : f32
      %mul3A_560 = vector.broadcast %mul3A_559 : f32 to vector<16xf32>
      %mul3A_561 = arith.mulf %get3A_558, %mul3A_560 : vector<16xf32>
      %swap3A_562 = arith.index_cast %add3A_554 : i32 to index
      %swap3A_563 = arith.constant 112 : index
      %swap3A_564 = tpu.vector_load %arg6[%swap3A_562, %swap3A_563] {strides = array<i32>} : memref<128x128xf32, #tpu.memory_space<vmem>>, vector<1x16xf32>,
      %swap3A_565 = vector.shape_cast %swap3A_564 : vector<1x16xf32> to vector<16xf32>
      %swap3A_566 = vector.shape_cast %mul3A_561 : vector<16xf32> to vector<1x16xf32>
      tpu.vector_store %arg6[%swap3A_562, %swap3A_563], %swap3A_566 {strides = array<i32>} : memref<128x128xf32, #tpu.memory_space<vmem>>, vector<1x16xf32>,
    }
    %scan3A_247 = arith.constant 64 : i32
    %add3A_248 = arith.constant 25344 : i32
    %add3A_249 = arith.addi %mul3A_2, %add3A_248 : i32
    %dma_start3A_250 = arith.constant 0 : i32
    %dma_start3A_251 = tpu.memref_slice %arg4[%add3A_249, %dma_start3A_250] : memref<819200x128xf32, #tpu.memory_space<hbm>> -> memref<128x128xf32, #tpu.memory_space<hbm>>
    %dma_start3A_252 = arith.constant 0 : i32
    %dma_start3A_253 = tpu.memref_slice %arg4[%add3A_249, %dma_start3A_252] : memref<819200x128xf32, #tpu.memory_space<hbm>> -> memref<128x128xf32, #tpu.memory_space<hbm>>
    tpu.enqueue_dma source(%arg6 : memref<128x128xf32, #tpu.memory_space<vmem>>) target(%dma_start3A_253 : memref<128x128xf32, #tpu.memory_space<hbm>>) target_semaphore(%arg18 : memref<!tpu.dma_semaphore, #tpu.memory_space<semaphore_mem>>)
    %dma_wait3A_254 = arith.constant 199 : i32
    %dma_wait3A_255 = arith.constant 0 : i32
    %dma_wait3A_256 = arith.constant 0 : i32
    %dma_wait3A_257 = tpu.memref_slice %arg7[%dma_wait3A_255, %dma_wait3A_256] : memref<128x128xf32, #tpu.memory_space<vmem>> -> memref<128x128xf32, #tpu.memory_space<vmem>>
    %dma_wait3A_258 = arith.constant 0 : i32
    %dma_wait3A_259 = tpu.memref_slice %arg5[%dma_wait3A_254, %dma_wait3A_258] : memref<200x128xi32, #tpu.memory_space<vmem>> -> memref<1x128xi32, #tpu.memory_space<vmem>>
    %dma_wait3A_260 = tpu.memref_squeeze %dma_wait3A_259 : memref<1x128xi32, #tpu.memory_space<vmem>> -> memref<128xi32, #tpu.memory_space<vmem>>
    %dma_wait3A_261 = arith.constant 0 : i32
    %dma_wait3A_262 = arith.constant 0 : i32
    %dma_wait3A_263 = tpu.memref_slice %arg3[%dma_wait3A_261, %dma_wait3A_262] : memref<100000x128xf32, #tpu.memory_space<hbm>> -> memref<100000x128xf32, #tpu.memory_space<hbm>>
    tpu.wait_indirect_dma semaphore(%arg13 : memref<!tpu.dma_semaphore, #tpu.memory_space<semaphore_mem>>) src(%dma_wait3A_263 : memref<100000x128xf32, #tpu.memory_space<hbm>>) dst(%dma_wait3A_257 : memref<128x128xf32, #tpu.memory_space<vmem>>)
    %scan3A_264 = arith.constant 0 : i32
    %scan3A_265 = arith.constant 0 : i32
    %scan3A_266 = arith.constant 64 : i32
    %scan3A_267 = arith.addi %scan3A_265, %scan3A_266 : i32
    %scan3A_268 = arith.constant 1 : i32
    scf.for %scan3A_312 = %scan3A_265 to %scan3A_267 step %scan3A_268  : i32 {
      %mul3A_313 = arith.constant 2 : i32
      %mul3A_314 = arith.muli %mul3A_313, %scan3A_312 : i32
      %add3A_315 = arith.constant 0 : i32
      %add3A_316 = arith.addi %mul3A_314, %add3A_315 : i32
      %get3A = arith.index_cast %add3A_316 : i32 to index
      %get3A_317 = arith.constant 0 : index
      %get3A_318 = tpu.vector_load %arg7[%get3A, %get3A_317] {strides = array<i32>} : memref<128x128xf32, #tpu.memory_space<vmem>>, vector<1x16xf32>,
      %get3A_319 = vector.shape_cast %get3A_318 : vector<1x16xf32> to vector<16xf32>
      %mul3A_320 = arith.constant 11.3137083 : f32
      %mul3A_321 = vector.broadcast %mul3A_320 : f32 to vector<16xf32>
      %mul3A_322 = arith.mulf %get3A_319, %mul3A_321 : vector<16xf32>
      %swap3A = arith.index_cast %add3A_316 : i32 to index
      %swap3A_323 = arith.constant 0 : index
      %swap3A_324 = tpu.vector_load %arg7[%swap3A, %swap3A_323] {strides = array<i32>} : memref<128x128xf32, #tpu.memory_space<vmem>>, vector<1x16xf32>,
      %swap3A_325 = vector.shape_cast %swap3A_324 : vector<1x16xf32> to vector<16xf32>
      %swap3A_326 = vector.shape_cast %mul3A_322 : vector<16xf32> to vector<1x16xf32>
      tpu.vector_store %arg7[%swap3A, %swap3A_323], %swap3A_326 {strides = array<i32>} : memref<128x128xf32, #tpu.memory_space<vmem>>, vector<1x16xf32>,
      %mul3A_327 = arith.constant 2 : i32
      %mul3A_328 = arith.muli %mul3A_327, %scan3A_312 : i32
      %add3A_329 = arith.constant 0 : i32
      %add3A_330 = arith.addi %mul3A_328, %add3A_329 : i32
      %get3A_331 = arith.index_cast %add3A_330 : i32 to index
      %get3A_332 = arith.constant 16 : index
      %get3A_333 = tpu.vector_load %arg7[%get3A_331, %get3A_332] {strides = array<i32>} : memref<128x128xf32, #tpu.memory_space<vmem>>, vector<1x16xf32>,
      %get3A_334 = vector.shape_cast %get3A_333 : vector<1x16xf32> to vector<16xf32>
      %mul3A_335 = arith.constant 11.3137083 : f32
      %mul3A_336 = vector.broadcast %mul3A_335 : f32 to vector<16xf32>
      %mul3A_337 = arith.mulf %get3A_334, %mul3A_336 : vector<16xf32>
      %swap3A_338 = arith.index_cast %add3A_330 : i32 to index
      %swap3A_339 = arith.constant 16 : index
      %swap3A_340 = tpu.vector_load %arg7[%swap3A_338, %swap3A_339] {strides = array<i32>} : memref<128x128xf32, #tpu.memory_space<vmem>>, vector<1x16xf32>,
      %swap3A_341 = vector.shape_cast %swap3A_340 : vector<1x16xf32> to vector<16xf32>
      %swap3A_342 = vector.shape_cast %mul3A_337 : vector<16xf32> to vector<1x16xf32>
      tpu.vector_store %arg7[%swap3A_338, %swap3A_339], %swap3A_342 {strides = array<i32>} : memref<128x128xf32, #tpu.memory_space<vmem>>, vector<1x16xf32>,
      %mul3A_343 = arith.constant 2 : i32
      %mul3A_344 = arith.muli %mul3A_343, %scan3A_312 : i32
      %add3A_345 = arith.constant 0 : i32
      %add3A_346 = arith.addi %mul3A_344, %add3A_345 : i32
      %get3A_347 = arith.index_cast %add3A_346 : i32 to index
      %get3A_348 = arith.constant 32 : index
      %get3A_349 = tpu.vector_load %arg7[%get3A_347, %get3A_348] {strides = array<i32>} : memref<128x128xf32, #tpu.memory_space<vmem>>, vector<1x16xf32>,
      %get3A_350 = vector.shape_cast %get3A_349 : vector<1x16xf32> to vector<16xf32>
      %mul3A_351 = arith.constant 11.3137083 : f32
      %mul3A_352 = vector.broadcast %mul3A_351 : f32 to vector<16xf32>
      %mul3A_353 = arith.mulf %get3A_350, %mul3A_352 : vector<16xf32>
      %swap3A_354 = arith.index_cast %add3A_346 : i32 to index
      %swap3A_355 = arith.constant 32 : index
      %swap3A_356 = tpu.vector_load %arg7[%swap3A_354, %swap3A_355] {strides = array<i32>} : memref<128x128xf32, #tpu.memory_space<vmem>>, vector<1x16xf32>,
      %swap3A_357 = vector.shape_cast %swap3A_356 : vector<1x16xf32> to vector<16xf32>
      %swap3A_358 = vector.shape_cast %mul3A_353 : vector<16xf32> to vector<1x16xf32>
      tpu.vector_store %arg7[%swap3A_354, %swap3A_355], %swap3A_358 {strides = array<i32>} : memref<128x128xf32, #tpu.memory_space<vmem>>, vector<1x16xf32>,
      %mul3A_359 = arith.constant 2 : i32
      %mul3A_360 = arith.muli %mul3A_359, %scan3A_312 : i32
      %add3A_361 = arith.constant 0 : i32
      %add3A_362 = arith.addi %mul3A_360, %add3A_361 : i32
      %get3A_363 = arith.index_cast %add3A_362 : i32 to index
      %get3A_364 = arith.constant 48 : index
      %get3A_365 = tpu.vector_load %arg7[%get3A_363, %get3A_364] {strides = array<i32>} : memref<128x128xf32, #tpu.memory_space<vmem>>, vector<1x16xf32>,
      %get3A_366 = vector.shape_cast %get3A_365 : vector<1x16xf32> to vector<16xf32>
      %mul3A_367 = arith.constant 11.3137083 : f32
      %mul3A_368 = vector.broadcast %mul3A_367 : f32 to vector<16xf32>
      %mul3A_369 = arith.mulf %get3A_366, %mul3A_368 : vector<16xf32>
      %swap3A_370 = arith.index_cast %add3A_362 : i32 to index
      %swap3A_371 = arith.constant 48 : index
      %swap3A_372 = tpu.vector_load %arg7[%swap3A_370, %swap3A_371] {strides = array<i32>} : memref<128x128xf32, #tpu.memory_space<vmem>>, vector<1x16xf32>,
      %swap3A_373 = vector.shape_cast %swap3A_372 : vector<1x16xf32> to vector<16xf32>
      %swap3A_374 = vector.shape_cast %mul3A_369 : vector<16xf32> to vector<1x16xf32>
      tpu.vector_store %arg7[%swap3A_370, %swap3A_371], %swap3A_374 {strides = array<i32>} : memref<128x128xf32, #tpu.memory_space<vmem>>, vector<1x16xf32>,
      %mul3A_375 = arith.constant 2 : i32
      %mul3A_376 = arith.muli %mul3A_375, %scan3A_312 : i32
      %add3A_377 = arith.constant 0 : i32
      %add3A_378 = arith.addi %mul3A_376, %add3A_377 : i32
      %get3A_379 = arith.index_cast %add3A_378 : i32 to index
      %get3A_380 = arith.constant 64 : index
      %get3A_381 = tpu.vector_load %arg7[%get3A_379, %get3A_380] {strides = array<i32>} : memref<128x128xf32, #tpu.memory_space<vmem>>, vector<1x16xf32>,
      %get3A_382 = vector.shape_cast %get3A_381 : vector<1x16xf32> to vector<16xf32>
      %mul3A_383 = arith.constant 11.3137083 : f32
      %mul3A_384 = vector.broadcast %mul3A_383 : f32 to vector<16xf32>
      %mul3A_385 = arith.mulf %get3A_382, %mul3A_384 : vector<16xf32>
      %swap3A_386 = arith.index_cast %add3A_378 : i32 to index
      %swap3A_387 = arith.constant 64 : index
      %swap3A_388 = tpu.vector_load %arg7[%swap3A_386, %swap3A_387] {strides = array<i32>} : memref<128x128xf32, #tpu.memory_space<vmem>>, vector<1x16xf32>,
      %swap3A_389 = vector.shape_cast %swap3A_388 : vector<1x16xf32> to vector<16xf32>
      %swap3A_390 = vector.shape_cast %mul3A_385 : vector<16xf32> to vector<1x16xf32>
      tpu.vector_store %arg7[%swap3A_386, %swap3A_387], %swap3A_390 {strides = array<i32>} : memref<128x128xf32, #tpu.memory_space<vmem>>, vector<1x16xf32>,
      %mul3A_391 = arith.constant 2 : i32
      %mul3A_392 = arith.muli %mul3A_391, %scan3A_312 : i32
      %add3A_393 = arith.constant 0 : i32
      %add3A_394 = arith.addi %mul3A_392, %add3A_393 : i32
      %get3A_395 = arith.index_cast %add3A_394 : i32 to index
      %get3A_396 = arith.constant 80 : index
      %get3A_397 = tpu.vector_load %arg7[%get3A_395, %get3A_396] {strides = array<i32>} : memref<128x128xf32, #tpu.memory_space<vmem>>, vector<1x16xf32>,
      %get3A_398 = vector.shape_cast %get3A_397 : vector<1x16xf32> to vector<16xf32>
      %mul3A_399 = arith.constant 11.3137083 : f32
      %mul3A_400 = vector.broadcast %mul3A_399 : f32 to vector<16xf32>
      %mul3A_401 = arith.mulf %get3A_398, %mul3A_400 : vector<16xf32>
      %swap3A_402 = arith.index_cast %add3A_394 : i32 to index
      %swap3A_403 = arith.constant 80 : index
      %swap3A_404 = tpu.vector_load %arg7[%swap3A_402, %swap3A_403] {strides = array<i32>} : memref<128x128xf32, #tpu.memory_space<vmem>>, vector<1x16xf32>,
      %swap3A_405 = vector.shape_cast %swap3A_404 : vector<1x16xf32> to vector<16xf32>
      %swap3A_406 = vector.shape_cast %mul3A_401 : vector<16xf32> to vector<1x16xf32>
      tpu.vector_store %arg7[%swap3A_402, %swap3A_403], %swap3A_406 {strides = array<i32>} : memref<128x128xf32, #tpu.memory_space<vmem>>, vector<1x16xf32>,
      %mul3A_407 = arith.constant 2 : i32
      %mul3A_408 = arith.muli %mul3A_407, %scan3A_312 : i32
      %add3A_409 = arith.constant 0 : i32
      %add3A_410 = arith.addi %mul3A_408, %add3A_409 : i32
      %get3A_411 = arith.index_cast %add3A_410 : i32 to index
      %get3A_412 = arith.constant 96 : index
      %get3A_413 = tpu.vector_load %arg7[%get3A_411, %get3A_412] {strides = array<i32>} : memref<128x128xf32, #tpu.memory_space<vmem>>, vector<1x16xf32>,
      %get3A_414 = vector.shape_cast %get3A_413 : vector<1x16xf32> to vector<16xf32>
      %mul3A_415 = arith.constant 11.3137083 : f32
      %mul3A_416 = vector.broadcast %mul3A_415 : f32 to vector<16xf32>
      %mul3A_417 = arith.mulf %get3A_414, %mul3A_416 : vector<16xf32>
      %swap3A_418 = arith.index_cast %add3A_410 : i32 to index
      %swap3A_419 = arith.constant 96 : index
      %swap3A_420 = tpu.vector_load %arg7[%swap3A_418, %swap3A_419] {strides = array<i32>} : memref<128x128xf32, #tpu.memory_space<vmem>>, vector<1x16xf32>,
      %swap3A_421 = vector.shape_cast %swap3A_420 : vector<1x16xf32> to vector<16xf32>
      %swap3A_422 = vector.shape_cast %mul3A_417 : vector<16xf32> to vector<1x16xf32>
      tpu.vector_store %arg7[%swap3A_418, %swap3A_419], %swap3A_422 {strides = array<i32>} : memref<128x128xf32, #tpu.memory_space<vmem>>, vector<1x16xf32>,
      %mul3A_423 = arith.constant 2 : i32
      %mul3A_424 = arith.muli %mul3A_423, %scan3A_312 : i32
      %add3A_425 = arith.constant 0 : i32
      %add3A_426 = arith.addi %mul3A_424, %add3A_425 : i32
      %get3A_427 = arith.index_cast %add3A_426 : i32 to index
      %get3A_428 = arith.constant 112 : index
      %get3A_429 = tpu.vector_load %arg7[%get3A_427, %get3A_428] {strides = array<i32>} : memref<128x128xf32, #tpu.memory_space<vmem>>, vector<1x16xf32>,
      %get3A_430 = vector.shape_cast %get3A_429 : vector<1x16xf32> to vector<16xf32>
      %mul3A_431 = arith.constant 11.3137083 : f32
      %mul3A_432 = vector.broadcast %mul3A_431 : f32 to vector<16xf32>
      %mul3A_433 = arith.mulf %get3A_430, %mul3A_432 : vector<16xf32>
      %swap3A_434 = arith.index_cast %add3A_426 : i32 to index
      %swap3A_435 = arith.constant 112 : index
      %swap3A_436 = tpu.vector_load %arg7[%swap3A_434, %swap3A_435] {strides = array<i32>} : memref<128x128xf32, #tpu.memory_space<vmem>>, vector<1x16xf32>,
      %swap3A_437 = vector.shape_cast %swap3A_436 : vector<1x16xf32> to vector<16xf32>
      %swap3A_438 = vector.shape_cast %mul3A_433 : vector<16xf32> to vector<1x16xf32>
      tpu.vector_store %arg7[%swap3A_434, %swap3A_435], %swap3A_438 {strides = array<i32>} : memref<128x128xf32, #tpu.memory_space<vmem>>, vector<1x16xf32>,
      %mul3A_439 = arith.constant 2 : i32
      %mul3A_440 = arith.muli %mul3A_439, %scan3A_312 : i32
      %add3A_441 = arith.constant 1 : i32
      %add3A_442 = arith.addi %mul3A_440, %add3A_441 : i32
      %get3A_443 = arith.index_cast %add3A_442 : i32 to index
      %get3A_444 = arith.constant 0 : index
      %get3A_445 = tpu.vector_load %arg7[%get3A_443, %get3A_444] {strides = array<i32>} : memref<128x128xf32, #tpu.memory_space<vmem>>, vector<1x16xf32>,
      %get3A_446 = vector.shape_cast %get3A_445 : vector<1x16xf32> to vector<16xf32>
      %mul3A_447 = arith.constant 11.3137083 : f32
      %mul3A_448 = vector.broadcast %mul3A_447 : f32 to vector<16xf32>
      %mul3A_449 = arith.mulf %get3A_446, %mul3A_448 : vector<16xf32>
      %swap3A_450 = arith.index_cast %add3A_442 : i32 to index
      %swap3A_451 = arith.constant 0 : index
      %swap3A_452 = tpu.vector_load %arg7[%swap3A_450, %swap3A_451] {strides = array<i32>} : memref<128x128xf32, #tpu.memory_space<vmem>>, vector<1x16xf32>,
      %swap3A_453 = vector.shape_cast %swap3A_452 : vector<1x16xf32> to vector<16xf32>
      %swap3A_454 = vector.shape_cast %mul3A_449 : vector<16xf32> to vector<1x16xf32>
      tpu.vector_store %arg7[%swap3A_450, %swap3A_451], %swap3A_454 {strides = array<i32>} : memref<128x128xf32, #tpu.memory_space<vmem>>, vector<1x16xf32>,
      %mul3A_455 = arith.constant 2 : i32
      %mul3A_456 = arith.muli %mul3A_455, %scan3A_312 : i32
      %add3A_457 = arith.constant 1 : i32
      %add3A_458 = arith.addi %mul3A_456, %add3A_457 : i32
      %get3A_459 = arith.index_cast %add3A_458 : i32 to index
      %get3A_460 = arith.constant 16 : index
      %get3A_461 = tpu.vector_load %arg7[%get3A_459, %get3A_460] {strides = array<i32>} : memref<128x128xf32, #tpu.memory_space<vmem>>, vector<1x16xf32>,
      %get3A_462 = vector.shape_cast %get3A_461 : vector<1x16xf32> to vector<16xf32>
      %mul3A_463 = arith.constant 11.3137083 : f32
      %mul3A_464 = vector.broadcast %mul3A_463 : f32 to vector<16xf32>
      %mul3A_465 = arith.mulf %get3A_462, %mul3A_464 : vector<16xf32>
      %swap3A_466 = arith.index_cast %add3A_458 : i32 to index
      %swap3A_467 = arith.constant 16 : index
      %swap3A_468 = tpu.vector_load %arg7[%swap3A_466, %swap3A_467] {strides = array<i32>} : memref<128x128xf32, #tpu.memory_space<vmem>>, vector<1x16xf32>,
      %swap3A_469 = vector.shape_cast %swap3A_468 : vector<1x16xf32> to vector<16xf32>
      %swap3A_470 = vector.shape_cast %mul3A_465 : vector<16xf32> to vector<1x16xf32>
      tpu.vector_store %arg7[%swap3A_466, %swap3A_467], %swap3A_470 {strides = array<i32>} : memref<128x128xf32, #tpu.memory_space<vmem>>, vector<1x16xf32>,
      %mul3A_471 = arith.constant 2 : i32
      %mul3A_472 = arith.muli %mul3A_471, %scan3A_312 : i32
      %add3A_473 = arith.constant 1 : i32
      %add3A_474 = arith.addi %mul3A_472, %add3A_473 : i32
      %get3A_475 = arith.index_cast %add3A_474 : i32 to index
      %get3A_476 = arith.constant 32 : index
      %get3A_477 = tpu.vector_load %arg7[%get3A_475, %get3A_476] {strides = array<i32>} : memref<128x128xf32, #tpu.memory_space<vmem>>, vector<1x16xf32>,
      %get3A_478 = vector.shape_cast %get3A_477 : vector<1x16xf32> to vector<16xf32>
      %mul3A_479 = arith.constant 11.3137083 : f32
      %mul3A_480 = vector.broadcast %mul3A_479 : f32 to vector<16xf32>
      %mul3A_481 = arith.mulf %get3A_478, %mul3A_480 : vector<16xf32>
      %swap3A_482 = arith.index_cast %add3A_474 : i32 to index
      %swap3A_483 = arith.constant 32 : index
      %swap3A_484 = tpu.vector_load %arg7[%swap3A_482, %swap3A_483] {strides = array<i32>} : memref<128x128xf32, #tpu.memory_space<vmem>>, vector<1x16xf32>,
      %swap3A_485 = vector.shape_cast %swap3A_484 : vector<1x16xf32> to vector<16xf32>
      %swap3A_486 = vector.shape_cast %mul3A_481 : vector<16xf32> to vector<1x16xf32>
      tpu.vector_store %arg7[%swap3A_482, %swap3A_483], %swap3A_486 {strides = array<i32>} : memref<128x128xf32, #tpu.memory_space<vmem>>, vector<1x16xf32>,
      %mul3A_487 = arith.constant 2 : i32
      %mul3A_488 = arith.muli %mul3A_487, %scan3A_312 : i32
      %add3A_489 = arith.constant 1 : i32
      %add3A_490 = arith.addi %mul3A_488, %add3A_489 : i32
      %get3A_491 = arith.index_cast %add3A_490 : i32 to index
      %get3A_492 = arith.constant 48 : index
      %get3A_493 = tpu.vector_load %arg7[%get3A_491, %get3A_492] {strides = array<i32>} : memref<128x128xf32, #tpu.memory_space<vmem>>, vector<1x16xf32>,
      %get3A_494 = vector.shape_cast %get3A_493 : vector<1x16xf32> to vector<16xf32>
      %mul3A_495 = arith.constant 11.3137083 : f32
      %mul3A_496 = vector.broadcast %mul3A_495 : f32 to vector<16xf32>
      %mul3A_497 = arith.mulf %get3A_494, %mul3A_496 : vector<16xf32>
      %swap3A_498 = arith.index_cast %add3A_490 : i32 to index
      %swap3A_499 = arith.constant 48 : index
      %swap3A_500 = tpu.vector_load %arg7[%swap3A_498, %swap3A_499] {strides = array<i32>} : memref<128x128xf32, #tpu.memory_space<vmem>>, vector<1x16xf32>,
      %swap3A_501 = vector.shape_cast %swap3A_500 : vector<1x16xf32> to vector<16xf32>
      %swap3A_502 = vector.shape_cast %mul3A_497 : vector<16xf32> to vector<1x16xf32>
      tpu.vector_store %arg7[%swap3A_498, %swap3A_499], %swap3A_502 {strides = array<i32>} : memref<128x128xf32, #tpu.memory_space<vmem>>, vector<1x16xf32>,
      %mul3A_503 = arith.constant 2 : i32
      %mul3A_504 = arith.muli %mul3A_503, %scan3A_312 : i32
      %add3A_505 = arith.constant 1 : i32
      %add3A_506 = arith.addi %mul3A_504, %add3A_505 : i32
      %get3A_507 = arith.index_cast %add3A_506 : i32 to index
      %get3A_508 = arith.constant 64 : index
      %get3A_509 = tpu.vector_load %arg7[%get3A_507, %get3A_508] {strides = array<i32>} : memref<128x128xf32, #tpu.memory_space<vmem>>, vector<1x16xf32>,
      %get3A_510 = vector.shape_cast %get3A_509 : vector<1x16xf32> to vector<16xf32>
      %mul3A_511 = arith.constant 11.3137083 : f32
      %mul3A_512 = vector.broadcast %mul3A_511 : f32 to vector<16xf32>
      %mul3A_513 = arith.mulf %get3A_510, %mul3A_512 : vector<16xf32>
      %swap3A_514 = arith.index_cast %add3A_506 : i32 to index
      %swap3A_515 = arith.constant 64 : index
      %swap3A_516 = tpu.vector_load %arg7[%swap3A_514, %swap3A_515] {strides = array<i32>} : memref<128x128xf32, #tpu.memory_space<vmem>>, vector<1x16xf32>,
      %swap3A_517 = vector.shape_cast %swap3A_516 : vector<1x16xf32> to vector<16xf32>
      %swap3A_518 = vector.shape_cast %mul3A_513 : vector<16xf32> to vector<1x16xf32>
      tpu.vector_store %arg7[%swap3A_514, %swap3A_515], %swap3A_518 {strides = array<i32>} : memref<128x128xf32, #tpu.memory_space<vmem>>, vector<1x16xf32>,
      %mul3A_519 = arith.constant 2 : i32
      %mul3A_520 = arith.muli %mul3A_519, %scan3A_312 : i32
      %add3A_521 = arith.constant 1 : i32
      %add3A_522 = arith.addi %mul3A_520, %add3A_521 : i32
      %get3A_523 = arith.index_cast %add3A_522 : i32 to index
      %get3A_524 = arith.constant 80 : index
      %get3A_525 = tpu.vector_load %arg7[%get3A_523, %get3A_524] {strides = array<i32>} : memref<128x128xf32, #tpu.memory_space<vmem>>, vector<1x16xf32>,
      %get3A_526 = vector.shape_cast %get3A_525 : vector<1x16xf32> to vector<16xf32>
      %mul3A_527 = arith.constant 11.3137083 : f32
      %mul3A_528 = vector.broadcast %mul3A_527 : f32 to vector<16xf32>
      %mul3A_529 = arith.mulf %get3A_526, %mul3A_528 : vector<16xf32>
      %swap3A_530 = arith.index_cast %add3A_522 : i32 to index
      %swap3A_531 = arith.constant 80 : index
      %swap3A_532 = tpu.vector_load %arg7[%swap3A_530, %swap3A_531] {strides = array<i32>} : memref<128x128xf32, #tpu.memory_space<vmem>>, vector<1x16xf32>,
      %swap3A_533 = vector.shape_cast %swap3A_532 : vector<1x16xf32> to vector<16xf32>
      %swap3A_534 = vector.shape_cast %mul3A_529 : vector<16xf32> to vector<1x16xf32>
      tpu.vector_store %arg7[%swap3A_530, %swap3A_531], %swap3A_534 {strides = array<i32>} : memref<128x128xf32, #tpu.memory_space<vmem>>, vector<1x16xf32>,
      %mul3A_535 = arith.constant 2 : i32
      %mul3A_536 = arith.muli %mul3A_535, %scan3A_312 : i32
      %add3A_537 = arith.constant 1 : i32
      %add3A_538 = arith.addi %mul3A_536, %add3A_537 : i32
      %get3A_539 = arith.index_cast %add3A_538 : i32 to index
      %get3A_540 = arith.constant 96 : index
      %get3A_541 = tpu.vector_load %arg7[%get3A_539, %get3A_540] {strides = array<i32>} : memref<128x128xf32, #tpu.memory_space<vmem>>, vector<1x16xf32>,
      %get3A_542 = vector.shape_cast %get3A_541 : vector<1x16xf32> to vector<16xf32>
      %mul3A_543 = arith.constant 11.3137083 : f32
      %mul3A_544 = vector.broadcast %mul3A_543 : f32 to vector<16xf32>
      %mul3A_545 = arith.mulf %get3A_542, %mul3A_544 : vector<16xf32>
      %swap3A_546 = arith.index_cast %add3A_538 : i32 to index
      %swap3A_547 = arith.constant 96 : index
      %swap3A_548 = tpu.vector_load %arg7[%swap3A_546, %swap3A_547] {strides = array<i32>} : memref<128x128xf32, #tpu.memory_space<vmem>>, vector<1x16xf32>,
      %swap3A_549 = vector.shape_cast %swap3A_548 : vector<1x16xf32> to vector<16xf32>
      %swap3A_550 = vector.shape_cast %mul3A_545 : vector<16xf32> to vector<1x16xf32>
      tpu.vector_store %arg7[%swap3A_546, %swap3A_547], %swap3A_550 {strides = array<i32>} : memref<128x128xf32, #tpu.memory_space<vmem>>, vector<1x16xf32>,
      %mul3A_551 = arith.constant 2 : i32
      %mul3A_552 = arith.muli %mul3A_551, %scan3A_312 : i32
      %add3A_553 = arith.constant 1 : i32
      %add3A_554 = arith.addi %mul3A_552, %add3A_553 : i32
      %get3A_555 = arith.index_cast %add3A_554 : i32 to index
      %get3A_556 = arith.constant 112 : index
      %get3A_557 = tpu.vector_load %arg7[%get3A_555, %get3A_556] {strides = array<i32>} : memref<128x128xf32, #tpu.memory_space<vmem>>, vector<1x16xf32>,
      %get3A_558 = vector.shape_cast %get3A_557 : vector<1x16xf32> to vector<16xf32>
      %mul3A_559 = arith.constant 11.3137083 : f32
      %mul3A_560 = vector.broadcast %mul3A_559 : f32 to vector<16xf32>
      %mul3A_561 = arith.mulf %get3A_558, %mul3A_560 : vector<16xf32>
      %swap3A_562 = arith.index_cast %add3A_554 : i32 to index
      %swap3A_563 = arith.constant 112 : index
      %swap3A_564 = tpu.vector_load %arg7[%swap3A_562, %swap3A_563] {strides = array<i32>} : memref<128x128xf32, #tpu.memory_space<vmem>>, vector<1x16xf32>,
      %swap3A_565 = vector.shape_cast %swap3A_564 : vector<1x16xf32> to vector<16xf32>
      %swap3A_566 = vector.shape_cast %mul3A_561 : vector<16xf32> to vector<1x16xf32>
      tpu.vector_store %arg7[%swap3A_562, %swap3A_563], %swap3A_566 {strides = array<i32>} : memref<128x128xf32, #tpu.memory_space<vmem>>, vector<1x16xf32>,
    }
    %scan3A_269 = arith.constant 64 : i32
    %add3A_270 = arith.constant 25472 : i32
    %add3A_271 = arith.addi %mul3A_2, %add3A_270 : i32
    %dma_start3A_272 = arith.constant 0 : i32
    %dma_start3A_273 = tpu.memref_slice %arg4[%add3A_271, %dma_start3A_272] : memref<819200x128xf32, #tpu.memory_space<hbm>> -> memref<128x128xf32, #tpu.memory_space<hbm>>
    %dma_start3A_274 = arith.constant 0 : i32
    %dma_start3A_275 = tpu.memref_slice %arg4[%add3A_271, %dma_start3A_274] : memref<819200x128xf32, #tpu.memory_space<hbm>> -> memref<128x128xf32, #tpu.memory_space<hbm>>
    tpu.enqueue_dma source(%arg7 : memref<128x128xf32, #tpu.memory_space<vmem>>) target(%dma_start3A_275 : memref<128x128xf32, #tpu.memory_space<hbm>>) target_semaphore(%arg19 : memref<!tpu.dma_semaphore, #tpu.memory_space<semaphore_mem>>)
    %add3A_276 = arith.constant 24832 : i32
    %add3A_277 = arith.addi %mul3A_2, %add3A_276 : i32
    %dma_wait3A_278 = arith.constant 0 : i32
    %dma_wait3A_279 = tpu.memref_slice %arg4[%add3A_277, %dma_wait3A_278] : memref<819200x128xf32, #tpu.memory_space<hbm>> -> memref<128x128xf32, #tpu.memory_space<hbm>>
    %dma_wait3A_280 = arith.constant 0 : i32
    %dma_wait3A_281 = tpu.memref_slice %arg4[%add3A_277, %dma_wait3A_280] : memref<819200x128xf32, #tpu.memory_space<hbm>> -> memref<128x128xf32, #tpu.memory_space<hbm>>
    tpu.wait_dma2 semaphore(%arg20 : memref<!tpu.dma_semaphore, #tpu.memory_space<semaphore_mem>>) src(%arg8 : memref<128x128xf32, #tpu.memory_space<vmem>>) dst(%dma_wait3A_281 : memref<128x128xf32, #tpu.memory_space<hbm>>)
    %add3A_282 = arith.constant 24960 : i32
    %add3A_283 = arith.addi %mul3A_2, %add3A_282 : i32
    %dma_wait3A_284 = arith.constant 0 : i32
    %dma_wait3A_285 = tpu.memref_slice %arg4[%add3A_283, %dma_wait3A_284] : memref<819200x128xf32, #tpu.memory_space<hbm>> -> memref<128x128xf32, #tpu.memory_space<hbm>>
    %dma_wait3A_286 = arith.constant 0 : i32
    %dma_wait3A_287 = tpu.memref_slice %arg4[%add3A_283, %dma_wait3A_286] : memref<819200x128xf32, #tpu.memory_space<hbm>> -> memref<128x128xf32, #tpu.memory_space<hbm>>
    tpu.wait_dma2 semaphore(%arg21 : memref<!tpu.dma_semaphore, #tpu.memory_space<semaphore_mem>>) src(%arg9 : memref<128x128xf32, #tpu.memory_space<vmem>>) dst(%dma_wait3A_287 : memref<128x128xf32, #tpu.memory_space<hbm>>)
    %add3A_288 = arith.constant 25088 : i32
    %add3A_289 = arith.addi %mul3A_2, %add3A_288 : i32
    %dma_wait3A_290 = arith.constant 0 : i32
    %dma_wait3A_291 = tpu.memref_slice %arg4[%add3A_289, %dma_wait3A_290] : memref<819200x128xf32, #tpu.memory_space<hbm>> -> memref<128x128xf32, #tpu.memory_space<hbm>>
    %dma_wait3A_292 = arith.constant 0 : i32
    %dma_wait3A_293 = tpu.memref_slice %arg4[%add3A_289, %dma_wait3A_292] : memref<819200x128xf32, #tpu.memory_space<hbm>> -> memref<128x128xf32, #tpu.memory_space<hbm>>
    tpu.wait_dma2 semaphore(%arg22 : memref<!tpu.dma_semaphore, #tpu.memory_space<semaphore_mem>>) src(%arg10 : memref<128x128xf32, #tpu.memory_space<vmem>>) dst(%dma_wait3A_293 : memref<128x128xf32, #tpu.memory_space<hbm>>)
    %add3A_294 = arith.constant 25216 : i32
    %add3A_295 = arith.addi %mul3A_2, %add3A_294 : i32
    %dma_wait3A_296 = arith.constant 0 : i32
    %dma_wait3A_297 = tpu.memref_slice %arg4[%add3A_295, %dma_wait3A_296] : memref<819200x128xf32, #tpu.memory_space<hbm>> -> memref<128x128xf32, #tpu.memory_space<hbm>>
    %dma_wait3A_298 = arith.constant 0 : i32
    %dma_wait3A_299 = tpu.memref_slice %arg4[%add3A_295, %dma_wait3A_298] : memref<819200x128xf32, #tpu.memory_space<hbm>> -> memref<128x128xf32, #tpu.memory_space<hbm>>
    tpu.wait_dma2 semaphore(%arg23 : memref<!tpu.dma_semaphore, #tpu.memory_space<semaphore_mem>>) src(%arg11 : memref<128x128xf32, #tpu.memory_space<vmem>>) dst(%dma_wait3A_299 : memref<128x128xf32, #tpu.memory_space<hbm>>)
    %add3A_300 = arith.constant 25344 : i32
    %add3A_301 = arith.addi %mul3A_2, %add3A_300 : i32
    %dma_wait3A_302 = arith.constant 0 : i32
    %dma_wait3A_303 = tpu.memref_slice %arg4[%add3A_301, %dma_wait3A_302] : memref<819200x128xf32, #tpu.memory_space<hbm>> -> memref<128x128xf32, #tpu.memory_space<hbm>>
    %dma_wait3A_304 = arith.constant 0 : i32
    %dma_wait3A_305 = tpu.memref_slice %arg4[%add3A_301, %dma_wait3A_304] : memref<819200x128xf32, #tpu.memory_space<hbm>> -> memref<128x128xf32, #tpu.memory_space<hbm>>
    tpu.wait_dma2 semaphore(%arg18 : memref<!tpu.dma_semaphore, #tpu.memory_space<semaphore_mem>>) src(%arg6 : memref<128x128xf32, #tpu.memory_space<vmem>>) dst(%dma_wait3A_305 : memref<128x128xf32, #tpu.memory_space<hbm>>)
    %add3A_306 = arith.constant 25472 : i32
    %add3A_307 = arith.addi %mul3A_2, %add3A_306 : i32
    %dma_wait3A_308 = arith.constant 0 : i32
    %dma_wait3A_309 = tpu.memref_slice %arg4[%add3A_307, %dma_wait3A_308] : memref<819200x128xf32, #tpu.memory_space<hbm>> -> memref<128x128xf32, #tpu.memory_space<hbm>>
    %dma_wait3A_310 = arith.constant 0 : i32
    %dma_wait3A_311 = tpu.memref_slice %arg4[%add3A_307, %dma_wait3A_310] : memref<819200x128xf32, #tpu.memory_space<hbm>> -> memref<128x128xf32, #tpu.memory_space<hbm>>
    tpu.wait_dma2 semaphore(%arg19 : memref<!tpu.dma_semaphore, #tpu.memory_space<semaphore_mem>>) src(%arg7 : memref<128x128xf32, #tpu.memory_space<vmem>>) dst(%dma_wait3A_311 : memref<128x128xf32, #tpu.memory_space<hbm>>)
    return
  }
}

</mosaic_0001>

<sc_bundles>
// kernel: kernel.3.cloned.1.call-start
scs
__scs_entry_jumppad:
0x0: {  	(pc) =	sbr.rel $0x88, $3  }
0x1: {  	(tag) =	ssettag $0x0;
	lr =	simm.s32 $0x1  }
0x2: {  	[smem:$0x3F9F] =	sst lr;
	_ =	strace $0xD0000000  }
0x3: {  	_ = 	snop  }
0x4: {  	_ = 	snop  }
0x5: {  	_ = 	snop  }
0x6: {  	_ = 	snop  }
0x7: {  	_ = 	snop  }
__scs_overlays_trampoline_lowered:
0x8: {  	[smem:$0x3FAE] =	sst s0  }
0x9: {  	[smem:$0x3FAF] =	sst s1  }
0xa: {  	[smem:$0x3FB0] =	sst s2  }
0xb: {  	[smem:$0x3FB1] =	sst s3  }
0xc: {  	[smem:$0x3FB2] =	sst s4  }
0xd: {  	[smem:$0x3FB3] =	sst s5  }
0xe: {  	[smem:$0x3FB4] =	sst s6  }
0xf: {  	[smem:$0x3FB5] =	sst s7  }
0x10: {  	[smem:$0x3FB6] =	sst s8  }
0x11: {  	[smem:$0x3FB7] =	sst s9;
	s0 =	simm.s32 @!p0 $0x0  }
0x12: {  	s1 =	sld [smem:$0x3F9D];
	s0 =	simm.s32 @p0 $0x1  }
0x13: {  	[smem:$0x3FB8] =	sst s0;
	s0 =	simm.s32 @!p1 $0x0  }
0x14: {  	s2 =	sld [smem:$0x3F9C];
	s0 =	simm.s32 @p1 $0x1  }
0x15: {  	[smem:$0x3FB9] =	sst s0;
	s0 =	simm.s32 @!p2 $0x0  }
0x16: {  	s3 =	sld [smem:$0x3FDB];
	s0 =	simm.s32 @p2 $0x1  }
0x17: {  	s4 =	simm.s32 $0x1BF5;
	[smem:$0x3FBB] =	sst s0  }
0x18: {  	s0 =	sld [smem:$0x3F9E];
	_ =	swait.ge [sflag:s4], $0x0  }
0x19: {  	s7 =	sld [smem:$0x3F9F]  }
0x1a: {  	s8 =	sadd.s32 $0xFFFFE003, lr  }
0x1b: {  	s9 =	sadd.s32 $0xFFFFFEF7, lr;
	s5 =	simm.s32 $0xFFFFFFFF;
	p2 =	slt.u32 s8, $0xFFFFF086  }
0x1c: {  	p1 =	slt.u32 s9, $0xF7A;
	s5 =	simm.s32 @!p2 $0x0  }
0x1d: {  	s5 =	simm.s32 @p1 $0x1;
	p0 =	seq.s32 s7, s2  }
0x1e: {  	s7 =	smul.u32 @!p0 $0xF7A, s2;
	p2 =	seq.s32 @!p0 s5, $0x0  }
0x1f: {  	s9 =	smul.u32 $0xF7A, s1;
	s8 =	simm.s32 @!p0 $0x1BF5;
	p2 =	por !p2, p0  }
0x20: {  	[sflag:s8] =	ssyncset.s32 @!p0 $0xFFFFF086;
	s6 =	sadd.s32 @!p0 s3, s7;
	s7 =	simm.s32 @!p0 $0x108  }
0x21: {  	s3 =	sadd.s32 s3, s9;
	s6 =	sadd.s32 @!p0 $0x88, s6;
	s7 =	simm.s32 @p2 $0x1082  }
0x22: {  	[simem:s7], [sflag:s8] =	dma.local @!p0 [hbm:s6], $0xF7A  }
0x23: {  	s9 =	sor.u32 $0xD0000000, s2;
	s6 =	simm.s32 $0x108;
	_ =	swait.ge @!p0 [sflag:s8], $0x0  }
0x24: {  	s3 =	sadd.s32 $0x88, s3;
	s6 =	simm.s32 @!p1 $0x1082;
	[sflag:s4] =	ssyncset.s32 $0xFFFFF086  }
0x25: {  	[simem:s6], [sflag:s4] =	dma.local [hbm:s3], $0xF7A  }
0x26: {  	[smem:$0x3F9F] =	sst s1;
	(tag) =	ssettag s2;
	_ =	strace s9  }
0x27: {  	s1 =	sld [smem:$0x3FAF]  }
0x28: {  	s2 =	sld [smem:$0x3FB0]  }
0x29: {  	s4 =	sld [smem:$0x3FB2]  }
0x2a: {  	p0 =	seq.s32 s5, $0x0;
	s5 =	sld [smem:$0x3FB3]  }
0x2b: {  	s6 =	sld [smem:$0x3FB4]  }
0x2c: {  	s7 =	sld [smem:$0x3FB5]  }
0x2d: {  	s3 =	simm.s32 $0x108;
	s8 =	sld [smem:$0x3FB6]  }
0x2e: {  	s3 =	simm.s32 @!p0 $0x1082;
	s9 =	sld [smem:$0x3FB7]  }
0x2f: {  	lr =	sadd.s32 s0, s3;
	s0 =	sld [smem:$0x3FAE]  }
0x30: {  	s3 =	sld [smem:$0x3FB1]  }
0x31: {  	[smem:$0x3FBA] =	sst s10  }
0x32: {  	s10 =	sld [smem:$0x3FB8];
	_ =	sdelay $0x3  }
0x33: {  	p0 =	seq.s32 s10, $0x1;
	s10 =	sld [smem:$0x3FBA];
	_ =	sdelay $0x3  }
0x34: {  	[smem:$0x3FBA] =	sst s10  }
0x35: {  	s10 =	sld [smem:$0x3FB9];
	_ =	sdelay $0x3  }
0x36: {  	p1 =	seq.s32 s10, $0x1;
	s10 =	sld [smem:$0x3FBA];
	_ =	sdelay $0x3  }
0x37: {  	[smem:$0x3FBA] =	sst s10  }
0x38: {  	s10 =	sld [smem:$0x3FBB]  }
0x39: {  	_ = 	snop;
	(pc) =	sbr.ind lr, $3  }
0x3a: {  	_ = 	snop  }
0x3b: {  	_ = 	snop  }
0x3c: {  	p2 =	seq.s32 s10, $0x1;
	s10 =	sld [smem:$0x3FBA]  }
0x3d: {  	_ =	shalt  }
0x3e: {  	_ =	shalt  }
0x3f: {  	_ =	shalt  }
0x40: {  	_ =	shalt  }
0x41: {  	_ =	shalt  }
0x42: {  	_ =	shalt  }
0x43: {  	_ =	shalt  }
0x44: {  	_ =	shalt  }
0x45: {  	_ =	shalt  }
0x46: {  	_ =	shalt  }
0x47: {  	_ =	shalt  }
0x48: {  	_ =	shalt  }
0x49: {  	_ =	shalt  }
0x4a: {  	_ =	shalt  }
0x4b: {  	_ =	shalt  }
0x4c: {  	_ =	shalt  }
0x4d: {  	_ =	shalt  }
0x4e: {  	_ =	shalt  }
0x4f: {  	_ =	shalt  }
0x50: {  	_ =	shalt  }
0x51: {  	_ =	shalt  }
0x52: {  	_ =	shalt  }
0x53: {  	_ =	shalt  }
0x54: {  	_ =	shalt  }
0x55: {  	_ =	shalt  }
0x56: {  	_ =	shalt  }
0x57: {  	_ =	shalt  }
0x58: {  	_ =	shalt  }
0x59: {  	_ =	shalt  }
0x5a: {  	_ =	shalt  }
0x5b: {  	_ =	shalt  }
0x5c: {  	_ =	shalt  }
0x5d: {  	_ =	shalt  }
0x5e: {  	_ =	shalt  }
0x5f: {  	_ =	shalt  }
0x60: {  	_ =	shalt  }
0x61: {  	_ =	shalt  }
0x62: {  	_ =	shalt  }
0x63: {  	_ =	shalt  }
0x64: {  	_ =	shalt  }
0x65: {  	_ =	shalt  }
0x66: {  	_ =	shalt  }
0x67: {  	_ =	shalt  }
0x68: {  	_ =	shalt  }
0x69: {  	_ =	shalt  }
0x6a: {  	_ =	shalt  }
0x6b: {  	_ =	shalt  }
0x6c: {  	_ =	shalt  }
0x6d: {  	_ =	shalt  }
0x6e: {  	_ =	shalt  }
0x6f: {  	_ =	shalt  }
0x70: {  	_ =	shalt  }
0x71: {  	_ =	shalt  }
0x72: {  	_ =	shalt  }
0x73: {  	_ =	shalt  }
0x74: {  	_ =	shalt  }
0x75: {  	_ =	shalt  }
0x76: {  	_ =	shalt  }
0x77: {  	_ =	shalt  }
0x78: {  	_ =	shalt  }
0x79: {  	_ =	shalt  }
0x7a: {  	_ =	shalt  }
0x7b: {  	_ =	shalt  }
0x7c: {  	_ =	shalt  }
0x7d: {  	_ =	shalt  }
0x7e: {  	_ =	shalt  }
0x7f: {  	_ =	shalt  }
0x80: {  	_ =	shalt  }
0x81: {  	_ =	shalt  }
0x82: {  	_ =	shalt  }
0x83: {  	_ =	shalt  }
0x84: {  	_ =	shalt  }
0x85: {  	_ =	shalt  }
0x86: {  	_ =	shalt  }
0x87: {  	_ =	shalt  }
.Lfunc_end0:
.L_simem_size_0:
called_computation_lowered:
.L_overlay_start_0:
0x88: {  	s2 =	sld [smem:$0x3FD9]  }
0x89: {  	s3 =	sld [smem:$0x3FFE];
	_ =	sdelay $0x1  }
0x8a: {  	s1 =	srdreg.scid  }
0x8b: {  	s0 =	sand.u32 $0x1, s1  }
0x8c: {  	s17 =	sshll.u32 s0, $0xA;
	s2 =	sadd.s32 s3, s2  }
0x8d: {  	s2 =	sadd.s32 s2, s17  }
0x8e: {  	[smem:$0x3FC6] =	sst s2  }
0x8f: {  	_ = 	snop  }
0x90: {  	s2 =	sld [smem:$0x3FC8]  }
0x91: {  	s18 =	sld [smem:$0x3FD0];
	(tm) =	ssettm $0x1  }
0x92: {  	s4 =	sld [smem:$0x3FFB];
	_ =	sdelay $0x3  }
0x93: {  	_ =	strace s4  }
0x94: {  	s4 =	sld [smem:$0x3FFC];
	_ =	sdelay $0x3  }
0x95: {  	_ =	strace s4  }
0x96: {  	s4 =	sld [smem:$0x3FFD];
	_ =	sdelay $0x3  }
0x97: {  	_ =	strace s4  }
0x98: {  	_ =	strace $0x8FFFFFFF  }
0x99: {  	s19 =	sld [smem:$0x3FDB];
	_ =	sdelay $0x1  }
0x9a: {  	s5 =	simm.s32 $_scs_section_size  }
0x9b: {  	s6 =	simm.s32 $_size__tile_overlayer_lowered;
	s7 =	simm.s32 $_tile_overlayer_lowered  }
0x9c: {  	s22 =	simm.s32 $0x1BFF;
	s21 =	sshll.u32 s7, $0x1;
	s4 =	sadd.s32 s5, s19  }
0x9d: {  	s8 =	simm.s32 $0x0;
	s20 =	sshll.u32 s6, $0x1;
	s6 =	sadd.s32 s21, s4  }
0x9e: {  	[timem:s8], [sflag:s22] =	dma.local [hbm:s6], s20  }
0x9f: {  	_ =	swait.ge [sflag:s22], s20  }
0xa0: {  	s5 =	ssub.s32 $0x0, s20;
	[sflag:s22] =	ssyncset.done $0x0  }
0xa1: {  	[sflag:s22] =	ssyncadd.s32 s5;
	_ =	sdelay $0x1  }
0xa2: {  	s23 =	simm.s32 $0x1B8B  }
0xa3: {  	_ =	swait.ge [sflag:s23], $0x1  }
0xa4: {  	[sflag:s23] =	ssyncset.done $0x0  }
0xa5: {  	s25 =	simm.s32 $0x1B8E;
	s24 =	sld [smem:$0x3FFE];
	[sflag:s23] =	ssyncadd.s32 $0xFFFFFFFF  }
0xa6: {  	s26 =	simm.s32 $execute0_lowered;
	[smem:$0x3FD2] =	sst s25  }
0xa7: {  	s6 =	sshll.u32 s26, $0x1;
	_ =	strace $0x80000046;
	[dreg:$0x1] =	wrdreg $0xFFFFFFFF  }
0xa8: {  	s28 =	simm.s32 $_size_execute0_lowered;
	s4 =	sadd.s32 s4, s6;
	[dreg:$0x0] =	wrdreg $0x0  }
0xa9: {  	s6 =	sshll.u32 s28, $0x1;
	[dreg:$0x2] =	wrdreg s4  }
0xaa: {  	[dreg:$0x3] =	wrdreg s6  }
0xab: {  	[dreg:$0x4] =	wrdreg $0xC0  }
0xac: {  	_ =	task [dreg:s8], $0x5FFFF  }
0xad: {  	[dreg:$0x1] =	wrdreg $0xFFFFFFFF  }
0xae: {  	[dreg:$0x0] =	wrdreg $0x60  }
0xaf: {  	[dreg:$0x2] =	wrdreg s24  }
0xb0: {  	[dreg:$0x3] =	wrdreg s2  }
0xb1: {  	[dreg:$0x4] =	wrdreg s18  }
0xb2: {  	[dreg:$0x5] =	wrdreg $0x9  }
0xb3: {  	_ =	task.clear_ibuf [dreg:s8], $0x6FFFF;
	_ =	strace $0x90000046  }
0xb4: {  	s29 =	simm.s32 $0x9;
	_ =	strace $0x80000048  }
0xb5: {  	_ =	swait.ge [sflag:s29], $0x1  }
0xb6: {  	[sflag:s29] =	ssyncadd.s32 $0xFFFFFFFF  }
0xb7: {  	_ =	strace $0x90000048  }
0xb8: {  	_ =	sfence  }
0xb9: {  	s30 =	sld [smem:$0x0];
	_ =	sdelay $0x2  }
0xba: {  	s31 =	sshll.u32 s1, $0xD;
	s1 =	sshrl.u32 s1, $0x2  }
0xbb: {  	s3 =	sand.u32 $0x4000, s31;
	s1 =	sadd.s32 s1, s30  }
0xbc: {  	s0 =	sor.u32 s3, s0;
	s1 =	sshll.u32 s1, $0x11  }
0xbd: {  	s0 =	sor.u32 s1, s0  }
0xbe: {  	s0 =	sadd.s32 $0x8F2B, s0  }
0xbf: {  	[sflag:s0] =	ssyncadd.remote.s32 $0x1  }
0xc0: {  	_ =	sfence.sel $0xFFFF  }
0xc1: {  	[dreg:$0x0] =	wrdreg $0xFFFFFFFF;
	(pc) =	sbr.abs _section_cstart, $3  }
0xc2: {  	[dreg:$0x1] =	wrdreg $0xFFFFFFFF  }
0xc3: {  	_ =	task.clear_ibuf [dreg:s8], $0x2FFFF;
	_ =	strace $0x9FFFFFFF  }
0xc4: {  	(tm) =	ssettm $0x7FFFFFFF  }
0xc5: {  	_ =	shalt  }
tec
execute0_lowered:
.L_overlay_start_1:
0x0: {  	(tag) =	ssettag $0x1  }
0x1: {  	s0 =	rddreg [dreg:$0x0]  }
0x2: {  	s2 =	rddreg [dreg:$0x1];
	s1 =	srdreg.scid  }
0x3: {  	s4 =	stileid.u32;
	s3 =	rddreg [dreg:$0x2];
	s11 =	simm.s32 $0x0  }
0x4: {  	s28 =	simm.s32 $0x12400;
	s29 =	simm.s32 $0x2;
	s31 =	simm.s32 $0x16400  }
0x5: {  	s30 =	simm.s32 $0x4;
	s8 =	simm.s32 $0x9;
	s9 =	simm.s32 $0x6  }
0x6: {  	s13 =	simm.s32 $0xA;
	s1 =	sand.u32 $0x1, s1;
	s4 =	sshll.u32 s4, $0x1  }
0x7: {  	s14 =	simm.s32 $0xB;
	s15 =	simm.s32 $0xC;
	s4 =	sor.u32 s1, s4  }
0x8: {  	[smem:$0x7FF] =	sst s11;
	s1 =	ssub.s32 $0x2, s1;
	s6 =	smul.u32 $0x64000, s4  }
0x9: {  	_ =	strace $0x80000047;
	s5 =	smul.u32 $0xC80, s4;
	s7 =	sshrl.u32 s1, $0x1  }
0xa: {  	s1 =	ssub.s32 s1, s7;
	s7 =	simm.s32 $0x5;
	s6 =	sadd.s32 s3, s6  }
0xb: {  	s0 =	sadd.s32 s5, s0;
	s26 =	smax.u32 s1, $0x1;
	[dreg:$0x4] =	wrdreg s6  }
0xc: {  	s5 =	smul.u32 $0x6400, s4;
	s0 =	sadd.s32 $0x400, s0;
	[dreg:$0xf] =	wrdreg s26  }
0xd: {  	s4 =	smul.u32 $0x320000, s4;
	s17 =	sadd.s32 $0x800, s6;
	[dreg:$0x5] =	wrdreg s0  }
0xe: {  	s1 =	simm.s32 $0x3;
	s18 =	sadd.s32 $0x1000, s6;
	[dreg:$0x6] =	wrdreg s17  }
0xf: {  	[dreg:$0x7] =	wrdreg s18;
	s19 =	sor.u32 $0x180, s5;
	s20 =	sshrl.u32 s4, $0x3  }
0x10: {  	s21 =	sor.u32 $0x200, s5;
	[dreg:$0x8] =	wrdreg s19;
	s0 =	sadd.s32 s3, s20  }
0x11: {  	s26 =	simm.s32 $0x7;
	[dreg:$0x9] =	wrdreg s21;
	s22 =	sadd.s32 $0x61800, s0  }
0x12: {  	s6 =	simm.s32 $0x0;
	s23 =	sadd.s32 $0x62000, s0;
	[dreg:$0xa] =	wrdreg s22  }
0x13: {  	s12 =	sor.u32 $0x280, s5;
	s24 =	sadd.s32 $0x62800, s0;
	[dreg:$0xb] =	wrdreg s23  }
0x14: {  	s20 =	simm.s32 $0x80;
	s25 =	sadd.s32 $0x63000, s0;
	[dreg:$0xc] =	wrdreg s24  }
0x15: {  	s21 =	simm.s32 $0x6400;
	s0 =	sadd.s32 $0x63800, s0;
	[dreg:$0xd] =	wrdreg s25  }
0x16: {  	[dreg:$0xe] =	wrdreg s0;
	s22 =	simm.s32 $0xA400;
	s24 =	simm.s32 $0xE400  }
0x17: {  	s25 =	simm.s32 $0x1;
	s23 =	simm.s32 $0x1A400;
	s0 =	simm.s32 $0x8  }
.LBB2_1:
0x18: {  	[dreg:$0x10] =	wrdreg s6  }
0x19: {  	s4 =	rddreg [dreg:$0x5];
	s18 =	simm.s32 $0xD  }
0x1a: {  	[tilespmem:s11], [sflag:$0xD] =	stream.linear.gather [hbm4b:s4+s11], $0x6400, $0x38;
	[tilespmem:$0x1E400] =	vst v63  }
0x1b: {  	_ =	swait.ge [sflag:s18], $0x6400  }
0x1c: {  	[sflag:s18] =	ssyncset.done $0x0  }
0x1d: {  	[sflag:s18] =	ssyncadd.s32 $0xFFFF9C00  }
0x1e: {  	[tilespmem:s21], [sflag:$0x1] =	stream.indirect.gather [hbm4b:s2+s20], $0x80, s11, s20, $0xb8;
	[tilespmem:$0x1E400] =	vst v63  }
0x1f: {  	_ = 	snop  }
0x20: {  	[tilespmem:s22], [sflag:$0x2] =	stream.indirect.gather [hbm4b:s2+s20], $0x80, s20, s20, $0xb8;
	[tilespmem:$0x1E400] =	vst v63  }
0x21: {  	s19 =	simm.s32 $0x100  }
0x22: {  	[tilespmem:s24], [sflag:$0x3] =	stream.indirect.gather [hbm4b:s2+s20], $0x80, s19, s20, $0xb8;
	[tilespmem:$0x1E400] =	vst v63  }
0x23: {  	_ =	swait.ge [sflag:s25], $0x4000  }
0x24: {  	[sflag:s25] =	ssyncset.done $0x0  }
0x25: {  	s4 =	simm.s32 $0x0;
	[sflag:s25] =	ssyncadd.s32 $0xFFFFC000  }
0x26: {  	v0 =	vld [tilespmem:s4+$0x6400]  }
0x27: {  	v1 =	vld [tilespmem:s4+$0x6410]  }
0x28: {  	v2 =	vld [tilespmem:s4+$0x6420]  }
0x29: {  	v3 =	vld [tilespmem:s4+$0x6430]  }
0x2a: {  	v4 =	vld [tilespmem:s4+$0x6440]  }
0x2b: {  	v5 =	vld [tilespmem:s4+$0x6450];
	v0 =	vmul.f32 $1.131370830e+01, v0  }
0x2c: {  	v6 =	vld [tilespmem:s4+$0x6460];
	v1 =	vmul.f32 $1.131370830e+01, v1  }
0x2d: {  	v7 =	vld [tilespmem:s4+$0x6470];
	[tilespmem:s4+$0x6400] =	vst v0;
	v0 =	vmul.f32 $1.131370830e+01, v2  }
0x2e: {  	v8 =	vld [tilespmem:s4+$0x6480];
	[tilespmem:s4+$0x6410] =	vst v1;
	v1 =	vmul.f32 $1.131370830e+01, v3  }
0x2f: {  	v9 =	vld [tilespmem:s4+$0x6490];
	[tilespmem:s4+$0x6420] =	vst v0;
	v0 =	vmul.f32 $1.131370830e+01, v4  }
0x30: {  	v2 =	vmul.f32 $1.131370830e+01, v5;
	[tilespmem:s4+$0x6430] =	vst v1;
	v1 =	vld [tilespmem:s4+$0x64A0]  }
0x31: {  	v3 =	vmul.f32 $1.131370830e+01, v6;
	[tilespmem:s4+$0x6440] =	vst v0;
	v0 =	vld [tilespmem:s4+$0x64B0]  }
0x32: {  	[tilespmem:s4+$0x6450] =	vst v2;
	v2 =	vld [tilespmem:s4+$0x64C0];
	v4 =	vmul.f32 $1.131370830e+01, v7  }
0x33: {  	v6 =	vmul.f32 $1.131370830e+01, v8;
	[tilespmem:s4+$0x6460] =	vst v3;
	v3 =	vld [tilespmem:s4+$0x64D0]  }
0x34: {  	s6 =	simm.s32 $0x400;
	v5 =	vmul.f32 $1.131370830e+01, v9;
	[tilespmem:s4+$0x6470] =	vst v4;
	v4 =	vld [tilespmem:s4+$0x64E0]  }
.LBB2_2:
0x35: {  	s10 =	sshra.s32 s6, $0x2;
	p0 =	sne.s32 s6, $0xFC00;
	[tilespmem:s4+$0x6480] =	vst v6;
	v1 =	vmul.f32 $1.131370830e+01, v1;
	v6 =	vld [tilespmem:s4+$0x64F0]  }
0x36: {  	v7 =	vld [tilespmem:s10+$0x6400];
	[tilespmem:s4+$0x6490] =	vst v5;
	v0 =	vmul.f32 $1.131370830e+01, v0  }
0x37: {  	v5 =	vld [tilespmem:s10+$0x6410];
	[tilespmem:s4+$0x64A0] =	vst v1;
	v1 =	vmul.f32 $1.131370830e+01, v2  }
0x38: {  	v2 =	vld [tilespmem:s10+$0x6420];
	[tilespmem:s4+$0x64B0] =	vst v0;
	v0 =	vmul.f32 $1.131370830e+01, v3  }
0x39: {  	v3 =	vld [tilespmem:s10+$0x6430];
	[tilespmem:s4+$0x64C0] =	vst v1;
	v1 =	vmul.f32 $1.131370830e+01, v4  }
0x3a: {  	v4 =	vld [tilespmem:s10+$0x6440];
	[tilespmem:s4+$0x64D0] =	vst v0;
	v0 =	vmul.f32 $1.131370830e+01, v6  }
0x3b: {  	v6 =	vmul.f32 $1.131370830e+01, v7;
	v7 =	vld [tilespmem:s10+$0x6450];
	[tilespmem:s4+$0x64E0] =	vst v1  }
0x3c: {  	v1 =	vmul.f32 $1.131370830e+01, v5;
	v5 =	vld [tilespmem:s10+$0x6460];
	[tilespmem:s4+$0x64F0] =	vst v0;
	s4 =	smov.u32 s10  }
0x3d: {  	[tilespmem:s4+$0x6400] =	vst v6;
	v0 =	vmul.f32 $1.131370830e+01, v2;
	v2 =	vld [tilespmem:s4+$0x6470]  }
0x3e: {  	[tilespmem:s4+$0x6410] =	vst v1;
	v1 =	vmul.f32 $1.131370830e+01, v3;
	v3 =	vld [tilespmem:s4+$0x6480]  }
0x3f: {  	[tilespmem:s4+$0x6420] =	vst v0;
	v0 =	vmul.f32 $1.131370830e+01, v4;
	v4 =	vld [tilespmem:s4+$0x6490]  }
.Ltmp0:
0x40: {  	[tilespmem:s4+$0x6430] =	vst v1;
	v6 =	vmul.f32 $1.131370830e+01, v7;
	v1 =	vld [tilespmem:s4+$0x64A0];
	(pc) =	sbr.rel @p0 .LBB2_2-.Ltmp0, $4  }
0x41: {  	[tilespmem:s4+$0x6440] =	vst v0;
	v5 =	vmul.f32 $1.131370830e+01, v5;
	v0 =	vld [tilespmem:s4+$0x64B0]  }
0x42: {  	[tilespmem:s4+$0x6450] =	vst v6;
	v7 =	vmul.f32 $1.131370830e+01, v2;
	v2 =	vld [tilespmem:s4+$0x64C0]  }
0x43: {  	[tilespmem:s4+$0x6460] =	vst v5;
	v6 =	vmul.f32 $1.131370830e+01, v3;
	v3 =	vld [tilespmem:s4+$0x64D0]  }
0x44: {  	s6 =	sadd.s32 $0x400, s6;
	[tilespmem:s4+$0x6470] =	vst v7;
	v5 =	vmul.f32 $1.131370830e+01, v4;
	v4 =	vld [tilespmem:s4+$0x64E0]  }
0x45: {  	[tilespmem:s4+$0x6480] =	vst v6;
	v1 =	vmul.f32 $1.131370830e+01, v1;
	v6 =	vld [tilespmem:s4+$0x64F0]  }
0x46: {  	[tilespmem:s4+$0x6490] =	vst v5;
	v0 =	vmul.f32 $1.131370830e+01, v0  }
0x47: {  	[tilespmem:s4+$0x64A0] =	vst v1;
	v1 =	vmul.f32 $1.131370830e+01, v2  }
0x48: {  	[tilespmem:s4+$0x64B0] =	vst v0;
	v0 =	vmul.f32 $1.131370830e+01, v3  }
0x49: {  	[tilespmem:s4+$0x64C0] =	vst v1;
	v1 =	vmul.f32 $1.131370830e+01, v4  }
0x4a: {  	[tilespmem:s4+$0x64D0] =	vst v0;
	v0 =	vmul.f32 $1.131370830e+01, v6  }
0x4b: {  	[tilespmem:s4+$0x64E0] =	vst v1  }
0x4c: {  	s18 =	simm.s32 $0x0;
	s6 =	rddreg [dreg:$0x4];
	[tilespmem:s4+$0x64F0] =	vst v0  }
0x4d: {  	[hbm4b:s6+s18] =	stream.linear.scatter [tilespmem:s21], [sflag:$0x7], $0x4000, $0x38;
	[tilespmem:$0x1E400] =	vst v63  }
0x4e: {  	s19 =	simm.s32 $0x180  }
0x4f: {  	[tilespmem:s28], [sflag:$0x4] =	stream.indirect.gather [hbm4b:s2+s20], $0x80, s19, s20, $0xb8;
	[tilespmem:$0x1E400] =	vst v63  }
0x50: {  	_ =	swait.ge [sflag:s29], $0x4000  }
0x51: {  	[sflag:s29] =	ssyncset.done $0x0  }
0x52: {  	s4 =	simm.s32 $0x0;
	[sflag:s29] =	ssyncadd.s32 $0xFFFFC000  }
0x53: {  	v0 =	vld [tilespmem:s4+$0xA400]  }
0x54: {  	v1 =	vld [tilespmem:s4+$0xA410]  }
0x55: {  	v2 =	vld [tilespmem:s4+$0xA420]  }
0x56: {  	v3 =	vld [tilespmem:s4+$0xA430]  }
0x57: {  	v4 =	vld [tilespmem:s4+$0xA440]  }
0x58: {  	v5 =	vld [tilespmem:s4+$0xA450];
	v0 =	vmul.f32 $1.131370830e+01, v0  }
0x59: {  	v6 =	vld [tilespmem:s4+$0xA460];
	v1 =	vmul.f32 $1.131370830e+01, v1  }
0x5a: {  	v7 =	vld [tilespmem:s4+$0xA470];
	[tilespmem:s4+$0xA400] =	vst v0;
	v0 =	vmul.f32 $1.131370830e+01, v2  }
0x5b: {  	v8 =	vld [tilespmem:s4+$0xA480];
	[tilespmem:s4+$0xA410] =	vst v1;
	v1 =	vmul.f32 $1.131370830e+01, v3  }
0x5c: {  	v9 =	vld [tilespmem:s4+$0xA490];
	[tilespmem:s4+$0xA420] =	vst v0;
	v0 =	vmul.f32 $1.131370830e+01, v4  }
0x5d: {  	v2 =	vmul.f32 $1.131370830e+01, v5;
	[tilespmem:s4+$0xA430] =	vst v1;
	v1 =	vld [tilespmem:s4+$0xA4A0]  }
0x5e: {  	v3 =	vmul.f32 $1.131370830e+01, v6;
	[tilespmem:s4+$0xA440] =	vst v0;
	v0 =	vld [tilespmem:s4+$0xA4B0]  }
0x5f: {  	[tilespmem:s4+$0xA450] =	vst v2;
	v2 =	vld [tilespmem:s4+$0xA4C0];
	v4 =	vmul.f32 $1.131370830e+01, v7  }
0x60: {  	v6 =	vmul.f32 $1.131370830e+01, v8;
	[tilespmem:s4+$0xA460] =	vst v3;
	v3 =	vld [tilespmem:s4+$0xA4D0]  }
0x61: {  	s6 =	simm.s32 $0x400;
	v5 =	vmul.f32 $1.131370830e+01, v9;
	[tilespmem:s4+$0xA470] =	vst v4;
	v4 =	vld [tilespmem:s4+$0xA4E0]  }
.LBB2_4:
0x62: {  	s10 =	sshra.s32 s6, $0x2;
	p0 =	sne.s32 s6, $0xFC00;
	[tilespmem:s4+$0xA480] =	vst v6;
	v1 =	vmul.f32 $1.131370830e+01, v1;
	v6 =	vld [tilespmem:s4+$0xA4F0]  }
0x63: {  	v7 =	vld [tilespmem:s10+$0xA400];
	[tilespmem:s4+$0xA490] =	vst v5;
	v0 =	vmul.f32 $1.131370830e+01, v0  }
0x64: {  	v5 =	vld [tilespmem:s10+$0xA410];
	[tilespmem:s4+$0xA4A0] =	vst v1;
	v1 =	vmul.f32 $1.131370830e+01, v2  }
0x65: {  	v2 =	vld [tilespmem:s10+$0xA420];
	[tilespmem:s4+$0xA4B0] =	vst v0;
	v0 =	vmul.f32 $1.131370830e+01, v3  }
0x66: {  	v3 =	vld [tilespmem:s10+$0xA430];
	[tilespmem:s4+$0xA4C0] =	vst v1;
	v1 =	vmul.f32 $1.131370830e+01, v4  }
0x67: {  	v4 =	vld [tilespmem:s10+$0xA440];
	[tilespmem:s4+$0xA4D0] =	vst v0;
	v0 =	vmul.f32 $1.131370830e+01, v6  }
0x68: {  	v6 =	vmul.f32 $1.131370830e+01, v7;
	v7 =	vld [tilespmem:s10+$0xA450];
	[tilespmem:s4+$0xA4E0] =	vst v1  }
0x69: {  	v1 =	vmul.f32 $1.131370830e+01, v5;
	v5 =	vld [tilespmem:s10+$0xA460];
	[tilespmem:s4+$0xA4F0] =	vst v0;
	s4 =	smov.u32 s10  }
0x6a: {  	[tilespmem:s4+$0xA400] =	vst v6;
	v0 =	vmul.f32 $1.131370830e+01, v2;
	v2 =	vld [tilespmem:s4+$0xA470]  }
0x6b: {  	[tilespmem:s4+$0xA410] =	vst v1;
	v1 =	vmul.f32 $1.131370830e+01, v3;
	v3 =	vld [tilespmem:s4+$0xA480]  }
0x6c: {  	[tilespmem:s4+$0xA420] =	vst v0;
	v0 =	vmul.f32 $1.131370830e+01, v4;
	v4 =	vld [tilespmem:s4+$0xA490]  }
.Ltmp1:
0x6d: {  	[tilespmem:s4+$0xA430] =	vst v1;
	v6 =	vmul.f32 $1.131370830e+01, v7;
	v1 =	vld [tilespmem:s4+$0xA4A0];
	(pc) =	sbr.rel @p0 .LBB2_4-.Ltmp1, $4  }
0x6e: {  	[tilespmem:s4+$0xA440] =	vst v0;
	v5 =	vmul.f32 $1.131370830e+01, v5;
	v0 =	vld [tilespmem:s4+$0xA4B0]  }
0x6f: {  	[tilespmem:s4+$0xA450] =	vst v6;
	v7 =	vmul.f32 $1.131370830e+01, v2;
	v2 =	vld [tilespmem:s4+$0xA4C0]  }
0x70: {  	[tilespmem:s4+$0xA460] =	vst v5;
	v6 =	vmul.f32 $1.131370830e+01, v3;
	v3 =	vld [tilespmem:s4+$0xA4D0]  }
0x71: {  	s6 =	sadd.s32 $0x400, s6;
	[tilespmem:s4+$0xA470] =	vst v7;
	v5 =	vmul.f32 $1.131370830e+01, v4;
	v4 =	vld [tilespmem:s4+$0xA4E0]  }
0x72: {  	[tilespmem:s4+$0xA480] =	vst v6;
	v1 =	vmul.f32 $1.131370830e+01, v1;
	v6 =	vld [tilespmem:s4+$0xA4F0]  }
0x73: {  	[tilespmem:s4+$0xA490] =	vst v5;
	v0 =	vmul.f32 $1.131370830e+01, v0  }
0x74: {  	[tilespmem:s4+$0xA4A0] =	vst v1;
	v1 =	vmul.f32 $1.131370830e+01, v2  }
0x75: {  	[tilespmem:s4+$0xA4B0] =	vst v0;
	v0 =	vmul.f32 $1.131370830e+01, v3  }
0x76: {  	[tilespmem:s4+$0xA4C0] =	vst v1;
	v1 =	vmul.f32 $1.131370830e+01, v4  }
0x77: {  	[tilespmem:s4+$0xA4D0] =	vst v0;
	v0 =	vmul.f32 $1.131370830e+01, v6  }
0x78: {  	[tilespmem:s4+$0xA4E0] =	vst v1  }
0x79: {  	s18 =	simm.s32 $0x0;
	s6 =	rddreg [dreg:$0x6];
	[tilespmem:s4+$0xA4F0] =	vst v0  }
0x7a: {  	[hbm4b:s6+s18] =	stream.linear.scatter [tilespmem:s22], [sflag:$0x8], $0x4000, $0x38;
	[tilespmem:$0x1E400] =	vst v63  }
0x7b: {  	s19 =	simm.s32 $0x200  }
0x7c: {  	[tilespmem:s31], [sflag:$0x5] =	stream.indirect.gather [hbm4b:s2+s20], $0x80, s19, s20, $0xb8;
	[tilespmem:$0x1E400] =	vst v63  }
0x7d: {  	_ =	swait.ge [sflag:s1], $0x4000  }
0x7e: {  	[sflag:s1] =	ssyncset.done $0x0  }
0x7f: {  	s4 =	simm.s32 $0x0;
	[sflag:s1] =	ssyncadd.s32 $0xFFFFC000  }
0x80: {  	v0 =	vld [tilespmem:s4+$0xE400]  }
0x81: {  	v1 =	vld [tilespmem:s4+$0xE410]  }
0x82: {  	v2 =	vld [tilespmem:s4+$0xE420]  }
0x83: {  	v3 =	vld [tilespmem:s4+$0xE430]  }
0x84: {  	v4 =	vld [tilespmem:s4+$0xE440]  }
0x85: {  	v5 =	vld [tilespmem:s4+$0xE450];
	v0 =	vmul.f32 $1.131370830e+01, v0  }
0x86: {  	v6 =	vld [tilespmem:s4+$0xE460];
	v1 =	vmul.f32 $1.131370830e+01, v1  }
0x87: {  	v7 =	vld [tilespmem:s4+$0xE470];
	[tilespmem:s4+$0xE400] =	vst v0;
	v0 =	vmul.f32 $1.131370830e+01, v2  }
0x88: {  	v8 =	vld [tilespmem:s4+$0xE480];
	[tilespmem:s4+$0xE410] =	vst v1;
	v1 =	vmul.f32 $1.131370830e+01, v3  }
0x89: {  	v9 =	vld [tilespmem:s4+$0xE490];
	[tilespmem:s4+$0xE420] =	vst v0;
	v0 =	vmul.f32 $1.131370830e+01, v4  }
0x8a: {  	v2 =	vmul.f32 $1.131370830e+01, v5;
	[tilespmem:s4+$0xE430] =	vst v1;
	v1 =	vld [tilespmem:s4+$0xE4A0]  }
0x8b: {  	v3 =	vmul.f32 $1.131370830e+01, v6;
	[tilespmem:s4+$0xE440] =	vst v0;
	v0 =	vld [tilespmem:s4+$0xE4B0]  }
0x8c: {  	[tilespmem:s4+$0xE450] =	vst v2;
	v2 =	vld [tilespmem:s4+$0xE4C0];
	v4 =	vmul.f32 $1.131370830e+01, v7  }
0x8d: {  	v6 =	vmul.f32 $1.131370830e+01, v8;
	[tilespmem:s4+$0xE460] =	vst v3;
	v3 =	vld [tilespmem:s4+$0xE4D0]  }
0x8e: {  	s6 =	simm.s32 $0x400;
	v5 =	vmul.f32 $1.131370830e+01, v9;
	[tilespmem:s4+$0xE470] =	vst v4;
	v4 =	vld [tilespmem:s4+$0xE4E0]  }
.LBB2_6:
0x8f: {  	s10 =	sshra.s32 s6, $0x2;
	p0 =	sne.s32 s6, $0xFC00;
	[tilespmem:s4+$0xE480] =	vst v6;
	v1 =	vmul.f32 $1.131370830e+01, v1;
	v6 =	vld [tilespmem:s4+$0xE4F0]  }
0x90: {  	v7 =	vld [tilespmem:s10+$0xE400];
	[tilespmem:s4+$0xE490] =	vst v5;
	v0 =	vmul.f32 $1.131370830e+01, v0  }
0x91: {  	v5 =	vld [tilespmem:s10+$0xE410];
	[tilespmem:s4+$0xE4A0] =	vst v1;
	v1 =	vmul.f32 $1.131370830e+01, v2  }
0x92: {  	v2 =	vld [tilespmem:s10+$0xE420];
	[tilespmem:s4+$0xE4B0] =	vst v0;
	v0 =	vmul.f32 $1.131370830e+01, v3  }
0x93: {  	v3 =	vld [tilespmem:s10+$0xE430];
	[tilespmem:s4+$0xE4C0] =	vst v1;
	v1 =	vmul.f32 $1.131370830e+01, v4  }
0x94: {  	v4 =	vld [tilespmem:s10+$0xE440];
	[tilespmem:s4+$0xE4D0] =	vst v0;
	v0 =	vmul.f32 $1.131370830e+01, v6  }
0x95: {  	v6 =	vmul.f32 $1.131370830e+01, v7;
	v7 =	vld [tilespmem:s10+$0xE450];
	[tilespmem:s4+$0xE4E0] =	vst v1  }
0x96: {  	v1 =	vmul.f32 $1.131370830e+01, v5;
	v5 =	vld [tilespmem:s10+$0xE460];
	[tilespmem:s4+$0xE4F0] =	vst v0;
	s4 =	smov.u32 s10  }
0x97: {  	[tilespmem:s4+$0xE400] =	vst v6;
	v0 =	vmul.f32 $1.131370830e+01, v2;
	v2 =	vld [tilespmem:s4+$0xE470]  }
0x98: {  	[tilespmem:s4+$0xE410] =	vst v1;
	v1 =	vmul.f32 $1.131370830e+01, v3;
	v3 =	vld [tilespmem:s4+$0xE480]  }
0x99: {  	[tilespmem:s4+$0xE420] =	vst v0;
	v0 =	vmul.f32 $1.131370830e+01, v4;
	v4 =	vld [tilespmem:s4+$0xE490]  }
.Ltmp2:
0x9a: {  	[tilespmem:s4+$0xE430] =	vst v1;
	v6 =	vmul.f32 $1.131370830e+01, v7;
	v1 =	vld [tilespmem:s4+$0xE4A0];
	(pc) =	sbr.rel @p0 .LBB2_6-.Ltmp2, $4  }
0x9b: {  	[tilespmem:s4+$0xE440] =	vst v0;
	v5 =	vmul.f32 $1.131370830e+01, v5;
	v0 =	vld [tilespmem:s4+$0xE4B0]  }
0x9c: {  	[tilespmem:s4+$0xE450] =	vst v6;
	v7 =	vmul.f32 $1.131370830e+01, v2;
	v2 =	vld [tilespmem:s4+$0xE4C0]  }
0x9d: {  	[tilespmem:s4+$0xE460] =	vst v5;
	v6 =	vmul.f32 $1.131370830e+01, v3;
	v3 =	vld [tilespmem:s4+$0xE4D0]  }
0x9e: {  	s6 =	sadd.s32 $0x400, s6;
	[tilespmem:s4+$0xE470] =	vst v7;
	v5 =	vmul.f32 $1.131370830e+01, v4;
	v4 =	vld [tilespmem:s4+$0xE4E0]  }
0x9f: {  	[tilespmem:s4+$0xE480] =	vst v6;
	v1 =	vmul.f32 $1.131370830e+01, v1;
	v59 =	vld [tilespmem:s4+$0xE4F0]  }
0xa0: {  	[tilespmem:s4+$0xE490] =	vst v5;
	v0 =	vmul.f32 $1.131370830e+01, v0  }
0xa1: {  	[tilespmem:s4+$0xE4A0] =	vst v1;
	v60 =	vmul.f32 $1.131370830e+01, v2  }
0xa2: {  	[tilespmem:s4+$0xE4B0] =	vst v0;
	v61 =	vmul.f32 $1.131370830e+01, v3  }
0xa3: {  	[tilespmem:s4+$0xE4C0] =	vst v60;
	v62 =	vmul.f32 $1.131370830e+01, v4  }
0xa4: {  	[tilespmem:s4+$0xE4D0] =	vst v61;
	v63 =	vmul.f32 $1.131370830e+01, v59  }
0xa5: {  	[tilespmem:s4+$0xE4E0] =	vst v62  }
0xa6: {  	s17 =	simm.s32 $0x0;
	s18 =	rddreg [dreg:$0x7];
	[tilespmem:s4+$0xE4F0] =	vst v63  }
0xa7: {  	[hbm4b:s18+s17] =	stream.linear.scatter [tilespmem:s24], [sflag:$0x9], $0x4000, $0x38;
	[tilespmem:$0x1E400] =	vst v63  }
0xa8: {  	s19 =	simm.s32 $0x280  }
0xa9: {  	[tilespmem:s23], [sflag:$0x6] =	stream.indirect.gather [hbm4b:s2+s20], $0x80, s19, s20, $0xb8;
	[tilespmem:$0x1E400] =	vst v63  }
.LBB2_8:
0xaa: {  	_ =	swait.ge [sflag:s26], $0x4000;
	s16 =	smul.u32 $0x300, s17  }
0xab: {  	[sflag:s26] =	ssyncset.done $0x0  }
0xac: {  	[sflag:s26] =	ssyncadd.s32 $0xFFFFC000;
	s18 =	sadd.s32 $0x300, s16  }
0xad: {  	[tilespmem:s21], [sflag:$0x1] =	stream.indirect.gather [hbm4b:s2+s20], $0x80, s18, s20, $0xb8;
	[tilespmem:$0x1E400] =	vst v63  }
0xae: {  	_ =	swait.ge [sflag:s30], $0x4000  }
0xaf: {  	[sflag:s30] =	ssyncset.done $0x0  }
0xb0: {  	s6 =	simm.s32 $0x0;
	[sflag:s30] =	ssyncadd.s32 $0xFFFFC000  }
0xb1: {  	v0 =	vld [tilespmem:s6+$0x12400]  }
0xb2: {  	v1 =	vld [tilespmem:s6+$0x12410]  }
0xb3: {  	v2 =	vld [tilespmem:s6+$0x12420]  }
0xb4: {  	v3 =	vld [tilespmem:s6+$0x12430]  }
0xb5: {  	v4 =	vld [tilespmem:s6+$0x12440]  }
0xb6: {  	v5 =	vld [tilespmem:s6+$0x12450];
	v0 =	vmul.f32 $1.131370830e+01, v0  }
0xb7: {  	v6 =	vld [tilespmem:s6+$0x12460];
	v1 =	vmul.f32 $1.131370830e+01, v1  }
0xb8: {  	v7 =	vld [tilespmem:s6+$0x12470];
	[tilespmem:s6+$0x12400] =	vst v0;
	v0 =	vmul.f32 $1.131370830e+01, v2  }
0xb9: {  	v8 =	vld [tilespmem:s6+$0x12480];
	[tilespmem:s6+$0x12410] =	vst v1;
	v1 =	vmul.f32 $1.131370830e+01, v3  }
0xba: {  	v9 =	vld [tilespmem:s6+$0x12490];
	[tilespmem:s6+$0x12420] =	vst v0;
	v0 =	vmul.f32 $1.131370830e+01, v4  }
0xbb: {  	v2 =	vmul.f32 $1.131370830e+01, v5;
	[tilespmem:s6+$0x12430] =	vst v1;
	v1 =	vld [tilespmem:s6+$0x124A0]  }
0xbc: {  	v3 =	vmul.f32 $1.131370830e+01, v6;
	[tilespmem:s6+$0x12440] =	vst v0;
	v0 =	vld [tilespmem:s6+$0x124B0]  }
0xbd: {  	[tilespmem:s6+$0x12450] =	vst v2;
	v2 =	vld [tilespmem:s6+$0x124C0];
	v4 =	vmul.f32 $1.131370830e+01, v7  }
0xbe: {  	v6 =	vmul.f32 $1.131370830e+01, v8;
	[tilespmem:s6+$0x12460] =	vst v3;
	v3 =	vld [tilespmem:s6+$0x124D0]  }
0xbf: {  	s4 =	simm.s32 $0x400;
	v5 =	vmul.f32 $1.131370830e+01, v9;
	[tilespmem:s6+$0x12470] =	vst v4;
	v4 =	vld [tilespmem:s6+$0x124E0]  }
.LBB2_9:
0xc0: {  	s10 =	sshra.s32 s4, $0x2;
	p0 =	sne.s32 s4, $0xFC00;
	[tilespmem:s6+$0x12480] =	vst v6;
	v1 =	vmul.f32 $1.131370830e+01, v1;
	v6 =	vld [tilespmem:s6+$0x124F0]  }
0xc1: {  	v7 =	vld [tilespmem:s10+$0x12400];
	[tilespmem:s6+$0x12490] =	vst v5;
	v0 =	vmul.f32 $1.131370830e+01, v0  }
0xc2: {  	v5 =	vld [tilespmem:s10+$0x12410];
	[tilespmem:s6+$0x124A0] =	vst v1;
	v1 =	vmul.f32 $1.131370830e+01, v2  }
0xc3: {  	v2 =	vld [tilespmem:s10+$0x12420];
	[tilespmem:s6+$0x124B0] =	vst v0;
	v0 =	vmul.f32 $1.131370830e+01, v3  }
0xc4: {  	v3 =	vld [tilespmem:s10+$0x12430];
	[tilespmem:s6+$0x124C0] =	vst v1;
	v1 =	vmul.f32 $1.131370830e+01, v4  }
0xc5: {  	v4 =	vld [tilespmem:s10+$0x12440];
	[tilespmem:s6+$0x124D0] =	vst v0;
	v0 =	vmul.f32 $1.131370830e+01, v6  }
0xc6: {  	v6 =	vmul.f32 $1.131370830e+01, v7;
	v7 =	vld [tilespmem:s10+$0x12450];
	[tilespmem:s6+$0x124E0] =	vst v1  }
0xc7: {  	v1 =	vmul.f32 $1.131370830e+01, v5;
	v5 =	vld [tilespmem:s10+$0x12460];
	[tilespmem:s6+$0x124F0] =	vst v0;
	s6 =	smov.u32 s10  }
0xc8: {  	[tilespmem:s6+$0x12400] =	vst v6;
	v0 =	vmul.f32 $1.131370830e+01, v2;
	v2 =	vld [tilespmem:s6+$0x12470]  }
0xc9: {  	[tilespmem:s6+$0x12410] =	vst v1;
	v1 =	vmul.f32 $1.131370830e+01, v3;
	v3 =	vld [tilespmem:s6+$0x12480]  }
0xca: {  	[tilespmem:s6+$0x12420] =	vst v0;
	v0 =	vmul.f32 $1.131370830e+01, v4;
	v4 =	vld [tilespmem:s6+$0x12490]  }
.Ltmp3:
0xcb: {  	[tilespmem:s6+$0x12430] =	vst v1;
	v6 =	vmul.f32 $1.131370830e+01, v7;
	v1 =	vld [tilespmem:s6+$0x124A0];
	(pc) =	sbr.rel @p0 .LBB2_9-.Ltmp3, $4  }
0xcc: {  	[tilespmem:s6+$0x12440] =	vst v0;
	v5 =	vmul.f32 $1.131370830e+01, v5;
	v0 =	vld [tilespmem:s6+$0x124B0]  }
0xcd: {  	[tilespmem:s6+$0x12450] =	vst v6;
	v7 =	vmul.f32 $1.131370830e+01, v2;
	v2 =	vld [tilespmem:s6+$0x124C0]  }
0xce: {  	[tilespmem:s6+$0x12460] =	vst v5;
	v6 =	vmul.f32 $1.131370830e+01, v3;
	v3 =	vld [tilespmem:s6+$0x124D0]  }
0xcf: {  	s4 =	sadd.s32 $0x400, s4;
	[tilespmem:s6+$0x12470] =	vst v7;
	v5 =	vmul.f32 $1.131370830e+01, v4;
	v4 =	vld [tilespmem:s6+$0x124E0]  }
0xd0: {  	[tilespmem:s6+$0x12480] =	vst v6;
	v1 =	vmul.f32 $1.131370830e+01, v1;
	v6 =	vld [tilespmem:s6+$0x124F0]  }
0xd1: {  	[tilespmem:s6+$0x12490] =	vst v5;
	v0 =	vmul.f32 $1.131370830e+01, v0  }
0xd2: {  	[tilespmem:s6+$0x124A0] =	vst v1;
	v1 =	vmul.f32 $1.131370830e+01, v2  }
0xd3: {  	[tilespmem:s6+$0x124B0] =	vst v0;
	v0 =	vmul.f32 $1.131370830e+01, v3  }
0xd4: {  	s4 =	rddreg [dreg:$0x8];
	[tilespmem:s6+$0x124C0] =	vst v1;
	v1 =	vmul.f32 $1.131370830e+01, v4  }
0xd5: {  	s4 =	sadd.s32 s16, s4;
	[tilespmem:s6+$0x124D0] =	vst v0;
	v0 =	vmul.f32 $1.131370830e+01, v6  }
0xd6: {  	s4 =	sshll.u32 s4, $0x4;
	[tilespmem:s6+$0x124E0] =	vst v1  }
0xd7: {  	s19 =	simm.s32 $0x0;
	s4 =	sadd.s32 s3, s4;
	[tilespmem:s6+$0x124F0] =	vst v0  }
0xd8: {  	[hbm4b:s4+s19] =	stream.linear.scatter [tilespmem:s28], [sflag:$0xA], $0x4000, $0x38;
	[tilespmem:$0x1E400] =	vst v63  }
0xd9: {  	_ =	swait.ge [sflag:s0], $0x4000  }
0xda: {  	[sflag:s0] =	ssyncset.done $0x0  }
0xdb: {  	s6 =	sadd.s32 $0x380, s16;
	[sflag:s0] =	ssyncadd.s32 $0xFFFFC000  }
0xdc: {  	[tilespmem:s22], [sflag:$0x2] =	stream.indirect.gather [hbm4b:s2+s20], $0x80, s6, s20, $0xb8;
	[tilespmem:$0x1E400] =	vst v63  }
0xdd: {  	_ =	swait.ge [sflag:s7], $0x4000  }
0xde: {  	[sflag:s7] =	ssyncset.done $0x0  }
0xdf: {  	s19 =	simm.s32 $0x0;
	[sflag:s7] =	ssyncadd.s32 $0xFFFFC000  }
0xe0: {  	v0 =	vld [tilespmem:s19+$0x16400]  }
0xe1: {  	v1 =	vld [tilespmem:s19+$0x16410]  }
0xe2: {  	v2 =	vld [tilespmem:s19+$0x16420]  }
0xe3: {  	v3 =	vld [tilespmem:s19+$0x16430]  }
0xe4: {  	v4 =	vld [tilespmem:s19+$0x16440]  }
0xe5: {  	v5 =	vld [tilespmem:s19+$0x16450];
	v0 =	vmul.f32 $1.131370830e+01, v0  }
0xe6: {  	v6 =	vld [tilespmem:s19+$0x16460];
	v1 =	vmul.f32 $1.131370830e+01, v1  }
0xe7: {  	v7 =	vld [tilespmem:s19+$0x16470];
	[tilespmem:s19+$0x16400] =	vst v0;
	v0 =	vmul.f32 $1.131370830e+01, v2  }
0xe8: {  	v8 =	vld [tilespmem:s19+$0x16480];
	[tilespmem:s19+$0x16410] =	vst v1;
	v1 =	vmul.f32 $1.131370830e+01, v3  }
0xe9: {  	v9 =	vld [tilespmem:s19+$0x16490];
	[tilespmem:s19+$0x16420] =	vst v0;
	v0 =	vmul.f32 $1.131370830e+01, v4  }
0xea: {  	v2 =	vmul.f32 $1.131370830e+01, v5;
	[tilespmem:s19+$0x16430] =	vst v1;
	v1 =	vld [tilespmem:s19+$0x164A0]  }
0xeb: {  	v3 =	vmul.f32 $1.131370830e+01, v6;
	[tilespmem:s19+$0x16440] =	vst v0;
	v0 =	vld [tilespmem:s19+$0x164B0]  }
0xec: {  	[tilespmem:s19+$0x16450] =	vst v2;
	v2 =	vld [tilespmem:s19+$0x164C0];
	v4 =	vmul.f32 $1.131370830e+01, v7  }
0xed: {  	v6 =	vmul.f32 $1.131370830e+01, v8;
	[tilespmem:s19+$0x16460] =	vst v3;
	v3 =	vld [tilespmem:s19+$0x164D0]  }
0xee: {  	s4 =	simm.s32 $0x400;
	v5 =	vmul.f32 $1.131370830e+01, v9;
	[tilespmem:s19+$0x16470] =	vst v4;
	v4 =	vld [tilespmem:s19+$0x164E0]  }
.LBB2_11:
0xef: {  	s10 =	sshra.s32 s4, $0x2;
	p0 =	sne.s32 s4, $0xFC00;
	[tilespmem:s19+$0x16480] =	vst v6;
	v1 =	vmul.f32 $1.131370830e+01, v1;
	v6 =	vld [tilespmem:s19+$0x164F0]  }
0xf0: {  	v7 =	vld [tilespmem:s10+$0x16400];
	[tilespmem:s19+$0x16490] =	vst v5;
	v0 =	vmul.f32 $1.131370830e+01, v0  }
0xf1: {  	v5 =	vld [tilespmem:s10+$0x16410];
	[tilespmem:s19+$0x164A0] =	vst v1;
	v1 =	vmul.f32 $1.131370830e+01, v2  }
0xf2: {  	v2 =	vld [tilespmem:s10+$0x16420];
	[tilespmem:s19+$0x164B0] =	vst v0;
	v0 =	vmul.f32 $1.131370830e+01, v3  }
0xf3: {  	v3 =	vld [tilespmem:s10+$0x16430];
	[tilespmem:s19+$0x164C0] =	vst v1;
	v1 =	vmul.f32 $1.131370830e+01, v4  }
0xf4: {  	v4 =	vld [tilespmem:s10+$0x16440];
	[tilespmem:s19+$0x164D0] =	vst v0;
	v0 =	vmul.f32 $1.131370830e+01, v6  }
0xf5: {  	v6 =	vmul.f32 $1.131370830e+01, v7;
	v7 =	vld [tilespmem:s10+$0x16450];
	[tilespmem:s19+$0x164E0] =	vst v1  }
0xf6: {  	v1 =	vmul.f32 $1.131370830e+01, v5;
	v5 =	vld [tilespmem:s10+$0x16460];
	[tilespmem:s19+$0x164F0] =	vst v0;
	s19 =	smov.u32 s10  }
0xf7: {  	[tilespmem:s19+$0x16400] =	vst v6;
	v0 =	vmul.f32 $1.131370830e+01, v2;
	v2 =	vld [tilespmem:s19+$0x16470]  }
0xf8: {  	[tilespmem:s19+$0x16410] =	vst v1;
	v1 =	vmul.f32 $1.131370830e+01, v3;
	v3 =	vld [tilespmem:s19+$0x16480]  }
0xf9: {  	[tilespmem:s19+$0x16420] =	vst v0;
	v0 =	vmul.f32 $1.131370830e+01, v4;
	v4 =	vld [tilespmem:s19+$0x16490]  }
.Ltmp4:
0xfa: {  	[tilespmem:s19+$0x16430] =	vst v1;
	v6 =	vmul.f32 $1.131370830e+01, v7;
	v1 =	vld [tilespmem:s19+$0x164A0];
	(pc) =	sbr.rel @p0 .LBB2_11-.Ltmp4, $4  }
0xfb: {  	[tilespmem:s19+$0x16440] =	vst v0;
	v5 =	vmul.f32 $1.131370830e+01, v5;
	v0 =	vld [tilespmem:s19+$0x164B0]  }
0xfc: {  	[tilespmem:s19+$0x16450] =	vst v6;
	v7 =	vmul.f32 $1.131370830e+01, v2;
	v2 =	vld [tilespmem:s19+$0x164C0]  }
0xfd: {  	[tilespmem:s19+$0x16460] =	vst v5;
	v6 =	vmul.f32 $1.131370830e+01, v3;
	v3 =	vld [tilespmem:s19+$0x164D0]  }
0xfe: {  	s4 =	sadd.s32 $0x400, s4;
	[tilespmem:s19+$0x16470] =	vst v7;
	v5 =	vmul.f32 $1.131370830e+01, v4;
	v4 =	vld [tilespmem:s19+$0x164E0]  }
0xff: {  	[tilespmem:s19+$0x16480] =	vst v6;
	v1 =	vmul.f32 $1.131370830e+01, v1;
	v6 =	vld [tilespmem:s19+$0x164F0]  }
0x100: {  	[tilespmem:s19+$0x16490] =	vst v5;
	v0 =	vmul.f32 $1.131370830e+01, v0  }
0x101: {  	[tilespmem:s19+$0x164A0] =	vst v1;
	v1 =	vmul.f32 $1.131370830e+01, v2  }
0x102: {  	[tilespmem:s19+$0x164B0] =	vst v0;
	v0 =	vmul.f32 $1.131370830e+01, v3  }
0x103: {  	s4 =	rddreg [dreg:$0x9];
	[tilespmem:s19+$0x164C0] =	vst v1;
	v1 =	vmul.f32 $1.131370830e+01, v4  }
0x104: {  	s4 =	sadd.s32 s16, s4;
	[tilespmem:s19+$0x164D0] =	vst v0;
	v0 =	vmul.f32 $1.131370830e+01, v6  }
0x105: {  	s4 =	sshll.u32 s4, $0x4;
	[tilespmem:s19+$0x164E0] =	vst v1  }
0x106: {  	s10 =	simm.s32 $0x0;
	s4 =	sadd.s32 s3, s4;
	[tilespmem:s19+$0x164F0] =	vst v0  }
0x107: {  	[hbm4b:s4+s10] =	stream.linear.scatter [tilespmem:s31], [sflag:$0xB], $0x4000, $0x38;
	[tilespmem:$0x1E400] =	vst v63  }
0x108: {  	_ =	swait.ge [sflag:s8], $0x4000  }
0x109: {  	[sflag:s8] =	ssyncset.done $0x0  }
0x10a: {  	s19 =	sadd.s32 $0x400, s16;
	[sflag:s8] =	ssyncadd.s32 $0xFFFFC000  }
0x10b: {  	[tilespmem:s24], [sflag:$0x3] =	stream.indirect.gather [hbm4b:s2+s20], $0x80, s19, s20, $0xb8;
	[tilespmem:$0x1E400] =	vst v63  }
0x10c: {  	_ =	swait.ge [sflag:s9], $0x4000  }
0x10d: {  	[sflag:s9] =	ssyncset.done $0x0  }
0x10e: {  	s4 =	simm.s32 $0x0;
	[sflag:s9] =	ssyncadd.s32 $0xFFFFC000  }
0x10f: {  	v0 =	vld [tilespmem:s4+$0x1A400]  }
0x110: {  	v1 =	vld [tilespmem:s4+$0x1A410]  }
0x111: {  	v2 =	vld [tilespmem:s4+$0x1A420]  }
0x112: {  	v3 =	vld [tilespmem:s4+$0x1A430]  }
0x113: {  	v4 =	vld [tilespmem:s4+$0x1A440]  }
0x114: {  	v5 =	vld [tilespmem:s4+$0x1A450];
	v0 =	vmul.f32 $1.131370830e+01, v0  }
0x115: {  	v6 =	vld [tilespmem:s4+$0x1A460];
	v1 =	vmul.f32 $1.131370830e+01, v1  }
0x116: {  	v7 =	vld [tilespmem:s4+$0x1A470];
	[tilespmem:s4+$0x1A400] =	vst v0;
	v0 =	vmul.f32 $1.131370830e+01, v2  }
0x117: {  	v8 =	vld [tilespmem:s4+$0x1A480];
	[tilespmem:s4+$0x1A410] =	vst v1;
	v1 =	vmul.f32 $1.131370830e+01, v3  }
0x118: {  	v9 =	vld [tilespmem:s4+$0x1A490];
	[tilespmem:s4+$0x1A420] =	vst v0;
	v0 =	vmul.f32 $1.131370830e+01, v4  }
0x119: {  	v2 =	vmul.f32 $1.131370830e+01, v5;
	[tilespmem:s4+$0x1A430] =	vst v1;
	v1 =	vld [tilespmem:s4+$0x1A4A0]  }
0x11a: {  	v3 =	vmul.f32 $1.131370830e+01, v6;
	[tilespmem:s4+$0x1A440] =	vst v0;
	v0 =	vld [tilespmem:s4+$0x1A4B0]  }
0x11b: {  	[tilespmem:s4+$0x1A450] =	vst v2;
	v2 =	vld [tilespmem:s4+$0x1A4C0];
	v4 =	vmul.f32 $1.131370830e+01, v7  }
0x11c: {  	v6 =	vmul.f32 $1.131370830e+01, v8;
	[tilespmem:s4+$0x1A460] =	vst v3;
	v3 =	vld [tilespmem:s4+$0x1A4D0]  }
0x11d: {  	s10 =	simm.s32 $0x400;
	v5 =	vmul.f32 $1.131370830e+01, v9;
	[tilespmem:s4+$0x1A470] =	vst v4;
	v4 =	vld [tilespmem:s4+$0x1A4E0]  }
.LBB2_13:
0x11e: {  	s11 =	sshra.s32 s10, $0x2;
	p0 =	sne.s32 s10, $0xFC00;
	[tilespmem:s4+$0x1A480] =	vst v6;
	v1 =	vmul.f32 $1.131370830e+01, v1;
	v6 =	vld [tilespmem:s4+$0x1A4F0]  }
0x11f: {  	v7 =	vld [tilespmem:s11+$0x1A400];
	[tilespmem:s4+$0x1A490] =	vst v5;
	v0 =	vmul.f32 $1.131370830e+01, v0  }
0x120: {  	v5 =	vld [tilespmem:s11+$0x1A410];
	[tilespmem:s4+$0x1A4A0] =	vst v1;
	v1 =	vmul.f32 $1.131370830e+01, v2  }
0x121: {  	v2 =	vld [tilespmem:s11+$0x1A420];
	[tilespmem:s4+$0x1A4B0] =	vst v0;
	v0 =	vmul.f32 $1.131370830e+01, v3  }
0x122: {  	v3 =	vld [tilespmem:s11+$0x1A430];
	[tilespmem:s4+$0x1A4C0] =	vst v1;
	v1 =	vmul.f32 $1.131370830e+01, v4  }
0x123: {  	v4 =	vld [tilespmem:s11+$0x1A440];
	[tilespmem:s4+$0x1A4D0] =	vst v0;
	v0 =	vmul.f32 $1.131370830e+01, v6  }
0x124: {  	v6 =	vmul.f32 $1.131370830e+01, v7;
	v7 =	vld [tilespmem:s11+$0x1A450];
	[tilespmem:s4+$0x1A4E0] =	vst v1  }
0x125: {  	v1 =	vmul.f32 $1.131370830e+01, v5;
	v5 =	vld [tilespmem:s11+$0x1A460];
	[tilespmem:s4+$0x1A4F0] =	vst v0;
	s4 =	smov.u32 s11  }
0x126: {  	[tilespmem:s4+$0x1A400] =	vst v6;
	v0 =	vmul.f32 $1.131370830e+01, v2;
	v2 =	vld [tilespmem:s4+$0x1A470]  }
0x127: {  	[tilespmem:s4+$0x1A410] =	vst v1;
	v1 =	vmul.f32 $1.131370830e+01, v3;
	v3 =	vld [tilespmem:s4+$0x1A480]  }
0x128: {  	[tilespmem:s4+$0x1A420] =	vst v0;
	v0 =	vmul.f32 $1.131370830e+01, v4;
	v4 =	vld [tilespmem:s4+$0x1A490]  }
.Ltmp5:
0x129: {  	[tilespmem:s4+$0x1A430] =	vst v1;
	v6 =	vmul.f32 $1.131370830e+01, v7;
	v1 =	vld [tilespmem:s4+$0x1A4A0];
	(pc) =	sbr.rel @p0 .LBB2_13-.Ltmp5, $4  }
0x12a: {  	[tilespmem:s4+$0x1A440] =	vst v0;
	v5 =	vmul.f32 $1.131370830e+01, v5;
	v0 =	vld [tilespmem:s4+$0x1A4B0]  }
0x12b: {  	[tilespmem:s4+$0x1A450] =	vst v6;
	v7 =	vmul.f32 $1.131370830e+01, v2;
	v2 =	vld [tilespmem:s4+$0x1A4C0]  }
0x12c: {  	[tilespmem:s4+$0x1A460] =	vst v5;
	v6 =	vmul.f32 $1.131370830e+01, v3;
	v3 =	vld [tilespmem:s4+$0x1A4D0]  }
0x12d: {  	s10 =	sadd.s32 $0x400, s10;
	[tilespmem:s4+$0x1A470] =	vst v7;
	v5 =	vmul.f32 $1.131370830e+01, v4;
	v4 =	vld [tilespmem:s4+$0x1A4E0]  }
0x12e: {  	[tilespmem:s4+$0x1A480] =	vst v6;
	v1 =	vmul.f32 $1.131370830e+01, v1;
	v6 =	vld [tilespmem:s4+$0x1A4F0]  }
0x12f: {  	[tilespmem:s4+$0x1A490] =	vst v5;
	v0 =	vmul.f32 $1.131370830e+01, v0  }
0x130: {  	[tilespmem:s4+$0x1A4A0] =	vst v1;
	v1 =	vmul.f32 $1.131370830e+01, v2  }
0x131: {  	[tilespmem:s4+$0x1A4B0] =	vst v0;
	v0 =	vmul.f32 $1.131370830e+01, v3  }
0x132: {  	[tilespmem:s4+$0x1A4C0] =	vst v1;
	v1 =	vmul.f32 $1.131370830e+01, v4  }
0x133: {  	s10 =	sadd.s32 s16, s12;
	[tilespmem:s4+$0x1A4D0] =	vst v0;
	v0 =	vmul.f32 $1.131370830e+01, v6  }
0x134: {  	s10 =	sshll.u32 s10, $0x4;
	[tilespmem:s4+$0x1A4E0] =	vst v1  }
0x135: {  	s11 =	simm.s32 $0x0;
	s16 =	smul.u32 $0xC00, s17;
	s10 =	sadd.s32 s3, s10;
	[tilespmem:s4+$0x1A4F0] =	vst v0  }
0x136: {  	[hbm4b:s10+s11] =	stream.linear.scatter [tilespmem:s23], [sflag:$0xC], $0x4000, $0x38;
	[tilespmem:$0x1E400] =	vst v63  }
0x137: {  	_ =	swait.ge [sflag:s13], $0x4000  }
0x138: {  	s16 =	sshra.s32 s16, $0x2;
	[sflag:s13] =	ssyncset.done $0x0  }
0x139: {  	s4 =	sadd.s32 $0x480, s16;
	[sflag:s13] =	ssyncadd.s32 $0xFFFFC000  }
0x13a: {  	[tilespmem:s28], [sflag:$0x4] =	stream.indirect.gather [hbm4b:s2+s20], $0x80, s4, s20, $0xb8;
	[tilespmem:$0x1E400] =	vst v63  }
0x13b: {  	_ =	swait.ge [sflag:s25], $0x4000  }
0x13c: {  	[sflag:s25] =	ssyncset.done $0x0  }
0x13d: {  	s4 =	simm.s32 $0x0;
	[sflag:s25] =	ssyncadd.s32 $0xFFFFC000  }
0x13e: {  	v0 =	vld [tilespmem:s4+$0x6400]  }
0x13f: {  	v1 =	vld [tilespmem:s4+$0x6410]  }
0x140: {  	v2 =	vld [tilespmem:s4+$0x6420]  }
0x141: {  	v3 =	vld [tilespmem:s4+$0x6430]  }
0x142: {  	v4 =	vld [tilespmem:s4+$0x6440]  }
0x143: {  	v5 =	vld [tilespmem:s4+$0x6450];
	v0 =	vmul.f32 $1.131370830e+01, v0  }
0x144: {  	v6 =	vld [tilespmem:s4+$0x6460];
	v1 =	vmul.f32 $1.131370830e+01, v1  }
0x145: {  	v7 =	vld [tilespmem:s4+$0x6470];
	[tilespmem:s4+$0x6400] =	vst v0;
	v0 =	vmul.f32 $1.131370830e+01, v2  }
0x146: {  	v8 =	vld [tilespmem:s4+$0x6480];
	[tilespmem:s4+$0x6410] =	vst v1;
	v1 =	vmul.f32 $1.131370830e+01, v3  }
0x147: {  	v9 =	vld [tilespmem:s4+$0x6490];
	[tilespmem:s4+$0x6420] =	vst v0;
	v0 =	vmul.f32 $1.131370830e+01, v4  }
0x148: {  	v2 =	vmul.f32 $1.131370830e+01, v5;
	[tilespmem:s4+$0x6430] =	vst v1;
	v1 =	vld [tilespmem:s4+$0x64A0]  }
0x149: {  	v3 =	vmul.f32 $1.131370830e+01, v6;
	[tilespmem:s4+$0x6440] =	vst v0;
	v0 =	vld [tilespmem:s4+$0x64B0]  }
0x14a: {  	[tilespmem:s4+$0x6450] =	vst v2;
	v2 =	vld [tilespmem:s4+$0x64C0];
	v4 =	vmul.f32 $1.131370830e+01, v7  }
0x14b: {  	v6 =	vmul.f32 $1.131370830e+01, v8;
	[tilespmem:s4+$0x6460] =	vst v3;
	v3 =	vld [tilespmem:s4+$0x64D0]  }
0x14c: {  	s10 =	simm.s32 $0x400;
	v5 =	vmul.f32 $1.131370830e+01, v9;
	[tilespmem:s4+$0x6470] =	vst v4;
	v4 =	vld [tilespmem:s4+$0x64E0]  }
.LBB2_15:
0x14d: {  	s11 =	sshra.s32 s10, $0x2;
	p0 =	sne.s32 s10, $0xFC00;
	[tilespmem:s4+$0x6480] =	vst v6;
	v1 =	vmul.f32 $1.131370830e+01, v1;
	v6 =	vld [tilespmem:s4+$0x64F0]  }
0x14e: {  	v7 =	vld [tilespmem:s11+$0x6400];
	[tilespmem:s4+$0x6490] =	vst v5;
	v0 =	vmul.f32 $1.131370830e+01, v0  }
0x14f: {  	v5 =	vld [tilespmem:s11+$0x6410];
	[tilespmem:s4+$0x64A0] =	vst v1;
	v1 =	vmul.f32 $1.131370830e+01, v2  }
0x150: {  	v2 =	vld [tilespmem:s11+$0x6420];
	[tilespmem:s4+$0x64B0] =	vst v0;
	v0 =	vmul.f32 $1.131370830e+01, v3  }
0x151: {  	v3 =	vld [tilespmem:s11+$0x6430];
	[tilespmem:s4+$0x64C0] =	vst v1;
	v1 =	vmul.f32 $1.131370830e+01, v4  }
0x152: {  	v4 =	vld [tilespmem:s11+$0x6440];
	[tilespmem:s4+$0x64D0] =	vst v0;
	v0 =	vmul.f32 $1.131370830e+01, v6  }
0x153: {  	v6 =	vmul.f32 $1.131370830e+01, v7;
	v7 =	vld [tilespmem:s11+$0x6450];
	[tilespmem:s4+$0x64E0] =	vst v1  }
0x154: {  	v1 =	vmul.f32 $1.131370830e+01, v5;
	v5 =	vld [tilespmem:s11+$0x6460];
	[tilespmem:s4+$0x64F0] =	vst v0;
	s4 =	smov.u32 s11  }
0x155: {  	[tilespmem:s4+$0x6400] =	vst v6;
	v0 =	vmul.f32 $1.131370830e+01, v2;
	v2 =	vld [tilespmem:s4+$0x6470]  }
0x156: {  	[tilespmem:s4+$0x6410] =	vst v1;
	v1 =	vmul.f32 $1.131370830e+01, v3;
	v3 =	vld [tilespmem:s4+$0x6480]  }
0x157: {  	[tilespmem:s4+$0x6420] =	vst v0;
	v0 =	vmul.f32 $1.131370830e+01, v4;
	v4 =	vld [tilespmem:s4+$0x6490]  }
.Ltmp6:
0x158: {  	[tilespmem:s4+$0x6430] =	vst v1;
	v6 =	vmul.f32 $1.131370830e+01, v7;
	v1 =	vld [tilespmem:s4+$0x64A0];
	(pc) =	sbr.rel @p0 .LBB2_15-.Ltmp6, $4  }
0x159: {  	[tilespmem:s4+$0x6440] =	vst v0;
	v5 =	vmul.f32 $1.131370830e+01, v5;
	v0 =	vld [tilespmem:s4+$0x64B0]  }
0x15a: {  	[tilespmem:s4+$0x6450] =	vst v6;
	v7 =	vmul.f32 $1.131370830e+01, v2;
	v2 =	vld [tilespmem:s4+$0x64C0]  }
0x15b: {  	[tilespmem:s4+$0x6460] =	vst v5;
	v6 =	vmul.f32 $1.131370830e+01, v3;
	v3 =	vld [tilespmem:s4+$0x64D0]  }
0x15c: {  	s10 =	sadd.s32 $0x400, s10;
	[tilespmem:s4+$0x6470] =	vst v7;
	v5 =	vmul.f32 $1.131370830e+01, v4;
	v4 =	vld [tilespmem:s4+$0x64E0]  }
0x15d: {  	[tilespmem:s4+$0x6480] =	vst v6;
	v1 =	vmul.f32 $1.131370830e+01, v1;
	v6 =	vld [tilespmem:s4+$0x64F0]  }
0x15e: {  	[tilespmem:s4+$0x6490] =	vst v5;
	v0 =	vmul.f32 $1.131370830e+01, v0  }
0x15f: {  	[tilespmem:s4+$0x64A0] =	vst v1;
	v1 =	vmul.f32 $1.131370830e+01, v2  }
0x160: {  	[tilespmem:s4+$0x64B0] =	vst v0;
	v0 =	vmul.f32 $1.131370830e+01, v3  }
0x161: {  	[tilespmem:s4+$0x64C0] =	vst v1;
	v1 =	vmul.f32 $1.131370830e+01, v4  }
0x162: {  	s10 =	sadd.s32 s5, s18;
	[tilespmem:s4+$0x64D0] =	vst v0;
	v0 =	vmul.f32 $1.131370830e+01, v6  }
0x163: {  	s10 =	sshll.u32 s10, $0x4;
	[tilespmem:s4+$0x64E0] =	vst v1  }
0x164: {  	s11 =	simm.s32 $0x0;
	s10 =	sadd.s32 s3, s10;
	[tilespmem:s4+$0x64F0] =	vst v0  }
0x165: {  	[hbm4b:s10+s11] =	stream.linear.scatter [tilespmem:s21], [sflag:$0x7], $0x4000, $0x38;
	[tilespmem:$0x1E400] =	vst v63  }
0x166: {  	_ =	swait.ge [sflag:s14], $0x4000  }
0x167: {  	[sflag:s14] =	ssyncset.done $0x0  }
0x168: {  	s18 =	sadd.s32 $0x500, s16;
	[sflag:s14] =	ssyncadd.s32 $0xFFFFC000  }
0x169: {  	[tilespmem:s31], [sflag:$0x5] =	stream.indirect.gather [hbm4b:s2+s20], $0x80, s18, s20, $0xb8;
	[tilespmem:$0x1E400] =	vst v63  }
0x16a: {  	_ =	swait.ge [sflag:s29], $0x4000  }
0x16b: {  	[sflag:s29] =	ssyncset.done $0x0  }
0x16c: {  	s4 =	simm.s32 $0x0;
	[sflag:s29] =	ssyncadd.s32 $0xFFFFC000  }
0x16d: {  	v0 =	vld [tilespmem:s4+$0xA400]  }
0x16e: {  	v1 =	vld [tilespmem:s4+$0xA410]  }
0x16f: {  	v2 =	vld [tilespmem:s4+$0xA420]  }
0x170: {  	v3 =	vld [tilespmem:s4+$0xA430]  }
0x171: {  	v4 =	vld [tilespmem:s4+$0xA440]  }
0x172: {  	v5 =	vld [tilespmem:s4+$0xA450];
	v0 =	vmul.f32 $1.131370830e+01, v0  }
0x173: {  	v6 =	vld [tilespmem:s4+$0xA460];
	v1 =	vmul.f32 $1.131370830e+01, v1  }
0x174: {  	v7 =	vld [tilespmem:s4+$0xA470];
	[tilespmem:s4+$0xA400] =	vst v0;
	v0 =	vmul.f32 $1.131370830e+01, v2  }
0x175: {  	v8 =	vld [tilespmem:s4+$0xA480];
	[tilespmem:s4+$0xA410] =	vst v1;
	v1 =	vmul.f32 $1.131370830e+01, v3  }
0x176: {  	v9 =	vld [tilespmem:s4+$0xA490];
	[tilespmem:s4+$0xA420] =	vst v0;
	v0 =	vmul.f32 $1.131370830e+01, v4  }
0x177: {  	v2 =	vmul.f32 $1.131370830e+01, v5;
	[tilespmem:s4+$0xA430] =	vst v1;
	v1 =	vld [tilespmem:s4+$0xA4A0]  }
0x178: {  	v3 =	vmul.f32 $1.131370830e+01, v6;
	[tilespmem:s4+$0xA440] =	vst v0;
	v0 =	vld [tilespmem:s4+$0xA4B0]  }
0x179: {  	[tilespmem:s4+$0xA450] =	vst v2;
	v2 =	vld [tilespmem:s4+$0xA4C0];
	v4 =	vmul.f32 $1.131370830e+01, v7  }
0x17a: {  	v6 =	vmul.f32 $1.131370830e+01, v8;
	[tilespmem:s4+$0xA460] =	vst v3;
	v3 =	vld [tilespmem:s4+$0xA4D0]  }
0x17b: {  	s10 =	simm.s32 $0x400;
	v5 =	vmul.f32 $1.131370830e+01, v9;
	[tilespmem:s4+$0xA470] =	vst v4;
	v4 =	vld [tilespmem:s4+$0xA4E0]  }
.LBB2_17:
0x17c: {  	s11 =	sshra.s32 s10, $0x2;
	p0 =	sne.s32 s10, $0xFC00;
	[tilespmem:s4+$0xA480] =	vst v6;
	v1 =	vmul.f32 $1.131370830e+01, v1;
	v6 =	vld [tilespmem:s4+$0xA4F0]  }
0x17d: {  	v7 =	vld [tilespmem:s11+$0xA400];
	[tilespmem:s4+$0xA490] =	vst v5;
	v0 =	vmul.f32 $1.131370830e+01, v0  }
0x17e: {  	v5 =	vld [tilespmem:s11+$0xA410];
	[tilespmem:s4+$0xA4A0] =	vst v1;
	v1 =	vmul.f32 $1.131370830e+01, v2  }
0x17f: {  	v2 =	vld [tilespmem:s11+$0xA420];
	[tilespmem:s4+$0xA4B0] =	vst v0;
	v0 =	vmul.f32 $1.131370830e+01, v3  }
0x180: {  	v3 =	vld [tilespmem:s11+$0xA430];
	[tilespmem:s4+$0xA4C0] =	vst v1;
	v1 =	vmul.f32 $1.131370830e+01, v4  }
0x181: {  	v4 =	vld [tilespmem:s11+$0xA440];
	[tilespmem:s4+$0xA4D0] =	vst v0;
	v0 =	vmul.f32 $1.131370830e+01, v6  }
0x182: {  	v6 =	vmul.f32 $1.131370830e+01, v7;
	v7 =	vld [tilespmem:s11+$0xA450];
	[tilespmem:s4+$0xA4E0] =	vst v1  }
0x183: {  	v1 =	vmul.f32 $1.131370830e+01, v5;
	v5 =	vld [tilespmem:s11+$0xA460];
	[tilespmem:s4+$0xA4F0] =	vst v0;
	s4 =	smov.u32 s11  }
0x184: {  	[tilespmem:s4+$0xA400] =	vst v6;
	v0 =	vmul.f32 $1.131370830e+01, v2;
	v2 =	vld [tilespmem:s4+$0xA470]  }
0x185: {  	[tilespmem:s4+$0xA410] =	vst v1;
	v1 =	vmul.f32 $1.131370830e+01, v3;
	v3 =	vld [tilespmem:s4+$0xA480]  }
0x186: {  	[tilespmem:s4+$0xA420] =	vst v0;
	v0 =	vmul.f32 $1.131370830e+01, v4;
	v4 =	vld [tilespmem:s4+$0xA490]  }
.Ltmp7:
0x187: {  	[tilespmem:s4+$0xA430] =	vst v1;
	v6 =	vmul.f32 $1.131370830e+01, v7;
	v1 =	vld [tilespmem:s4+$0xA4A0];
	(pc) =	sbr.rel @p0 .LBB2_17-.Ltmp7, $4  }
0x188: {  	[tilespmem:s4+$0xA440] =	vst v0;
	v5 =	vmul.f32 $1.131370830e+01, v5;
	v0 =	vld [tilespmem:s4+$0xA4B0]  }
0x189: {  	[tilespmem:s4+$0xA450] =	vst v6;
	v7 =	vmul.f32 $1.131370830e+01, v2;
	v2 =	vld [tilespmem:s4+$0xA4C0]  }
0x18a: {  	[tilespmem:s4+$0xA460] =	vst v5;
	v6 =	vmul.f32 $1.131370830e+01, v3;
	v3 =	vld [tilespmem:s4+$0xA4D0]  }
0x18b: {  	s10 =	sadd.s32 $0x400, s10;
	[tilespmem:s4+$0xA470] =	vst v7;
	v5 =	vmul.f32 $1.131370830e+01, v4;
	v4 =	vld [tilespmem:s4+$0xA4E0]  }
0x18c: {  	[tilespmem:s4+$0xA480] =	vst v6;
	v1 =	vmul.f32 $1.131370830e+01, v1;
	v6 =	vld [tilespmem:s4+$0xA4F0]  }
0x18d: {  	[tilespmem:s4+$0xA490] =	vst v5;
	v0 =	vmul.f32 $1.131370830e+01, v0  }
0x18e: {  	[tilespmem:s4+$0xA4A0] =	vst v1;
	v1 =	vmul.f32 $1.131370830e+01, v2  }
0x18f: {  	[tilespmem:s4+$0xA4B0] =	vst v0;
	v0 =	vmul.f32 $1.131370830e+01, v3  }
0x190: {  	[tilespmem:s4+$0xA4C0] =	vst v1;
	v1 =	vmul.f32 $1.131370830e+01, v4  }
0x191: {  	s6 =	sadd.s32 s5, s6;
	[tilespmem:s4+$0xA4D0] =	vst v0;
	v0 =	vmul.f32 $1.131370830e+01, v6  }
0x192: {  	s6 =	sshll.u32 s6, $0x4;
	[tilespmem:s4+$0xA4E0] =	vst v1  }
0x193: {  	s11 =	simm.s32 $0x0;
	s10 =	sadd.s32 s3, s6;
	[tilespmem:s4+$0xA4F0] =	vst v0  }
0x194: {  	[hbm4b:s10+s11] =	stream.linear.scatter [tilespmem:s22], [sflag:$0x8], $0x4000, $0x38;
	[tilespmem:$0x1E400] =	vst v63  }
0x195: {  	_ =	swait.ge [sflag:s15], $0x4000  }
0x196: {  	[sflag:s15] =	ssyncset.done $0x0  }
0x197: {  	s18 =	sadd.s32 $0x580, s16;
	[sflag:s15] =	ssyncadd.s32 $0xFFFFC000  }
0x198: {  	[tilespmem:s23], [sflag:$0x6] =	stream.indirect.gather [hbm4b:s2+s20], $0x80, s18, s20, $0xb8;
	[tilespmem:$0x1E400] =	vst v63  }
0x199: {  	_ =	swait.ge [sflag:s1], $0x4000  }
0x19a: {  	[sflag:s1] =	ssyncset.done $0x0  }
0x19b: {  	s4 =	simm.s32 $0x0;
	[sflag:s1] =	ssyncadd.s32 $0xFFFFC000  }
0x19c: {  	v0 =	vld [tilespmem:s4+$0xE400]  }
0x19d: {  	v1 =	vld [tilespmem:s4+$0xE410]  }
0x19e: {  	v2 =	vld [tilespmem:s4+$0xE420]  }
0x19f: {  	v3 =	vld [tilespmem:s4+$0xE430]  }
0x1a0: {  	v4 =	vld [tilespmem:s4+$0xE440]  }
0x1a1: {  	v5 =	vld [tilespmem:s4+$0xE450];
	v0 =	vmul.f32 $1.131370830e+01, v0  }
0x1a2: {  	v6 =	vld [tilespmem:s4+$0xE460];
	v1 =	vmul.f32 $1.131370830e+01, v1  }
0x1a3: {  	v7 =	vld [tilespmem:s4+$0xE470];
	[tilespmem:s4+$0xE400] =	vst v0;
	v0 =	vmul.f32 $1.131370830e+01, v2  }
0x1a4: {  	v8 =	vld [tilespmem:s4+$0xE480];
	[tilespmem:s4+$0xE410] =	vst v1;
	v1 =	vmul.f32 $1.131370830e+01, v3  }
0x1a5: {  	v9 =	vld [tilespmem:s4+$0xE490];
	[tilespmem:s4+$0xE420] =	vst v0;
	v0 =	vmul.f32 $1.131370830e+01, v4  }
0x1a6: {  	v2 =	vmul.f32 $1.131370830e+01, v5;
	[tilespmem:s4+$0xE430] =	vst v1;
	v1 =	vld [tilespmem:s4+$0xE4A0]  }
0x1a7: {  	v3 =	vmul.f32 $1.131370830e+01, v6;
	[tilespmem:s4+$0xE440] =	vst v0;
	v0 =	vld [tilespmem:s4+$0xE4B0]  }
0x1a8: {  	[tilespmem:s4+$0xE450] =	vst v2;
	v2 =	vld [tilespmem:s4+$0xE4C0];
	v4 =	vmul.f32 $1.131370830e+01, v7  }
0x1a9: {  	v6 =	vmul.f32 $1.131370830e+01, v8;
	[tilespmem:s4+$0xE460] =	vst v3;
	v3 =	vld [tilespmem:s4+$0xE4D0]  }
0x1aa: {  	s6 =	simm.s32 $0x400;
	v5 =	vmul.f32 $1.131370830e+01, v9;
	[tilespmem:s4+$0xE470] =	vst v4;
	v4 =	vld [tilespmem:s4+$0xE4E0]  }
.LBB2_19:
0x1ab: {  	s10 =	sshra.s32 s6, $0x2;
	p0 =	sne.s32 s6, $0xFC00;
	[tilespmem:s4+$0xE480] =	vst v6;
	v1 =	vmul.f32 $1.131370830e+01, v1;
	v6 =	vld [tilespmem:s4+$0xE4F0]  }
0x1ac: {  	v7 =	vld [tilespmem:s10+$0xE400];
	[tilespmem:s4+$0xE490] =	vst v5;
	v0 =	vmul.f32 $1.131370830e+01, v0  }
0x1ad: {  	v5 =	vld [tilespmem:s10+$0xE410];
	[tilespmem:s4+$0xE4A0] =	vst v1;
	v1 =	vmul.f32 $1.131370830e+01, v2  }
0x1ae: {  	v2 =	vld [tilespmem:s10+$0xE420];
	[tilespmem:s4+$0xE4B0] =	vst v0;
	v0 =	vmul.f32 $1.131370830e+01, v3  }
0x1af: {  	v3 =	vld [tilespmem:s10+$0xE430];
	[tilespmem:s4+$0xE4C0] =	vst v1;
	v1 =	vmul.f32 $1.131370830e+01, v4  }
0x1b0: {  	v4 =	vld [tilespmem:s10+$0xE440];
	[tilespmem:s4+$0xE4D0] =	vst v0;
	v0 =	vmul.f32 $1.131370830e+01, v6  }
0x1b1: {  	v6 =	vmul.f32 $1.131370830e+01, v7;
	v7 =	vld [tilespmem:s10+$0xE450];
	[tilespmem:s4+$0xE4E0] =	vst v1  }
0x1b2: {  	v1 =	vmul.f32 $1.131370830e+01, v5;
	v5 =	vld [tilespmem:s10+$0xE460];
	[tilespmem:s4+$0xE4F0] =	vst v0;
	s4 =	smov.u32 s10  }
0x1b3: {  	[tilespmem:s4+$0xE400] =	vst v6;
	v0 =	vmul.f32 $1.131370830e+01, v2;
	v2 =	vld [tilespmem:s4+$0xE470]  }
0x1b4: {  	[tilespmem:s4+$0xE410] =	vst v1;
	v1 =	vmul.f32 $1.131370830e+01, v3;
	v3 =	vld [tilespmem:s4+$0xE480]  }
0x1b5: {  	[tilespmem:s4+$0xE420] =	vst v0;
	v0 =	vmul.f32 $1.131370830e+01, v4;
	v4 =	vld [tilespmem:s4+$0xE490]  }
.Ltmp8:
0x1b6: {  	[tilespmem:s4+$0xE430] =	vst v1;
	v6 =	vmul.f32 $1.131370830e+01, v7;
	v1 =	vld [tilespmem:s4+$0xE4A0];
	(pc) =	sbr.rel @p0 .LBB2_19-.Ltmp8, $4  }
0x1b7: {  	[tilespmem:s4+$0xE440] =	vst v0;
	v5 =	vmul.f32 $1.131370830e+01, v5;
	v0 =	vld [tilespmem:s4+$0xE4B0]  }
0x1b8: {  	[tilespmem:s4+$0xE450] =	vst v6;
	v7 =	vmul.f32 $1.131370830e+01, v2;
	v2 =	vld [tilespmem:s4+$0xE4C0]  }
0x1b9: {  	[tilespmem:s4+$0xE460] =	vst v5;
	v6 =	vmul.f32 $1.131370830e+01, v3;
	v3 =	vld [tilespmem:s4+$0xE4D0]  }
0x1ba: {  	s6 =	sadd.s32 $0x400, s6;
	[tilespmem:s4+$0xE470] =	vst v7;
	v5 =	vmul.f32 $1.131370830e+01, v4;
	v4 =	vld [tilespmem:s4+$0xE4E0]  }
0x1bb: {  	[tilespmem:s4+$0xE480] =	vst v6;
	v1 =	vmul.f32 $1.131370830e+01, v1;
	v59 =	vld [tilespmem:s4+$0xE4F0]  }
0x1bc: {  	[tilespmem:s4+$0xE490] =	vst v5;
	v0 =	vmul.f32 $1.131370830e+01, v0  }
0x1bd: {  	s17 =	sadd.s32 $0x1, s17;
	[tilespmem:s4+$0xE4A0] =	vst v1;
	v60 =	vmul.f32 $1.131370830e+01, v2  }
0x1be: {  	p0 =	sne.s32 s17, $0x20;
	[tilespmem:s4+$0xE4B0] =	vst v0;
	v61 =	vmul.f32 $1.131370830e+01, v3  }
.Ltmp9:
0x1bf: {  	[tilespmem:s4+$0xE4C0] =	vst v60;
	v62 =	vmul.f32 $1.131370830e+01, v4;
	(pc) =	sbr.rel @p0 .LBB2_8-.Ltmp9, $4  }
0x1c0: {  	s6 =	sadd.s32 s5, s19;
	[tilespmem:s4+$0xE4D0] =	vst v61;
	v63 =	vmul.f32 $1.131370830e+01, v59  }
0x1c1: {  	s6 =	sshll.u32 s6, $0x4;
	[tilespmem:s4+$0xE4E0] =	vst v62  }
0x1c2: {  	s11 =	simm.s32 $0x0;
	s19 =	sadd.s32 s3, s6;
	[tilespmem:s4+$0xE4F0] =	vst v63  }
0x1c3: {  	[hbm4b:s19+s11] =	stream.linear.scatter [tilespmem:s24], [sflag:$0x9], $0x4000, $0x38;
	[tilespmem:$0x1E400] =	vst v63  }
0x1c4: {  	_ =	swait.ge [sflag:s26], $0x4000  }
0x1c5: {  	[sflag:s26] =	ssyncset.done $0x0  }
0x1c6: {  	s4 =	simm.s32 $0x6300;
	[sflag:s26] =	ssyncadd.s32 $0xFFFFC000  }
0x1c7: {  	[tilespmem:s21], [sflag:$0x1] =	stream.indirect.gather [hbm4b:s2+s20], $0x80, s4, s20, $0xb8;
	[tilespmem:$0x1E400] =	vst v63  }
0x1c8: {  	_ =	swait.ge [sflag:s0], $0x4000  }
0x1c9: {  	[sflag:s0] =	ssyncset.done $0x0  }
0x1ca: {  	s19 =	simm.s32 $0x6380;
	[sflag:s0] =	ssyncadd.s32 $0xFFFFC000  }
0x1cb: {  	[tilespmem:s22], [sflag:$0x2] =	stream.indirect.gather [hbm4b:s2+s20], $0x80, s19, s20, $0xb8;
	[tilespmem:$0x1E400] =	vst v63  }
0x1cc: {  	_ =	swait.ge [sflag:s30], $0x4000  }
0x1cd: {  	[sflag:s30] =	ssyncset.done $0x0  }
0x1ce: {  	s4 =	simm.s32 $0x0;
	[sflag:s30] =	ssyncadd.s32 $0xFFFFC000  }
0x1cf: {  	v0 =	vld [tilespmem:s4+$0x12400]  }
0x1d0: {  	v1 =	vld [tilespmem:s4+$0x12410]  }
0x1d1: {  	v2 =	vld [tilespmem:s4+$0x12420]  }
0x1d2: {  	v3 =	vld [tilespmem:s4+$0x12430]  }
0x1d3: {  	v4 =	vld [tilespmem:s4+$0x12440]  }
0x1d4: {  	v5 =	vld [tilespmem:s4+$0x12450];
	v0 =	vmul.f32 $1.131370830e+01, v0  }
0x1d5: {  	v6 =	vld [tilespmem:s4+$0x12460];
	v1 =	vmul.f32 $1.131370830e+01, v1  }
0x1d6: {  	v7 =	vld [tilespmem:s4+$0x12470];
	[tilespmem:s4+$0x12400] =	vst v0;
	v0 =	vmul.f32 $1.131370830e+01, v2  }
0x1d7: {  	v8 =	vld [tilespmem:s4+$0x12480];
	[tilespmem:s4+$0x12410] =	vst v1;
	v1 =	vmul.f32 $1.131370830e+01, v3  }
0x1d8: {  	v9 =	vld [tilespmem:s4+$0x12490];
	[tilespmem:s4+$0x12420] =	vst v0;
	v0 =	vmul.f32 $1.131370830e+01, v4  }
0x1d9: {  	v2 =	vmul.f32 $1.131370830e+01, v5;
	[tilespmem:s4+$0x12430] =	vst v1;
	v1 =	vld [tilespmem:s4+$0x124A0]  }
0x1da: {  	v3 =	vmul.f32 $1.131370830e+01, v6;
	[tilespmem:s4+$0x12440] =	vst v0;
	v0 =	vld [tilespmem:s4+$0x124B0]  }
0x1db: {  	[tilespmem:s4+$0x12450] =	vst v2;
	v2 =	vld [tilespmem:s4+$0x124C0];
	v4 =	vmul.f32 $1.131370830e+01, v7  }
0x1dc: {  	v6 =	vmul.f32 $1.131370830e+01, v8;
	[tilespmem:s4+$0x12460] =	vst v3;
	v3 =	vld [tilespmem:s4+$0x124D0]  }
0x1dd: {  	s6 =	simm.s32 $0x400;
	v5 =	vmul.f32 $1.131370830e+01, v9;
	[tilespmem:s4+$0x12470] =	vst v4;
	v4 =	vld [tilespmem:s4+$0x124E0]  }
.LBB2_22:
0x1de: {  	s10 =	sshra.s32 s6, $0x2;
	p0 =	sne.s32 s6, $0xFC00;
	[tilespmem:s4+$0x12480] =	vst v6;
	v1 =	vmul.f32 $1.131370830e+01, v1;
	v6 =	vld [tilespmem:s4+$0x124F0]  }
0x1df: {  	v7 =	vld [tilespmem:s10+$0x12400];
	[tilespmem:s4+$0x12490] =	vst v5;
	v0 =	vmul.f32 $1.131370830e+01, v0  }
0x1e0: {  	v5 =	vld [tilespmem:s10+$0x12410];
	[tilespmem:s4+$0x124A0] =	vst v1;
	v1 =	vmul.f32 $1.131370830e+01, v2  }
0x1e1: {  	v2 =	vld [tilespmem:s10+$0x12420];
	[tilespmem:s4+$0x124B0] =	vst v0;
	v0 =	vmul.f32 $1.131370830e+01, v3  }
0x1e2: {  	v3 =	vld [tilespmem:s10+$0x12430];
	[tilespmem:s4+$0x124C0] =	vst v1;
	v1 =	vmul.f32 $1.131370830e+01, v4  }
0x1e3: {  	v4 =	vld [tilespmem:s10+$0x12440];
	[tilespmem:s4+$0x124D0] =	vst v0;
	v0 =	vmul.f32 $1.131370830e+01, v6  }
0x1e4: {  	v6 =	vmul.f32 $1.131370830e+01, v7;
	v7 =	vld [tilespmem:s10+$0x12450];
	[tilespmem:s4+$0x124E0] =	vst v1  }
0x1e5: {  	v1 =	vmul.f32 $1.131370830e+01, v5;
	v5 =	vld [tilespmem:s10+$0x12460];
	[tilespmem:s4+$0x124F0] =	vst v0;
	s4 =	smov.u32 s10  }
0x1e6: {  	[tilespmem:s4+$0x12400] =	vst v6;
	v0 =	vmul.f32 $1.131370830e+01, v2;
	v2 =	vld [tilespmem:s4+$0x12470]  }
0x1e7: {  	[tilespmem:s4+$0x12410] =	vst v1;
	v1 =	vmul.f32 $1.131370830e+01, v3;
	v3 =	vld [tilespmem:s4+$0x12480]  }
0x1e8: {  	[tilespmem:s4+$0x12420] =	vst v0;
	v0 =	vmul.f32 $1.131370830e+01, v4;
	v4 =	vld [tilespmem:s4+$0x12490]  }
.Ltmp10:
0x1e9: {  	[tilespmem:s4+$0x12430] =	vst v1;
	v6 =	vmul.f32 $1.131370830e+01, v7;
	v1 =	vld [tilespmem:s4+$0x124A0];
	(pc) =	sbr.rel @p0 .LBB2_22-.Ltmp10, $4  }
0x1ea: {  	[tilespmem:s4+$0x12440] =	vst v0;
	v5 =	vmul.f32 $1.131370830e+01, v5;
	v0 =	vld [tilespmem:s4+$0x124B0]  }
0x1eb: {  	[tilespmem:s4+$0x12450] =	vst v6;
	v7 =	vmul.f32 $1.131370830e+01, v2;
	v2 =	vld [tilespmem:s4+$0x124C0]  }
0x1ec: {  	[tilespmem:s4+$0x12460] =	vst v5;
	v6 =	vmul.f32 $1.131370830e+01, v3;
	v3 =	vld [tilespmem:s4+$0x124D0]  }
0x1ed: {  	s6 =	sadd.s32 $0x400, s6;
	[tilespmem:s4+$0x12470] =	vst v7;
	v5 =	vmul.f32 $1.131370830e+01, v4;
	v4 =	vld [tilespmem:s4+$0x124E0]  }
0x1ee: {  	[tilespmem:s4+$0x12480] =	vst v6;
	v1 =	vmul.f32 $1.131370830e+01, v1;
	v6 =	vld [tilespmem:s4+$0x124F0]  }
0x1ef: {  	[tilespmem:s4+$0x12490] =	vst v5;
	v0 =	vmul.f32 $1.131370830e+01, v0  }
0x1f0: {  	[tilespmem:s4+$0x124A0] =	vst v1;
	v1 =	vmul.f32 $1.131370830e+01, v2  }
0x1f1: {  	[tilespmem:s4+$0x124B0] =	vst v0;
	v0 =	vmul.f32 $1.131370830e+01, v3  }
0x1f2: {  	[tilespmem:s4+$0x124C0] =	vst v1;
	v1 =	vmul.f32 $1.131370830e+01, v4  }
0x1f3: {  	[tilespmem:s4+$0x124D0] =	vst v0;
	v0 =	vmul.f32 $1.131370830e+01, v6  }
0x1f4: {  	[tilespmem:s4+$0x124E0] =	vst v1  }
0x1f5: {  	s19 =	simm.s32 $0x0;
	s6 =	rddreg [dreg:$0xa];
	[tilespmem:s4+$0x124F0] =	vst v0  }
0x1f6: {  	[hbm4b:s6+s19] =	stream.linear.scatter [tilespmem:s28], [sflag:$0xA], $0x4000, $0x38;
	[tilespmem:$0x1E400] =	vst v63  }
0x1f7: {  	_ =	swait.ge [sflag:s7], $0x4000  }
0x1f8: {  	[sflag:s7] =	ssyncset.done $0x0  }
0x1f9: {  	s4 =	simm.s32 $0x0;
	[sflag:s7] =	ssyncadd.s32 $0xFFFFC000  }
0x1fa: {  	v0 =	vld [tilespmem:s4+$0x16400]  }
0x1fb: {  	v1 =	vld [tilespmem:s4+$0x16410]  }
0x1fc: {  	v2 =	vld [tilespmem:s4+$0x16420]  }
0x1fd: {  	v3 =	vld [tilespmem:s4+$0x16430]  }
0x1fe: {  	v4 =	vld [tilespmem:s4+$0x16440]  }
0x1ff: {  	v5 =	vld [tilespmem:s4+$0x16450];
	v0 =	vmul.f32 $1.131370830e+01, v0  }
0x200: {  	v6 =	vld [tilespmem:s4+$0x16460];
	v1 =	vmul.f32 $1.131370830e+01, v1  }
0x201: {  	v7 =	vld [tilespmem:s4+$0x16470];
	[tilespmem:s4+$0x16400] =	vst v0;
	v0 =	vmul.f32 $1.131370830e+01, v2  }
0x202: {  	v8 =	vld [tilespmem:s4+$0x16480];
	[tilespmem:s4+$0x16410] =	vst v1;
	v1 =	vmul.f32 $1.131370830e+01, v3  }
0x203: {  	v9 =	vld [tilespmem:s4+$0x16490];
	[tilespmem:s4+$0x16420] =	vst v0;
	v0 =	vmul.f32 $1.131370830e+01, v4  }
0x204: {  	v2 =	vmul.f32 $1.131370830e+01, v5;
	[tilespmem:s4+$0x16430] =	vst v1;
	v1 =	vld [tilespmem:s4+$0x164A0]  }
0x205: {  	v3 =	vmul.f32 $1.131370830e+01, v6;
	[tilespmem:s4+$0x16440] =	vst v0;
	v0 =	vld [tilespmem:s4+$0x164B0]  }
0x206: {  	[tilespmem:s4+$0x16450] =	vst v2;
	v2 =	vld [tilespmem:s4+$0x164C0];
	v4 =	vmul.f32 $1.131370830e+01, v7  }
0x207: {  	v6 =	vmul.f32 $1.131370830e+01, v8;
	[tilespmem:s4+$0x16460] =	vst v3;
	v3 =	vld [tilespmem:s4+$0x164D0]  }
0x208: {  	s6 =	simm.s32 $0x400;
	v5 =	vmul.f32 $1.131370830e+01, v9;
	[tilespmem:s4+$0x16470] =	vst v4;
	v4 =	vld [tilespmem:s4+$0x164E0]  }
.LBB2_24:
0x209: {  	s10 =	sshra.s32 s6, $0x2;
	p0 =	sne.s32 s6, $0xFC00;
	[tilespmem:s4+$0x16480] =	vst v6;
	v1 =	vmul.f32 $1.131370830e+01, v1;
	v6 =	vld [tilespmem:s4+$0x164F0]  }
0x20a: {  	v7 =	vld [tilespmem:s10+$0x16400];
	[tilespmem:s4+$0x16490] =	vst v5;
	v0 =	vmul.f32 $1.131370830e+01, v0  }
0x20b: {  	v5 =	vld [tilespmem:s10+$0x16410];
	[tilespmem:s4+$0x164A0] =	vst v1;
	v1 =	vmul.f32 $1.131370830e+01, v2  }
0x20c: {  	v2 =	vld [tilespmem:s10+$0x16420];
	[tilespmem:s4+$0x164B0] =	vst v0;
	v0 =	vmul.f32 $1.131370830e+01, v3  }
0x20d: {  	v3 =	vld [tilespmem:s10+$0x16430];
	[tilespmem:s4+$0x164C0] =	vst v1;
	v1 =	vmul.f32 $1.131370830e+01, v4  }
0x20e: {  	v4 =	vld [tilespmem:s10+$0x16440];
	[tilespmem:s4+$0x164D0] =	vst v0;
	v0 =	vmul.f32 $1.131370830e+01, v6  }
0x20f: {  	v6 =	vmul.f32 $1.131370830e+01, v7;
	v7 =	vld [tilespmem:s10+$0x16450];
	[tilespmem:s4+$0x164E0] =	vst v1  }
0x210: {  	v1 =	vmul.f32 $1.131370830e+01, v5;
	v5 =	vld [tilespmem:s10+$0x16460];
	[tilespmem:s4+$0x164F0] =	vst v0;
	s4 =	smov.u32 s10  }
0x211: {  	[tilespmem:s4+$0x16400] =	vst v6;
	v0 =	vmul.f32 $1.131370830e+01, v2;
	v2 =	vld [tilespmem:s4+$0x16470]  }
0x212: {  	[tilespmem:s4+$0x16410] =	vst v1;
	v1 =	vmul.f32 $1.131370830e+01, v3;
	v3 =	vld [tilespmem:s4+$0x16480]  }
0x213: {  	[tilespmem:s4+$0x16420] =	vst v0;
	v0 =	vmul.f32 $1.131370830e+01, v4;
	v4 =	vld [tilespmem:s4+$0x16490]  }
.Ltmp11:
0x214: {  	[tilespmem:s4+$0x16430] =	vst v1;
	v6 =	vmul.f32 $1.131370830e+01, v7;
	v1 =	vld [tilespmem:s4+$0x164A0];
	(pc) =	sbr.rel @p0 .LBB2_24-.Ltmp11, $4  }
0x215: {  	[tilespmem:s4+$0x16440] =	vst v0;
	v5 =	vmul.f32 $1.131370830e+01, v5;
	v0 =	vld [tilespmem:s4+$0x164B0]  }
0x216: {  	[tilespmem:s4+$0x16450] =	vst v6;
	v7 =	vmul.f32 $1.131370830e+01, v2;
	v2 =	vld [tilespmem:s4+$0x164C0]  }
0x217: {  	[tilespmem:s4+$0x16460] =	vst v5;
	v6 =	vmul.f32 $1.131370830e+01, v3;
	v3 =	vld [tilespmem:s4+$0x164D0]  }
0x218: {  	s6 =	sadd.s32 $0x400, s6;
	[tilespmem:s4+$0x16470] =	vst v7;
	v5 =	vmul.f32 $1.131370830e+01, v4;
	v4 =	vld [tilespmem:s4+$0x164E0]  }
0x219: {  	[tilespmem:s4+$0x16480] =	vst v6;
	v1 =	vmul.f32 $1.131370830e+01, v1;
	v6 =	vld [tilespmem:s4+$0x164F0]  }
0x21a: {  	[tilespmem:s4+$0x16490] =	vst v5;
	v0 =	vmul.f32 $1.131370830e+01, v0  }
0x21b: {  	[tilespmem:s4+$0x164A0] =	vst v1;
	v1 =	vmul.f32 $1.131370830e+01, v2  }
0x21c: {  	[tilespmem:s4+$0x164B0] =	vst v0;
	v0 =	vmul.f32 $1.131370830e+01, v3  }
0x21d: {  	[tilespmem:s4+$0x164C0] =	vst v1;
	v1 =	vmul.f32 $1.131370830e+01, v4  }
0x21e: {  	[tilespmem:s4+$0x164D0] =	vst v0;
	v0 =	vmul.f32 $1.131370830e+01, v6  }
0x21f: {  	[tilespmem:s4+$0x164E0] =	vst v1  }
0x220: {  	s19 =	simm.s32 $0x0;
	s6 =	rddreg [dreg:$0xb];
	[tilespmem:s4+$0x164F0] =	vst v0  }
0x221: {  	[hbm4b:s6+s19] =	stream.linear.scatter [tilespmem:s31], [sflag:$0xB], $0x4000, $0x38;
	[tilespmem:$0x1E400] =	vst v63  }
0x222: {  	_ =	swait.ge [sflag:s9], $0x4000  }
0x223: {  	[sflag:s9] =	ssyncset.done $0x0  }
0x224: {  	s4 =	simm.s32 $0x0;
	[sflag:s9] =	ssyncadd.s32 $0xFFFFC000  }
0x225: {  	v0 =	vld [tilespmem:s4+$0x1A400]  }
0x226: {  	v1 =	vld [tilespmem:s4+$0x1A410]  }
0x227: {  	v2 =	vld [tilespmem:s4+$0x1A420]  }
0x228: {  	v3 =	vld [tilespmem:s4+$0x1A430]  }
0x229: {  	v4 =	vld [tilespmem:s4+$0x1A440]  }
0x22a: {  	v5 =	vld [tilespmem:s4+$0x1A450];
	v0 =	vmul.f32 $1.131370830e+01, v0  }
0x22b: {  	v6 =	vld [tilespmem:s4+$0x1A460];
	v1 =	vmul.f32 $1.131370830e+01, v1  }
0x22c: {  	v7 =	vld [tilespmem:s4+$0x1A470];
	[tilespmem:s4+$0x1A400] =	vst v0;
	v0 =	vmul.f32 $1.131370830e+01, v2  }
0x22d: {  	v8 =	vld [tilespmem:s4+$0x1A480];
	[tilespmem:s4+$0x1A410] =	vst v1;
	v1 =	vmul.f32 $1.131370830e+01, v3  }
0x22e: {  	v9 =	vld [tilespmem:s4+$0x1A490];
	[tilespmem:s4+$0x1A420] =	vst v0;
	v0 =	vmul.f32 $1.131370830e+01, v4  }
0x22f: {  	v2 =	vmul.f32 $1.131370830e+01, v5;
	[tilespmem:s4+$0x1A430] =	vst v1;
	v1 =	vld [tilespmem:s4+$0x1A4A0]  }
0x230: {  	v3 =	vmul.f32 $1.131370830e+01, v6;
	[tilespmem:s4+$0x1A440] =	vst v0;
	v0 =	vld [tilespmem:s4+$0x1A4B0]  }
0x231: {  	[tilespmem:s4+$0x1A450] =	vst v2;
	v2 =	vld [tilespmem:s4+$0x1A4C0];
	v4 =	vmul.f32 $1.131370830e+01, v7  }
0x232: {  	v6 =	vmul.f32 $1.131370830e+01, v8;
	[tilespmem:s4+$0x1A460] =	vst v3;
	v3 =	vld [tilespmem:s4+$0x1A4D0]  }
0x233: {  	s6 =	simm.s32 $0x400;
	v5 =	vmul.f32 $1.131370830e+01, v9;
	[tilespmem:s4+$0x1A470] =	vst v4;
	v4 =	vld [tilespmem:s4+$0x1A4E0]  }
.LBB2_26:
0x234: {  	s10 =	sshra.s32 s6, $0x2;
	p0 =	sne.s32 s6, $0xFC00;
	[tilespmem:s4+$0x1A480] =	vst v6;
	v1 =	vmul.f32 $1.131370830e+01, v1;
	v6 =	vld [tilespmem:s4+$0x1A4F0]  }
0x235: {  	v7 =	vld [tilespmem:s10+$0x1A400];
	[tilespmem:s4+$0x1A490] =	vst v5;
	v0 =	vmul.f32 $1.131370830e+01, v0  }
0x236: {  	v5 =	vld [tilespmem:s10+$0x1A410];
	[tilespmem:s4+$0x1A4A0] =	vst v1;
	v1 =	vmul.f32 $1.131370830e+01, v2  }
0x237: {  	v2 =	vld [tilespmem:s10+$0x1A420];
	[tilespmem:s4+$0x1A4B0] =	vst v0;
	v0 =	vmul.f32 $1.131370830e+01, v3  }
0x238: {  	v3 =	vld [tilespmem:s10+$0x1A430];
	[tilespmem:s4+$0x1A4C0] =	vst v1;
	v1 =	vmul.f32 $1.131370830e+01, v4  }
0x239: {  	v4 =	vld [tilespmem:s10+$0x1A440];
	[tilespmem:s4+$0x1A4D0] =	vst v0;
	v0 =	vmul.f32 $1.131370830e+01, v6  }
0x23a: {  	v6 =	vmul.f32 $1.131370830e+01, v7;
	v7 =	vld [tilespmem:s10+$0x1A450];
	[tilespmem:s4+$0x1A4E0] =	vst v1  }
0x23b: {  	v1 =	vmul.f32 $1.131370830e+01, v5;
	v5 =	vld [tilespmem:s10+$0x1A460];
	[tilespmem:s4+$0x1A4F0] =	vst v0;
	s4 =	smov.u32 s10  }
0x23c: {  	[tilespmem:s4+$0x1A400] =	vst v6;
	v0 =	vmul.f32 $1.131370830e+01, v2;
	v2 =	vld [tilespmem:s4+$0x1A470]  }
0x23d: {  	[tilespmem:s4+$0x1A410] =	vst v1;
	v1 =	vmul.f32 $1.131370830e+01, v3;
	v3 =	vld [tilespmem:s4+$0x1A480]  }
0x23e: {  	[tilespmem:s4+$0x1A420] =	vst v0;
	v0 =	vmul.f32 $1.131370830e+01, v4;
	v4 =	vld [tilespmem:s4+$0x1A490]  }
.Ltmp12:
0x23f: {  	[tilespmem:s4+$0x1A430] =	vst v1;
	v6 =	vmul.f32 $1.131370830e+01, v7;
	v1 =	vld [tilespmem:s4+$0x1A4A0];
	(pc) =	sbr.rel @p0 .LBB2_26-.Ltmp12, $4  }
0x240: {  	[tilespmem:s4+$0x1A440] =	vst v0;
	v5 =	vmul.f32 $1.131370830e+01, v5;
	v0 =	vld [tilespmem:s4+$0x1A4B0]  }
0x241: {  	[tilespmem:s4+$0x1A450] =	vst v6;
	v7 =	vmul.f32 $1.131370830e+01, v2;
	v2 =	vld [tilespmem:s4+$0x1A4C0]  }
0x242: {  	[tilespmem:s4+$0x1A460] =	vst v5;
	v6 =	vmul.f32 $1.131370830e+01, v3;
	v3 =	vld [tilespmem:s4+$0x1A4D0]  }
0x243: {  	s6 =	sadd.s32 $0x400, s6;
	[tilespmem:s4+$0x1A470] =	vst v7;
	v5 =	vmul.f32 $1.131370830e+01, v4;
	v4 =	vld [tilespmem:s4+$0x1A4E0]  }
0x244: {  	[tilespmem:s4+$0x1A480] =	vst v6;
	v1 =	vmul.f32 $1.131370830e+01, v1;
	v6 =	vld [tilespmem:s4+$0x1A4F0]  }
0x245: {  	[tilespmem:s4+$0x1A490] =	vst v5;
	v0 =	vmul.f32 $1.131370830e+01, v0  }
0x246: {  	[tilespmem:s4+$0x1A4A0] =	vst v1;
	v1 =	vmul.f32 $1.131370830e+01, v2  }
0x247: {  	[tilespmem:s4+$0x1A4B0] =	vst v0;
	v0 =	vmul.f32 $1.131370830e+01, v3  }
0x248: {  	[tilespmem:s4+$0x1A4C0] =	vst v1;
	v1 =	vmul.f32 $1.131370830e+01, v4  }
0x249: {  	[tilespmem:s4+$0x1A4D0] =	vst v0;
	v0 =	vmul.f32 $1.131370830e+01, v6  }
0x24a: {  	[tilespmem:s4+$0x1A4E0] =	vst v1  }
0x24b: {  	s19 =	simm.s32 $0x0;
	s6 =	rddreg [dreg:$0xc];
	[tilespmem:s4+$0x1A4F0] =	vst v0  }
0x24c: {  	[hbm4b:s6+s19] =	stream.linear.scatter [tilespmem:s23], [sflag:$0xC], $0x4000, $0x38;
	[tilespmem:$0x1E400] =	vst v63  }
0x24d: {  	_ =	swait.ge [sflag:s25], $0x4000  }
0x24e: {  	[sflag:s25] =	ssyncset.done $0x0  }
0x24f: {  	s4 =	simm.s32 $0x0;
	[sflag:s25] =	ssyncadd.s32 $0xFFFFC000  }
0x250: {  	v0 =	vld [tilespmem:s4+$0x6400]  }
0x251: {  	v1 =	vld [tilespmem:s4+$0x6410]  }
0x252: {  	v2 =	vld [tilespmem:s4+$0x6420]  }
0x253: {  	v3 =	vld [tilespmem:s4+$0x6430]  }
0x254: {  	v4 =	vld [tilespmem:s4+$0x6440]  }
0x255: {  	v5 =	vld [tilespmem:s4+$0x6450];
	v0 =	vmul.f32 $1.131370830e+01, v0  }
0x256: {  	v6 =	vld [tilespmem:s4+$0x6460];
	v1 =	vmul.f32 $1.131370830e+01, v1  }
0x257: {  	v7 =	vld [tilespmem:s4+$0x6470];
	[tilespmem:s4+$0x6400] =	vst v0;
	v0 =	vmul.f32 $1.131370830e+01, v2  }
0x258: {  	v8 =	vld [tilespmem:s4+$0x6480];
	[tilespmem:s4+$0x6410] =	vst v1;
	v1 =	vmul.f32 $1.131370830e+01, v3  }
0x259: {  	v9 =	vld [tilespmem:s4+$0x6490];
	[tilespmem:s4+$0x6420] =	vst v0;
	v0 =	vmul.f32 $1.131370830e+01, v4  }
0x25a: {  	v2 =	vmul.f32 $1.131370830e+01, v5;
	[tilespmem:s4+$0x6430] =	vst v1;
	v1 =	vld [tilespmem:s4+$0x64A0]  }
0x25b: {  	v3 =	vmul.f32 $1.131370830e+01, v6;
	[tilespmem:s4+$0x6440] =	vst v0;
	v0 =	vld [tilespmem:s4+$0x64B0]  }
0x25c: {  	[tilespmem:s4+$0x6450] =	vst v2;
	v2 =	vld [tilespmem:s4+$0x64C0];
	v4 =	vmul.f32 $1.131370830e+01, v7  }
0x25d: {  	v6 =	vmul.f32 $1.131370830e+01, v8;
	[tilespmem:s4+$0x6460] =	vst v3;
	v3 =	vld [tilespmem:s4+$0x64D0]  }
0x25e: {  	s6 =	simm.s32 $0x400;
	v5 =	vmul.f32 $1.131370830e+01, v9;
	[tilespmem:s4+$0x6470] =	vst v4;
	v4 =	vld [tilespmem:s4+$0x64E0]  }
.LBB2_28:
0x25f: {  	s10 =	sshra.s32 s6, $0x2;
	p0 =	sne.s32 s6, $0xFC00;
	[tilespmem:s4+$0x6480] =	vst v6;
	v1 =	vmul.f32 $1.131370830e+01, v1;
	v6 =	vld [tilespmem:s4+$0x64F0]  }
0x260: {  	v7 =	vld [tilespmem:s10+$0x6400];
	[tilespmem:s4+$0x6490] =	vst v5;
	v0 =	vmul.f32 $1.131370830e+01, v0  }
0x261: {  	v5 =	vld [tilespmem:s10+$0x6410];
	[tilespmem:s4+$0x64A0] =	vst v1;
	v1 =	vmul.f32 $1.131370830e+01, v2  }
0x262: {  	v2 =	vld [tilespmem:s10+$0x6420];
	[tilespmem:s4+$0x64B0] =	vst v0;
	v0 =	vmul.f32 $1.131370830e+01, v3  }
0x263: {  	v3 =	vld [tilespmem:s10+$0x6430];
	[tilespmem:s4+$0x64C0] =	vst v1;
	v1 =	vmul.f32 $1.131370830e+01, v4  }
0x264: {  	v4 =	vld [tilespmem:s10+$0x6440];
	[tilespmem:s4+$0x64D0] =	vst v0;
	v0 =	vmul.f32 $1.131370830e+01, v6  }
0x265: {  	v6 =	vmul.f32 $1.131370830e+01, v7;
	v7 =	vld [tilespmem:s10+$0x6450];
	[tilespmem:s4+$0x64E0] =	vst v1  }
0x266: {  	v1 =	vmul.f32 $1.131370830e+01, v5;
	v5 =	vld [tilespmem:s10+$0x6460];
	[tilespmem:s4+$0x64F0] =	vst v0;
	s4 =	smov.u32 s10  }
0x267: {  	[tilespmem:s4+$0x6400] =	vst v6;
	v0 =	vmul.f32 $1.131370830e+01, v2;
	v2 =	vld [tilespmem:s4+$0x6470]  }
0x268: {  	[tilespmem:s4+$0x6410] =	vst v1;
	v1 =	vmul.f32 $1.131370830e+01, v3;
	v3 =	vld [tilespmem:s4+$0x6480]  }
0x269: {  	[tilespmem:s4+$0x6420] =	vst v0;
	v0 =	vmul.f32 $1.131370830e+01, v4;
	v4 =	vld [tilespmem:s4+$0x6490]  }
.Ltmp13:
0x26a: {  	[tilespmem:s4+$0x6430] =	vst v1;
	v6 =	vmul.f32 $1.131370830e+01, v7;
	v1 =	vld [tilespmem:s4+$0x64A0];
	(pc) =	sbr.rel @p0 .LBB2_28-.Ltmp13, $4  }
0x26b: {  	[tilespmem:s4+$0x6440] =	vst v0;
	v5 =	vmul.f32 $1.131370830e+01, v5;
	v0 =	vld [tilespmem:s4+$0x64B0]  }
0x26c: {  	[tilespmem:s4+$0x6450] =	vst v6;
	v7 =	vmul.f32 $1.131370830e+01, v2;
	v2 =	vld [tilespmem:s4+$0x64C0]  }
0x26d: {  	[tilespmem:s4+$0x6460] =	vst v5;
	v6 =	vmul.f32 $1.131370830e+01, v3;
	v3 =	vld [tilespmem:s4+$0x64D0]  }
0x26e: {  	s6 =	sadd.s32 $0x400, s6;
	[tilespmem:s4+$0x6470] =	vst v7;
	v5 =	vmul.f32 $1.131370830e+01, v4;
	v4 =	vld [tilespmem:s4+$0x64E0]  }
0x26f: {  	[tilespmem:s4+$0x6480] =	vst v6;
	v1 =	vmul.f32 $1.131370830e+01, v1;
	v6 =	vld [tilespmem:s4+$0x64F0]  }
0x270: {  	[tilespmem:s4+$0x6490] =	vst v5;
	v0 =	vmul.f32 $1.131370830e+01, v0  }
0x271: {  	[tilespmem:s4+$0x64A0] =	vst v1;
	v1 =	vmul.f32 $1.131370830e+01, v2  }
0x272: {  	[tilespmem:s4+$0x64B0] =	vst v0;
	v0 =	vmul.f32 $1.131370830e+01, v3  }
0x273: {  	[tilespmem:s4+$0x64C0] =	vst v1;
	v1 =	vmul.f32 $1.131370830e+01, v4  }
0x274: {  	[tilespmem:s4+$0x64D0] =	vst v0;
	v0 =	vmul.f32 $1.131370830e+01, v6  }
0x275: {  	[tilespmem:s4+$0x64E0] =	vst v1  }
0x276: {  	s19 =	simm.s32 $0x0;
	s6 =	rddreg [dreg:$0xd];
	[tilespmem:s4+$0x64F0] =	vst v0  }
0x277: {  	[hbm4b:s6+s19] =	stream.linear.scatter [tilespmem:s21], [sflag:$0x7], $0x4000, $0x38;
	[tilespmem:$0x1E400] =	vst v63  }
0x278: {  	_ =	swait.ge [sflag:s29], $0x4000  }
0x279: {  	[sflag:s29] =	ssyncset.done $0x0  }
0x27a: {  	s4 =	simm.s32 $0x0;
	[sflag:s29] =	ssyncadd.s32 $0xFFFFC000  }
0x27b: {  	v0 =	vld [tilespmem:s4+$0xA400]  }
0x27c: {  	v1 =	vld [tilespmem:s4+$0xA410]  }
0x27d: {  	v2 =	vld [tilespmem:s4+$0xA420]  }
0x27e: {  	v3 =	vld [tilespmem:s4+$0xA430]  }
0x27f: {  	v4 =	vld [tilespmem:s4+$0xA440]  }
0x280: {  	v5 =	vld [tilespmem:s4+$0xA450];
	v0 =	vmul.f32 $1.131370830e+01, v0  }
0x281: {  	v6 =	vld [tilespmem:s4+$0xA460];
	v1 =	vmul.f32 $1.131370830e+01, v1  }
0x282: {  	v7 =	vld [tilespmem:s4+$0xA470];
	[tilespmem:s4+$0xA400] =	vst v0;
	v0 =	vmul.f32 $1.131370830e+01, v2  }
0x283: {  	v8 =	vld [tilespmem:s4+$0xA480];
	[tilespmem:s4+$0xA410] =	vst v1;
	v1 =	vmul.f32 $1.131370830e+01, v3  }
0x284: {  	v9 =	vld [tilespmem:s4+$0xA490];
	[tilespmem:s4+$0xA420] =	vst v0;
	v0 =	vmul.f32 $1.131370830e+01, v4  }
0x285: {  	v2 =	vmul.f32 $1.131370830e+01, v5;
	[tilespmem:s4+$0xA430] =	vst v1;
	v1 =	vld [tilespmem:s4+$0xA4A0]  }
0x286: {  	v3 =	vmul.f32 $1.131370830e+01, v6;
	[tilespmem:s4+$0xA440] =	vst v0;
	v0 =	vld [tilespmem:s4+$0xA4B0]  }
0x287: {  	[tilespmem:s4+$0xA450] =	vst v2;
	v2 =	vld [tilespmem:s4+$0xA4C0];
	v4 =	vmul.f32 $1.131370830e+01, v7  }
0x288: {  	v6 =	vmul.f32 $1.131370830e+01, v8;
	[tilespmem:s4+$0xA460] =	vst v3;
	v3 =	vld [tilespmem:s4+$0xA4D0]  }
0x289: {  	s6 =	simm.s32 $0x400;
	v5 =	vmul.f32 $1.131370830e+01, v9;
	[tilespmem:s4+$0xA470] =	vst v4;
	v4 =	vld [tilespmem:s4+$0xA4E0]  }
.LBB2_30:
0x28a: {  	s10 =	sshra.s32 s6, $0x2;
	p0 =	sne.s32 s6, $0xFC00;
	[tilespmem:s4+$0xA480] =	vst v6;
	v1 =	vmul.f32 $1.131370830e+01, v1;
	v6 =	vld [tilespmem:s4+$0xA4F0]  }
0x28b: {  	v7 =	vld [tilespmem:s10+$0xA400];
	[tilespmem:s4+$0xA490] =	vst v5;
	v0 =	vmul.f32 $1.131370830e+01, v0  }
0x28c: {  	v5 =	vld [tilespmem:s10+$0xA410];
	[tilespmem:s4+$0xA4A0] =	vst v1;
	v1 =	vmul.f32 $1.131370830e+01, v2  }
0x28d: {  	v2 =	vld [tilespmem:s10+$0xA420];
	[tilespmem:s4+$0xA4B0] =	vst v0;
	v0 =	vmul.f32 $1.131370830e+01, v3  }
0x28e: {  	v3 =	vld [tilespmem:s10+$0xA430];
	[tilespmem:s4+$0xA4C0] =	vst v1;
	v1 =	vmul.f32 $1.131370830e+01, v4  }
0x28f: {  	v4 =	vld [tilespmem:s10+$0xA440];
	[tilespmem:s4+$0xA4D0] =	vst v0;
	v0 =	vmul.f32 $1.131370830e+01, v6  }
0x290: {  	v6 =	vmul.f32 $1.131370830e+01, v7;
	v7 =	vld [tilespmem:s10+$0xA450];
	[tilespmem:s4+$0xA4E0] =	vst v1  }
0x291: {  	v1 =	vmul.f32 $1.131370830e+01, v5;
	v5 =	vld [tilespmem:s10+$0xA460];
	[tilespmem:s4+$0xA4F0] =	vst v0;
	s4 =	smov.u32 s10  }
0x292: {  	[tilespmem:s4+$0xA400] =	vst v6;
	v0 =	vmul.f32 $1.131370830e+01, v2;
	v2 =	vld [tilespmem:s4+$0xA470]  }
0x293: {  	[tilespmem:s4+$0xA410] =	vst v1;
	v1 =	vmul.f32 $1.131370830e+01, v3;
	v3 =	vld [tilespmem:s4+$0xA480]  }
0x294: {  	[tilespmem:s4+$0xA420] =	vst v0;
	v0 =	vmul.f32 $1.131370830e+01, v4;
	v4 =	vld [tilespmem:s4+$0xA490]  }
.Ltmp14:
0x295: {  	[tilespmem:s4+$0xA430] =	vst v1;
	v6 =	vmul.f32 $1.131370830e+01, v7;
	v1 =	vld [tilespmem:s4+$0xA4A0];
	(pc) =	sbr.rel @p0 .LBB2_30-.Ltmp14, $4  }
0x296: {  	[tilespmem:s4+$0xA440] =	vst v0;
	v5 =	vmul.f32 $1.131370830e+01, v5;
	v0 =	vld [tilespmem:s4+$0xA4B0]  }
0x297: {  	[tilespmem:s4+$0xA450] =	vst v6;
	v7 =	vmul.f32 $1.131370830e+01, v2;
	v2 =	vld [tilespmem:s4+$0xA4C0]  }
0x298: {  	[tilespmem:s4+$0xA460] =	vst v5;
	v6 =	vmul.f32 $1.131370830e+01, v3;
	v3 =	vld [tilespmem:s4+$0xA4D0]  }
0x299: {  	s6 =	sadd.s32 $0x400, s6;
	[tilespmem:s4+$0xA470] =	vst v7;
	v5 =	vmul.f32 $1.131370830e+01, v4;
	v4 =	vld [tilespmem:s4+$0xA4E0]  }
0x29a: {  	[tilespmem:s4+$0xA480] =	vst v6;
	v1 =	vmul.f32 $1.131370830e+01, v1;
	v59 =	vld [tilespmem:s4+$0xA4F0]  }
0x29b: {  	[tilespmem:s4+$0xA490] =	vst v5;
	v0 =	vmul.f32 $1.131370830e+01, v0  }
0x29c: {  	[tilespmem:s4+$0xA4A0] =	vst v1;
	v60 =	vmul.f32 $1.131370830e+01, v2  }
0x29d: {  	[tilespmem:s4+$0xA4B0] =	vst v0;
	v61 =	vmul.f32 $1.131370830e+01, v3  }
0x29e: {  	[tilespmem:s4+$0xA4C0] =	vst v60;
	v62 =	vmul.f32 $1.131370830e+01, v4  }
0x29f: {  	[tilespmem:s4+$0xA4D0] =	vst v61;
	v63 =	vmul.f32 $1.131370830e+01, v59  }
0x2a0: {  	[tilespmem:s4+$0xA4E0] =	vst v62  }
0x2a1: {  	s18 =	rddreg [dreg:$0xe];
	[tilespmem:s4+$0xA4F0] =	vst v63  }
0x2a2: {  	[hbm4b:s18+s11] =	stream.linear.scatter [tilespmem:s22], [sflag:$0x8], $0x4000, $0x38;
	[tilespmem:$0x1E400] =	vst v63  }
0x2a3: {  	_ =	swait.ge [sflag:s8], $0x4000  }
0x2a4: {  	[sflag:s8] =	ssyncset.done $0x0  }
0x2a5: {  	[sflag:s8] =	ssyncadd.s32 $0xFFFFC000  }
0x2a6: {  	_ =	swait.ge [sflag:s13], $0x4000  }
0x2a7: {  	[sflag:s13] =	ssyncset.done $0x0  }
0x2a8: {  	[sflag:s13] =	ssyncadd.s32 $0xFFFFC000  }
0x2a9: {  	_ =	swait.ge [sflag:s14], $0x4000  }
0x2aa: {  	[sflag:s14] =	ssyncset.done $0x0  }
0x2ab: {  	[sflag:s14] =	ssyncadd.s32 $0xFFFFC000  }
0x2ac: {  	_ =	swait.ge [sflag:s15], $0x4000  }
0x2ad: {  	[sflag:s15] =	ssyncset.done $0x0  }
0x2ae: {  	[sflag:s15] =	ssyncadd.s32 $0xFFFFC000  }
0x2af: {  	_ =	swait.ge [sflag:s26], $0x4000  }
0x2b0: {  	[sflag:s26] =	ssyncset.done $0x0  }
0x2b1: {  	[sflag:s26] =	ssyncadd.s32 $0xFFFFC000  }
0x2b2: {  	_ =	swait.ge [sflag:s0], $0x4000  }
0x2b3: {  	s6 =	rddreg [dreg:$0x10]  }
0x2b4: {  	s19 =	rddreg [dreg:$0xf];
	s6 =	sadd.s32 $0x1, s6  }
0x2b5: {  	p0 =	sne.s32 s6, s19  }
.Ltmp15:
0x2b6: {  	_ = 	snop;
	(pc) =	sbr.rel @p0 .LBB2_1-.Ltmp15, $3  }
0x2b7: {  	_ =	sdelay $0x1  }
0x2b8: {  	[sflag:s0] =	ssyncset.done $0x0  }
0x2b9: {  	[sflag:s0] =	ssyncadd.s32 $0xFFFFC000  }
0x2ba: {  	_ =	sfence.sel $0x180000  }
0x2bb: {  	[bflag:$0x0] =	sbarrier.arrive $0xFFFF  }
0x2bc: {  	_ =	strace $0x90000047  }
0x2bd: {  	s0 =	stileid.u32;
	[bflag:$0x2] =	sbarrier.arrive $0xFFFF  }
0x2be: {  	p0 =	sne.s32 s0, $0x0;
	s0 =	rddreg [dreg:$0x3]  }
0x2bf: {  	s0 =	sadd.s32 @!p0 $0x100000, s0  }
0x2c0: {  	[sflag:s0] =	ssyncadd.tile.s32 @!p0 $0x1;
	_ =	shalt  }
.Lfunc_end2:
_tile_overlayer_lowered:
.L_overlay_start_2:
0x2c1: {  	(tag) =	ssettag $0x2  }
0x2c2: {  	s0 =	rddreg [dreg:$0x0];
	s2 =	stileid.u32  }
0x2c3: {  	s1 =	rddreg [dreg:$0x1];
	p0 =	sne.s32 s2, $0x0  }
0x2c4: {  	s3 =	rddreg [dreg:$0x2];
	[bflag:$0x3] =	sbarrier.arrive $0xFFFF;
	s2 =	simm.s32 @!p0 $0x1C0D  }
0x2c5: {  	[timem:s3], [sflag:s2] =	dma.local @!p0 [hbm:s0], s1  }
0x2c6: {  	s0 =	simm.s32 @!p0 $0xD  }
0x2c7: {  	_ =	swait.ge @!p0 [sflag:s0], s1  }
0x2c8: {  	s1 =	ssub.s32 @!p0 $0x0, s1;
	[sflag:s0] =	ssyncset.done @!p0 $0x0  }
0x2c9: {  	[sflag:s0] =	ssyncadd.s32 @!p0 s1  }
0x2ca: {  	[bflag:$0x3] =	sbarrier.arrive $0xFFFF  }
0x2cb: {  	_ =	shalt  }

</sc_bundles>
